<compile_context>
chip_gen: v7x
topology: tpu7x:2x2x1
jax: 0.10.2.dev20260603
libtpu: 0.0.44.dev20260713+nightly
codegen_flags: <defaults>
</compile_context>

<pallas_src>
import jax
import jax.numpy as jnp
from jax import lax
from jax.experimental import pallas as pl
from jax.experimental.pallas import tpu as pltpu
from jax.experimental.pallas import tpu_sc as plsc

N = 100000
M = 50000
DC = 32
N_ITER = 5

NP = 100352
CR = 96
CW = CR * DC
MP = 50016
NCHUNK = MP // CR
NW = 32
CPT = (NCHUNK + NW - 1) // NW
SLICE = NP // 16

_SIGN_BIT = jnp.int32(-2147483648)


def _sc_iter_body(v2c_hbm, adj_hbm, gamma_hbm, out_hbm,
                  v2c_v, adj0_v, adj1_v, adj2_v, rep0_v, rep1_v, rep2_v,
                  gam_v, vsum_sh, sem_v2c, sem_a, sem_s):
    adj_ring = (adj0_v, adj1_v, adj2_v)
    rep_ring = (rep0_v, rep1_v, rep2_v)
    c = lax.axis_index("c")
    s = lax.axis_index("s")
    w = s * 2 + c

    v2c_cp = pltpu.async_copy(v2c_hbm.at[pl.ds(0, N)], v2c_v, sem_v2c)
    pltpu.sync_copy(gamma_hbm, gam_v)

    zeros16 = jnp.zeros((16,), jnp.float32)

    def zbody(i, carry):
        for u in range(8):
            rep0_v[pl.ds(i * 128 + u * 16, 16)] = zeros16
        return carry

    lax.fori_loop(0, CW // 128, zbody, 0)
    pltpu.sync_copy(rep0_v, vsum_sh.at[pl.ds(s * SLICE, CW)])
    pltpu.sync_copy(rep0_v, vsum_sh.at[pl.ds(s * SLICE + CW, CW)])
    pltpu.sync_copy(rep0_v.at[pl.ds(0, SLICE - 2 * CW)],
                    vsum_sh.at[pl.ds(s * SLICE + 2 * CW, SLICE - 2 * CW)])
    v2c_cp.wait()
    plsc.subcore_barrier()

    gam = gam_v[...]
    iota = lax.iota(jnp.int32, 16)
    inf16 = jnp.full((16,), jnp.inf, jnp.float32)
    zero16i = jnp.zeros((16,), jnp.int32)

    pltpu.async_copy(adj_hbm.at[w], adj0_v, sem_a.at[0])

    def run_slot(k, b):
        chunk = w + NW * k
        prev2 = chunk - 2 * NW
        nxt = chunk + NW
        bp = (b + 1) % 3
        adj_b = adj_ring[b]
        rep_b = rep_ring[b]

        @pl.when((prev2 >= 0) & (prev2 < NCHUNK))
        def _():
            pltpu.make_async_copy(
                rep_ring[bp], vsum_sh.at[adj_ring[bp]], sem_s.at[bp]).wait()

        @pl.when(nxt < NCHUNK)
        def _():
            pltpu.async_copy(adj_hbm.at[nxt], adj_ring[bp], sem_a.at[bp])

        @pl.when(chunk < NCHUNK)
        def _():
            pltpu.make_async_copy(adj_hbm.at[chunk], adj_b,
                                  sem_a.at[b]).wait()
            row0 = chunk * CR
            for g in range(0):
                base = g * 16
                sg0, sg1 = zero16i, zero16i
                mg0, mg1 = inf16, inf16
                for j in range(0, DC, 2):
                    a0 = adj_b[pl.ds(j * CR + base, 16)]
                    a1 = adj_b[pl.ds((j + 1) * CR + base, 16)]
                    v0 = plsc.load_gather(v2c_v, [a0])
                    v1 = plsc.load_gather(v2c_v, [a1])
                    sg0 = lax.bitwise_xor(sg0, plsc.bitcast(v0, jnp.int32))
                    sg1 = lax.bitwise_xor(sg1, plsc.bitcast(v1, jnp.int32))
                    mg0 = jnp.minimum(mg0, jnp.abs(v0))
                    mg1 = jnp.minimum(mg1, jnp.abs(v1))
                sg = lax.bitwise_xor(sg0, sg1)
                mg = jnp.minimum(mg0, mg1)
                c2v = plsc.bitcast(
                    lax.bitwise_xor(plsc.bitcast(gam * mg, jnp.int32),
                                    lax.bitwise_and(sg, _SIGN_BIT)),
                    jnp.float32)
                rowglob = row0 + g * 16 + iota
                c2v = jnp.where(rowglob < M, c2v, 0.0)
                for j in range(DC):
                    rep_b[pl.ds(j * CR + base, 16)] = c2v
            pltpu.async_copy(rep_b, vsum_sh.at[adj_b], sem_s.at[b],
                             add=True)

    def slot3_body(t, carry):
        run_slot(t * 3, 0)
        run_slot(t * 3 + 1, 1)
        run_slot(t * 3 + 2, 2)
        return carry

    lax.fori_loop(0, (CPT + 2 + 2) // 3, slot3_body, 0)
    plsc.subcore_barrier()

    pltpu.sync_copy(vsum_sh.at[pl.ds(s * SLICE, CW)], rep0_v)
    pltpu.sync_copy(vsum_sh.at[pl.ds(s * SLICE + CW, CW)], rep1_v)
    pltpu.sync_copy(vsum_sh.at[pl.ds(s * SLICE + 2 * CW, SLICE - 2 * CW)],
                    rep2_v.at[pl.ds(0, SLICE - 2 * CW)])
    pltpu.sync_copy(rep0_v, out_hbm.at[c, pl.ds(s * SLICE, CW)])
    pltpu.sync_copy(rep1_v, out_hbm.at[c, pl.ds(s * SLICE + CW, CW)])
    pltpu.sync_copy(rep2_v.at[pl.ds(0, SLICE - 2 * CW)],
                    out_hbm.at[c, pl.ds(s * SLICE + 2 * CW, SLICE - 2 * CW)])


_sc_iter = pl.kernel(
    _sc_iter_body,
    out_type=jax.ShapeDtypeStruct((2, NP), jnp.float32),
    mesh=plsc.VectorSubcoreMesh(core_axis_name="c", subcore_axis_name="s",
                                num_cores=2, num_subcores=16),
    compiler_params=pltpu.CompilerParams(needs_layout_passes=False),
    scratch_types=[
        pltpu.VMEM((N,), jnp.float32),
        pltpu.VMEM((CW,), jnp.int32),
        pltpu.VMEM((CW,), jnp.int32),
        pltpu.VMEM((CW,), jnp.int32),
        pltpu.VMEM((CW,), jnp.float32),
        pltpu.VMEM((CW,), jnp.float32),
        pltpu.VMEM((CW,), jnp.float32),
        pltpu.VMEM((16,), jnp.float32),
        pltpu.VMEM_SHARED((NP,), jnp.float32),
        pltpu.SemaphoreType.DMA,
        pltpu.SemaphoreType.DMA((3,)),
        pltpu.SemaphoreType.DMA((3,)),
    ],
)


def _tc_update_body(llr0_ref, v2c_ref, p_ref, v2c_out, llr_out):
    vs = p_ref[0] + p_ref[1]
    nv = llr0_ref[...] + vs - v2c_ref[...]
    v2c_out[...] = nv
    llr_out[...] = llr0_ref[...] + nv


_tc_update = pl.pallas_call(
    _tc_update_body,
    out_shape=(jax.ShapeDtypeStruct((NP,), jnp.float32),
               jax.ShapeDtypeStruct((NP,), jnp.float32)),
)


def kernel(llr0, vn_adj, cn_adj, gamma):
    del vn_adj
    llr0_p = jnp.zeros((NP,), jnp.float32).at[:N].set(llr0)
    adj = (jnp.pad(cn_adj, ((0, MP - M), (0, 0)))
           .reshape(NCHUNK, CR, DC).transpose(0, 2, 1)
           .reshape(NCHUNK, CW))
    gamma16 = jnp.zeros((16,), jnp.float32) + gamma.astype(jnp.float32)

    v2c = jnp.zeros((NP,), jnp.float32)
    llr = llr0_p
    for _ in range(N_ITER):
        partials = _sc_iter(v2c, adj, gamma16)
        v2c, llr = _tc_update(llr0_p, v2c, partials)
    return llr[:N]

# --- scband reference (transcript-rebuilt; emitter-appended) ---
"""Pipeline reference for scband-neural-bp-26328149524515 (READ-ONLY COPY).

The authoritative reference and input builder live on the scoring server;
editing this copy changes nothing except your own understanding.
"""

import jax, jax.numpy as jnp
import numpy as np

N = 100000
M = 50000
DV = 1
DC = 32
N_ITER = 5


def setup_inputs(seed: int = 0) -> dict:
    key = jax.random.key(seed)
    k1, k2, k3 = jax.random.split(key, 3)
    llr0 = jax.random.normal(k1, (N,), dtype=jnp.float32)
    vn_adj = jax.random.randint(k2, (N, DV), 0, M, dtype=jnp.int32)
    cn_adj = jax.random.randint(k3, (M, DC), 0, N, dtype=jnp.int32)
    gamma = jnp.ones((), dtype=jnp.float32)
    return {"llr0": llr0, "vn_adj": vn_adj, "cn_adj": cn_adj, "gamma": gamma}


def reference(llr0, vn_adj, cn_adj, gamma):
    N_, dv_max = vn_adj.shape
    M_, dc_max = cn_adj.shape
    v2c = jnp.zeros((N_, dv_max), llr0.dtype)
    for _ in range(N_ITER):
        msgs = v2c[cn_adj]  # gather: (M, dc_max, dv_max)
        if msgs.ndim == 3 and msgs.shape[-1] == 1:
            msgs = jnp.squeeze(msgs, -1)  # (M, dc_max)
        sign = jnp.prod(jnp.sign(msgs + 1e-12), axis=1)  # (M,)
        mag = jnp.min(jnp.abs(msgs), axis=1)  # (M,)
        c2v = gamma * sign * mag  # (M,)
        idx_flat = cn_adj.flatten()  # (M*dc_max,)
        msg_flat = jnp.repeat(c2v, dc_max)  # (M*dc_max,)
        # original code boolean-masks idx_flat >= 0; with a fully-filled regular
        # adjacency (no -1 padding) this is equivalent to a where-based mask,
        # which is also trace-safe.
        valid = idx_flat >= 0
        idx_safe = jnp.where(valid, idx_flat, 0)
        msg_safe = jnp.where(valid, msg_flat, jnp.zeros((), llr0.dtype))
        v_sum = jnp.zeros(N_, llr0.dtype).at[idx_safe].add(msg_safe)  # scatter-add
        v2c = (llr0 + v_sum)[:, None] - v2c
    llr_out = llr0 + jnp.sum(v2c, axis=1)
    return llr_out

if __name__ == "__main__":
    import jax
    _d = setup_inputs()
    print(jax.jit(kernel)(*tuple(_d.values())))

</pallas_src>

<mosaic_0001>
#map = affine_map<(d0, d1) -> (0)>
#map1 = affine_map<(d0, d1) -> (0, 0)>
module attributes {stable_mosaic.version = 14 : i64} {
  func.func @_sc_iter_body(%arg0: i32, %arg1: i32, %arg2: memref<100352xf32, #tpu.memory_space<hbm>>, %arg3: memref<521x3072xi32, #tpu.memory_space<hbm>>, %arg4: memref<16xf32, #tpu.memory_space<hbm>>, %arg5: memref<2x100352xf32, #tpu.memory_space<hbm>>, %arg6: memref<100000xf32, #tpu.memory_space<vmem>>, %arg7: memref<3072xi32, #tpu.memory_space<vmem>>, %arg8: memref<3072xi32, #tpu.memory_space<vmem>>, %arg9: memref<3072xi32, #tpu.memory_space<vmem>>, %arg10: memref<3072xf32, #tpu.memory_space<vmem>>, %arg11: memref<3072xf32, #tpu.memory_space<vmem>>, %arg12: memref<3072xf32, #tpu.memory_space<vmem>>, %arg13: memref<16xf32, #tpu.memory_space<vmem>>, %arg14: memref<100352xf32, #tpu.memory_space<vmem_shared>>, %arg15: memref<!tpu.dma_semaphore, #tpu.memory_space<semaphore_mem>>, %arg16: memref<3x!tpu.dma_semaphore, #tpu.memory_space<semaphore_mem>>, %arg17: memref<3x!tpu.dma_semaphore, #tpu.memory_space<semaphore_mem>>) attributes {dimension_semantics = [#tpu.dimension_semantics<core_parallel>, #tpu.dimension_semantics<subcore_parallel>], iteration_bounds = array<i64: 2, 16>, scalar_prefetch = 0 : i64, scratch_operands = 12 : i64, tpu.core_type = #tpu.core_type<sc_vector_subcore>, window_params = [{transform_indices = #map}, {transform_indices = #map1}, {transform_indices = #map}, {transform_indices = #map1}]} {
    %mul3A = arith.constant 2 : i32
    %mul3A_0 = arith.muli %arg1, %mul3A : i32
    %add3A = arith.addi %mul3A_0, %arg0 : i32
    %dma_start3A = arith.constant 0 : i32
    %dma_start3A_1 = tpu.memref_slice %arg2[%dma_start3A] : memref<100352xf32, #tpu.memory_space<hbm>> -> memref<100000xf32, #tpu.memory_space<hbm>>
    %dma_start3A_2 = arith.constant 0 : i32
    %dma_start3A_3 = tpu.memref_slice %arg2[%dma_start3A_2] : memref<100352xf32, #tpu.memory_space<hbm>> -> memref<100000xf32, #tpu.memory_space<hbm>>
    tpu.enqueue_dma source(%dma_start3A_3 : memref<100000xf32, #tpu.memory_space<hbm>>) target(%arg6 : memref<100000xf32, #tpu.memory_space<vmem>>) target_semaphore(%arg15 : memref<!tpu.dma_semaphore, #tpu.memory_space<semaphore_mem>>)
    "tpu.region"() ({
      %run_scoped3A = tpu.sem_alloc : memref<!tpu.dma_semaphore, #tpu.memory_space<semaphore_mem>>
      tpu.enqueue_dma source(%arg4 : memref<16xf32, #tpu.memory_space<hbm>>) target(%arg13 : memref<16xf32, #tpu.memory_space<vmem>>) target_semaphore(%run_scoped3A : memref<!tpu.dma_semaphore, #tpu.memory_space<semaphore_mem>>)
      tpu.wait_dma2 semaphore(%run_scoped3A : memref<!tpu.dma_semaphore, #tpu.memory_space<semaphore_mem>>) src(%arg4 : memref<16xf32, #tpu.memory_space<hbm>>) dst(%arg13 : memref<16xf32, #tpu.memory_space<vmem>>)
      tpu.yield
    }) : () -> ()
    %broadcast_in_dim3A = arith.constant 0.000000e+00 : f32
    %broadcast_in_dim3A_4 = vector.broadcast %broadcast_in_dim3A : f32 to vector<16xf32>
    %scan3A = arith.constant 0 : i32
    %scan3A_5 = arith.constant 0 : i32
    %scan3A_6 = arith.constant 24 : i32
    %scan3A_7 = arith.addi %scan3A_5, %scan3A_6 : i32
    %scan3A_8 = arith.constant 1 : i32
    scf.for %scan3A_64 = %scan3A_5 to %scan3A_7 step %scan3A_8  : i32 {
      %mul3A_65 = arith.constant 128 : i32
      %mul3A_66 = arith.muli %scan3A_64, %mul3A_65 : i32
      %add3A_67 = arith.constant 0 : i32
      %add3A_68 = arith.addi %mul3A_66, %add3A_67 : i32
      %swap3A = arith.index_cast %add3A_68 : i32 to index
      %swap3A_69 = tpu.vector_load %arg10[%swap3A] {strides = array<i32>} : memref<3072xf32, #tpu.memory_space<vmem>>, vector<16xf32>,
      tpu.vector_store %arg10[%swap3A], %broadcast_in_dim3A_4 {strides = array<i32>} : memref<3072xf32, #tpu.memory_space<vmem>>, vector<16xf32>,
      %mul3A_70 = arith.constant 128 : i32
      %mul3A_71 = arith.muli %scan3A_64, %mul3A_70 : i32
      %add3A_72 = arith.constant 16 : i32
      %add3A_73 = arith.addi %mul3A_71, %add3A_72 : i32
      %swap3A_74 = arith.index_cast %add3A_73 : i32 to index
      %swap3A_75 = tpu.vector_load %arg10[%swap3A_74] {strides = array<i32>} : memref<3072xf32, #tpu.memory_space<vmem>>, vector<16xf32>,
      tpu.vector_store %arg10[%swap3A_74], %broadcast_in_dim3A_4 {strides = array<i32>} : memref<3072xf32, #tpu.memory_space<vmem>>, vector<16xf32>,
      %mul3A_76 = arith.constant 128 : i32
      %mul3A_77 = arith.muli %scan3A_64, %mul3A_76 : i32
      %add3A_78 = arith.constant 32 : i32
      %add3A_79 = arith.addi %mul3A_77, %add3A_78 : i32
      %swap3A_80 = arith.index_cast %add3A_79 : i32 to index
      %swap3A_81 = tpu.vector_load %arg10[%swap3A_80] {strides = array<i32>} : memref<3072xf32, #tpu.memory_space<vmem>>, vector<16xf32>,
      tpu.vector_store %arg10[%swap3A_80], %broadcast_in_dim3A_4 {strides = array<i32>} : memref<3072xf32, #tpu.memory_space<vmem>>, vector<16xf32>,
      %mul3A_82 = arith.constant 128 : i32
      %mul3A_83 = arith.muli %scan3A_64, %mul3A_82 : i32
      %add3A_84 = arith.constant 48 : i32
      %add3A_85 = arith.addi %mul3A_83, %add3A_84 : i32
      %swap3A_86 = arith.index_cast %add3A_85 : i32 to index
      %swap3A_87 = tpu.vector_load %arg10[%swap3A_86] {strides = array<i32>} : memref<3072xf32, #tpu.memory_space<vmem>>, vector<16xf32>,
      tpu.vector_store %arg10[%swap3A_86], %broadcast_in_dim3A_4 {strides = array<i32>} : memref<3072xf32, #tpu.memory_space<vmem>>, vector<16xf32>,
      %mul3A_88 = arith.constant 128 : i32
      %mul3A_89 = arith.muli %scan3A_64, %mul3A_88 : i32
      %add3A_90 = arith.constant 64 : i32
      %add3A_91 = arith.addi %mul3A_89, %add3A_90 : i32
      %swap3A_92 = arith.index_cast %add3A_91 : i32 to index
      %swap3A_93 = tpu.vector_load %arg10[%swap3A_92] {strides = array<i32>} : memref<3072xf32, #tpu.memory_space<vmem>>, vector<16xf32>,
      tpu.vector_store %arg10[%swap3A_92], %broadcast_in_dim3A_4 {strides = array<i32>} : memref<3072xf32, #tpu.memory_space<vmem>>, vector<16xf32>,
      %mul3A_94 = arith.constant 128 : i32
      %mul3A_95 = arith.muli %scan3A_64, %mul3A_94 : i32
      %add3A_96 = arith.constant 80 : i32
      %add3A_97 = arith.addi %mul3A_95, %add3A_96 : i32
      %swap3A_98 = arith.index_cast %add3A_97 : i32 to index
      %swap3A_99 = tpu.vector_load %arg10[%swap3A_98] {strides = array<i32>} : memref<3072xf32, #tpu.memory_space<vmem>>, vector<16xf32>,
      tpu.vector_store %arg10[%swap3A_98], %broadcast_in_dim3A_4 {strides = array<i32>} : memref<3072xf32, #tpu.memory_space<vmem>>, vector<16xf32>,
      %mul3A_100 = arith.constant 128 : i32
      %mul3A_101 = arith.muli %scan3A_64, %mul3A_100 : i32
      %add3A_102 = arith.constant 96 : i32
      %add3A_103 = arith.addi %mul3A_101, %add3A_102 : i32
      %swap3A_104 = arith.index_cast %add3A_103 : i32 to index
      %swap3A_105 = tpu.vector_load %arg10[%swap3A_104] {strides = array<i32>} : memref<3072xf32, #tpu.memory_space<vmem>>, vector<16xf32>,
      tpu.vector_store %arg10[%swap3A_104], %broadcast_in_dim3A_4 {strides = array<i32>} : memref<3072xf32, #tpu.memory_space<vmem>>, vector<16xf32>,
      %mul3A_106 = arith.constant 128 : i32
      %mul3A_107 = arith.muli %scan3A_64, %mul3A_106 : i32
      %add3A_108 = arith.constant 112 : i32
      %add3A_109 = arith.addi %mul3A_107, %add3A_108 : i32
      %swap3A_110 = arith.index_cast %add3A_109 : i32 to index
      %swap3A_111 = tpu.vector_load %arg10[%swap3A_110] {strides = array<i32>} : memref<3072xf32, #tpu.memory_space<vmem>>, vector<16xf32>,
      tpu.vector_store %arg10[%swap3A_110], %broadcast_in_dim3A_4 {strides = array<i32>} : memref<3072xf32, #tpu.memory_space<vmem>>, vector<16xf32>,
    }
    %scan3A_9 = arith.constant 24 : i32
    %mul3A_10 = arith.constant 6272 : i32
    %mul3A_11 = arith.muli %arg1, %mul3A_10 : i32
    "tpu.region"() ({
      %run_scoped3A = tpu.sem_alloc : memref<!tpu.dma_semaphore, #tpu.memory_space<semaphore_mem>>
      %dma_start3A_64 = tpu.memref_slice %arg14[%mul3A_11] : memref<100352xf32, #tpu.memory_space<vmem_shared>> -> memref<3072xf32, #tpu.memory_space<vmem_shared>>
      %dma_start3A_65 = tpu.memref_slice %arg14[%mul3A_11] : memref<100352xf32, #tpu.memory_space<vmem_shared>> -> memref<3072xf32, #tpu.memory_space<vmem_shared>>
      tpu.enqueue_dma source(%arg10 : memref<3072xf32, #tpu.memory_space<vmem>>) target(%dma_start3A_65 : memref<3072xf32, #tpu.memory_space<vmem_shared>>) target_semaphore(%run_scoped3A : memref<!tpu.dma_semaphore, #tpu.memory_space<semaphore_mem>>)
      %dma_wait3A_66 = tpu.memref_slice %arg14[%mul3A_11] : memref<100352xf32, #tpu.memory_space<vmem_shared>> -> memref<3072xf32, #tpu.memory_space<vmem_shared>>
      %dma_wait3A_67 = tpu.memref_slice %arg14[%mul3A_11] : memref<100352xf32, #tpu.memory_space<vmem_shared>> -> memref<3072xf32, #tpu.memory_space<vmem_shared>>
      tpu.wait_dma2 semaphore(%run_scoped3A : memref<!tpu.dma_semaphore, #tpu.memory_space<semaphore_mem>>) src(%arg10 : memref<3072xf32, #tpu.memory_space<vmem>>) dst(%dma_wait3A_67 : memref<3072xf32, #tpu.memory_space<vmem_shared>>)
      tpu.yield
    }) : () -> ()
    %mul3A_12 = arith.constant 6272 : i32
    %mul3A_13 = arith.muli %arg1, %mul3A_12 : i32
    %add3A_14 = arith.constant 3072 : i32
    %add3A_15 = arith.addi %mul3A_13, %add3A_14 : i32
    "tpu.region"() ({
      %run_scoped3A = tpu.sem_alloc : memref<!tpu.dma_semaphore, #tpu.memory_space<semaphore_mem>>
      %dma_start3A_64 = tpu.memref_slice %arg14[%add3A_15] : memref<100352xf32, #tpu.memory_space<vmem_shared>> -> memref<3072xf32, #tpu.memory_space<vmem_shared>>
      %dma_start3A_65 = tpu.memref_slice %arg14[%add3A_15] : memref<100352xf32, #tpu.memory_space<vmem_shared>> -> memref<3072xf32, #tpu.memory_space<vmem_shared>>
      tpu.enqueue_dma source(%arg10 : memref<3072xf32, #tpu.memory_space<vmem>>) target(%dma_start3A_65 : memref<3072xf32, #tpu.memory_space<vmem_shared>>) target_semaphore(%run_scoped3A : memref<!tpu.dma_semaphore, #tpu.memory_space<semaphore_mem>>)
      %dma_wait3A_66 = tpu.memref_slice %arg14[%add3A_15] : memref<100352xf32, #tpu.memory_space<vmem_shared>> -> memref<3072xf32, #tpu.memory_space<vmem_shared>>
      %dma_wait3A_67 = tpu.memref_slice %arg14[%add3A_15] : memref<100352xf32, #tpu.memory_space<vmem_shared>> -> memref<3072xf32, #tpu.memory_space<vmem_shared>>
      tpu.wait_dma2 semaphore(%run_scoped3A : memref<!tpu.dma_semaphore, #tpu.memory_space<semaphore_mem>>) src(%arg10 : memref<3072xf32, #tpu.memory_space<vmem>>) dst(%dma_wait3A_67 : memref<3072xf32, #tpu.memory_space<vmem_shared>>)
      tpu.yield
    }) : () -> ()
    %mul3A_16 = arith.constant 6272 : i32
    %mul3A_17 = arith.muli %arg1, %mul3A_16 : i32
    %add3A_18 = arith.constant 6144 : i32
    %add3A_19 = arith.addi %mul3A_17, %add3A_18 : i32
    "tpu.region"() ({
      %run_scoped3A = tpu.sem_alloc : memref<!tpu.dma_semaphore, #tpu.memory_space<semaphore_mem>>
      %dma_start3A_64 = arith.constant 0 : i32
      %dma_start3A_65 = tpu.memref_slice %arg10[%dma_start3A_64] : memref<3072xf32, #tpu.memory_space<vmem>> -> memref<128xf32, #tpu.memory_space<vmem>>
      %dma_start3A_66 = tpu.memref_slice %arg14[%add3A_19] : memref<100352xf32, #tpu.memory_space<vmem_shared>> -> memref<128xf32, #tpu.memory_space<vmem_shared>>
      %dma_start3A_67 = tpu.memref_slice %arg14[%add3A_19] : memref<100352xf32, #tpu.memory_space<vmem_shared>> -> memref<128xf32, #tpu.memory_space<vmem_shared>>
      %dma_start3A_68 = arith.constant 0 : i32
      %dma_start3A_69 = tpu.memref_slice %arg10[%dma_start3A_68] : memref<3072xf32, #tpu.memory_space<vmem>> -> memref<128xf32, #tpu.memory_space<vmem>>
      tpu.enqueue_dma source(%dma_start3A_69 : memref<128xf32, #tpu.memory_space<vmem>>) target(%dma_start3A_67 : memref<128xf32, #tpu.memory_space<vmem_shared>>) target_semaphore(%run_scoped3A : memref<!tpu.dma_semaphore, #tpu.memory_space<semaphore_mem>>)
      %dma_wait3A_70 = arith.constant 0 : i32
      %dma_wait3A_71 = tpu.memref_slice %arg10[%dma_wait3A_70] : memref<3072xf32, #tpu.memory_space<vmem>> -> memref<128xf32, #tpu.memory_space<vmem>>
      %dma_wait3A_72 = tpu.memref_slice %arg14[%add3A_19] : memref<100352xf32, #tpu.memory_space<vmem_shared>> -> memref<128xf32, #tpu.memory_space<vmem_shared>>
      %dma_wait3A_73 = tpu.memref_slice %arg14[%add3A_19] : memref<100352xf32, #tpu.memory_space<vmem_shared>> -> memref<128xf32, #tpu.memory_space<vmem_shared>>
      %dma_wait3A_74 = arith.constant 0 : i32
      %dma_wait3A_75 = tpu.memref_slice %arg10[%dma_wait3A_74] : memref<3072xf32, #tpu.memory_space<vmem>> -> memref<128xf32, #tpu.memory_space<vmem>>
      tpu.wait_dma2 semaphore(%run_scoped3A : memref<!tpu.dma_semaphore, #tpu.memory_space<semaphore_mem>>) src(%dma_wait3A_75 : memref<128xf32, #tpu.memory_space<vmem>>) dst(%dma_wait3A_73 : memref<128xf32, #tpu.memory_space<vmem_shared>>)
      tpu.yield
    }) : () -> ()
    %dma_wait3A = arith.constant 0 : i32
    %dma_wait3A_20 = tpu.memref_slice %arg2[%dma_wait3A] : memref<100352xf32, #tpu.memory_space<hbm>> -> memref<100000xf32, #tpu.memory_space<hbm>>
    %dma_wait3A_21 = arith.constant 0 : i32
    %dma_wait3A_22 = tpu.memref_slice %arg2[%dma_wait3A_21] : memref<100352xf32, #tpu.memory_space<hbm>> -> memref<100000xf32, #tpu.memory_space<hbm>>
    tpu.wait_dma2 semaphore(%arg15 : memref<!tpu.dma_semaphore, #tpu.memory_space<semaphore_mem>>) src(%dma_wait3A_22 : memref<100000xf32, #tpu.memory_space<hbm>>) dst(%arg6 : memref<100000xf32, #tpu.memory_space<vmem>>)
    %barrier3A = arith.constant 0 : index
    tpu.barrier barrier_id(%barrier3A)
    %get3A = arith.constant 0 : index
    %get3A_23 = tpu.vector_load %arg13[%get3A] {strides = array<i32>} : memref<16xf32, #tpu.memory_space<vmem>>, vector<16xf32>,
    %iota3A = tpu.iota {dimensions = array<i32: 0>} : vector<16xi32>
    %broadcast_in_dim3A_24 = arith.constant 0x7F800000 : f32
    %broadcast_in_dim3A_25 = vector.broadcast %broadcast_in_dim3A_24 : f32 to vector<16xf32>
    %broadcast_in_dim3A_26 = arith.constant 0 : i32
    %broadcast_in_dim3A_27 = vector.broadcast %broadcast_in_dim3A_26 : i32 to vector<16xi32>
    %dma_start3A_28 = arith.constant 0 : i32
    %dma_start3A_29 = arith.constant 0 : i32
    %dma_start3A_30 = tpu.memref_slice %arg3[%add3A, %dma_start3A_29] : memref<521x3072xi32, #tpu.memory_space<hbm>> -> memref<1x3072xi32, #tpu.memory_space<hbm>>
    %dma_start3A_31 = tpu.memref_squeeze %dma_start3A_30 : memref<1x3072xi32, #tpu.memory_space<hbm>> -> memref<3072xi32, #tpu.memory_space<hbm>>
    %dma_start3A_32 = tpu.memref_slice %arg16[%dma_start3A_28] : memref<3x!tpu.dma_semaphore, #tpu.memory_space<semaphore_mem>> -> memref<1x!tpu.dma_semaphore, #tpu.memory_space<semaphore_mem>>
    %dma_start3A_33 = tpu.memref_squeeze %dma_start3A_32 : memref<1x!tpu.dma_semaphore, #tpu.memory_space<semaphore_mem>> -> memref<!tpu.dma_semaphore, #tpu.memory_space<semaphore_mem>>
    %dma_start3A_34 = arith.constant 0 : i32
    %dma_start3A_35 = tpu.memref_slice %arg3[%add3A, %dma_start3A_34] : memref<521x3072xi32, #tpu.memory_space<hbm>> -> memref<1x3072xi32, #tpu.memory_space<hbm>>
    %dma_start3A_36 = tpu.memref_squeeze %dma_start3A_35 : memref<1x3072xi32, #tpu.memory_space<hbm>> -> memref<3072xi32, #tpu.memory_space<hbm>>
    tpu.enqueue_dma source(%dma_start3A_36 : memref<3072xi32, #tpu.memory_space<hbm>>) target(%arg7 : memref<3072xi32, #tpu.memory_space<vmem>>) target_semaphore(%dma_start3A_33 : memref<!tpu.dma_semaphore, #tpu.memory_space<semaphore_mem>>)
    %scan3A_37 = arith.constant 0 : i32
    %scan3A_38 = arith.constant 0 : i32
    %scan3A_39 = arith.constant 7 : i32
    %scan3A_40 = arith.addi %scan3A_38, %scan3A_39 : i32
    %scan3A_41 = arith.constant 1 : i32
    scf.for %scan3A_64 = %scan3A_38 to %scan3A_40 step %scan3A_41  : i32 {
      %mul3A_65 = arith.constant 3 : i32
      %mul3A_66 = arith.muli %scan3A_64, %mul3A_65 : i32
      %mul3A_67 = arith.constant 32 : i32
      %mul3A_68 = arith.muli %mul3A_67, %mul3A_66 : i32
      %add3A_69 = arith.addi %add3A, %mul3A_68 : i32
      %sub3A = arith.constant 64 : i32
      %sub3A_70 = arith.subi %add3A_69, %sub3A : i32
      %add3A_71 = arith.constant 32 : i32
      %add3A_72 = arith.addi %add3A_69, %add3A_71 : i32
      %ge3A = arith.constant 0 : i32
      %ge3A_73 = arith.cmpi sge, %sub3A_70, %ge3A : i32
      %lt3A = arith.constant 521 : i32
      %lt3A_74 = arith.cmpi slt, %sub3A_70, %lt3A : i32
      %and3A = arith.andi %ge3A_73, %lt3A_74 : i1
      %convert_element_type3A = arith.extui %and3A : i1 to i32
      %cond3A = arith.constant 0 : i32
      %cond3A_75 = arith.cmpi ne, %convert_element_type3A, %cond3A : i32
      scf.if %cond3A_75 {
        %dma_wait3A_144 = arith.constant 1 : i32
        %dma_wait3A_145 = arith.constant 0 : i32
        %dma_wait3A_146 = tpu.memref_slice %arg14[%dma_wait3A_145] : memref<100352xf32, #tpu.memory_space<vmem_shared>> -> memref<100352xf32, #tpu.memory_space<vmem_shared>>
        %dma_wait3A_147 = tpu.memref_slice %arg17[%dma_wait3A_144] : memref<3x!tpu.dma_semaphore, #tpu.memory_space<semaphore_mem>> -> memref<1x!tpu.dma_semaphore, #tpu.memory_space<semaphore_mem>>
        %dma_wait3A_148 = tpu.memref_squeeze %dma_wait3A_147 : memref<1x!tpu.dma_semaphore, #tpu.memory_space<semaphore_mem>> -> memref<!tpu.dma_semaphore, #tpu.memory_space<semaphore_mem>>
        tpu.wait_indirect_dma semaphore(%dma_wait3A_148 : memref<!tpu.dma_semaphore, #tpu.memory_space<semaphore_mem>>) src(%arg11 : memref<3072xf32, #tpu.memory_space<vmem>>) dst(%dma_wait3A_146 : memref<100352xf32, #tpu.memory_space<vmem_shared>>)
      } else {
      }
      %lt3A_76 = arith.constant 521 : i32
      %lt3A_77 = arith.cmpi slt, %add3A_72, %lt3A_76 : i32
      %convert_element_type3A_78 = arith.extui %lt3A_77 : i1 to i32
      %cond3A_79 = arith.constant 0 : i32
      %cond3A_80 = arith.cmpi ne, %convert_element_type3A_78, %cond3A_79 : i32
      scf.if %cond3A_80 {
        %dma_start3A_144 = arith.constant 1 : i32
        %dma_start3A_145 = arith.constant 0 : i32
        %dma_start3A_146 = tpu.memref_slice %arg3[%add3A_72, %dma_start3A_145] : memref<521x3072xi32, #tpu.memory_space<hbm>> -> memref<1x3072xi32, #tpu.memory_space<hbm>>
        %dma_start3A_147 = tpu.memref_squeeze %dma_start3A_146 : memref<1x3072xi32, #tpu.memory_space<hbm>> -> memref<3072xi32, #tpu.memory_space<hbm>>
        %dma_start3A_148 = tpu.memref_slice %arg16[%dma_start3A_144] : memref<3x!tpu.dma_semaphore, #tpu.memory_space<semaphore_mem>> -> memref<1x!tpu.dma_semaphore, #tpu.memory_space<semaphore_mem>>
        %dma_start3A_149 = tpu.memref_squeeze %dma_start3A_148 : memref<1x!tpu.dma_semaphore, #tpu.memory_space<semaphore_mem>> -> memref<!tpu.dma_semaphore, #tpu.memory_space<semaphore_mem>>
        %dma_start3A_150 = arith.constant 0 : i32
        %dma_start3A_151 = tpu.memref_slice %arg3[%add3A_72, %dma_start3A_150] : memref<521x3072xi32, #tpu.memory_space<hbm>> -> memref<1x3072xi32, #tpu.memory_space<hbm>>
        %dma_start3A_152 = tpu.memref_squeeze %dma_start3A_151 : memref<1x3072xi32, #tpu.memory_space<hbm>> -> memref<3072xi32, #tpu.memory_space<hbm>>
        tpu.enqueue_dma source(%dma_start3A_152 : memref<3072xi32, #tpu.memory_space<hbm>>) target(%arg8 : memref<3072xi32, #tpu.memory_space<vmem>>) target_semaphore(%dma_start3A_149 : memref<!tpu.dma_semaphore, #tpu.memory_space<semaphore_mem>>)
      } else {
      }
      %lt3A_81 = arith.constant 521 : i32
      %lt3A_82 = arith.cmpi slt, %add3A_69, %lt3A_81 : i32
      %convert_element_type3A_83 = arith.extui %lt3A_82 : i1 to i32
      %cond3A_84 = arith.constant 0 : i32
      %cond3A_85 = arith.cmpi ne, %convert_element_type3A_83, %cond3A_84 : i32
      scf.if %cond3A_85 {
        %dma_wait3A_144 = arith.constant 0 : i32
        %dma_wait3A_145 = arith.constant 0 : i32
        %dma_wait3A_146 = tpu.memref_slice %arg3[%add3A_69, %dma_wait3A_145] : memref<521x3072xi32, #tpu.memory_space<hbm>> -> memref<1x3072xi32, #tpu.memory_space<hbm>>
        %dma_wait3A_147 = tpu.memref_squeeze %dma_wait3A_146 : memref<1x3072xi32, #tpu.memory_space<hbm>> -> memref<3072xi32, #tpu.memory_space<hbm>>
        %dma_wait3A_148 = tpu.memref_slice %arg16[%dma_wait3A_144] : memref<3x!tpu.dma_semaphore, #tpu.memory_space<semaphore_mem>> -> memref<1x!tpu.dma_semaphore, #tpu.memory_space<semaphore_mem>>
        %dma_wait3A_149 = tpu.memref_squeeze %dma_wait3A_148 : memref<1x!tpu.dma_semaphore, #tpu.memory_space<semaphore_mem>> -> memref<!tpu.dma_semaphore, #tpu.memory_space<semaphore_mem>>
        %dma_wait3A_150 = arith.constant 0 : i32
        %dma_wait3A_151 = tpu.memref_slice %arg3[%add3A_69, %dma_wait3A_150] : memref<521x3072xi32, #tpu.memory_space<hbm>> -> memref<1x3072xi32, #tpu.memory_space<hbm>>
        %dma_wait3A_152 = tpu.memref_squeeze %dma_wait3A_151 : memref<1x3072xi32, #tpu.memory_space<hbm>> -> memref<3072xi32, #tpu.memory_space<hbm>>
        tpu.wait_dma2 semaphore(%dma_wait3A_149 : memref<!tpu.dma_semaphore, #tpu.memory_space<semaphore_mem>>) src(%dma_wait3A_152 : memref<3072xi32, #tpu.memory_space<hbm>>) dst(%arg7 : memref<3072xi32, #tpu.memory_space<vmem>>)
        %mul3A_153 = arith.constant 96 : i32
        %mul3A_154 = arith.muli %add3A_69, %mul3A_153 : i32
        %dma_start3A_155 = arith.constant 0 : i32
        %dma_start3A_156 = arith.constant 0 : i32
        %dma_start3A_157 = tpu.memref_slice %arg14[%dma_start3A_156] : memref<100352xf32, #tpu.memory_space<vmem_shared>> -> memref<100352xf32, #tpu.memory_space<vmem_shared>>
        %dma_start3A_158 = tpu.memref_slice %arg17[%dma_start3A_155] : memref<3x!tpu.dma_semaphore, #tpu.memory_space<semaphore_mem>> -> memref<1x!tpu.dma_semaphore, #tpu.memory_space<semaphore_mem>>
        %dma_start3A_159 = tpu.memref_squeeze %dma_start3A_158 : memref<1x!tpu.dma_semaphore, #tpu.memory_space<semaphore_mem>> -> memref<!tpu.dma_semaphore, #tpu.memory_space<semaphore_mem>>
        tpu.enqueue_indirect_dma source(%arg10 : memref<3072xf32, #tpu.memory_space<vmem>>) target(%dma_start3A_157 : memref<100352xf32, #tpu.memory_space<vmem_shared>>) offsets(%arg7 : memref<3072xi32, #tpu.memory_space<vmem>>) semaphore(%dma_start3A_159 : memref<!tpu.dma_semaphore, #tpu.memory_space<semaphore_mem>>) {add = true}
      } else {
      }
      %mul3A_86 = arith.constant 3 : i32
      %mul3A_87 = arith.muli %scan3A_64, %mul3A_86 : i32
      %add3A_88 = arith.constant 1 : i32
      %add3A_89 = arith.addi %mul3A_87, %add3A_88 : i32
      %mul3A_90 = arith.constant 32 : i32
      %mul3A_91 = arith.muli %mul3A_90, %add3A_89 : i32
      %add3A_92 = arith.addi %add3A, %mul3A_91 : i32
      %sub3A_93 = arith.constant 64 : i32
      %sub3A_94 = arith.subi %add3A_92, %sub3A_93 : i32
      %add3A_95 = arith.constant 32 : i32
      %add3A_96 = arith.addi %add3A_92, %add3A_95 : i32
      %ge3A_97 = arith.constant 0 : i32
      %ge3A_98 = arith.cmpi sge, %sub3A_94, %ge3A_97 : i32
      %lt3A_99 = arith.constant 521 : i32
      %lt3A_100 = arith.cmpi slt, %sub3A_94, %lt3A_99 : i32
      %and3A_101 = arith.andi %ge3A_98, %lt3A_100 : i1
      %convert_element_type3A_102 = arith.extui %and3A_101 : i1 to i32
      %cond3A_103 = arith.constant 0 : i32
      %cond3A_104 = arith.cmpi ne, %convert_element_type3A_102, %cond3A_103 : i32
      scf.if %cond3A_104 {
        %dma_wait3A_144 = arith.constant 2 : i32
        %dma_wait3A_145 = arith.constant 0 : i32
        %dma_wait3A_146 = tpu.memref_slice %arg14[%dma_wait3A_145] : memref<100352xf32, #tpu.memory_space<vmem_shared>> -> memref<100352xf32, #tpu.memory_space<vmem_shared>>
        %dma_wait3A_147 = tpu.memref_slice %arg17[%dma_wait3A_144] : memref<3x!tpu.dma_semaphore, #tpu.memory_space<semaphore_mem>> -> memref<1x!tpu.dma_semaphore, #tpu.memory_space<semaphore_mem>>
        %dma_wait3A_148 = tpu.memref_squeeze %dma_wait3A_147 : memref<1x!tpu.dma_semaphore, #tpu.memory_space<semaphore_mem>> -> memref<!tpu.dma_semaphore, #tpu.memory_space<semaphore_mem>>
        tpu.wait_indirect_dma semaphore(%dma_wait3A_148 : memref<!tpu.dma_semaphore, #tpu.memory_space<semaphore_mem>>) src(%arg12 : memref<3072xf32, #tpu.memory_space<vmem>>) dst(%dma_wait3A_146 : memref<100352xf32, #tpu.memory_space<vmem_shared>>)
      } else {
      }
      %lt3A_105 = arith.constant 521 : i32
      %lt3A_106 = arith.cmpi slt, %add3A_96, %lt3A_105 : i32
      %convert_element_type3A_107 = arith.extui %lt3A_106 : i1 to i32
      %cond3A_108 = arith.constant 0 : i32
      %cond3A_109 = arith.cmpi ne, %convert_element_type3A_107, %cond3A_108 : i32
      scf.if %cond3A_109 {
        %dma_start3A_144 = arith.constant 2 : i32
        %dma_start3A_145 = arith.constant 0 : i32
        %dma_start3A_146 = tpu.memref_slice %arg3[%add3A_96, %dma_start3A_145] : memref<521x3072xi32, #tpu.memory_space<hbm>> -> memref<1x3072xi32, #tpu.memory_space<hbm>>
        %dma_start3A_147 = tpu.memref_squeeze %dma_start3A_146 : memref<1x3072xi32, #tpu.memory_space<hbm>> -> memref<3072xi32, #tpu.memory_space<hbm>>
        %dma_start3A_148 = tpu.memref_slice %arg16[%dma_start3A_144] : memref<3x!tpu.dma_semaphore, #tpu.memory_space<semaphore_mem>> -> memref<1x!tpu.dma_semaphore, #tpu.memory_space<semaphore_mem>>
        %dma_start3A_149 = tpu.memref_squeeze %dma_start3A_148 : memref<1x!tpu.dma_semaphore, #tpu.memory_space<semaphore_mem>> -> memref<!tpu.dma_semaphore, #tpu.memory_space<semaphore_mem>>
        %dma_start3A_150 = arith.constant 0 : i32
        %dma_start3A_151 = tpu.memref_slice %arg3[%add3A_96, %dma_start3A_150] : memref<521x3072xi32, #tpu.memory_space<hbm>> -> memref<1x3072xi32, #tpu.memory_space<hbm>>
        %dma_start3A_152 = tpu.memref_squeeze %dma_start3A_151 : memref<1x3072xi32, #tpu.memory_space<hbm>> -> memref<3072xi32, #tpu.memory_space<hbm>>
        tpu.enqueue_dma source(%dma_start3A_152 : memref<3072xi32, #tpu.memory_space<hbm>>) target(%arg9 : memref<3072xi32, #tpu.memory_space<vmem>>) target_semaphore(%dma_start3A_149 : memref<!tpu.dma_semaphore, #tpu.memory_space<semaphore_mem>>)
      } else {
      }
      %lt3A_110 = arith.constant 521 : i32
      %lt3A_111 = arith.cmpi slt, %add3A_92, %lt3A_110 : i32
      %convert_element_type3A_112 = arith.extui %lt3A_111 : i1 to i32
      %cond3A_113 = arith.constant 0 : i32
      %cond3A_114 = arith.cmpi ne, %convert_element_type3A_112, %cond3A_113 : i32
      scf.if %cond3A_114 {
        %dma_wait3A_144 = arith.constant 1 : i32
        %dma_wait3A_145 = arith.constant 0 : i32
        %dma_wait3A_146 = tpu.memref_slice %arg3[%add3A_92, %dma_wait3A_145] : memref<521x3072xi32, #tpu.memory_space<hbm>> -> memref<1x3072xi32, #tpu.memory_space<hbm>>
        %dma_wait3A_147 = tpu.memref_squeeze %dma_wait3A_146 : memref<1x3072xi32, #tpu.memory_space<hbm>> -> memref<3072xi32, #tpu.memory_space<hbm>>
        %dma_wait3A_148 = tpu.memref_slice %arg16[%dma_wait3A_144] : memref<3x!tpu.dma_semaphore, #tpu.memory_space<semaphore_mem>> -> memref<1x!tpu.dma_semaphore, #tpu.memory_space<semaphore_mem>>
        %dma_wait3A_149 = tpu.memref_squeeze %dma_wait3A_148 : memref<1x!tpu.dma_semaphore, #tpu.memory_space<semaphore_mem>> -> memref<!tpu.dma_semaphore, #tpu.memory_space<semaphore_mem>>
        %dma_wait3A_150 = arith.constant 0 : i32
        %dma_wait3A_151 = tpu.memref_slice %arg3[%add3A_92, %dma_wait3A_150] : memref<521x3072xi32, #tpu.memory_space<hbm>> -> memref<1x3072xi32, #tpu.memory_space<hbm>>
        %dma_wait3A_152 = tpu.memref_squeeze %dma_wait3A_151 : memref<1x3072xi32, #tpu.memory_space<hbm>> -> memref<3072xi32, #tpu.memory_space<hbm>>
        tpu.wait_dma2 semaphore(%dma_wait3A_149 : memref<!tpu.dma_semaphore, #tpu.memory_space<semaphore_mem>>) src(%dma_wait3A_152 : memref<3072xi32, #tpu.memory_space<hbm>>) dst(%arg8 : memref<3072xi32, #tpu.memory_space<vmem>>)
        %mul3A_153 = arith.constant 96 : i32
        %mul3A_154 = arith.muli %add3A_92, %mul3A_153 : i32
        %dma_start3A_155 = arith.constant 1 : i32
        %dma_start3A_156 = arith.constant 0 : i32
        %dma_start3A_157 = tpu.memref_slice %arg14[%dma_start3A_156] : memref<100352xf32, #tpu.memory_space<vmem_shared>> -> memref<100352xf32, #tpu.memory_space<vmem_shared>>
        %dma_start3A_158 = tpu.memref_slice %arg17[%dma_start3A_155] : memref<3x!tpu.dma_semaphore, #tpu.memory_space<semaphore_mem>> -> memref<1x!tpu.dma_semaphore, #tpu.memory_space<semaphore_mem>>
        %dma_start3A_159 = tpu.memref_squeeze %dma_start3A_158 : memref<1x!tpu.dma_semaphore, #tpu.memory_space<semaphore_mem>> -> memref<!tpu.dma_semaphore, #tpu.memory_space<semaphore_mem>>
        tpu.enqueue_indirect_dma source(%arg11 : memref<3072xf32, #tpu.memory_space<vmem>>) target(%dma_start3A_157 : memref<100352xf32, #tpu.memory_space<vmem_shared>>) offsets(%arg8 : memref<3072xi32, #tpu.memory_space<vmem>>) semaphore(%dma_start3A_159 : memref<!tpu.dma_semaphore, #tpu.memory_space<semaphore_mem>>) {add = true}
      } else {
      }
      %mul3A_115 = arith.constant 3 : i32
      %mul3A_116 = arith.muli %scan3A_64, %mul3A_115 : i32
      %add3A_117 = arith.constant 2 : i32
      %add3A_118 = arith.addi %mul3A_116, %add3A_117 : i32
      %mul3A_119 = arith.constant 32 : i32
      %mul3A_120 = arith.muli %mul3A_119, %add3A_118 : i32
      %add3A_121 = arith.addi %add3A, %mul3A_120 : i32
      %sub3A_122 = arith.constant 64 : i32
      %sub3A_123 = arith.subi %add3A_121, %sub3A_122 : i32
      %add3A_124 = arith.constant 32 : i32
      %add3A_125 = arith.addi %add3A_121, %add3A_124 : i32
      %ge3A_126 = arith.constant 0 : i32
      %ge3A_127 = arith.cmpi sge, %sub3A_123, %ge3A_126 : i32
      %lt3A_128 = arith.constant 521 : i32
      %lt3A_129 = arith.cmpi slt, %sub3A_123, %lt3A_128 : i32
      %and3A_130 = arith.andi %ge3A_127, %lt3A_129 : i1
      %convert_element_type3A_131 = arith.extui %and3A_130 : i1 to i32
      %cond3A_132 = arith.constant 0 : i32
      %cond3A_133 = arith.cmpi ne, %convert_element_type3A_131, %cond3A_132 : i32
      scf.if %cond3A_133 {
        %dma_wait3A_144 = arith.constant 0 : i32
        %dma_wait3A_145 = arith.constant 0 : i32
        %dma_wait3A_146 = tpu.memref_slice %arg14[%dma_wait3A_145] : memref<100352xf32, #tpu.memory_space<vmem_shared>> -> memref<100352xf32, #tpu.memory_space<vmem_shared>>
        %dma_wait3A_147 = tpu.memref_slice %arg17[%dma_wait3A_144] : memref<3x!tpu.dma_semaphore, #tpu.memory_space<semaphore_mem>> -> memref<1x!tpu.dma_semaphore, #tpu.memory_space<semaphore_mem>>
        %dma_wait3A_148 = tpu.memref_squeeze %dma_wait3A_147 : memref<1x!tpu.dma_semaphore, #tpu.memory_space<semaphore_mem>> -> memref<!tpu.dma_semaphore, #tpu.memory_space<semaphore_mem>>
        tpu.wait_indirect_dma semaphore(%dma_wait3A_148 : memref<!tpu.dma_semaphore, #tpu.memory_space<semaphore_mem>>) src(%arg10 : memref<3072xf32, #tpu.memory_space<vmem>>) dst(%dma_wait3A_146 : memref<100352xf32, #tpu.memory_space<vmem_shared>>)
      } else {
      }
      %lt3A_134 = arith.constant 521 : i32
      %lt3A_135 = arith.cmpi slt, %add3A_125, %lt3A_134 : i32
      %convert_element_type3A_136 = arith.extui %lt3A_135 : i1 to i32
      %cond3A_137 = arith.constant 0 : i32
      %cond3A_138 = arith.cmpi ne, %convert_element_type3A_136, %cond3A_137 : i32
      scf.if %cond3A_138 {
        %dma_start3A_144 = arith.constant 0 : i32
        %dma_start3A_145 = arith.constant 0 : i32
        %dma_start3A_146 = tpu.memref_slice %arg3[%add3A_125, %dma_start3A_145] : memref<521x3072xi32, #tpu.memory_space<hbm>> -> memref<1x3072xi32, #tpu.memory_space<hbm>>
        %dma_start3A_147 = tpu.memref_squeeze %dma_start3A_146 : memref<1x3072xi32, #tpu.memory_space<hbm>> -> memref<3072xi32, #tpu.memory_space<hbm>>
        %dma_start3A_148 = tpu.memref_slice %arg16[%dma_start3A_144] : memref<3x!tpu.dma_semaphore, #tpu.memory_space<semaphore_mem>> -> memref<1x!tpu.dma_semaphore, #tpu.memory_space<semaphore_mem>>
        %dma_start3A_149 = tpu.memref_squeeze %dma_start3A_148 : memref<1x!tpu.dma_semaphore, #tpu.memory_space<semaphore_mem>> -> memref<!tpu.dma_semaphore, #tpu.memory_space<semaphore_mem>>
        %dma_start3A_150 = arith.constant 0 : i32
        %dma_start3A_151 = tpu.memref_slice %arg3[%add3A_125, %dma_start3A_150] : memref<521x3072xi32, #tpu.memory_space<hbm>> -> memref<1x3072xi32, #tpu.memory_space<hbm>>
        %dma_start3A_152 = tpu.memref_squeeze %dma_start3A_151 : memref<1x3072xi32, #tpu.memory_space<hbm>> -> memref<3072xi32, #tpu.memory_space<hbm>>
        tpu.enqueue_dma source(%dma_start3A_152 : memref<3072xi32, #tpu.memory_space<hbm>>) target(%arg7 : memref<3072xi32, #tpu.memory_space<vmem>>) target_semaphore(%dma_start3A_149 : memref<!tpu.dma_semaphore, #tpu.memory_space<semaphore_mem>>)
      } else {
      }
      %lt3A_139 = arith.constant 521 : i32
      %lt3A_140 = arith.cmpi slt, %add3A_121, %lt3A_139 : i32
      %convert_element_type3A_141 = arith.extui %lt3A_140 : i1 to i32
      %cond3A_142 = arith.constant 0 : i32
      %cond3A_143 = arith.cmpi ne, %convert_element_type3A_141, %cond3A_142 : i32
      scf.if %cond3A_143 {
        %dma_wait3A_144 = arith.constant 2 : i32
        %dma_wait3A_145 = arith.constant 0 : i32
        %dma_wait3A_146 = tpu.memref_slice %arg3[%add3A_121, %dma_wait3A_145] : memref<521x3072xi32, #tpu.memory_space<hbm>> -> memref<1x3072xi32, #tpu.memory_space<hbm>>
        %dma_wait3A_147 = tpu.memref_squeeze %dma_wait3A_146 : memref<1x3072xi32, #tpu.memory_space<hbm>> -> memref<3072xi32, #tpu.memory_space<hbm>>
        %dma_wait3A_148 = tpu.memref_slice %arg16[%dma_wait3A_144] : memref<3x!tpu.dma_semaphore, #tpu.memory_space<semaphore_mem>> -> memref<1x!tpu.dma_semaphore, #tpu.memory_space<semaphore_mem>>
        %dma_wait3A_149 = tpu.memref_squeeze %dma_wait3A_148 : memref<1x!tpu.dma_semaphore, #tpu.memory_space<semaphore_mem>> -> memref<!tpu.dma_semaphore, #tpu.memory_space<semaphore_mem>>
        %dma_wait3A_150 = arith.constant 0 : i32
        %dma_wait3A_151 = tpu.memref_slice %arg3[%add3A_121, %dma_wait3A_150] : memref<521x3072xi32, #tpu.memory_space<hbm>> -> memref<1x3072xi32, #tpu.memory_space<hbm>>
        %dma_wait3A_152 = tpu.memref_squeeze %dma_wait3A_151 : memref<1x3072xi32, #tpu.memory_space<hbm>> -> memref<3072xi32, #tpu.memory_space<hbm>>
        tpu.wait_dma2 semaphore(%dma_wait3A_149 : memref<!tpu.dma_semaphore, #tpu.memory_space<semaphore_mem>>) src(%dma_wait3A_152 : memref<3072xi32, #tpu.memory_space<hbm>>) dst(%arg9 : memref<3072xi32, #tpu.memory_space<vmem>>)
        %mul3A_153 = arith.constant 96 : i32
        %mul3A_154 = arith.muli %add3A_121, %mul3A_153 : i32
        %dma_start3A_155 = arith.constant 2 : i32
        %dma_start3A_156 = arith.constant 0 : i32
        %dma_start3A_157 = tpu.memref_slice %arg14[%dma_start3A_156] : memref<100352xf32, #tpu.memory_space<vmem_shared>> -> memref<100352xf32, #tpu.memory_space<vmem_shared>>
        %dma_start3A_158 = tpu.memref_slice %arg17[%dma_start3A_155] : memref<3x!tpu.dma_semaphore, #tpu.memory_space<semaphore_mem>> -> memref<1x!tpu.dma_semaphore, #tpu.memory_space<semaphore_mem>>
        %dma_start3A_159 = tpu.memref_squeeze %dma_start3A_158 : memref<1x!tpu.dma_semaphore, #tpu.memory_space<semaphore_mem>> -> memref<!tpu.dma_semaphore, #tpu.memory_space<semaphore_mem>>
        tpu.enqueue_indirect_dma source(%arg12 : memref<3072xf32, #tpu.memory_space<vmem>>) target(%dma_start3A_157 : memref<100352xf32, #tpu.memory_space<vmem_shared>>) offsets(%arg9 : memref<3072xi32, #tpu.memory_space<vmem>>) semaphore(%dma_start3A_159 : memref<!tpu.dma_semaphore, #tpu.memory_space<semaphore_mem>>) {add = true}
      } else {
      }
    }
    %scan3A_42 = arith.constant 7 : i32
    %barrier3A_43 = arith.constant 0 : index
    tpu.barrier barrier_id(%barrier3A_43)
    %mul3A_44 = arith.constant 6272 : i32
    %mul3A_45 = arith.muli %arg1, %mul3A_44 : i32
    "tpu.region"() ({
      %run_scoped3A = tpu.sem_alloc : memref<!tpu.dma_semaphore, #tpu.memory_space<semaphore_mem>>
      %dma_start3A_64 = tpu.memref_slice %arg14[%mul3A_45] : memref<100352xf32, #tpu.memory_space<vmem_shared>> -> memref<3072xf32, #tpu.memory_space<vmem_shared>>
      %dma_start3A_65 = tpu.memref_slice %arg14[%mul3A_45] : memref<100352xf32, #tpu.memory_space<vmem_shared>> -> memref<3072xf32, #tpu.memory_space<vmem_shared>>
      tpu.enqueue_dma source(%dma_start3A_65 : memref<3072xf32, #tpu.memory_space<vmem_shared>>) target(%arg10 : memref<3072xf32, #tpu.memory_space<vmem>>) target_semaphore(%run_scoped3A : memref<!tpu.dma_semaphore, #tpu.memory_space<semaphore_mem>>)
      %dma_wait3A_66 = tpu.memref_slice %arg14[%mul3A_45] : memref<100352xf32, #tpu.memory_space<vmem_shared>> -> memref<3072xf32, #tpu.memory_space<vmem_shared>>
      %dma_wait3A_67 = tpu.memref_slice %arg14[%mul3A_45] : memref<100352xf32, #tpu.memory_space<vmem_shared>> -> memref<3072xf32, #tpu.memory_space<vmem_shared>>
      tpu.wait_dma2 semaphore(%run_scoped3A : memref<!tpu.dma_semaphore, #tpu.memory_space<semaphore_mem>>) src(%dma_wait3A_67 : memref<3072xf32, #tpu.memory_space<vmem_shared>>) dst(%arg10 : memref<3072xf32, #tpu.memory_space<vmem>>)
      tpu.yield
    }) : () -> ()
    %mul3A_46 = arith.constant 6272 : i32
    %mul3A_47 = arith.muli %arg1, %mul3A_46 : i32
    %add3A_48 = arith.constant 3072 : i32
    %add3A_49 = arith.addi %mul3A_47, %add3A_48 : i32
    "tpu.region"() ({
      %run_scoped3A = tpu.sem_alloc : memref<!tpu.dma_semaphore, #tpu.memory_space<semaphore_mem>>
      %dma_start3A_64 = tpu.memref_slice %arg14[%add3A_49] : memref<100352xf32, #tpu.memory_space<vmem_shared>> -> memref<3072xf32, #tpu.memory_space<vmem_shared>>
      %dma_start3A_65 = tpu.memref_slice %arg14[%add3A_49] : memref<100352xf32, #tpu.memory_space<vmem_shared>> -> memref<3072xf32, #tpu.memory_space<vmem_shared>>
      tpu.enqueue_dma source(%dma_start3A_65 : memref<3072xf32, #tpu.memory_space<vmem_shared>>) target(%arg11 : memref<3072xf32, #tpu.memory_space<vmem>>) target_semaphore(%run_scoped3A : memref<!tpu.dma_semaphore, #tpu.memory_space<semaphore_mem>>)
      %dma_wait3A_66 = tpu.memref_slice %arg14[%add3A_49] : memref<100352xf32, #tpu.memory_space<vmem_shared>> -> memref<3072xf32, #tpu.memory_space<vmem_shared>>
      %dma_wait3A_67 = tpu.memref_slice %arg14[%add3A_49] : memref<100352xf32, #tpu.memory_space<vmem_shared>> -> memref<3072xf32, #tpu.memory_space<vmem_shared>>
      tpu.wait_dma2 semaphore(%run_scoped3A : memref<!tpu.dma_semaphore, #tpu.memory_space<semaphore_mem>>) src(%dma_wait3A_67 : memref<3072xf32, #tpu.memory_space<vmem_shared>>) dst(%arg11 : memref<3072xf32, #tpu.memory_space<vmem>>)
      tpu.yield
    }) : () -> ()
    %mul3A_50 = arith.constant 6272 : i32
    %mul3A_51 = arith.muli %arg1, %mul3A_50 : i32
    %add3A_52 = arith.constant 6144 : i32
    %add3A_53 = arith.addi %mul3A_51, %add3A_52 : i32
    "tpu.region"() ({
      %run_scoped3A = tpu.sem_alloc : memref<!tpu.dma_semaphore, #tpu.memory_space<semaphore_mem>>
      %dma_start3A_64 = arith.constant 0 : i32
      %dma_start3A_65 = tpu.memref_slice %arg12[%dma_start3A_64] : memref<3072xf32, #tpu.memory_space<vmem>> -> memref<128xf32, #tpu.memory_space<vmem>>
      %dma_start3A_66 = tpu.memref_slice %arg14[%add3A_53] : memref<100352xf32, #tpu.memory_space<vmem_shared>> -> memref<128xf32, #tpu.memory_space<vmem_shared>>
      %dma_start3A_67 = arith.constant 0 : i32
      %dma_start3A_68 = tpu.memref_slice %arg12[%dma_start3A_67] : memref<3072xf32, #tpu.memory_space<vmem>> -> memref<128xf32, #tpu.memory_space<vmem>>
      %dma_start3A_69 = tpu.memref_slice %arg14[%add3A_53] : memref<100352xf32, #tpu.memory_space<vmem_shared>> -> memref<128xf32, #tpu.memory_space<vmem_shared>>
      tpu.enqueue_dma source(%dma_start3A_69 : memref<128xf32, #tpu.memory_space<vmem_shared>>) target(%dma_start3A_68 : memref<128xf32, #tpu.memory_space<vmem>>) target_semaphore(%run_scoped3A : memref<!tpu.dma_semaphore, #tpu.memory_space<semaphore_mem>>)
      %dma_wait3A_70 = arith.constant 0 : i32
      %dma_wait3A_71 = tpu.memref_slice %arg12[%dma_wait3A_70] : memref<3072xf32, #tpu.memory_space<vmem>> -> memref<128xf32, #tpu.memory_space<vmem>>
      %dma_wait3A_72 = tpu.memref_slice %arg14[%add3A_53] : memref<100352xf32, #tpu.memory_space<vmem_shared>> -> memref<128xf32, #tpu.memory_space<vmem_shared>>
      %dma_wait3A_73 = arith.constant 0 : i32
      %dma_wait3A_74 = tpu.memref_slice %arg12[%dma_wait3A_73] : memref<3072xf32, #tpu.memory_space<vmem>> -> memref<128xf32, #tpu.memory_space<vmem>>
      %dma_wait3A_75 = tpu.memref_slice %arg14[%add3A_53] : memref<100352xf32, #tpu.memory_space<vmem_shared>> -> memref<128xf32, #tpu.memory_space<vmem_shared>>
      tpu.wait_dma2 semaphore(%run_scoped3A : memref<!tpu.dma_semaphore, #tpu.memory_space<semaphore_mem>>) src(%dma_wait3A_75 : memref<128xf32, #tpu.memory_space<vmem_shared>>) dst(%dma_wait3A_74 : memref<128xf32, #tpu.memory_space<vmem>>)
      tpu.yield
    }) : () -> ()
    %mul3A_54 = arith.constant 6272 : i32
    %mul3A_55 = arith.muli %arg1, %mul3A_54 : i32
    "tpu.region"() ({
      %run_scoped3A = tpu.sem_alloc : memref<!tpu.dma_semaphore, #tpu.memory_space<semaphore_mem>>
      %dma_start3A_64 = tpu.memref_slice %arg5[%arg0, %mul3A_55] : memref<2x100352xf32, #tpu.memory_space<hbm>> -> memref<1x3072xf32, #tpu.memory_space<hbm>>
      %dma_start3A_65 = tpu.memref_squeeze %dma_start3A_64 : memref<1x3072xf32, #tpu.memory_space<hbm>> -> memref<3072xf32, #tpu.memory_space<hbm>>
      %dma_start3A_66 = tpu.memref_slice %arg5[%arg0, %mul3A_55] : memref<2x100352xf32, #tpu.memory_space<hbm>> -> memref<1x3072xf32, #tpu.memory_space<hbm>>
      %dma_start3A_67 = tpu.memref_squeeze %dma_start3A_66 : memref<1x3072xf32, #tpu.memory_space<hbm>> -> memref<3072xf32, #tpu.memory_space<hbm>>
      tpu.enqueue_dma source(%arg10 : memref<3072xf32, #tpu.memory_space<vmem>>) target(%dma_start3A_67 : memref<3072xf32, #tpu.memory_space<hbm>>) target_semaphore(%run_scoped3A : memref<!tpu.dma_semaphore, #tpu.memory_space<semaphore_mem>>)
      %dma_wait3A_68 = tpu.memref_slice %arg5[%arg0, %mul3A_55] : memref<2x100352xf32, #tpu.memory_space<hbm>> -> memref<1x3072xf32, #tpu.memory_space<hbm>>
      %dma_wait3A_69 = tpu.memref_squeeze %dma_wait3A_68 : memref<1x3072xf32, #tpu.memory_space<hbm>> -> memref<3072xf32, #tpu.memory_space<hbm>>
      %dma_wait3A_70 = tpu.memref_slice %arg5[%arg0, %mul3A_55] : memref<2x100352xf32, #tpu.memory_space<hbm>> -> memref<1x3072xf32, #tpu.memory_space<hbm>>
      %dma_wait3A_71 = tpu.memref_squeeze %dma_wait3A_70 : memref<1x3072xf32, #tpu.memory_space<hbm>> -> memref<3072xf32, #tpu.memory_space<hbm>>
      tpu.wait_dma2 semaphore(%run_scoped3A : memref<!tpu.dma_semaphore, #tpu.memory_space<semaphore_mem>>) src(%arg10 : memref<3072xf32, #tpu.memory_space<vmem>>) dst(%dma_wait3A_71 : memref<3072xf32, #tpu.memory_space<hbm>>)
      tpu.yield
    }) : () -> ()
    %mul3A_56 = arith.constant 6272 : i32
    %mul3A_57 = arith.muli %arg1, %mul3A_56 : i32
    %add3A_58 = arith.constant 3072 : i32
    %add3A_59 = arith.addi %mul3A_57, %add3A_58 : i32
    "tpu.region"() ({
      %run_scoped3A = tpu.sem_alloc : memref<!tpu.dma_semaphore, #tpu.memory_space<semaphore_mem>>
      %dma_start3A_64 = tpu.memref_slice %arg5[%arg0, %add3A_59] : memref<2x100352xf32, #tpu.memory_space<hbm>> -> memref<1x3072xf32, #tpu.memory_space<hbm>>
      %dma_start3A_65 = tpu.memref_squeeze %dma_start3A_64 : memref<1x3072xf32, #tpu.memory_space<hbm>> -> memref<3072xf32, #tpu.memory_space<hbm>>
      %dma_start3A_66 = tpu.memref_slice %arg5[%arg0, %add3A_59] : memref<2x100352xf32, #tpu.memory_space<hbm>> -> memref<1x3072xf32, #tpu.memory_space<hbm>>
      %dma_start3A_67 = tpu.memref_squeeze %dma_start3A_66 : memref<1x3072xf32, #tpu.memory_space<hbm>> -> memref<3072xf32, #tpu.memory_space<hbm>>
      tpu.enqueue_dma source(%arg11 : memref<3072xf32, #tpu.memory_space<vmem>>) target(%dma_start3A_67 : memref<3072xf32, #tpu.memory_space<hbm>>) target_semaphore(%run_scoped3A : memref<!tpu.dma_semaphore, #tpu.memory_space<semaphore_mem>>)
      %dma_wait3A_68 = tpu.memref_slice %arg5[%arg0, %add3A_59] : memref<2x100352xf32, #tpu.memory_space<hbm>> -> memref<1x3072xf32, #tpu.memory_space<hbm>>
      %dma_wait3A_69 = tpu.memref_squeeze %dma_wait3A_68 : memref<1x3072xf32, #tpu.memory_space<hbm>> -> memref<3072xf32, #tpu.memory_space<hbm>>
      %dma_wait3A_70 = tpu.memref_slice %arg5[%arg0, %add3A_59] : memref<2x100352xf32, #tpu.memory_space<hbm>> -> memref<1x3072xf32, #tpu.memory_space<hbm>>
      %dma_wait3A_71 = tpu.memref_squeeze %dma_wait3A_70 : memref<1x3072xf32, #tpu.memory_space<hbm>> -> memref<3072xf32, #tpu.memory_space<hbm>>
      tpu.wait_dma2 semaphore(%run_scoped3A : memref<!tpu.dma_semaphore, #tpu.memory_space<semaphore_mem>>) src(%arg11 : memref<3072xf32, #tpu.memory_space<vmem>>) dst(%dma_wait3A_71 : memref<3072xf32, #tpu.memory_space<hbm>>)
      tpu.yield
    }) : () -> ()
    %mul3A_60 = arith.constant 6272 : i32
    %mul3A_61 = arith.muli %arg1, %mul3A_60 : i32
    %add3A_62 = arith.constant 6144 : i32
    %add3A_63 = arith.addi %mul3A_61, %add3A_62 : i32
    "tpu.region"() ({
      %run_scoped3A = tpu.sem_alloc : memref<!tpu.dma_semaphore, #tpu.memory_space<semaphore_mem>>
      %dma_start3A_64 = arith.constant 0 : i32
      %dma_start3A_65 = tpu.memref_slice %arg12[%dma_start3A_64] : memref<3072xf32, #tpu.memory_space<vmem>> -> memref<128xf32, #tpu.memory_space<vmem>>
      %dma_start3A_66 = tpu.memref_slice %arg5[%arg0, %add3A_63] : memref<2x100352xf32, #tpu.memory_space<hbm>> -> memref<1x128xf32, #tpu.memory_space<hbm>>
      %dma_start3A_67 = tpu.memref_squeeze %dma_start3A_66 : memref<1x128xf32, #tpu.memory_space<hbm>> -> memref<128xf32, #tpu.memory_space<hbm>>
      %dma_start3A_68 = tpu.memref_slice %arg5[%arg0, %add3A_63] : memref<2x100352xf32, #tpu.memory_space<hbm>> -> memref<1x128xf32, #tpu.memory_space<hbm>>
      %dma_start3A_69 = tpu.memref_squeeze %dma_start3A_68 : memref<1x128xf32, #tpu.memory_space<hbm>> -> memref<128xf32, #tpu.memory_space<hbm>>
      %dma_start3A_70 = arith.constant 0 : i32
      %dma_start3A_71 = tpu.memref_slice %arg12[%dma_start3A_70] : memref<3072xf32, #tpu.memory_space<vmem>> -> memref<128xf32, #tpu.memory_space<vmem>>
      tpu.enqueue_dma source(%dma_start3A_71 : memref<128xf32, #tpu.memory_space<vmem>>) target(%dma_start3A_69 : memref<128xf32, #tpu.memory_space<hbm>>) target_semaphore(%run_scoped3A : memref<!tpu.dma_semaphore, #tpu.memory_space<semaphore_mem>>)
      %dma_wait3A_72 = arith.constant 0 : i32
      %dma_wait3A_73 = tpu.memref_slice %arg12[%dma_wait3A_72] : memref<3072xf32, #tpu.memory_space<vmem>> -> memref<128xf32, #tpu.memory_space<vmem>>
      %dma_wait3A_74 = tpu.memref_slice %arg5[%arg0, %add3A_63] : memref<2x100352xf32, #tpu.memory_space<hbm>> -> memref<1x128xf32, #tpu.memory_space<hbm>>
      %dma_wait3A_75 = tpu.memref_squeeze %dma_wait3A_74 : memref<1x128xf32, #tpu.memory_space<hbm>> -> memref<128xf32, #tpu.memory_space<hbm>>
      %dma_wait3A_76 = tpu.memref_slice %arg5[%arg0, %add3A_63] : memref<2x100352xf32, #tpu.memory_space<hbm>> -> memref<1x128xf32, #tpu.memory_space<hbm>>
      %dma_wait3A_77 = tpu.memref_squeeze %dma_wait3A_76 : memref<1x128xf32, #tpu.memory_space<hbm>> -> memref<128xf32, #tpu.memory_space<hbm>>
      %dma_wait3A_78 = arith.constant 0 : i32
      %dma_wait3A_79 = tpu.memref_slice %arg12[%dma_wait3A_78] : memref<3072xf32, #tpu.memory_space<vmem>> -> memref<128xf32, #tpu.memory_space<vmem>>
      tpu.wait_dma2 semaphore(%run_scoped3A : memref<!tpu.dma_semaphore, #tpu.memory_space<semaphore_mem>>) src(%dma_wait3A_79 : memref<128xf32, #tpu.memory_space<vmem>>) dst(%dma_wait3A_77 : memref<128xf32, #tpu.memory_space<hbm>>)
      tpu.yield
    }) : () -> ()
    return
  }
}

#map = affine_map<(d0, d1) -> (0)>
#map1 = affine_map<(d0, d1) -> (0, 0)>
module attributes {stable_mosaic.version = 14 : i64} {
  func.func @_sc_iter_body(%arg0: i32, %arg1: i32, %arg2: memref<100352xf32, #tpu.memory_space<hbm>>, %arg3: memref<521x3072xi32, #tpu.memory_space<hbm>>, %arg4: memref<16xf32, #tpu.memory_space<hbm>>, %arg5: memref<2x100352xf32, #tpu.memory_space<hbm>>, %arg6: memref<100000xf32, #tpu.memory_space<vmem>>, %arg7: memref<3072xi32, #tpu.memory_space<vmem>>, %arg8: memref<3072xi32, #tpu.memory_space<vmem>>, %arg9: memref<3072xi32, #tpu.memory_space<vmem>>, %arg10: memref<3072xf32, #tpu.memory_space<vmem>>, %arg11: memref<3072xf32, #tpu.memory_space<vmem>>, %arg12: memref<3072xf32, #tpu.memory_space<vmem>>, %arg13: memref<16xf32, #tpu.memory_space<vmem>>, %arg14: memref<100352xf32, #tpu.memory_space<vmem_shared>>, %arg15: memref<!tpu.dma_semaphore, #tpu.memory_space<semaphore_mem>>, %arg16: memref<3x!tpu.dma_semaphore, #tpu.memory_space<semaphore_mem>>, %arg17: memref<3x!tpu.dma_semaphore, #tpu.memory_space<semaphore_mem>>) attributes {dimension_semantics = [#tpu.dimension_semantics<core_parallel>, #tpu.dimension_semantics<subcore_parallel>], iteration_bounds = array<i64: 2, 16>, scalar_prefetch = 0 : i64, scratch_operands = 12 : i64, tpu.core_type = #tpu.core_type<sc_vector_subcore>, window_params = [{transform_indices = #map}, {transform_indices = #map1}, {transform_indices = #map}, {transform_indices = #map1}]} {
    %mul3A = arith.constant 2 : i32
    %mul3A_0 = arith.muli %arg1, %mul3A : i32
    %add3A = arith.addi %mul3A_0, %arg0 : i32
    %dma_start3A = arith.constant 0 : i32
    %dma_start3A_1 = tpu.memref_slice %arg2[%dma_start3A] : memref<100352xf32, #tpu.memory_space<hbm>> -> memref<100000xf32, #tpu.memory_space<hbm>>
    %dma_start3A_2 = arith.constant 0 : i32
    %dma_start3A_3 = tpu.memref_slice %arg2[%dma_start3A_2] : memref<100352xf32, #tpu.memory_space<hbm>> -> memref<100000xf32, #tpu.memory_space<hbm>>
    tpu.enqueue_dma source(%dma_start3A_3 : memref<100000xf32, #tpu.memory_space<hbm>>) target(%arg6 : memref<100000xf32, #tpu.memory_space<vmem>>) target_semaphore(%arg15 : memref<!tpu.dma_semaphore, #tpu.memory_space<semaphore_mem>>)
    "tpu.region"() ({
      %run_scoped3A = tpu.sem_alloc : memref<!tpu.dma_semaphore, #tpu.memory_space<semaphore_mem>>
      tpu.enqueue_dma source(%arg4 : memref<16xf32, #tpu.memory_space<hbm>>) target(%arg13 : memref<16xf32, #tpu.memory_space<vmem>>) target_semaphore(%run_scoped3A : memref<!tpu.dma_semaphore, #tpu.memory_space<semaphore_mem>>)
      tpu.wait_dma2 semaphore(%run_scoped3A : memref<!tpu.dma_semaphore, #tpu.memory_space<semaphore_mem>>) src(%arg4 : memref<16xf32, #tpu.memory_space<hbm>>) dst(%arg13 : memref<16xf32, #tpu.memory_space<vmem>>)
      tpu.yield
    }) : () -> ()
    %broadcast_in_dim3A = arith.constant 0.000000e+00 : f32
    %broadcast_in_dim3A_4 = vector.broadcast %broadcast_in_dim3A : f32 to vector<16xf32>
    %scan3A = arith.constant 0 : i32
    %scan3A_5 = arith.constant 0 : i32
    %scan3A_6 = arith.constant 24 : i32
    %scan3A_7 = arith.addi %scan3A_5, %scan3A_6 : i32
    %scan3A_8 = arith.constant 1 : i32
    scf.for %scan3A_64 = %scan3A_5 to %scan3A_7 step %scan3A_8  : i32 {
      %mul3A_65 = arith.constant 128 : i32
      %mul3A_66 = arith.muli %scan3A_64, %mul3A_65 : i32
      %add3A_67 = arith.constant 0 : i32
      %add3A_68 = arith.addi %mul3A_66, %add3A_67 : i32
      %swap3A = arith.index_cast %add3A_68 : i32 to index
      %swap3A_69 = tpu.vector_load %arg10[%swap3A] {strides = array<i32>} : memref<3072xf32, #tpu.memory_space<vmem>>, vector<16xf32>,
      tpu.vector_store %arg10[%swap3A], %broadcast_in_dim3A_4 {strides = array<i32>} : memref<3072xf32, #tpu.memory_space<vmem>>, vector<16xf32>,
      %mul3A_70 = arith.constant 128 : i32
      %mul3A_71 = arith.muli %scan3A_64, %mul3A_70 : i32
      %add3A_72 = arith.constant 16 : i32
      %add3A_73 = arith.addi %mul3A_71, %add3A_72 : i32
      %swap3A_74 = arith.index_cast %add3A_73 : i32 to index
      %swap3A_75 = tpu.vector_load %arg10[%swap3A_74] {strides = array<i32>} : memref<3072xf32, #tpu.memory_space<vmem>>, vector<16xf32>,
      tpu.vector_store %arg10[%swap3A_74], %broadcast_in_dim3A_4 {strides = array<i32>} : memref<3072xf32, #tpu.memory_space<vmem>>, vector<16xf32>,
      %mul3A_76 = arith.constant 128 : i32
      %mul3A_77 = arith.muli %scan3A_64, %mul3A_76 : i32
      %add3A_78 = arith.constant 32 : i32
      %add3A_79 = arith.addi %mul3A_77, %add3A_78 : i32
      %swap3A_80 = arith.index_cast %add3A_79 : i32 to index
      %swap3A_81 = tpu.vector_load %arg10[%swap3A_80] {strides = array<i32>} : memref<3072xf32, #tpu.memory_space<vmem>>, vector<16xf32>,
      tpu.vector_store %arg10[%swap3A_80], %broadcast_in_dim3A_4 {strides = array<i32>} : memref<3072xf32, #tpu.memory_space<vmem>>, vector<16xf32>,
      %mul3A_82 = arith.constant 128 : i32
      %mul3A_83 = arith.muli %scan3A_64, %mul3A_82 : i32
      %add3A_84 = arith.constant 48 : i32
      %add3A_85 = arith.addi %mul3A_83, %add3A_84 : i32
      %swap3A_86 = arith.index_cast %add3A_85 : i32 to index
      %swap3A_87 = tpu.vector_load %arg10[%swap3A_86] {strides = array<i32>} : memref<3072xf32, #tpu.memory_space<vmem>>, vector<16xf32>,
      tpu.vector_store %arg10[%swap3A_86], %broadcast_in_dim3A_4 {strides = array<i32>} : memref<3072xf32, #tpu.memory_space<vmem>>, vector<16xf32>,
      %mul3A_88 = arith.constant 128 : i32
      %mul3A_89 = arith.muli %scan3A_64, %mul3A_88 : i32
      %add3A_90 = arith.constant 64 : i32
      %add3A_91 = arith.addi %mul3A_89, %add3A_90 : i32
      %swap3A_92 = arith.index_cast %add3A_91 : i32 to index
      %swap3A_93 = tpu.vector_load %arg10[%swap3A_92] {strides = array<i32>} : memref<3072xf32, #tpu.memory_space<vmem>>, vector<16xf32>,
      tpu.vector_store %arg10[%swap3A_92], %broadcast_in_dim3A_4 {strides = array<i32>} : memref<3072xf32, #tpu.memory_space<vmem>>, vector<16xf32>,
      %mul3A_94 = arith.constant 128 : i32
      %mul3A_95 = arith.muli %scan3A_64, %mul3A_94 : i32
      %add3A_96 = arith.constant 80 : i32
      %add3A_97 = arith.addi %mul3A_95, %add3A_96 : i32
      %swap3A_98 = arith.index_cast %add3A_97 : i32 to index
      %swap3A_99 = tpu.vector_load %arg10[%swap3A_98] {strides = array<i32>} : memref<3072xf32, #tpu.memory_space<vmem>>, vector<16xf32>,
      tpu.vector_store %arg10[%swap3A_98], %broadcast_in_dim3A_4 {strides = array<i32>} : memref<3072xf32, #tpu.memory_space<vmem>>, vector<16xf32>,
      %mul3A_100 = arith.constant 128 : i32
      %mul3A_101 = arith.muli %scan3A_64, %mul3A_100 : i32
      %add3A_102 = arith.constant 96 : i32
      %add3A_103 = arith.addi %mul3A_101, %add3A_102 : i32
      %swap3A_104 = arith.index_cast %add3A_103 : i32 to index
      %swap3A_105 = tpu.vector_load %arg10[%swap3A_104] {strides = array<i32>} : memref<3072xf32, #tpu.memory_space<vmem>>, vector<16xf32>,
      tpu.vector_store %arg10[%swap3A_104], %broadcast_in_dim3A_4 {strides = array<i32>} : memref<3072xf32, #tpu.memory_space<vmem>>, vector<16xf32>,
      %mul3A_106 = arith.constant 128 : i32
      %mul3A_107 = arith.muli %scan3A_64, %mul3A_106 : i32
      %add3A_108 = arith.constant 112 : i32
      %add3A_109 = arith.addi %mul3A_107, %add3A_108 : i32
      %swap3A_110 = arith.index_cast %add3A_109 : i32 to index
      %swap3A_111 = tpu.vector_load %arg10[%swap3A_110] {strides = array<i32>} : memref<3072xf32, #tpu.memory_space<vmem>>, vector<16xf32>,
      tpu.vector_store %arg10[%swap3A_110], %broadcast_in_dim3A_4 {strides = array<i32>} : memref<3072xf32, #tpu.memory_space<vmem>>, vector<16xf32>,
    }
    %scan3A_9 = arith.constant 24 : i32
    %mul3A_10 = arith.constant 6272 : i32
    %mul3A_11 = arith.muli %arg1, %mul3A_10 : i32
    "tpu.region"() ({
      %run_scoped3A = tpu.sem_alloc : memref<!tpu.dma_semaphore, #tpu.memory_space<semaphore_mem>>
      %dma_start3A_64 = tpu.memref_slice %arg14[%mul3A_11] : memref<100352xf32, #tpu.memory_space<vmem_shared>> -> memref<3072xf32, #tpu.memory_space<vmem_shared>>
      %dma_start3A_65 = tpu.memref_slice %arg14[%mul3A_11] : memref<100352xf32, #tpu.memory_space<vmem_shared>> -> memref<3072xf32, #tpu.memory_space<vmem_shared>>
      tpu.enqueue_dma source(%arg10 : memref<3072xf32, #tpu.memory_space<vmem>>) target(%dma_start3A_65 : memref<3072xf32, #tpu.memory_space<vmem_shared>>) target_semaphore(%run_scoped3A : memref<!tpu.dma_semaphore, #tpu.memory_space<semaphore_mem>>)
      %dma_wait3A_66 = tpu.memref_slice %arg14[%mul3A_11] : memref<100352xf32, #tpu.memory_space<vmem_shared>> -> memref<3072xf32, #tpu.memory_space<vmem_shared>>
      %dma_wait3A_67 = tpu.memref_slice %arg14[%mul3A_11] : memref<100352xf32, #tpu.memory_space<vmem_shared>> -> memref<3072xf32, #tpu.memory_space<vmem_shared>>
      tpu.wait_dma2 semaphore(%run_scoped3A : memref<!tpu.dma_semaphore, #tpu.memory_space<semaphore_mem>>) src(%arg10 : memref<3072xf32, #tpu.memory_space<vmem>>) dst(%dma_wait3A_67 : memref<3072xf32, #tpu.memory_space<vmem_shared>>)
      tpu.yield
    }) : () -> ()
    %mul3A_12 = arith.constant 6272 : i32
    %mul3A_13 = arith.muli %arg1, %mul3A_12 : i32
    %add3A_14 = arith.constant 3072 : i32
    %add3A_15 = arith.addi %mul3A_13, %add3A_14 : i32
    "tpu.region"() ({
      %run_scoped3A = tpu.sem_alloc : memref<!tpu.dma_semaphore, #tpu.memory_space<semaphore_mem>>
      %dma_start3A_64 = tpu.memref_slice %arg14[%add3A_15] : memref<100352xf32, #tpu.memory_space<vmem_shared>> -> memref<3072xf32, #tpu.memory_space<vmem_shared>>
      %dma_start3A_65 = tpu.memref_slice %arg14[%add3A_15] : memref<100352xf32, #tpu.memory_space<vmem_shared>> -> memref<3072xf32, #tpu.memory_space<vmem_shared>>
      tpu.enqueue_dma source(%arg10 : memref<3072xf32, #tpu.memory_space<vmem>>) target(%dma_start3A_65 : memref<3072xf32, #tpu.memory_space<vmem_shared>>) target_semaphore(%run_scoped3A : memref<!tpu.dma_semaphore, #tpu.memory_space<semaphore_mem>>)
      %dma_wait3A_66 = tpu.memref_slice %arg14[%add3A_15] : memref<100352xf32, #tpu.memory_space<vmem_shared>> -> memref<3072xf32, #tpu.memory_space<vmem_shared>>
      %dma_wait3A_67 = tpu.memref_slice %arg14[%add3A_15] : memref<100352xf32, #tpu.memory_space<vmem_shared>> -> memref<3072xf32, #tpu.memory_space<vmem_shared>>
      tpu.wait_dma2 semaphore(%run_scoped3A : memref<!tpu.dma_semaphore, #tpu.memory_space<semaphore_mem>>) src(%arg10 : memref<3072xf32, #tpu.memory_space<vmem>>) dst(%dma_wait3A_67 : memref<3072xf32, #tpu.memory_space<vmem_shared>>)
      tpu.yield
    }) : () -> ()
    %mul3A_16 = arith.constant 6272 : i32
    %mul3A_17 = arith.muli %arg1, %mul3A_16 : i32
    %add3A_18 = arith.constant 6144 : i32
    %add3A_19 = arith.addi %mul3A_17, %add3A_18 : i32
    "tpu.region"() ({
      %run_scoped3A = tpu.sem_alloc : memref<!tpu.dma_semaphore, #tpu.memory_space<semaphore_mem>>
      %dma_start3A_64 = arith.constant 0 : i32
      %dma_start3A_65 = tpu.memref_slice %arg10[%dma_start3A_64] : memref<3072xf32, #tpu.memory_space<vmem>> -> memref<128xf32, #tpu.memory_space<vmem>>
      %dma_start3A_66 = tpu.memref_slice %arg14[%add3A_19] : memref<100352xf32, #tpu.memory_space<vmem_shared>> -> memref<128xf32, #tpu.memory_space<vmem_shared>>
      %dma_start3A_67 = tpu.memref_slice %arg14[%add3A_19] : memref<100352xf32, #tpu.memory_space<vmem_shared>> -> memref<128xf32, #tpu.memory_space<vmem_shared>>
      %dma_start3A_68 = arith.constant 0 : i32
      %dma_start3A_69 = tpu.memref_slice %arg10[%dma_start3A_68] : memref<3072xf32, #tpu.memory_space<vmem>> -> memref<128xf32, #tpu.memory_space<vmem>>
      tpu.enqueue_dma source(%dma_start3A_69 : memref<128xf32, #tpu.memory_space<vmem>>) target(%dma_start3A_67 : memref<128xf32, #tpu.memory_space<vmem_shared>>) target_semaphore(%run_scoped3A : memref<!tpu.dma_semaphore, #tpu.memory_space<semaphore_mem>>)
      %dma_wait3A_70 = arith.constant 0 : i32
      %dma_wait3A_71 = tpu.memref_slice %arg10[%dma_wait3A_70] : memref<3072xf32, #tpu.memory_space<vmem>> -> memref<128xf32, #tpu.memory_space<vmem>>
      %dma_wait3A_72 = tpu.memref_slice %arg14[%add3A_19] : memref<100352xf32, #tpu.memory_space<vmem_shared>> -> memref<128xf32, #tpu.memory_space<vmem_shared>>
      %dma_wait3A_73 = tpu.memref_slice %arg14[%add3A_19] : memref<100352xf32, #tpu.memory_space<vmem_shared>> -> memref<128xf32, #tpu.memory_space<vmem_shared>>
      %dma_wait3A_74 = arith.constant 0 : i32
      %dma_wait3A_75 = tpu.memref_slice %arg10[%dma_wait3A_74] : memref<3072xf32, #tpu.memory_space<vmem>> -> memref<128xf32, #tpu.memory_space<vmem>>
      tpu.wait_dma2 semaphore(%run_scoped3A : memref<!tpu.dma_semaphore, #tpu.memory_space<semaphore_mem>>) src(%dma_wait3A_75 : memref<128xf32, #tpu.memory_space<vmem>>) dst(%dma_wait3A_73 : memref<128xf32, #tpu.memory_space<vmem_shared>>)
      tpu.yield
    }) : () -> ()
    %dma_wait3A = arith.constant 0 : i32
    %dma_wait3A_20 = tpu.memref_slice %arg2[%dma_wait3A] : memref<100352xf32, #tpu.memory_space<hbm>> -> memref<100000xf32, #tpu.memory_space<hbm>>
    %dma_wait3A_21 = arith.constant 0 : i32
    %dma_wait3A_22 = tpu.memref_slice %arg2[%dma_wait3A_21] : memref<100352xf32, #tpu.memory_space<hbm>> -> memref<100000xf32, #tpu.memory_space<hbm>>
    tpu.wait_dma2 semaphore(%arg15 : memref<!tpu.dma_semaphore, #tpu.memory_space<semaphore_mem>>) src(%dma_wait3A_22 : memref<100000xf32, #tpu.memory_space<hbm>>) dst(%arg6 : memref<100000xf32, #tpu.memory_space<vmem>>)
    %barrier3A = arith.constant 0 : index
    tpu.barrier barrier_id(%barrier3A)
    %get3A = arith.constant 0 : index
    %get3A_23 = tpu.vector_load %arg13[%get3A] {strides = array<i32>} : memref<16xf32, #tpu.memory_space<vmem>>, vector<16xf32>,
    %iota3A = tpu.iota {dimensions = array<i32: 0>} : vector<16xi32>
    %broadcast_in_dim3A_24 = arith.constant 0x7F800000 : f32
    %broadcast_in_dim3A_25 = vector.broadcast %broadcast_in_dim3A_24 : f32 to vector<16xf32>
    %broadcast_in_dim3A_26 = arith.constant 0 : i32
    %broadcast_in_dim3A_27 = vector.broadcast %broadcast_in_dim3A_26 : i32 to vector<16xi32>
    %dma_start3A_28 = arith.constant 0 : i32
    %dma_start3A_29 = arith.constant 0 : i32
    %dma_start3A_30 = tpu.memref_slice %arg3[%add3A, %dma_start3A_29] : memref<521x3072xi32, #tpu.memory_space<hbm>> -> memref<1x3072xi32, #tpu.memory_space<hbm>>
    %dma_start3A_31 = tpu.memref_squeeze %dma_start3A_30 : memref<1x3072xi32, #tpu.memory_space<hbm>> -> memref<3072xi32, #tpu.memory_space<hbm>>
    %dma_start3A_32 = tpu.memref_slice %arg16[%dma_start3A_28] : memref<3x!tpu.dma_semaphore, #tpu.memory_space<semaphore_mem>> -> memref<1x!tpu.dma_semaphore, #tpu.memory_space<semaphore_mem>>
    %dma_start3A_33 = tpu.memref_squeeze %dma_start3A_32 : memref<1x!tpu.dma_semaphore, #tpu.memory_space<semaphore_mem>> -> memref<!tpu.dma_semaphore, #tpu.memory_space<semaphore_mem>>
    %dma_start3A_34 = arith.constant 0 : i32
    %dma_start3A_35 = tpu.memref_slice %arg3[%add3A, %dma_start3A_34] : memref<521x3072xi32, #tpu.memory_space<hbm>> -> memref<1x3072xi32, #tpu.memory_space<hbm>>
    %dma_start3A_36 = tpu.memref_squeeze %dma_start3A_35 : memref<1x3072xi32, #tpu.memory_space<hbm>> -> memref<3072xi32, #tpu.memory_space<hbm>>
    tpu.enqueue_dma source(%dma_start3A_36 : memref<3072xi32, #tpu.memory_space<hbm>>) target(%arg7 : memref<3072xi32, #tpu.memory_space<vmem>>) target_semaphore(%dma_start3A_33 : memref<!tpu.dma_semaphore, #tpu.memory_space<semaphore_mem>>)
    %scan3A_37 = arith.constant 0 : i32
    %scan3A_38 = arith.constant 0 : i32
    %scan3A_39 = arith.constant 7 : i32
    %scan3A_40 = arith.addi %scan3A_38, %scan3A_39 : i32
    %scan3A_41 = arith.constant 1 : i32
    scf.for %scan3A_64 = %scan3A_38 to %scan3A_40 step %scan3A_41  : i32 {
      %mul3A_65 = arith.constant 3 : i32
      %mul3A_66 = arith.muli %scan3A_64, %mul3A_65 : i32
      %mul3A_67 = arith.constant 32 : i32
      %mul3A_68 = arith.muli %mul3A_67, %mul3A_66 : i32
      %add3A_69 = arith.addi %add3A, %mul3A_68 : i32
      %sub3A = arith.constant 64 : i32
      %sub3A_70 = arith.subi %add3A_69, %sub3A : i32
      %add3A_71 = arith.constant 32 : i32
      %add3A_72 = arith.addi %add3A_69, %add3A_71 : i32
      %ge3A = arith.constant 0 : i32
      %ge3A_73 = arith.cmpi sge, %sub3A_70, %ge3A : i32
      %lt3A = arith.constant 521 : i32
      %lt3A_74 = arith.cmpi slt, %sub3A_70, %lt3A : i32
      %and3A = arith.andi %ge3A_73, %lt3A_74 : i1
      %convert_element_type3A = arith.extui %and3A : i1 to i32
      %cond3A = arith.constant 0 : i32
      %cond3A_75 = arith.cmpi ne, %convert_element_type3A, %cond3A : i32
      scf.if %cond3A_75 {
        %dma_wait3A_144 = arith.constant 1 : i32
        %dma_wait3A_145 = arith.constant 0 : i32
        %dma_wait3A_146 = tpu.memref_slice %arg14[%dma_wait3A_145] : memref<100352xf32, #tpu.memory_space<vmem_shared>> -> memref<100352xf32, #tpu.memory_space<vmem_shared>>
        %dma_wait3A_147 = tpu.memref_slice %arg17[%dma_wait3A_144] : memref<3x!tpu.dma_semaphore, #tpu.memory_space<semaphore_mem>> -> memref<1x!tpu.dma_semaphore, #tpu.memory_space<semaphore_mem>>
        %dma_wait3A_148 = tpu.memref_squeeze %dma_wait3A_147 : memref<1x!tpu.dma_semaphore, #tpu.memory_space<semaphore_mem>> -> memref<!tpu.dma_semaphore, #tpu.memory_space<semaphore_mem>>
        tpu.wait_indirect_dma semaphore(%dma_wait3A_148 : memref<!tpu.dma_semaphore, #tpu.memory_space<semaphore_mem>>) src(%arg11 : memref<3072xf32, #tpu.memory_space<vmem>>) dst(%dma_wait3A_146 : memref<100352xf32, #tpu.memory_space<vmem_shared>>)
      } else {
      }
      %lt3A_76 = arith.constant 521 : i32
      %lt3A_77 = arith.cmpi slt, %add3A_72, %lt3A_76 : i32
      %convert_element_type3A_78 = arith.extui %lt3A_77 : i1 to i32
      %cond3A_79 = arith.constant 0 : i32
      %cond3A_80 = arith.cmpi ne, %convert_element_type3A_78, %cond3A_79 : i32
      scf.if %cond3A_80 {
        %dma_start3A_144 = arith.constant 1 : i32
        %dma_start3A_145 = arith.constant 0 : i32
        %dma_start3A_146 = tpu.memref_slice %arg3[%add3A_72, %dma_start3A_145] : memref<521x3072xi32, #tpu.memory_space<hbm>> -> memref<1x3072xi32, #tpu.memory_space<hbm>>
        %dma_start3A_147 = tpu.memref_squeeze %dma_start3A_146 : memref<1x3072xi32, #tpu.memory_space<hbm>> -> memref<3072xi32, #tpu.memory_space<hbm>>
        %dma_start3A_148 = tpu.memref_slice %arg16[%dma_start3A_144] : memref<3x!tpu.dma_semaphore, #tpu.memory_space<semaphore_mem>> -> memref<1x!tpu.dma_semaphore, #tpu.memory_space<semaphore_mem>>
        %dma_start3A_149 = tpu.memref_squeeze %dma_start3A_148 : memref<1x!tpu.dma_semaphore, #tpu.memory_space<semaphore_mem>> -> memref<!tpu.dma_semaphore, #tpu.memory_space<semaphore_mem>>
        %dma_start3A_150 = arith.constant 0 : i32
        %dma_start3A_151 = tpu.memref_slice %arg3[%add3A_72, %dma_start3A_150] : memref<521x3072xi32, #tpu.memory_space<hbm>> -> memref<1x3072xi32, #tpu.memory_space<hbm>>
        %dma_start3A_152 = tpu.memref_squeeze %dma_start3A_151 : memref<1x3072xi32, #tpu.memory_space<hbm>> -> memref<3072xi32, #tpu.memory_space<hbm>>
        tpu.enqueue_dma source(%dma_start3A_152 : memref<3072xi32, #tpu.memory_space<hbm>>) target(%arg8 : memref<3072xi32, #tpu.memory_space<vmem>>) target_semaphore(%dma_start3A_149 : memref<!tpu.dma_semaphore, #tpu.memory_space<semaphore_mem>>)
      } else {
      }
      %lt3A_81 = arith.constant 521 : i32
      %lt3A_82 = arith.cmpi slt, %add3A_69, %lt3A_81 : i32
      %convert_element_type3A_83 = arith.extui %lt3A_82 : i1 to i32
      %cond3A_84 = arith.constant 0 : i32
      %cond3A_85 = arith.cmpi ne, %convert_element_type3A_83, %cond3A_84 : i32
      scf.if %cond3A_85 {
        %dma_wait3A_144 = arith.constant 0 : i32
        %dma_wait3A_145 = arith.constant 0 : i32
        %dma_wait3A_146 = tpu.memref_slice %arg3[%add3A_69, %dma_wait3A_145] : memref<521x3072xi32, #tpu.memory_space<hbm>> -> memref<1x3072xi32, #tpu.memory_space<hbm>>
        %dma_wait3A_147 = tpu.memref_squeeze %dma_wait3A_146 : memref<1x3072xi32, #tpu.memory_space<hbm>> -> memref<3072xi32, #tpu.memory_space<hbm>>
        %dma_wait3A_148 = tpu.memref_slice %arg16[%dma_wait3A_144] : memref<3x!tpu.dma_semaphore, #tpu.memory_space<semaphore_mem>> -> memref<1x!tpu.dma_semaphore, #tpu.memory_space<semaphore_mem>>
        %dma_wait3A_149 = tpu.memref_squeeze %dma_wait3A_148 : memref<1x!tpu.dma_semaphore, #tpu.memory_space<semaphore_mem>> -> memref<!tpu.dma_semaphore, #tpu.memory_space<semaphore_mem>>
        %dma_wait3A_150 = arith.constant 0 : i32
        %dma_wait3A_151 = tpu.memref_slice %arg3[%add3A_69, %dma_wait3A_150] : memref<521x3072xi32, #tpu.memory_space<hbm>> -> memref<1x3072xi32, #tpu.memory_space<hbm>>
        %dma_wait3A_152 = tpu.memref_squeeze %dma_wait3A_151 : memref<1x3072xi32, #tpu.memory_space<hbm>> -> memref<3072xi32, #tpu.memory_space<hbm>>
        tpu.wait_dma2 semaphore(%dma_wait3A_149 : memref<!tpu.dma_semaphore, #tpu.memory_space<semaphore_mem>>) src(%dma_wait3A_152 : memref<3072xi32, #tpu.memory_space<hbm>>) dst(%arg7 : memref<3072xi32, #tpu.memory_space<vmem>>)
        %mul3A_153 = arith.constant 96 : i32
        %mul3A_154 = arith.muli %add3A_69, %mul3A_153 : i32
        %dma_start3A_155 = arith.constant 0 : i32
        %dma_start3A_156 = arith.constant 0 : i32
        %dma_start3A_157 = tpu.memref_slice %arg14[%dma_start3A_156] : memref<100352xf32, #tpu.memory_space<vmem_shared>> -> memref<100352xf32, #tpu.memory_space<vmem_shared>>
        %dma_start3A_158 = tpu.memref_slice %arg17[%dma_start3A_155] : memref<3x!tpu.dma_semaphore, #tpu.memory_space<semaphore_mem>> -> memref<1x!tpu.dma_semaphore, #tpu.memory_space<semaphore_mem>>
        %dma_start3A_159 = tpu.memref_squeeze %dma_start3A_158 : memref<1x!tpu.dma_semaphore, #tpu.memory_space<semaphore_mem>> -> memref<!tpu.dma_semaphore, #tpu.memory_space<semaphore_mem>>
        tpu.enqueue_indirect_dma source(%arg10 : memref<3072xf32, #tpu.memory_space<vmem>>) target(%dma_start3A_157 : memref<100352xf32, #tpu.memory_space<vmem_shared>>) offsets(%arg7 : memref<3072xi32, #tpu.memory_space<vmem>>) semaphore(%dma_start3A_159 : memref<!tpu.dma_semaphore, #tpu.memory_space<semaphore_mem>>) {add = true}
      } else {
      }
      %mul3A_86 = arith.constant 3 : i32
      %mul3A_87 = arith.muli %scan3A_64, %mul3A_86 : i32
      %add3A_88 = arith.constant 1 : i32
      %add3A_89 = arith.addi %mul3A_87, %add3A_88 : i32
      %mul3A_90 = arith.constant 32 : i32
      %mul3A_91 = arith.muli %mul3A_90, %add3A_89 : i32
      %add3A_92 = arith.addi %add3A, %mul3A_91 : i32
      %sub3A_93 = arith.constant 64 : i32
      %sub3A_94 = arith.subi %add3A_92, %sub3A_93 : i32
      %add3A_95 = arith.constant 32 : i32
      %add3A_96 = arith.addi %add3A_92, %add3A_95 : i32
      %ge3A_97 = arith.constant 0 : i32
      %ge3A_98 = arith.cmpi sge, %sub3A_94, %ge3A_97 : i32
      %lt3A_99 = arith.constant 521 : i32
      %lt3A_100 = arith.cmpi slt, %sub3A_94, %lt3A_99 : i32
      %and3A_101 = arith.andi %ge3A_98, %lt3A_100 : i1
      %convert_element_type3A_102 = arith.extui %and3A_101 : i1 to i32
      %cond3A_103 = arith.constant 0 : i32
      %cond3A_104 = arith.cmpi ne, %convert_element_type3A_102, %cond3A_103 : i32
      scf.if %cond3A_104 {
        %dma_wait3A_144 = arith.constant 2 : i32
        %dma_wait3A_145 = arith.constant 0 : i32
        %dma_wait3A_146 = tpu.memref_slice %arg14[%dma_wait3A_145] : memref<100352xf32, #tpu.memory_space<vmem_shared>> -> memref<100352xf32, #tpu.memory_space<vmem_shared>>
        %dma_wait3A_147 = tpu.memref_slice %arg17[%dma_wait3A_144] : memref<3x!tpu.dma_semaphore, #tpu.memory_space<semaphore_mem>> -> memref<1x!tpu.dma_semaphore, #tpu.memory_space<semaphore_mem>>
        %dma_wait3A_148 = tpu.memref_squeeze %dma_wait3A_147 : memref<1x!tpu.dma_semaphore, #tpu.memory_space<semaphore_mem>> -> memref<!tpu.dma_semaphore, #tpu.memory_space<semaphore_mem>>
        tpu.wait_indirect_dma semaphore(%dma_wait3A_148 : memref<!tpu.dma_semaphore, #tpu.memory_space<semaphore_mem>>) src(%arg12 : memref<3072xf32, #tpu.memory_space<vmem>>) dst(%dma_wait3A_146 : memref<100352xf32, #tpu.memory_space<vmem_shared>>)
      } else {
      }
      %lt3A_105 = arith.constant 521 : i32
      %lt3A_106 = arith.cmpi slt, %add3A_96, %lt3A_105 : i32
      %convert_element_type3A_107 = arith.extui %lt3A_106 : i1 to i32
      %cond3A_108 = arith.constant 0 : i32
      %cond3A_109 = arith.cmpi ne, %convert_element_type3A_107, %cond3A_108 : i32
      scf.if %cond3A_109 {
        %dma_start3A_144 = arith.constant 2 : i32
        %dma_start3A_145 = arith.constant 0 : i32
        %dma_start3A_146 = tpu.memref_slice %arg3[%add3A_96, %dma_start3A_145] : memref<521x3072xi32, #tpu.memory_space<hbm>> -> memref<1x3072xi32, #tpu.memory_space<hbm>>
        %dma_start3A_147 = tpu.memref_squeeze %dma_start3A_146 : memref<1x3072xi32, #tpu.memory_space<hbm>> -> memref<3072xi32, #tpu.memory_space<hbm>>
        %dma_start3A_148 = tpu.memref_slice %arg16[%dma_start3A_144] : memref<3x!tpu.dma_semaphore, #tpu.memory_space<semaphore_mem>> -> memref<1x!tpu.dma_semaphore, #tpu.memory_space<semaphore_mem>>
        %dma_start3A_149 = tpu.memref_squeeze %dma_start3A_148 : memref<1x!tpu.dma_semaphore, #tpu.memory_space<semaphore_mem>> -> memref<!tpu.dma_semaphore, #tpu.memory_space<semaphore_mem>>
        %dma_start3A_150 = arith.constant 0 : i32
        %dma_start3A_151 = tpu.memref_slice %arg3[%add3A_96, %dma_start3A_150] : memref<521x3072xi32, #tpu.memory_space<hbm>> -> memref<1x3072xi32, #tpu.memory_space<hbm>>
        %dma_start3A_152 = tpu.memref_squeeze %dma_start3A_151 : memref<1x3072xi32, #tpu.memory_space<hbm>> -> memref<3072xi32, #tpu.memory_space<hbm>>
        tpu.enqueue_dma source(%dma_start3A_152 : memref<3072xi32, #tpu.memory_space<hbm>>) target(%arg9 : memref<3072xi32, #tpu.memory_space<vmem>>) target_semaphore(%dma_start3A_149 : memref<!tpu.dma_semaphore, #tpu.memory_space<semaphore_mem>>)
      } else {
      }
      %lt3A_110 = arith.constant 521 : i32
      %lt3A_111 = arith.cmpi slt, %add3A_92, %lt3A_110 : i32
      %convert_element_type3A_112 = arith.extui %lt3A_111 : i1 to i32
      %cond3A_113 = arith.constant 0 : i32
      %cond3A_114 = arith.cmpi ne, %convert_element_type3A_112, %cond3A_113 : i32
      scf.if %cond3A_114 {
        %dma_wait3A_144 = arith.constant 1 : i32
        %dma_wait3A_145 = arith.constant 0 : i32
        %dma_wait3A_146 = tpu.memref_slice %arg3[%add3A_92, %dma_wait3A_145] : memref<521x3072xi32, #tpu.memory_space<hbm>> -> memref<1x3072xi32, #tpu.memory_space<hbm>>
        %dma_wait3A_147 = tpu.memref_squeeze %dma_wait3A_146 : memref<1x3072xi32, #tpu.memory_space<hbm>> -> memref<3072xi32, #tpu.memory_space<hbm>>
        %dma_wait3A_148 = tpu.memref_slice %arg16[%dma_wait3A_144] : memref<3x!tpu.dma_semaphore, #tpu.memory_space<semaphore_mem>> -> memref<1x!tpu.dma_semaphore, #tpu.memory_space<semaphore_mem>>
        %dma_wait3A_149 = tpu.memref_squeeze %dma_wait3A_148 : memref<1x!tpu.dma_semaphore, #tpu.memory_space<semaphore_mem>> -> memref<!tpu.dma_semaphore, #tpu.memory_space<semaphore_mem>>
        %dma_wait3A_150 = arith.constant 0 : i32
        %dma_wait3A_151 = tpu.memref_slice %arg3[%add3A_92, %dma_wait3A_150] : memref<521x3072xi32, #tpu.memory_space<hbm>> -> memref<1x3072xi32, #tpu.memory_space<hbm>>
        %dma_wait3A_152 = tpu.memref_squeeze %dma_wait3A_151 : memref<1x3072xi32, #tpu.memory_space<hbm>> -> memref<3072xi32, #tpu.memory_space<hbm>>
        tpu.wait_dma2 semaphore(%dma_wait3A_149 : memref<!tpu.dma_semaphore, #tpu.memory_space<semaphore_mem>>) src(%dma_wait3A_152 : memref<3072xi32, #tpu.memory_space<hbm>>) dst(%arg8 : memref<3072xi32, #tpu.memory_space<vmem>>)
        %mul3A_153 = arith.constant 96 : i32
        %mul3A_154 = arith.muli %add3A_92, %mul3A_153 : i32
        %dma_start3A_155 = arith.constant 1 : i32
        %dma_start3A_156 = arith.constant 0 : i32
        %dma_start3A_157 = tpu.memref_slice %arg14[%dma_start3A_156] : memref<100352xf32, #tpu.memory_space<vmem_shared>> -> memref<100352xf32, #tpu.memory_space<vmem_shared>>
        %dma_start3A_158 = tpu.memref_slice %arg17[%dma_start3A_155] : memref<3x!tpu.dma_semaphore, #tpu.memory_space<semaphore_mem>> -> memref<1x!tpu.dma_semaphore, #tpu.memory_space<semaphore_mem>>
        %dma_start3A_159 = tpu.memref_squeeze %dma_start3A_158 : memref<1x!tpu.dma_semaphore, #tpu.memory_space<semaphore_mem>> -> memref<!tpu.dma_semaphore, #tpu.memory_space<semaphore_mem>>
        tpu.enqueue_indirect_dma source(%arg11 : memref<3072xf32, #tpu.memory_space<vmem>>) target(%dma_start3A_157 : memref<100352xf32, #tpu.memory_space<vmem_shared>>) offsets(%arg8 : memref<3072xi32, #tpu.memory_space<vmem>>) semaphore(%dma_start3A_159 : memref<!tpu.dma_semaphore, #tpu.memory_space<semaphore_mem>>) {add = true}
      } else {
      }
      %mul3A_115 = arith.constant 3 : i32
      %mul3A_116 = arith.muli %scan3A_64, %mul3A_115 : i32
      %add3A_117 = arith.constant 2 : i32
      %add3A_118 = arith.addi %mul3A_116, %add3A_117 : i32
      %mul3A_119 = arith.constant 32 : i32
      %mul3A_120 = arith.muli %mul3A_119, %add3A_118 : i32
      %add3A_121 = arith.addi %add3A, %mul3A_120 : i32
      %sub3A_122 = arith.constant 64 : i32
      %sub3A_123 = arith.subi %add3A_121, %sub3A_122 : i32
      %add3A_124 = arith.constant 32 : i32
      %add3A_125 = arith.addi %add3A_121, %add3A_124 : i32
      %ge3A_126 = arith.constant 0 : i32
      %ge3A_127 = arith.cmpi sge, %sub3A_123, %ge3A_126 : i32
      %lt3A_128 = arith.constant 521 : i32
      %lt3A_129 = arith.cmpi slt, %sub3A_123, %lt3A_128 : i32
      %and3A_130 = arith.andi %ge3A_127, %lt3A_129 : i1
      %convert_element_type3A_131 = arith.extui %and3A_130 : i1 to i32
      %cond3A_132 = arith.constant 0 : i32
      %cond3A_133 = arith.cmpi ne, %convert_element_type3A_131, %cond3A_132 : i32
      scf.if %cond3A_133 {
        %dma_wait3A_144 = arith.constant 0 : i32
        %dma_wait3A_145 = arith.constant 0 : i32
        %dma_wait3A_146 = tpu.memref_slice %arg14[%dma_wait3A_145] : memref<100352xf32, #tpu.memory_space<vmem_shared>> -> memref<100352xf32, #tpu.memory_space<vmem_shared>>
        %dma_wait3A_147 = tpu.memref_slice %arg17[%dma_wait3A_144] : memref<3x!tpu.dma_semaphore, #tpu.memory_space<semaphore_mem>> -> memref<1x!tpu.dma_semaphore, #tpu.memory_space<semaphore_mem>>
        %dma_wait3A_148 = tpu.memref_squeeze %dma_wait3A_147 : memref<1x!tpu.dma_semaphore, #tpu.memory_space<semaphore_mem>> -> memref<!tpu.dma_semaphore, #tpu.memory_space<semaphore_mem>>
        tpu.wait_indirect_dma semaphore(%dma_wait3A_148 : memref<!tpu.dma_semaphore, #tpu.memory_space<semaphore_mem>>) src(%arg10 : memref<3072xf32, #tpu.memory_space<vmem>>) dst(%dma_wait3A_146 : memref<100352xf32, #tpu.memory_space<vmem_shared>>)
      } else {
      }
      %lt3A_134 = arith.constant 521 : i32
      %lt3A_135 = arith.cmpi slt, %add3A_125, %lt3A_134 : i32
      %convert_element_type3A_136 = arith.extui %lt3A_135 : i1 to i32
      %cond3A_137 = arith.constant 0 : i32
      %cond3A_138 = arith.cmpi ne, %convert_element_type3A_136, %cond3A_137 : i32
      scf.if %cond3A_138 {
        %dma_start3A_144 = arith.constant 0 : i32
        %dma_start3A_145 = arith.constant 0 : i32
        %dma_start3A_146 = tpu.memref_slice %arg3[%add3A_125, %dma_start3A_145] : memref<521x3072xi32, #tpu.memory_space<hbm>> -> memref<1x3072xi32, #tpu.memory_space<hbm>>
        %dma_start3A_147 = tpu.memref_squeeze %dma_start3A_146 : memref<1x3072xi32, #tpu.memory_space<hbm>> -> memref<3072xi32, #tpu.memory_space<hbm>>
        %dma_start3A_148 = tpu.memref_slice %arg16[%dma_start3A_144] : memref<3x!tpu.dma_semaphore, #tpu.memory_space<semaphore_mem>> -> memref<1x!tpu.dma_semaphore, #tpu.memory_space<semaphore_mem>>
        %dma_start3A_149 = tpu.memref_squeeze %dma_start3A_148 : memref<1x!tpu.dma_semaphore, #tpu.memory_space<semaphore_mem>> -> memref<!tpu.dma_semaphore, #tpu.memory_space<semaphore_mem>>
        %dma_start3A_150 = arith.constant 0 : i32
        %dma_start3A_151 = tpu.memref_slice %arg3[%add3A_125, %dma_start3A_150] : memref<521x3072xi32, #tpu.memory_space<hbm>> -> memref<1x3072xi32, #tpu.memory_space<hbm>>
        %dma_start3A_152 = tpu.memref_squeeze %dma_start3A_151 : memref<1x3072xi32, #tpu.memory_space<hbm>> -> memref<3072xi32, #tpu.memory_space<hbm>>
        tpu.enqueue_dma source(%dma_start3A_152 : memref<3072xi32, #tpu.memory_space<hbm>>) target(%arg7 : memref<3072xi32, #tpu.memory_space<vmem>>) target_semaphore(%dma_start3A_149 : memref<!tpu.dma_semaphore, #tpu.memory_space<semaphore_mem>>)
      } else {
      }
      %lt3A_139 = arith.constant 521 : i32
      %lt3A_140 = arith.cmpi slt, %add3A_121, %lt3A_139 : i32
      %convert_element_type3A_141 = arith.extui %lt3A_140 : i1 to i32
      %cond3A_142 = arith.constant 0 : i32
      %cond3A_143 = arith.cmpi ne, %convert_element_type3A_141, %cond3A_142 : i32
      scf.if %cond3A_143 {
        %dma_wait3A_144 = arith.constant 2 : i32
        %dma_wait3A_145 = arith.constant 0 : i32
        %dma_wait3A_146 = tpu.memref_slice %arg3[%add3A_121, %dma_wait3A_145] : memref<521x3072xi32, #tpu.memory_space<hbm>> -> memref<1x3072xi32, #tpu.memory_space<hbm>>
        %dma_wait3A_147 = tpu.memref_squeeze %dma_wait3A_146 : memref<1x3072xi32, #tpu.memory_space<hbm>> -> memref<3072xi32, #tpu.memory_space<hbm>>
        %dma_wait3A_148 = tpu.memref_slice %arg16[%dma_wait3A_144] : memref<3x!tpu.dma_semaphore, #tpu.memory_space<semaphore_mem>> -> memref<1x!tpu.dma_semaphore, #tpu.memory_space<semaphore_mem>>
        %dma_wait3A_149 = tpu.memref_squeeze %dma_wait3A_148 : memref<1x!tpu.dma_semaphore, #tpu.memory_space<semaphore_mem>> -> memref<!tpu.dma_semaphore, #tpu.memory_space<semaphore_mem>>
        %dma_wait3A_150 = arith.constant 0 : i32
        %dma_wait3A_151 = tpu.memref_slice %arg3[%add3A_121, %dma_wait3A_150] : memref<521x3072xi32, #tpu.memory_space<hbm>> -> memref<1x3072xi32, #tpu.memory_space<hbm>>
        %dma_wait3A_152 = tpu.memref_squeeze %dma_wait3A_151 : memref<1x3072xi32, #tpu.memory_space<hbm>> -> memref<3072xi32, #tpu.memory_space<hbm>>
        tpu.wait_dma2 semaphore(%dma_wait3A_149 : memref<!tpu.dma_semaphore, #tpu.memory_space<semaphore_mem>>) src(%dma_wait3A_152 : memref<3072xi32, #tpu.memory_space<hbm>>) dst(%arg9 : memref<3072xi32, #tpu.memory_space<vmem>>)
        %mul3A_153 = arith.constant 96 : i32
        %mul3A_154 = arith.muli %add3A_121, %mul3A_153 : i32
        %dma_start3A_155 = arith.constant 2 : i32
        %dma_start3A_156 = arith.constant 0 : i32
        %dma_start3A_157 = tpu.memref_slice %arg14[%dma_start3A_156] : memref<100352xf32, #tpu.memory_space<vmem_shared>> -> memref<100352xf32, #tpu.memory_space<vmem_shared>>
        %dma_start3A_158 = tpu.memref_slice %arg17[%dma_start3A_155] : memref<3x!tpu.dma_semaphore, #tpu.memory_space<semaphore_mem>> -> memref<1x!tpu.dma_semaphore, #tpu.memory_space<semaphore_mem>>
        %dma_start3A_159 = tpu.memref_squeeze %dma_start3A_158 : memref<1x!tpu.dma_semaphore, #tpu.memory_space<semaphore_mem>> -> memref<!tpu.dma_semaphore, #tpu.memory_space<semaphore_mem>>
        tpu.enqueue_indirect_dma source(%arg12 : memref<3072xf32, #tpu.memory_space<vmem>>) target(%dma_start3A_157 : memref<100352xf32, #tpu.memory_space<vmem_shared>>) offsets(%arg9 : memref<3072xi32, #tpu.memory_space<vmem>>) semaphore(%dma_start3A_159 : memref<!tpu.dma_semaphore, #tpu.memory_space<semaphore_mem>>) {add = true}
      } else {
      }
    }
    %scan3A_42 = arith.constant 7 : i32
    %barrier3A_43 = arith.constant 0 : index
    tpu.barrier barrier_id(%barrier3A_43)
    %mul3A_44 = arith.constant 6272 : i32
    %mul3A_45 = arith.muli %arg1, %mul3A_44 : i32
    "tpu.region"() ({
      %run_scoped3A = tpu.sem_alloc : memref<!tpu.dma_semaphore, #tpu.memory_space<semaphore_mem>>
      %dma_start3A_64 = tpu.memref_slice %arg14[%mul3A_45] : memref<100352xf32, #tpu.memory_space<vmem_shared>> -> memref<3072xf32, #tpu.memory_space<vmem_shared>>
      %dma_start3A_65 = tpu.memref_slice %arg14[%mul3A_45] : memref<100352xf32, #tpu.memory_space<vmem_shared>> -> memref<3072xf32, #tpu.memory_space<vmem_shared>>
      tpu.enqueue_dma source(%dma_start3A_65 : memref<3072xf32, #tpu.memory_space<vmem_shared>>) target(%arg10 : memref<3072xf32, #tpu.memory_space<vmem>>) target_semaphore(%run_scoped3A : memref<!tpu.dma_semaphore, #tpu.memory_space<semaphore_mem>>)
      %dma_wait3A_66 = tpu.memref_slice %arg14[%mul3A_45] : memref<100352xf32, #tpu.memory_space<vmem_shared>> -> memref<3072xf32, #tpu.memory_space<vmem_shared>>
      %dma_wait3A_67 = tpu.memref_slice %arg14[%mul3A_45] : memref<100352xf32, #tpu.memory_space<vmem_shared>> -> memref<3072xf32, #tpu.memory_space<vmem_shared>>
      tpu.wait_dma2 semaphore(%run_scoped3A : memref<!tpu.dma_semaphore, #tpu.memory_space<semaphore_mem>>) src(%dma_wait3A_67 : memref<3072xf32, #tpu.memory_space<vmem_shared>>) dst(%arg10 : memref<3072xf32, #tpu.memory_space<vmem>>)
      tpu.yield
    }) : () -> ()
    %mul3A_46 = arith.constant 6272 : i32
    %mul3A_47 = arith.muli %arg1, %mul3A_46 : i32
    %add3A_48 = arith.constant 3072 : i32
    %add3A_49 = arith.addi %mul3A_47, %add3A_48 : i32
    "tpu.region"() ({
      %run_scoped3A = tpu.sem_alloc : memref<!tpu.dma_semaphore, #tpu.memory_space<semaphore_mem>>
      %dma_start3A_64 = tpu.memref_slice %arg14[%add3A_49] : memref<100352xf32, #tpu.memory_space<vmem_shared>> -> memref<3072xf32, #tpu.memory_space<vmem_shared>>
      %dma_start3A_65 = tpu.memref_slice %arg14[%add3A_49] : memref<100352xf32, #tpu.memory_space<vmem_shared>> -> memref<3072xf32, #tpu.memory_space<vmem_shared>>
      tpu.enqueue_dma source(%dma_start3A_65 : memref<3072xf32, #tpu.memory_space<vmem_shared>>) target(%arg11 : memref<3072xf32, #tpu.memory_space<vmem>>) target_semaphore(%run_scoped3A : memref<!tpu.dma_semaphore, #tpu.memory_space<semaphore_mem>>)
      %dma_wait3A_66 = tpu.memref_slice %arg14[%add3A_49] : memref<100352xf32, #tpu.memory_space<vmem_shared>> -> memref<3072xf32, #tpu.memory_space<vmem_shared>>
      %dma_wait3A_67 = tpu.memref_slice %arg14[%add3A_49] : memref<100352xf32, #tpu.memory_space<vmem_shared>> -> memref<3072xf32, #tpu.memory_space<vmem_shared>>
      tpu.wait_dma2 semaphore(%run_scoped3A : memref<!tpu.dma_semaphore, #tpu.memory_space<semaphore_mem>>) src(%dma_wait3A_67 : memref<3072xf32, #tpu.memory_space<vmem_shared>>) dst(%arg11 : memref<3072xf32, #tpu.memory_space<vmem>>)
      tpu.yield
    }) : () -> ()
    %mul3A_50 = arith.constant 6272 : i32
    %mul3A_51 = arith.muli %arg1, %mul3A_50 : i32
    %add3A_52 = arith.constant 6144 : i32
    %add3A_53 = arith.addi %mul3A_51, %add3A_52 : i32
    "tpu.region"() ({
      %run_scoped3A = tpu.sem_alloc : memref<!tpu.dma_semaphore, #tpu.memory_space<semaphore_mem>>
      %dma_start3A_64 = arith.constant 0 : i32
      %dma_start3A_65 = tpu.memref_slice %arg12[%dma_start3A_64] : memref<3072xf32, #tpu.memory_space<vmem>> -> memref<128xf32, #tpu.memory_space<vmem>>
      %dma_start3A_66 = tpu.memref_slice %arg14[%add3A_53] : memref<100352xf32, #tpu.memory_space<vmem_shared>> -> memref<128xf32, #tpu.memory_space<vmem_shared>>
      %dma_start3A_67 = arith.constant 0 : i32
      %dma_start3A_68 = tpu.memref_slice %arg12[%dma_start3A_67] : memref<3072xf32, #tpu.memory_space<vmem>> -> memref<128xf32, #tpu.memory_space<vmem>>
      %dma_start3A_69 = tpu.memref_slice %arg14[%add3A_53] : memref<100352xf32, #tpu.memory_space<vmem_shared>> -> memref<128xf32, #tpu.memory_space<vmem_shared>>
      tpu.enqueue_dma source(%dma_start3A_69 : memref<128xf32, #tpu.memory_space<vmem_shared>>) target(%dma_start3A_68 : memref<128xf32, #tpu.memory_space<vmem>>) target_semaphore(%run_scoped3A : memref<!tpu.dma_semaphore, #tpu.memory_space<semaphore_mem>>)
      %dma_wait3A_70 = arith.constant 0 : i32
      %dma_wait3A_71 = tpu.memref_slice %arg12[%dma_wait3A_70] : memref<3072xf32, #tpu.memory_space<vmem>> -> memref<128xf32, #tpu.memory_space<vmem>>
      %dma_wait3A_72 = tpu.memref_slice %arg14[%add3A_53] : memref<100352xf32, #tpu.memory_space<vmem_shared>> -> memref<128xf32, #tpu.memory_space<vmem_shared>>
      %dma_wait3A_73 = arith.constant 0 : i32
      %dma_wait3A_74 = tpu.memref_slice %arg12[%dma_wait3A_73] : memref<3072xf32, #tpu.memory_space<vmem>> -> memref<128xf32, #tpu.memory_space<vmem>>
      %dma_wait3A_75 = tpu.memref_slice %arg14[%add3A_53] : memref<100352xf32, #tpu.memory_space<vmem_shared>> -> memref<128xf32, #tpu.memory_space<vmem_shared>>
      tpu.wait_dma2 semaphore(%run_scoped3A : memref<!tpu.dma_semaphore, #tpu.memory_space<semaphore_mem>>) src(%dma_wait3A_75 : memref<128xf32, #tpu.memory_space<vmem_shared>>) dst(%dma_wait3A_74 : memref<128xf32, #tpu.memory_space<vmem>>)
      tpu.yield
    }) : () -> ()
    %mul3A_54 = arith.constant 6272 : i32
    %mul3A_55 = arith.muli %arg1, %mul3A_54 : i32
    "tpu.region"() ({
      %run_scoped3A = tpu.sem_alloc : memref<!tpu.dma_semaphore, #tpu.memory_space<semaphore_mem>>
      %dma_start3A_64 = tpu.memref_slice %arg5[%arg0, %mul3A_55] : memref<2x100352xf32, #tpu.memory_space<hbm>> -> memref<1x3072xf32, #tpu.memory_space<hbm>>
      %dma_start3A_65 = tpu.memref_squeeze %dma_start3A_64 : memref<1x3072xf32, #tpu.memory_space<hbm>> -> memref<3072xf32, #tpu.memory_space<hbm>>
      %dma_start3A_66 = tpu.memref_slice %arg5[%arg0, %mul3A_55] : memref<2x100352xf32, #tpu.memory_space<hbm>> -> memref<1x3072xf32, #tpu.memory_space<hbm>>
      %dma_start3A_67 = tpu.memref_squeeze %dma_start3A_66 : memref<1x3072xf32, #tpu.memory_space<hbm>> -> memref<3072xf32, #tpu.memory_space<hbm>>
      tpu.enqueue_dma source(%arg10 : memref<3072xf32, #tpu.memory_space<vmem>>) target(%dma_start3A_67 : memref<3072xf32, #tpu.memory_space<hbm>>) target_semaphore(%run_scoped3A : memref<!tpu.dma_semaphore, #tpu.memory_space<semaphore_mem>>)
      %dma_wait3A_68 = tpu.memref_slice %arg5[%arg0, %mul3A_55] : memref<2x100352xf32, #tpu.memory_space<hbm>> -> memref<1x3072xf32, #tpu.memory_space<hbm>>
      %dma_wait3A_69 = tpu.memref_squeeze %dma_wait3A_68 : memref<1x3072xf32, #tpu.memory_space<hbm>> -> memref<3072xf32, #tpu.memory_space<hbm>>
      %dma_wait3A_70 = tpu.memref_slice %arg5[%arg0, %mul3A_55] : memref<2x100352xf32, #tpu.memory_space<hbm>> -> memref<1x3072xf32, #tpu.memory_space<hbm>>
      %dma_wait3A_71 = tpu.memref_squeeze %dma_wait3A_70 : memref<1x3072xf32, #tpu.memory_space<hbm>> -> memref<3072xf32, #tpu.memory_space<hbm>>
      tpu.wait_dma2 semaphore(%run_scoped3A : memref<!tpu.dma_semaphore, #tpu.memory_space<semaphore_mem>>) src(%arg10 : memref<3072xf32, #tpu.memory_space<vmem>>) dst(%dma_wait3A_71 : memref<3072xf32, #tpu.memory_space<hbm>>)
      tpu.yield
    }) : () -> ()
    %mul3A_56 = arith.constant 6272 : i32
    %mul3A_57 = arith.muli %arg1, %mul3A_56 : i32
    %add3A_58 = arith.constant 3072 : i32
    %add3A_59 = arith.addi %mul3A_57, %add3A_58 : i32
    "tpu.region"() ({
      %run_scoped3A = tpu.sem_alloc : memref<!tpu.dma_semaphore, #tpu.memory_space<semaphore_mem>>
      %dma_start3A_64 = tpu.memref_slice %arg5[%arg0, %add3A_59] : memref<2x100352xf32, #tpu.memory_space<hbm>> -> memref<1x3072xf32, #tpu.memory_space<hbm>>
      %dma_start3A_65 = tpu.memref_squeeze %dma_start3A_64 : memref<1x3072xf32, #tpu.memory_space<hbm>> -> memref<3072xf32, #tpu.memory_space<hbm>>
      %dma_start3A_66 = tpu.memref_slice %arg5[%arg0, %add3A_59] : memref<2x100352xf32, #tpu.memory_space<hbm>> -> memref<1x3072xf32, #tpu.memory_space<hbm>>
      %dma_start3A_67 = tpu.memref_squeeze %dma_start3A_66 : memref<1x3072xf32, #tpu.memory_space<hbm>> -> memref<3072xf32, #tpu.memory_space<hbm>>
      tpu.enqueue_dma source(%arg11 : memref<3072xf32, #tpu.memory_space<vmem>>) target(%dma_start3A_67 : memref<3072xf32, #tpu.memory_space<hbm>>) target_semaphore(%run_scoped3A : memref<!tpu.dma_semaphore, #tpu.memory_space<semaphore_mem>>)
      %dma_wait3A_68 = tpu.memref_slice %arg5[%arg0, %add3A_59] : memref<2x100352xf32, #tpu.memory_space<hbm>> -> memref<1x3072xf32, #tpu.memory_space<hbm>>
      %dma_wait3A_69 = tpu.memref_squeeze %dma_wait3A_68 : memref<1x3072xf32, #tpu.memory_space<hbm>> -> memref<3072xf32, #tpu.memory_space<hbm>>
      %dma_wait3A_70 = tpu.memref_slice %arg5[%arg0, %add3A_59] : memref<2x100352xf32, #tpu.memory_space<hbm>> -> memref<1x3072xf32, #tpu.memory_space<hbm>>
      %dma_wait3A_71 = tpu.memref_squeeze %dma_wait3A_70 : memref<1x3072xf32, #tpu.memory_space<hbm>> -> memref<3072xf32, #tpu.memory_space<hbm>>
      tpu.wait_dma2 semaphore(%run_scoped3A : memref<!tpu.dma_semaphore, #tpu.memory_space<semaphore_mem>>) src(%arg11 : memref<3072xf32, #tpu.memory_space<vmem>>) dst(%dma_wait3A_71 : memref<3072xf32, #tpu.memory_space<hbm>>)
      tpu.yield
    }) : () -> ()
    %mul3A_60 = arith.constant 6272 : i32
    %mul3A_61 = arith.muli %arg1, %mul3A_60 : i32
    %add3A_62 = arith.constant 6144 : i32
    %add3A_63 = arith.addi %mul3A_61, %add3A_62 : i32
    "tpu.region"() ({
      %run_scoped3A = tpu.sem_alloc : memref<!tpu.dma_semaphore, #tpu.memory_space<semaphore_mem>>
      %dma_start3A_64 = arith.constant 0 : i32
      %dma_start3A_65 = tpu.memref_slice %arg12[%dma_start3A_64] : memref<3072xf32, #tpu.memory_space<vmem>> -> memref<128xf32, #tpu.memory_space<vmem>>
      %dma_start3A_66 = tpu.memref_slice %arg5[%arg0, %add3A_63] : memref<2x100352xf32, #tpu.memory_space<hbm>> -> memref<1x128xf32, #tpu.memory_space<hbm>>
      %dma_start3A_67 = tpu.memref_squeeze %dma_start3A_66 : memref<1x128xf32, #tpu.memory_space<hbm>> -> memref<128xf32, #tpu.memory_space<hbm>>
      %dma_start3A_68 = tpu.memref_slice %arg5[%arg0, %add3A_63] : memref<2x100352xf32, #tpu.memory_space<hbm>> -> memref<1x128xf32, #tpu.memory_space<hbm>>
      %dma_start3A_69 = tpu.memref_squeeze %dma_start3A_68 : memref<1x128xf32, #tpu.memory_space<hbm>> -> memref<128xf32, #tpu.memory_space<hbm>>
      %dma_start3A_70 = arith.constant 0 : i32
      %dma_start3A_71 = tpu.memref_slice %arg12[%dma_start3A_70] : memref<3072xf32, #tpu.memory_space<vmem>> -> memref<128xf32, #tpu.memory_space<vmem>>
      tpu.enqueue_dma source(%dma_start3A_71 : memref<128xf32, #tpu.memory_space<vmem>>) target(%dma_start3A_69 : memref<128xf32, #tpu.memory_space<hbm>>) target_semaphore(%run_scoped3A : memref<!tpu.dma_semaphore, #tpu.memory_space<semaphore_mem>>)
      %dma_wait3A_72 = arith.constant 0 : i32
      %dma_wait3A_73 = tpu.memref_slice %arg12[%dma_wait3A_72] : memref<3072xf32, #tpu.memory_space<vmem>> -> memref<128xf32, #tpu.memory_space<vmem>>
      %dma_wait3A_74 = tpu.memref_slice %arg5[%arg0, %add3A_63] : memref<2x100352xf32, #tpu.memory_space<hbm>> -> memref<1x128xf32, #tpu.memory_space<hbm>>
      %dma_wait3A_75 = tpu.memref_squeeze %dma_wait3A_74 : memref<1x128xf32, #tpu.memory_space<hbm>> -> memref<128xf32, #tpu.memory_space<hbm>>
      %dma_wait3A_76 = tpu.memref_slice %arg5[%arg0, %add3A_63] : memref<2x100352xf32, #tpu.memory_space<hbm>> -> memref<1x128xf32, #tpu.memory_space<hbm>>
      %dma_wait3A_77 = tpu.memref_squeeze %dma_wait3A_76 : memref<1x128xf32, #tpu.memory_space<hbm>> -> memref<128xf32, #tpu.memory_space<hbm>>
      %dma_wait3A_78 = arith.constant 0 : i32
      %dma_wait3A_79 = tpu.memref_slice %arg12[%dma_wait3A_78] : memref<3072xf32, #tpu.memory_space<vmem>> -> memref<128xf32, #tpu.memory_space<vmem>>
      tpu.wait_dma2 semaphore(%run_scoped3A : memref<!tpu.dma_semaphore, #tpu.memory_space<semaphore_mem>>) src(%dma_wait3A_79 : memref<128xf32, #tpu.memory_space<vmem>>) dst(%dma_wait3A_77 : memref<128xf32, #tpu.memory_space<hbm>>)
      tpu.yield
    }) : () -> ()
    return
  }
}

#map = affine_map<(d0, d1) -> (0)>
#map1 = affine_map<(d0, d1) -> (0, 0)>
module attributes {stable_mosaic.version = 14 : i64} {
  func.func @_sc_iter_body(%arg0: i32, %arg1: i32, %arg2: memref<100352xf32, #tpu.memory_space<hbm>>, %arg3: memref<521x3072xi32, #tpu.memory_space<hbm>>, %arg4: memref<16xf32, #tpu.memory_space<hbm>>, %arg5: memref<2x100352xf32, #tpu.memory_space<hbm>>, %arg6: memref<100000xf32, #tpu.memory_space<vmem>>, %arg7: memref<3072xi32, #tpu.memory_space<vmem>>, %arg8: memref<3072xi32, #tpu.memory_space<vmem>>, %arg9: memref<3072xi32, #tpu.memory_space<vmem>>, %arg10: memref<3072xf32, #tpu.memory_space<vmem>>, %arg11: memref<3072xf32, #tpu.memory_space<vmem>>, %arg12: memref<3072xf32, #tpu.memory_space<vmem>>, %arg13: memref<16xf32, #tpu.memory_space<vmem>>, %arg14: memref<100352xf32, #tpu.memory_space<vmem_shared>>, %arg15: memref<!tpu.dma_semaphore, #tpu.memory_space<semaphore_mem>>, %arg16: memref<3x!tpu.dma_semaphore, #tpu.memory_space<semaphore_mem>>, %arg17: memref<3x!tpu.dma_semaphore, #tpu.memory_space<semaphore_mem>>) attributes {dimension_semantics = [#tpu.dimension_semantics<core_parallel>, #tpu.dimension_semantics<subcore_parallel>], iteration_bounds = array<i64: 2, 16>, scalar_prefetch = 0 : i64, scratch_operands = 12 : i64, tpu.core_type = #tpu.core_type<sc_vector_subcore>, window_params = [{transform_indices = #map}, {transform_indices = #map1}, {transform_indices = #map}, {transform_indices = #map1}]} {
    %mul3A = arith.constant 2 : i32
    %mul3A_0 = arith.muli %arg1, %mul3A : i32
    %add3A = arith.addi %mul3A_0, %arg0 : i32
    %dma_start3A = arith.constant 0 : i32
    %dma_start3A_1 = tpu.memref_slice %arg2[%dma_start3A] : memref<100352xf32, #tpu.memory_space<hbm>> -> memref<100000xf32, #tpu.memory_space<hbm>>
    %dma_start3A_2 = arith.constant 0 : i32
    %dma_start3A_3 = tpu.memref_slice %arg2[%dma_start3A_2] : memref<100352xf32, #tpu.memory_space<hbm>> -> memref<100000xf32, #tpu.memory_space<hbm>>
    tpu.enqueue_dma source(%dma_start3A_3 : memref<100000xf32, #tpu.memory_space<hbm>>) target(%arg6 : memref<100000xf32, #tpu.memory_space<vmem>>) target_semaphore(%arg15 : memref<!tpu.dma_semaphore, #tpu.memory_space<semaphore_mem>>)
    "tpu.region"() ({
      %run_scoped3A = tpu.sem_alloc : memref<!tpu.dma_semaphore, #tpu.memory_space<semaphore_mem>>
      tpu.enqueue_dma source(%arg4 : memref<16xf32, #tpu.memory_space<hbm>>) target(%arg13 : memref<16xf32, #tpu.memory_space<vmem>>) target_semaphore(%run_scoped3A : memref<!tpu.dma_semaphore, #tpu.memory_space<semaphore_mem>>)
      tpu.wait_dma2 semaphore(%run_scoped3A : memref<!tpu.dma_semaphore, #tpu.memory_space<semaphore_mem>>) src(%arg4 : memref<16xf32, #tpu.memory_space<hbm>>) dst(%arg13 : memref<16xf32, #tpu.memory_space<vmem>>)
      tpu.yield
    }) : () -> ()
    %broadcast_in_dim3A = arith.constant 0.000000e+00 : f32
    %broadcast_in_dim3A_4 = vector.broadcast %broadcast_in_dim3A : f32 to vector<16xf32>
    %scan3A = arith.constant 0 : i32
    %scan3A_5 = arith.constant 0 : i32
    %scan3A_6 = arith.constant 24 : i32
    %scan3A_7 = arith.addi %scan3A_5, %scan3A_6 : i32
    %scan3A_8 = arith.constant 1 : i32
    scf.for %scan3A_64 = %scan3A_5 to %scan3A_7 step %scan3A_8  : i32 {
      %mul3A_65 = arith.constant 128 : i32
      %mul3A_66 = arith.muli %scan3A_64, %mul3A_65 : i32
      %add3A_67 = arith.constant 0 : i32
      %add3A_68 = arith.addi %mul3A_66, %add3A_67 : i32
      %swap3A = arith.index_cast %add3A_68 : i32 to index
      %swap3A_69 = tpu.vector_load %arg10[%swap3A] {strides = array<i32>} : memref<3072xf32, #tpu.memory_space<vmem>>, vector<16xf32>,
      tpu.vector_store %arg10[%swap3A], %broadcast_in_dim3A_4 {strides = array<i32>} : memref<3072xf32, #tpu.memory_space<vmem>>, vector<16xf32>,
      %mul3A_70 = arith.constant 128 : i32
      %mul3A_71 = arith.muli %scan3A_64, %mul3A_70 : i32
      %add3A_72 = arith.constant 16 : i32
      %add3A_73 = arith.addi %mul3A_71, %add3A_72 : i32
      %swap3A_74 = arith.index_cast %add3A_73 : i32 to index
      %swap3A_75 = tpu.vector_load %arg10[%swap3A_74] {strides = array<i32>} : memref<3072xf32, #tpu.memory_space<vmem>>, vector<16xf32>,
      tpu.vector_store %arg10[%swap3A_74], %broadcast_in_dim3A_4 {strides = array<i32>} : memref<3072xf32, #tpu.memory_space<vmem>>, vector<16xf32>,
      %mul3A_76 = arith.constant 128 : i32
      %mul3A_77 = arith.muli %scan3A_64, %mul3A_76 : i32
      %add3A_78 = arith.constant 32 : i32
      %add3A_79 = arith.addi %mul3A_77, %add3A_78 : i32
      %swap3A_80 = arith.index_cast %add3A_79 : i32 to index
      %swap3A_81 = tpu.vector_load %arg10[%swap3A_80] {strides = array<i32>} : memref<3072xf32, #tpu.memory_space<vmem>>, vector<16xf32>,
      tpu.vector_store %arg10[%swap3A_80], %broadcast_in_dim3A_4 {strides = array<i32>} : memref<3072xf32, #tpu.memory_space<vmem>>, vector<16xf32>,
      %mul3A_82 = arith.constant 128 : i32
      %mul3A_83 = arith.muli %scan3A_64, %mul3A_82 : i32
      %add3A_84 = arith.constant 48 : i32
      %add3A_85 = arith.addi %mul3A_83, %add3A_84 : i32
      %swap3A_86 = arith.index_cast %add3A_85 : i32 to index
      %swap3A_87 = tpu.vector_load %arg10[%swap3A_86] {strides = array<i32>} : memref<3072xf32, #tpu.memory_space<vmem>>, vector<16xf32>,
      tpu.vector_store %arg10[%swap3A_86], %broadcast_in_dim3A_4 {strides = array<i32>} : memref<3072xf32, #tpu.memory_space<vmem>>, vector<16xf32>,
      %mul3A_88 = arith.constant 128 : i32
      %mul3A_89 = arith.muli %scan3A_64, %mul3A_88 : i32
      %add3A_90 = arith.constant 64 : i32
      %add3A_91 = arith.addi %mul3A_89, %add3A_90 : i32
      %swap3A_92 = arith.index_cast %add3A_91 : i32 to index
      %swap3A_93 = tpu.vector_load %arg10[%swap3A_92] {strides = array<i32>} : memref<3072xf32, #tpu.memory_space<vmem>>, vector<16xf32>,
      tpu.vector_store %arg10[%swap3A_92], %broadcast_in_dim3A_4 {strides = array<i32>} : memref<3072xf32, #tpu.memory_space<vmem>>, vector<16xf32>,
      %mul3A_94 = arith.constant 128 : i32
      %mul3A_95 = arith.muli %scan3A_64, %mul3A_94 : i32
      %add3A_96 = arith.constant 80 : i32
      %add3A_97 = arith.addi %mul3A_95, %add3A_96 : i32
      %swap3A_98 = arith.index_cast %add3A_97 : i32 to index
      %swap3A_99 = tpu.vector_load %arg10[%swap3A_98] {strides = array<i32>} : memref<3072xf32, #tpu.memory_space<vmem>>, vector<16xf32>,
      tpu.vector_store %arg10[%swap3A_98], %broadcast_in_dim3A_4 {strides = array<i32>} : memref<3072xf32, #tpu.memory_space<vmem>>, vector<16xf32>,
      %mul3A_100 = arith.constant 128 : i32
      %mul3A_101 = arith.muli %scan3A_64, %mul3A_100 : i32
      %add3A_102 = arith.constant 96 : i32
      %add3A_103 = arith.addi %mul3A_101, %add3A_102 : i32
      %swap3A_104 = arith.index_cast %add3A_103 : i32 to index
      %swap3A_105 = tpu.vector_load %arg10[%swap3A_104] {strides = array<i32>} : memref<3072xf32, #tpu.memory_space<vmem>>, vector<16xf32>,
      tpu.vector_store %arg10[%swap3A_104], %broadcast_in_dim3A_4 {strides = array<i32>} : memref<3072xf32, #tpu.memory_space<vmem>>, vector<16xf32>,
      %mul3A_106 = arith.constant 128 : i32
      %mul3A_107 = arith.muli %scan3A_64, %mul3A_106 : i32
      %add3A_108 = arith.constant 112 : i32
      %add3A_109 = arith.addi %mul3A_107, %add3A_108 : i32
      %swap3A_110 = arith.index_cast %add3A_109 : i32 to index
      %swap3A_111 = tpu.vector_load %arg10[%swap3A_110] {strides = array<i32>} : memref<3072xf32, #tpu.memory_space<vmem>>, vector<16xf32>,
      tpu.vector_store %arg10[%swap3A_110], %broadcast_in_dim3A_4 {strides = array<i32>} : memref<3072xf32, #tpu.memory_space<vmem>>, vector<16xf32>,
    }
    %scan3A_9 = arith.constant 24 : i32
    %mul3A_10 = arith.constant 6272 : i32
    %mul3A_11 = arith.muli %arg1, %mul3A_10 : i32
    "tpu.region"() ({
      %run_scoped3A = tpu.sem_alloc : memref<!tpu.dma_semaphore, #tpu.memory_space<semaphore_mem>>
      %dma_start3A_64 = tpu.memref_slice %arg14[%mul3A_11] : memref<100352xf32, #tpu.memory_space<vmem_shared>> -> memref<3072xf32, #tpu.memory_space<vmem_shared>>
      %dma_start3A_65 = tpu.memref_slice %arg14[%mul3A_11] : memref<100352xf32, #tpu.memory_space<vmem_shared>> -> memref<3072xf32, #tpu.memory_space<vmem_shared>>
      tpu.enqueue_dma source(%arg10 : memref<3072xf32, #tpu.memory_space<vmem>>) target(%dma_start3A_65 : memref<3072xf32, #tpu.memory_space<vmem_shared>>) target_semaphore(%run_scoped3A : memref<!tpu.dma_semaphore, #tpu.memory_space<semaphore_mem>>)
      %dma_wait3A_66 = tpu.memref_slice %arg14[%mul3A_11] : memref<100352xf32, #tpu.memory_space<vmem_shared>> -> memref<3072xf32, #tpu.memory_space<vmem_shared>>
      %dma_wait3A_67 = tpu.memref_slice %arg14[%mul3A_11] : memref<100352xf32, #tpu.memory_space<vmem_shared>> -> memref<3072xf32, #tpu.memory_space<vmem_shared>>
      tpu.wait_dma2 semaphore(%run_scoped3A : memref<!tpu.dma_semaphore, #tpu.memory_space<semaphore_mem>>) src(%arg10 : memref<3072xf32, #tpu.memory_space<vmem>>) dst(%dma_wait3A_67 : memref<3072xf32, #tpu.memory_space<vmem_shared>>)
      tpu.yield
    }) : () -> ()
    %mul3A_12 = arith.constant 6272 : i32
    %mul3A_13 = arith.muli %arg1, %mul3A_12 : i32
    %add3A_14 = arith.constant 3072 : i32
    %add3A_15 = arith.addi %mul3A_13, %add3A_14 : i32
    "tpu.region"() ({
      %run_scoped3A = tpu.sem_alloc : memref<!tpu.dma_semaphore, #tpu.memory_space<semaphore_mem>>
      %dma_start3A_64 = tpu.memref_slice %arg14[%add3A_15] : memref<100352xf32, #tpu.memory_space<vmem_shared>> -> memref<3072xf32, #tpu.memory_space<vmem_shared>>
      %dma_start3A_65 = tpu.memref_slice %arg14[%add3A_15] : memref<100352xf32, #tpu.memory_space<vmem_shared>> -> memref<3072xf32, #tpu.memory_space<vmem_shared>>
      tpu.enqueue_dma source(%arg10 : memref<3072xf32, #tpu.memory_space<vmem>>) target(%dma_start3A_65 : memref<3072xf32, #tpu.memory_space<vmem_shared>>) target_semaphore(%run_scoped3A : memref<!tpu.dma_semaphore, #tpu.memory_space<semaphore_mem>>)
      %dma_wait3A_66 = tpu.memref_slice %arg14[%add3A_15] : memref<100352xf32, #tpu.memory_space<vmem_shared>> -> memref<3072xf32, #tpu.memory_space<vmem_shared>>
      %dma_wait3A_67 = tpu.memref_slice %arg14[%add3A_15] : memref<100352xf32, #tpu.memory_space<vmem_shared>> -> memref<3072xf32, #tpu.memory_space<vmem_shared>>
      tpu.wait_dma2 semaphore(%run_scoped3A : memref<!tpu.dma_semaphore, #tpu.memory_space<semaphore_mem>>) src(%arg10 : memref<3072xf32, #tpu.memory_space<vmem>>) dst(%dma_wait3A_67 : memref<3072xf32, #tpu.memory_space<vmem_shared>>)
      tpu.yield
    }) : () -> ()
    %mul3A_16 = arith.constant 6272 : i32
    %mul3A_17 = arith.muli %arg1, %mul3A_16 : i32
    %add3A_18 = arith.constant 6144 : i32
    %add3A_19 = arith.addi %mul3A_17, %add3A_18 : i32
    "tpu.region"() ({
      %run_scoped3A = tpu.sem_alloc : memref<!tpu.dma_semaphore, #tpu.memory_space<semaphore_mem>>
      %dma_start3A_64 = arith.constant 0 : i32
      %dma_start3A_65 = tpu.memref_slice %arg10[%dma_start3A_64] : memref<3072xf32, #tpu.memory_space<vmem>> -> memref<128xf32, #tpu.memory_space<vmem>>
      %dma_start3A_66 = tpu.memref_slice %arg14[%add3A_19] : memref<100352xf32, #tpu.memory_space<vmem_shared>> -> memref<128xf32, #tpu.memory_space<vmem_shared>>
      %dma_start3A_67 = tpu.memref_slice %arg14[%add3A_19] : memref<100352xf32, #tpu.memory_space<vmem_shared>> -> memref<128xf32, #tpu.memory_space<vmem_shared>>
      %dma_start3A_68 = arith.constant 0 : i32
      %dma_start3A_69 = tpu.memref_slice %arg10[%dma_start3A_68] : memref<3072xf32, #tpu.memory_space<vmem>> -> memref<128xf32, #tpu.memory_space<vmem>>
      tpu.enqueue_dma source(%dma_start3A_69 : memref<128xf32, #tpu.memory_space<vmem>>) target(%dma_start3A_67 : memref<128xf32, #tpu.memory_space<vmem_shared>>) target_semaphore(%run_scoped3A : memref<!tpu.dma_semaphore, #tpu.memory_space<semaphore_mem>>)
      %dma_wait3A_70 = arith.constant 0 : i32
      %dma_wait3A_71 = tpu.memref_slice %arg10[%dma_wait3A_70] : memref<3072xf32, #tpu.memory_space<vmem>> -> memref<128xf32, #tpu.memory_space<vmem>>
      %dma_wait3A_72 = tpu.memref_slice %arg14[%add3A_19] : memref<100352xf32, #tpu.memory_space<vmem_shared>> -> memref<128xf32, #tpu.memory_space<vmem_shared>>
      %dma_wait3A_73 = tpu.memref_slice %arg14[%add3A_19] : memref<100352xf32, #tpu.memory_space<vmem_shared>> -> memref<128xf32, #tpu.memory_space<vmem_shared>>
      %dma_wait3A_74 = arith.constant 0 : i32
      %dma_wait3A_75 = tpu.memref_slice %arg10[%dma_wait3A_74] : memref<3072xf32, #tpu.memory_space<vmem>> -> memref<128xf32, #tpu.memory_space<vmem>>
      tpu.wait_dma2 semaphore(%run_scoped3A : memref<!tpu.dma_semaphore, #tpu.memory_space<semaphore_mem>>) src(%dma_wait3A_75 : memref<128xf32, #tpu.memory_space<vmem>>) dst(%dma_wait3A_73 : memref<128xf32, #tpu.memory_space<vmem_shared>>)
      tpu.yield
    }) : () -> ()
    %dma_wait3A = arith.constant 0 : i32
    %dma_wait3A_20 = tpu.memref_slice %arg2[%dma_wait3A] : memref<100352xf32, #tpu.memory_space<hbm>> -> memref<100000xf32, #tpu.memory_space<hbm>>
    %dma_wait3A_21 = arith.constant 0 : i32
    %dma_wait3A_22 = tpu.memref_slice %arg2[%dma_wait3A_21] : memref<100352xf32, #tpu.memory_space<hbm>> -> memref<100000xf32, #tpu.memory_space<hbm>>
    tpu.wait_dma2 semaphore(%arg15 : memref<!tpu.dma_semaphore, #tpu.memory_space<semaphore_mem>>) src(%dma_wait3A_22 : memref<100000xf32, #tpu.memory_space<hbm>>) dst(%arg6 : memref<100000xf32, #tpu.memory_space<vmem>>)
    %barrier3A = arith.constant 0 : index
    tpu.barrier barrier_id(%barrier3A)
    %get3A = arith.constant 0 : index
    %get3A_23 = tpu.vector_load %arg13[%get3A] {strides = array<i32>} : memref<16xf32, #tpu.memory_space<vmem>>, vector<16xf32>,
    %iota3A = tpu.iota {dimensions = array<i32: 0>} : vector<16xi32>
    %broadcast_in_dim3A_24 = arith.constant 0x7F800000 : f32
    %broadcast_in_dim3A_25 = vector.broadcast %broadcast_in_dim3A_24 : f32 to vector<16xf32>
    %broadcast_in_dim3A_26 = arith.constant 0 : i32
    %broadcast_in_dim3A_27 = vector.broadcast %broadcast_in_dim3A_26 : i32 to vector<16xi32>
    %dma_start3A_28 = arith.constant 0 : i32
    %dma_start3A_29 = arith.constant 0 : i32
    %dma_start3A_30 = tpu.memref_slice %arg3[%add3A, %dma_start3A_29] : memref<521x3072xi32, #tpu.memory_space<hbm>> -> memref<1x3072xi32, #tpu.memory_space<hbm>>
    %dma_start3A_31 = tpu.memref_squeeze %dma_start3A_30 : memref<1x3072xi32, #tpu.memory_space<hbm>> -> memref<3072xi32, #tpu.memory_space<hbm>>
    %dma_start3A_32 = tpu.memref_slice %arg16[%dma_start3A_28] : memref<3x!tpu.dma_semaphore, #tpu.memory_space<semaphore_mem>> -> memref<1x!tpu.dma_semaphore, #tpu.memory_space<semaphore_mem>>
    %dma_start3A_33 = tpu.memref_squeeze %dma_start3A_32 : memref<1x!tpu.dma_semaphore, #tpu.memory_space<semaphore_mem>> -> memref<!tpu.dma_semaphore, #tpu.memory_space<semaphore_mem>>
    %dma_start3A_34 = arith.constant 0 : i32
    %dma_start3A_35 = tpu.memref_slice %arg3[%add3A, %dma_start3A_34] : memref<521x3072xi32, #tpu.memory_space<hbm>> -> memref<1x3072xi32, #tpu.memory_space<hbm>>
    %dma_start3A_36 = tpu.memref_squeeze %dma_start3A_35 : memref<1x3072xi32, #tpu.memory_space<hbm>> -> memref<3072xi32, #tpu.memory_space<hbm>>
    tpu.enqueue_dma source(%dma_start3A_36 : memref<3072xi32, #tpu.memory_space<hbm>>) target(%arg7 : memref<3072xi32, #tpu.memory_space<vmem>>) target_semaphore(%dma_start3A_33 : memref<!tpu.dma_semaphore, #tpu.memory_space<semaphore_mem>>)
    %scan3A_37 = arith.constant 0 : i32
    %scan3A_38 = arith.constant 0 : i32
    %scan3A_39 = arith.constant 7 : i32
    %scan3A_40 = arith.addi %scan3A_38, %scan3A_39 : i32
    %scan3A_41 = arith.constant 1 : i32
    scf.for %scan3A_64 = %scan3A_38 to %scan3A_40 step %scan3A_41  : i32 {
      %mul3A_65 = arith.constant 3 : i32
      %mul3A_66 = arith.muli %scan3A_64, %mul3A_65 : i32
      %mul3A_67 = arith.constant 32 : i32
      %mul3A_68 = arith.muli %mul3A_67, %mul3A_66 : i32
      %add3A_69 = arith.addi %add3A, %mul3A_68 : i32
      %sub3A = arith.constant 64 : i32
      %sub3A_70 = arith.subi %add3A_69, %sub3A : i32
      %add3A_71 = arith.constant 32 : i32
      %add3A_72 = arith.addi %add3A_69, %add3A_71 : i32
      %ge3A = arith.constant 0 : i32
      %ge3A_73 = arith.cmpi sge, %sub3A_70, %ge3A : i32
      %lt3A = arith.constant 521 : i32
      %lt3A_74 = arith.cmpi slt, %sub3A_70, %lt3A : i32
      %and3A = arith.andi %ge3A_73, %lt3A_74 : i1
      %convert_element_type3A = arith.extui %and3A : i1 to i32
      %cond3A = arith.constant 0 : i32
      %cond3A_75 = arith.cmpi ne, %convert_element_type3A, %cond3A : i32
      scf.if %cond3A_75 {
        %dma_wait3A_144 = arith.constant 1 : i32
        %dma_wait3A_145 = arith.constant 0 : i32
        %dma_wait3A_146 = tpu.memref_slice %arg14[%dma_wait3A_145] : memref<100352xf32, #tpu.memory_space<vmem_shared>> -> memref<100352xf32, #tpu.memory_space<vmem_shared>>
        %dma_wait3A_147 = tpu.memref_slice %arg17[%dma_wait3A_144] : memref<3x!tpu.dma_semaphore, #tpu.memory_space<semaphore_mem>> -> memref<1x!tpu.dma_semaphore, #tpu.memory_space<semaphore_mem>>
        %dma_wait3A_148 = tpu.memref_squeeze %dma_wait3A_147 : memref<1x!tpu.dma_semaphore, #tpu.memory_space<semaphore_mem>> -> memref<!tpu.dma_semaphore, #tpu.memory_space<semaphore_mem>>
        tpu.wait_indirect_dma semaphore(%dma_wait3A_148 : memref<!tpu.dma_semaphore, #tpu.memory_space<semaphore_mem>>) src(%arg11 : memref<3072xf32, #tpu.memory_space<vmem>>) dst(%dma_wait3A_146 : memref<100352xf32, #tpu.memory_space<vmem_shared>>)
      } else {
      }
      %lt3A_76 = arith.constant 521 : i32
      %lt3A_77 = arith.cmpi slt, %add3A_72, %lt3A_76 : i32
      %convert_element_type3A_78 = arith.extui %lt3A_77 : i1 to i32
      %cond3A_79 = arith.constant 0 : i32
      %cond3A_80 = arith.cmpi ne, %convert_element_type3A_78, %cond3A_79 : i32
      scf.if %cond3A_80 {
        %dma_start3A_144 = arith.constant 1 : i32
        %dma_start3A_145 = arith.constant 0 : i32
        %dma_start3A_146 = tpu.memref_slice %arg3[%add3A_72, %dma_start3A_145] : memref<521x3072xi32, #tpu.memory_space<hbm>> -> memref<1x3072xi32, #tpu.memory_space<hbm>>
        %dma_start3A_147 = tpu.memref_squeeze %dma_start3A_146 : memref<1x3072xi32, #tpu.memory_space<hbm>> -> memref<3072xi32, #tpu.memory_space<hbm>>
        %dma_start3A_148 = tpu.memref_slice %arg16[%dma_start3A_144] : memref<3x!tpu.dma_semaphore, #tpu.memory_space<semaphore_mem>> -> memref<1x!tpu.dma_semaphore, #tpu.memory_space<semaphore_mem>>
        %dma_start3A_149 = tpu.memref_squeeze %dma_start3A_148 : memref<1x!tpu.dma_semaphore, #tpu.memory_space<semaphore_mem>> -> memref<!tpu.dma_semaphore, #tpu.memory_space<semaphore_mem>>
        %dma_start3A_150 = arith.constant 0 : i32
        %dma_start3A_151 = tpu.memref_slice %arg3[%add3A_72, %dma_start3A_150] : memref<521x3072xi32, #tpu.memory_space<hbm>> -> memref<1x3072xi32, #tpu.memory_space<hbm>>
        %dma_start3A_152 = tpu.memref_squeeze %dma_start3A_151 : memref<1x3072xi32, #tpu.memory_space<hbm>> -> memref<3072xi32, #tpu.memory_space<hbm>>
        tpu.enqueue_dma source(%dma_start3A_152 : memref<3072xi32, #tpu.memory_space<hbm>>) target(%arg8 : memref<3072xi32, #tpu.memory_space<vmem>>) target_semaphore(%dma_start3A_149 : memref<!tpu.dma_semaphore, #tpu.memory_space<semaphore_mem>>)
      } else {
      }
      %lt3A_81 = arith.constant 521 : i32
      %lt3A_82 = arith.cmpi slt, %add3A_69, %lt3A_81 : i32
      %convert_element_type3A_83 = arith.extui %lt3A_82 : i1 to i32
      %cond3A_84 = arith.constant 0 : i32
      %cond3A_85 = arith.cmpi ne, %convert_element_type3A_83, %cond3A_84 : i32
      scf.if %cond3A_85 {
        %dma_wait3A_144 = arith.constant 0 : i32
        %dma_wait3A_145 = arith.constant 0 : i32
        %dma_wait3A_146 = tpu.memref_slice %arg3[%add3A_69, %dma_wait3A_145] : memref<521x3072xi32, #tpu.memory_space<hbm>> -> memref<1x3072xi32, #tpu.memory_space<hbm>>
        %dma_wait3A_147 = tpu.memref_squeeze %dma_wait3A_146 : memref<1x3072xi32, #tpu.memory_space<hbm>> -> memref<3072xi32, #tpu.memory_space<hbm>>
        %dma_wait3A_148 = tpu.memref_slice %arg16[%dma_wait3A_144] : memref<3x!tpu.dma_semaphore, #tpu.memory_space<semaphore_mem>> -> memref<1x!tpu.dma_semaphore, #tpu.memory_space<semaphore_mem>>
        %dma_wait3A_149 = tpu.memref_squeeze %dma_wait3A_148 : memref<1x!tpu.dma_semaphore, #tpu.memory_space<semaphore_mem>> -> memref<!tpu.dma_semaphore, #tpu.memory_space<semaphore_mem>>
        %dma_wait3A_150 = arith.constant 0 : i32
        %dma_wait3A_151 = tpu.memref_slice %arg3[%add3A_69, %dma_wait3A_150] : memref<521x3072xi32, #tpu.memory_space<hbm>> -> memref<1x3072xi32, #tpu.memory_space<hbm>>
        %dma_wait3A_152 = tpu.memref_squeeze %dma_wait3A_151 : memref<1x3072xi32, #tpu.memory_space<hbm>> -> memref<3072xi32, #tpu.memory_space<hbm>>
        tpu.wait_dma2 semaphore(%dma_wait3A_149 : memref<!tpu.dma_semaphore, #tpu.memory_space<semaphore_mem>>) src(%dma_wait3A_152 : memref<3072xi32, #tpu.memory_space<hbm>>) dst(%arg7 : memref<3072xi32, #tpu.memory_space<vmem>>)
        %mul3A_153 = arith.constant 96 : i32
        %mul3A_154 = arith.muli %add3A_69, %mul3A_153 : i32
        %dma_start3A_155 = arith.constant 0 : i32
        %dma_start3A_156 = arith.constant 0 : i32
        %dma_start3A_157 = tpu.memref_slice %arg14[%dma_start3A_156] : memref<100352xf32, #tpu.memory_space<vmem_shared>> -> memref<100352xf32, #tpu.memory_space<vmem_shared>>
        %dma_start3A_158 = tpu.memref_slice %arg17[%dma_start3A_155] : memref<3x!tpu.dma_semaphore, #tpu.memory_space<semaphore_mem>> -> memref<1x!tpu.dma_semaphore, #tpu.memory_space<semaphore_mem>>
        %dma_start3A_159 = tpu.memref_squeeze %dma_start3A_158 : memref<1x!tpu.dma_semaphore, #tpu.memory_space<semaphore_mem>> -> memref<!tpu.dma_semaphore, #tpu.memory_space<semaphore_mem>>
        tpu.enqueue_indirect_dma source(%arg10 : memref<3072xf32, #tpu.memory_space<vmem>>) target(%dma_start3A_157 : memref<100352xf32, #tpu.memory_space<vmem_shared>>) offsets(%arg7 : memref<3072xi32, #tpu.memory_space<vmem>>) semaphore(%dma_start3A_159 : memref<!tpu.dma_semaphore, #tpu.memory_space<semaphore_mem>>) {add = true}
      } else {
      }
      %mul3A_86 = arith.constant 3 : i32
      %mul3A_87 = arith.muli %scan3A_64, %mul3A_86 : i32
      %add3A_88 = arith.constant 1 : i32
      %add3A_89 = arith.addi %mul3A_87, %add3A_88 : i32
      %mul3A_90 = arith.constant 32 : i32
      %mul3A_91 = arith.muli %mul3A_90, %add3A_89 : i32
      %add3A_92 = arith.addi %add3A, %mul3A_91 : i32
      %sub3A_93 = arith.constant 64 : i32
      %sub3A_94 = arith.subi %add3A_92, %sub3A_93 : i32
      %add3A_95 = arith.constant 32 : i32
      %add3A_96 = arith.addi %add3A_92, %add3A_95 : i32
      %ge3A_97 = arith.constant 0 : i32
      %ge3A_98 = arith.cmpi sge, %sub3A_94, %ge3A_97 : i32
      %lt3A_99 = arith.constant 521 : i32
      %lt3A_100 = arith.cmpi slt, %sub3A_94, %lt3A_99 : i32
      %and3A_101 = arith.andi %ge3A_98, %lt3A_100 : i1
      %convert_element_type3A_102 = arith.extui %and3A_101 : i1 to i32
      %cond3A_103 = arith.constant 0 : i32
      %cond3A_104 = arith.cmpi ne, %convert_element_type3A_102, %cond3A_103 : i32
      scf.if %cond3A_104 {
        %dma_wait3A_144 = arith.constant 2 : i32
        %dma_wait3A_145 = arith.constant 0 : i32
        %dma_wait3A_146 = tpu.memref_slice %arg14[%dma_wait3A_145] : memref<100352xf32, #tpu.memory_space<vmem_shared>> -> memref<100352xf32, #tpu.memory_space<vmem_shared>>
        %dma_wait3A_147 = tpu.memref_slice %arg17[%dma_wait3A_144] : memref<3x!tpu.dma_semaphore, #tpu.memory_space<semaphore_mem>> -> memref<1x!tpu.dma_semaphore, #tpu.memory_space<semaphore_mem>>
        %dma_wait3A_148 = tpu.memref_squeeze %dma_wait3A_147 : memref<1x!tpu.dma_semaphore, #tpu.memory_space<semaphore_mem>> -> memref<!tpu.dma_semaphore, #tpu.memory_space<semaphore_mem>>
        tpu.wait_indirect_dma semaphore(%dma_wait3A_148 : memref<!tpu.dma_semaphore, #tpu.memory_space<semaphore_mem>>) src(%arg12 : memref<3072xf32, #tpu.memory_space<vmem>>) dst(%dma_wait3A_146 : memref<100352xf32, #tpu.memory_space<vmem_shared>>)
      } else {
      }
      %lt3A_105 = arith.constant 521 : i32
      %lt3A_106 = arith.cmpi slt, %add3A_96, %lt3A_105 : i32
      %convert_element_type3A_107 = arith.extui %lt3A_106 : i1 to i32
      %cond3A_108 = arith.constant 0 : i32
      %cond3A_109 = arith.cmpi ne, %convert_element_type3A_107, %cond3A_108 : i32
      scf.if %cond3A_109 {
        %dma_start3A_144 = arith.constant 2 : i32
        %dma_start3A_145 = arith.constant 0 : i32
        %dma_start3A_146 = tpu.memref_slice %arg3[%add3A_96, %dma_start3A_145] : memref<521x3072xi32, #tpu.memory_space<hbm>> -> memref<1x3072xi32, #tpu.memory_space<hbm>>
        %dma_start3A_147 = tpu.memref_squeeze %dma_start3A_146 : memref<1x3072xi32, #tpu.memory_space<hbm>> -> memref<3072xi32, #tpu.memory_space<hbm>>
        %dma_start3A_148 = tpu.memref_slice %arg16[%dma_start3A_144] : memref<3x!tpu.dma_semaphore, #tpu.memory_space<semaphore_mem>> -> memref<1x!tpu.dma_semaphore, #tpu.memory_space<semaphore_mem>>
        %dma_start3A_149 = tpu.memref_squeeze %dma_start3A_148 : memref<1x!tpu.dma_semaphore, #tpu.memory_space<semaphore_mem>> -> memref<!tpu.dma_semaphore, #tpu.memory_space<semaphore_mem>>
        %dma_start3A_150 = arith.constant 0 : i32
        %dma_start3A_151 = tpu.memref_slice %arg3[%add3A_96, %dma_start3A_150] : memref<521x3072xi32, #tpu.memory_space<hbm>> -> memref<1x3072xi32, #tpu.memory_space<hbm>>
        %dma_start3A_152 = tpu.memref_squeeze %dma_start3A_151 : memref<1x3072xi32, #tpu.memory_space<hbm>> -> memref<3072xi32, #tpu.memory_space<hbm>>
        tpu.enqueue_dma source(%dma_start3A_152 : memref<3072xi32, #tpu.memory_space<hbm>>) target(%arg9 : memref<3072xi32, #tpu.memory_space<vmem>>) target_semaphore(%dma_start3A_149 : memref<!tpu.dma_semaphore, #tpu.memory_space<semaphore_mem>>)
      } else {
      }
      %lt3A_110 = arith.constant 521 : i32
      %lt3A_111 = arith.cmpi slt, %add3A_92, %lt3A_110 : i32
      %convert_element_type3A_112 = arith.extui %lt3A_111 : i1 to i32
      %cond3A_113 = arith.constant 0 : i32
      %cond3A_114 = arith.cmpi ne, %convert_element_type3A_112, %cond3A_113 : i32
      scf.if %cond3A_114 {
        %dma_wait3A_144 = arith.constant 1 : i32
        %dma_wait3A_145 = arith.constant 0 : i32
        %dma_wait3A_146 = tpu.memref_slice %arg3[%add3A_92, %dma_wait3A_145] : memref<521x3072xi32, #tpu.memory_space<hbm>> -> memref<1x3072xi32, #tpu.memory_space<hbm>>
        %dma_wait3A_147 = tpu.memref_squeeze %dma_wait3A_146 : memref<1x3072xi32, #tpu.memory_space<hbm>> -> memref<3072xi32, #tpu.memory_space<hbm>>
        %dma_wait3A_148 = tpu.memref_slice %arg16[%dma_wait3A_144] : memref<3x!tpu.dma_semaphore, #tpu.memory_space<semaphore_mem>> -> memref<1x!tpu.dma_semaphore, #tpu.memory_space<semaphore_mem>>
        %dma_wait3A_149 = tpu.memref_squeeze %dma_wait3A_148 : memref<1x!tpu.dma_semaphore, #tpu.memory_space<semaphore_mem>> -> memref<!tpu.dma_semaphore, #tpu.memory_space<semaphore_mem>>
        %dma_wait3A_150 = arith.constant 0 : i32
        %dma_wait3A_151 = tpu.memref_slice %arg3[%add3A_92, %dma_wait3A_150] : memref<521x3072xi32, #tpu.memory_space<hbm>> -> memref<1x3072xi32, #tpu.memory_space<hbm>>
        %dma_wait3A_152 = tpu.memref_squeeze %dma_wait3A_151 : memref<1x3072xi32, #tpu.memory_space<hbm>> -> memref<3072xi32, #tpu.memory_space<hbm>>
        tpu.wait_dma2 semaphore(%dma_wait3A_149 : memref<!tpu.dma_semaphore, #tpu.memory_space<semaphore_mem>>) src(%dma_wait3A_152 : memref<3072xi32, #tpu.memory_space<hbm>>) dst(%arg8 : memref<3072xi32, #tpu.memory_space<vmem>>)
        %mul3A_153 = arith.constant 96 : i32
        %mul3A_154 = arith.muli %add3A_92, %mul3A_153 : i32
        %dma_start3A_155 = arith.constant 1 : i32
        %dma_start3A_156 = arith.constant 0 : i32
        %dma_start3A_157 = tpu.memref_slice %arg14[%dma_start3A_156] : memref<100352xf32, #tpu.memory_space<vmem_shared>> -> memref<100352xf32, #tpu.memory_space<vmem_shared>>
        %dma_start3A_158 = tpu.memref_slice %arg17[%dma_start3A_155] : memref<3x!tpu.dma_semaphore, #tpu.memory_space<semaphore_mem>> -> memref<1x!tpu.dma_semaphore, #tpu.memory_space<semaphore_mem>>
        %dma_start3A_159 = tpu.memref_squeeze %dma_start3A_158 : memref<1x!tpu.dma_semaphore, #tpu.memory_space<semaphore_mem>> -> memref<!tpu.dma_semaphore, #tpu.memory_space<semaphore_mem>>
        tpu.enqueue_indirect_dma source(%arg11 : memref<3072xf32, #tpu.memory_space<vmem>>) target(%dma_start3A_157 : memref<100352xf32, #tpu.memory_space<vmem_shared>>) offsets(%arg8 : memref<3072xi32, #tpu.memory_space<vmem>>) semaphore(%dma_start3A_159 : memref<!tpu.dma_semaphore, #tpu.memory_space<semaphore_mem>>) {add = true}
      } else {
      }
      %mul3A_115 = arith.constant 3 : i32
      %mul3A_116 = arith.muli %scan3A_64, %mul3A_115 : i32
      %add3A_117 = arith.constant 2 : i32
      %add3A_118 = arith.addi %mul3A_116, %add3A_117 : i32
      %mul3A_119 = arith.constant 32 : i32
      %mul3A_120 = arith.muli %mul3A_119, %add3A_118 : i32
      %add3A_121 = arith.addi %add3A, %mul3A_120 : i32
      %sub3A_122 = arith.constant 64 : i32
      %sub3A_123 = arith.subi %add3A_121, %sub3A_122 : i32
      %add3A_124 = arith.constant 32 : i32
      %add3A_125 = arith.addi %add3A_121, %add3A_124 : i32
      %ge3A_126 = arith.constant 0 : i32
      %ge3A_127 = arith.cmpi sge, %sub3A_123, %ge3A_126 : i32
      %lt3A_128 = arith.constant 521 : i32
      %lt3A_129 = arith.cmpi slt, %sub3A_123, %lt3A_128 : i32
      %and3A_130 = arith.andi %ge3A_127, %lt3A_129 : i1
      %convert_element_type3A_131 = arith.extui %and3A_130 : i1 to i32
      %cond3A_132 = arith.constant 0 : i32
      %cond3A_133 = arith.cmpi ne, %convert_element_type3A_131, %cond3A_132 : i32
      scf.if %cond3A_133 {
        %dma_wait3A_144 = arith.constant 0 : i32
        %dma_wait3A_145 = arith.constant 0 : i32
        %dma_wait3A_146 = tpu.memref_slice %arg14[%dma_wait3A_145] : memref<100352xf32, #tpu.memory_space<vmem_shared>> -> memref<100352xf32, #tpu.memory_space<vmem_shared>>
        %dma_wait3A_147 = tpu.memref_slice %arg17[%dma_wait3A_144] : memref<3x!tpu.dma_semaphore, #tpu.memory_space<semaphore_mem>> -> memref<1x!tpu.dma_semaphore, #tpu.memory_space<semaphore_mem>>
        %dma_wait3A_148 = tpu.memref_squeeze %dma_wait3A_147 : memref<1x!tpu.dma_semaphore, #tpu.memory_space<semaphore_mem>> -> memref<!tpu.dma_semaphore, #tpu.memory_space<semaphore_mem>>
        tpu.wait_indirect_dma semaphore(%dma_wait3A_148 : memref<!tpu.dma_semaphore, #tpu.memory_space<semaphore_mem>>) src(%arg10 : memref<3072xf32, #tpu.memory_space<vmem>>) dst(%dma_wait3A_146 : memref<100352xf32, #tpu.memory_space<vmem_shared>>)
      } else {
      }
      %lt3A_134 = arith.constant 521 : i32
      %lt3A_135 = arith.cmpi slt, %add3A_125, %lt3A_134 : i32
      %convert_element_type3A_136 = arith.extui %lt3A_135 : i1 to i32
      %cond3A_137 = arith.constant 0 : i32
      %cond3A_138 = arith.cmpi ne, %convert_element_type3A_136, %cond3A_137 : i32
      scf.if %cond3A_138 {
        %dma_start3A_144 = arith.constant 0 : i32
        %dma_start3A_145 = arith.constant 0 : i32
        %dma_start3A_146 = tpu.memref_slice %arg3[%add3A_125, %dma_start3A_145] : memref<521x3072xi32, #tpu.memory_space<hbm>> -> memref<1x3072xi32, #tpu.memory_space<hbm>>
        %dma_start3A_147 = tpu.memref_squeeze %dma_start3A_146 : memref<1x3072xi32, #tpu.memory_space<hbm>> -> memref<3072xi32, #tpu.memory_space<hbm>>
        %dma_start3A_148 = tpu.memref_slice %arg16[%dma_start3A_144] : memref<3x!tpu.dma_semaphore, #tpu.memory_space<semaphore_mem>> -> memref<1x!tpu.dma_semaphore, #tpu.memory_space<semaphore_mem>>
        %dma_start3A_149 = tpu.memref_squeeze %dma_start3A_148 : memref<1x!tpu.dma_semaphore, #tpu.memory_space<semaphore_mem>> -> memref<!tpu.dma_semaphore, #tpu.memory_space<semaphore_mem>>
        %dma_start3A_150 = arith.constant 0 : i32
        %dma_start3A_151 = tpu.memref_slice %arg3[%add3A_125, %dma_start3A_150] : memref<521x3072xi32, #tpu.memory_space<hbm>> -> memref<1x3072xi32, #tpu.memory_space<hbm>>
        %dma_start3A_152 = tpu.memref_squeeze %dma_start3A_151 : memref<1x3072xi32, #tpu.memory_space<hbm>> -> memref<3072xi32, #tpu.memory_space<hbm>>
        tpu.enqueue_dma source(%dma_start3A_152 : memref<3072xi32, #tpu.memory_space<hbm>>) target(%arg7 : memref<3072xi32, #tpu.memory_space<vmem>>) target_semaphore(%dma_start3A_149 : memref<!tpu.dma_semaphore, #tpu.memory_space<semaphore_mem>>)
      } else {
      }
      %lt3A_139 = arith.constant 521 : i32
      %lt3A_140 = arith.cmpi slt, %add3A_121, %lt3A_139 : i32
      %convert_element_type3A_141 = arith.extui %lt3A_140 : i1 to i32
      %cond3A_142 = arith.constant 0 : i32
      %cond3A_143 = arith.cmpi ne, %convert_element_type3A_141, %cond3A_142 : i32
      scf.if %cond3A_143 {
        %dma_wait3A_144 = arith.constant 2 : i32
        %dma_wait3A_145 = arith.constant 0 : i32
        %dma_wait3A_146 = tpu.memref_slice %arg3[%add3A_121, %dma_wait3A_145] : memref<521x3072xi32, #tpu.memory_space<hbm>> -> memref<1x3072xi32, #tpu.memory_space<hbm>>
        %dma_wait3A_147 = tpu.memref_squeeze %dma_wait3A_146 : memref<1x3072xi32, #tpu.memory_space<hbm>> -> memref<3072xi32, #tpu.memory_space<hbm>>
        %dma_wait3A_148 = tpu.memref_slice %arg16[%dma_wait3A_144] : memref<3x!tpu.dma_semaphore, #tpu.memory_space<semaphore_mem>> -> memref<1x!tpu.dma_semaphore, #tpu.memory_space<semaphore_mem>>
        %dma_wait3A_149 = tpu.memref_squeeze %dma_wait3A_148 : memref<1x!tpu.dma_semaphore, #tpu.memory_space<semaphore_mem>> -> memref<!tpu.dma_semaphore, #tpu.memory_space<semaphore_mem>>
        %dma_wait3A_150 = arith.constant 0 : i32
        %dma_wait3A_151 = tpu.memref_slice %arg3[%add3A_121, %dma_wait3A_150] : memref<521x3072xi32, #tpu.memory_space<hbm>> -> memref<1x3072xi32, #tpu.memory_space<hbm>>
        %dma_wait3A_152 = tpu.memref_squeeze %dma_wait3A_151 : memref<1x3072xi32, #tpu.memory_space<hbm>> -> memref<3072xi32, #tpu.memory_space<hbm>>
        tpu.wait_dma2 semaphore(%dma_wait3A_149 : memref<!tpu.dma_semaphore, #tpu.memory_space<semaphore_mem>>) src(%dma_wait3A_152 : memref<3072xi32, #tpu.memory_space<hbm>>) dst(%arg9 : memref<3072xi32, #tpu.memory_space<vmem>>)
        %mul3A_153 = arith.constant 96 : i32
        %mul3A_154 = arith.muli %add3A_121, %mul3A_153 : i32
        %dma_start3A_155 = arith.constant 2 : i32
        %dma_start3A_156 = arith.constant 0 : i32
        %dma_start3A_157 = tpu.memref_slice %arg14[%dma_start3A_156] : memref<100352xf32, #tpu.memory_space<vmem_shared>> -> memref<100352xf32, #tpu.memory_space<vmem_shared>>
        %dma_start3A_158 = tpu.memref_slice %arg17[%dma_start3A_155] : memref<3x!tpu.dma_semaphore, #tpu.memory_space<semaphore_mem>> -> memref<1x!tpu.dma_semaphore, #tpu.memory_space<semaphore_mem>>
        %dma_start3A_159 = tpu.memref_squeeze %dma_start3A_158 : memref<1x!tpu.dma_semaphore, #tpu.memory_space<semaphore_mem>> -> memref<!tpu.dma_semaphore, #tpu.memory_space<semaphore_mem>>
        tpu.enqueue_indirect_dma source(%arg12 : memref<3072xf32, #tpu.memory_space<vmem>>) target(%dma_start3A_157 : memref<100352xf32, #tpu.memory_space<vmem_shared>>) offsets(%arg9 : memref<3072xi32, #tpu.memory_space<vmem>>) semaphore(%dma_start3A_159 : memref<!tpu.dma_semaphore, #tpu.memory_space<semaphore_mem>>) {add = true}
      } else {
      }
    }
    %scan3A_42 = arith.constant 7 : i32
    %barrier3A_43 = arith.constant 0 : index
    tpu.barrier barrier_id(%barrier3A_43)
    %mul3A_44 = arith.constant 6272 : i32
    %mul3A_45 = arith.muli %arg1, %mul3A_44 : i32
    "tpu.region"() ({
      %run_scoped3A = tpu.sem_alloc : memref<!tpu.dma_semaphore, #tpu.memory_space<semaphore_mem>>
      %dma_start3A_64 = tpu.memref_slice %arg14[%mul3A_45] : memref<100352xf32, #tpu.memory_space<vmem_shared>> -> memref<3072xf32, #tpu.memory_space<vmem_shared>>
      %dma_start3A_65 = tpu.memref_slice %arg14[%mul3A_45] : memref<100352xf32, #tpu.memory_space<vmem_shared>> -> memref<3072xf32, #tpu.memory_space<vmem_shared>>
      tpu.enqueue_dma source(%dma_start3A_65 : memref<3072xf32, #tpu.memory_space<vmem_shared>>) target(%arg10 : memref<3072xf32, #tpu.memory_space<vmem>>) target_semaphore(%run_scoped3A : memref<!tpu.dma_semaphore, #tpu.memory_space<semaphore_mem>>)
      %dma_wait3A_66 = tpu.memref_slice %arg14[%mul3A_45] : memref<100352xf32, #tpu.memory_space<vmem_shared>> -> memref<3072xf32, #tpu.memory_space<vmem_shared>>
      %dma_wait3A_67 = tpu.memref_slice %arg14[%mul3A_45] : memref<100352xf32, #tpu.memory_space<vmem_shared>> -> memref<3072xf32, #tpu.memory_space<vmem_shared>>
      tpu.wait_dma2 semaphore(%run_scoped3A : memref<!tpu.dma_semaphore, #tpu.memory_space<semaphore_mem>>) src(%dma_wait3A_67 : memref<3072xf32, #tpu.memory_space<vmem_shared>>) dst(%arg10 : memref<3072xf32, #tpu.memory_space<vmem>>)
      tpu.yield
    }) : () -> ()
    %mul3A_46 = arith.constant 6272 : i32
    %mul3A_47 = arith.muli %arg1, %mul3A_46 : i32
    %add3A_48 = arith.constant 3072 : i32
    %add3A_49 = arith.addi %mul3A_47, %add3A_48 : i32
    "tpu.region"() ({
      %run_scoped3A = tpu.sem_alloc : memref<!tpu.dma_semaphore, #tpu.memory_space<semaphore_mem>>
      %dma_start3A_64 = tpu.memref_slice %arg14[%add3A_49] : memref<100352xf32, #tpu.memory_space<vmem_shared>> -> memref<3072xf32, #tpu.memory_space<vmem_shared>>
      %dma_start3A_65 = tpu.memref_slice %arg14[%add3A_49] : memref<100352xf32, #tpu.memory_space<vmem_shared>> -> memref<3072xf32, #tpu.memory_space<vmem_shared>>
      tpu.enqueue_dma source(%dma_start3A_65 : memref<3072xf32, #tpu.memory_space<vmem_shared>>) target(%arg11 : memref<3072xf32, #tpu.memory_space<vmem>>) target_semaphore(%run_scoped3A : memref<!tpu.dma_semaphore, #tpu.memory_space<semaphore_mem>>)
      %dma_wait3A_66 = tpu.memref_slice %arg14[%add3A_49] : memref<100352xf32, #tpu.memory_space<vmem_shared>> -> memref<3072xf32, #tpu.memory_space<vmem_shared>>
      %dma_wait3A_67 = tpu.memref_slice %arg14[%add3A_49] : memref<100352xf32, #tpu.memory_space<vmem_shared>> -> memref<3072xf32, #tpu.memory_space<vmem_shared>>
      tpu.wait_dma2 semaphore(%run_scoped3A : memref<!tpu.dma_semaphore, #tpu.memory_space<semaphore_mem>>) src(%dma_wait3A_67 : memref<3072xf32, #tpu.memory_space<vmem_shared>>) dst(%arg11 : memref<3072xf32, #tpu.memory_space<vmem>>)
      tpu.yield
    }) : () -> ()
    %mul3A_50 = arith.constant 6272 : i32
    %mul3A_51 = arith.muli %arg1, %mul3A_50 : i32
    %add3A_52 = arith.constant 6144 : i32
    %add3A_53 = arith.addi %mul3A_51, %add3A_52 : i32
    "tpu.region"() ({
      %run_scoped3A = tpu.sem_alloc : memref<!tpu.dma_semaphore, #tpu.memory_space<semaphore_mem>>
      %dma_start3A_64 = arith.constant 0 : i32
      %dma_start3A_65 = tpu.memref_slice %arg12[%dma_start3A_64] : memref<3072xf32, #tpu.memory_space<vmem>> -> memref<128xf32, #tpu.memory_space<vmem>>
      %dma_start3A_66 = tpu.memref_slice %arg14[%add3A_53] : memref<100352xf32, #tpu.memory_space<vmem_shared>> -> memref<128xf32, #tpu.memory_space<vmem_shared>>
      %dma_start3A_67 = arith.constant 0 : i32
      %dma_start3A_68 = tpu.memref_slice %arg12[%dma_start3A_67] : memref<3072xf32, #tpu.memory_space<vmem>> -> memref<128xf32, #tpu.memory_space<vmem>>
      %dma_start3A_69 = tpu.memref_slice %arg14[%add3A_53] : memref<100352xf32, #tpu.memory_space<vmem_shared>> -> memref<128xf32, #tpu.memory_space<vmem_shared>>
      tpu.enqueue_dma source(%dma_start3A_69 : memref<128xf32, #tpu.memory_space<vmem_shared>>) target(%dma_start3A_68 : memref<128xf32, #tpu.memory_space<vmem>>) target_semaphore(%run_scoped3A : memref<!tpu.dma_semaphore, #tpu.memory_space<semaphore_mem>>)
      %dma_wait3A_70 = arith.constant 0 : i32
      %dma_wait3A_71 = tpu.memref_slice %arg12[%dma_wait3A_70] : memref<3072xf32, #tpu.memory_space<vmem>> -> memref<128xf32, #tpu.memory_space<vmem>>
      %dma_wait3A_72 = tpu.memref_slice %arg14[%add3A_53] : memref<100352xf32, #tpu.memory_space<vmem_shared>> -> memref<128xf32, #tpu.memory_space<vmem_shared>>
      %dma_wait3A_73 = arith.constant 0 : i32
      %dma_wait3A_74 = tpu.memref_slice %arg12[%dma_wait3A_73] : memref<3072xf32, #tpu.memory_space<vmem>> -> memref<128xf32, #tpu.memory_space<vmem>>
      %dma_wait3A_75 = tpu.memref_slice %arg14[%add3A_53] : memref<100352xf32, #tpu.memory_space<vmem_shared>> -> memref<128xf32, #tpu.memory_space<vmem_shared>>
      tpu.wait_dma2 semaphore(%run_scoped3A : memref<!tpu.dma_semaphore, #tpu.memory_space<semaphore_mem>>) src(%dma_wait3A_75 : memref<128xf32, #tpu.memory_space<vmem_shared>>) dst(%dma_wait3A_74 : memref<128xf32, #tpu.memory_space<vmem>>)
      tpu.yield
    }) : () -> ()
    %mul3A_54 = arith.constant 6272 : i32
    %mul3A_55 = arith.muli %arg1, %mul3A_54 : i32
    "tpu.region"() ({
      %run_scoped3A = tpu.sem_alloc : memref<!tpu.dma_semaphore, #tpu.memory_space<semaphore_mem>>
      %dma_start3A_64 = tpu.memref_slice %arg5[%arg0, %mul3A_55] : memref<2x100352xf32, #tpu.memory_space<hbm>> -> memref<1x3072xf32, #tpu.memory_space<hbm>>
      %dma_start3A_65 = tpu.memref_squeeze %dma_start3A_64 : memref<1x3072xf32, #tpu.memory_space<hbm>> -> memref<3072xf32, #tpu.memory_space<hbm>>
      %dma_start3A_66 = tpu.memref_slice %arg5[%arg0, %mul3A_55] : memref<2x100352xf32, #tpu.memory_space<hbm>> -> memref<1x3072xf32, #tpu.memory_space<hbm>>
      %dma_start3A_67 = tpu.memref_squeeze %dma_start3A_66 : memref<1x3072xf32, #tpu.memory_space<hbm>> -> memref<3072xf32, #tpu.memory_space<hbm>>
      tpu.enqueue_dma source(%arg10 : memref<3072xf32, #tpu.memory_space<vmem>>) target(%dma_start3A_67 : memref<3072xf32, #tpu.memory_space<hbm>>) target_semaphore(%run_scoped3A : memref<!tpu.dma_semaphore, #tpu.memory_space<semaphore_mem>>)
      %dma_wait3A_68 = tpu.memref_slice %arg5[%arg0, %mul3A_55] : memref<2x100352xf32, #tpu.memory_space<hbm>> -> memref<1x3072xf32, #tpu.memory_space<hbm>>
      %dma_wait3A_69 = tpu.memref_squeeze %dma_wait3A_68 : memref<1x3072xf32, #tpu.memory_space<hbm>> -> memref<3072xf32, #tpu.memory_space<hbm>>
      %dma_wait3A_70 = tpu.memref_slice %arg5[%arg0, %mul3A_55] : memref<2x100352xf32, #tpu.memory_space<hbm>> -> memref<1x3072xf32, #tpu.memory_space<hbm>>
      %dma_wait3A_71 = tpu.memref_squeeze %dma_wait3A_70 : memref<1x3072xf32, #tpu.memory_space<hbm>> -> memref<3072xf32, #tpu.memory_space<hbm>>
      tpu.wait_dma2 semaphore(%run_scoped3A : memref<!tpu.dma_semaphore, #tpu.memory_space<semaphore_mem>>) src(%arg10 : memref<3072xf32, #tpu.memory_space<vmem>>) dst(%dma_wait3A_71 : memref<3072xf32, #tpu.memory_space<hbm>>)
      tpu.yield
    }) : () -> ()
    %mul3A_56 = arith.constant 6272 : i32
    %mul3A_57 = arith.muli %arg1, %mul3A_56 : i32
    %add3A_58 = arith.constant 3072 : i32
    %add3A_59 = arith.addi %mul3A_57, %add3A_58 : i32
    "tpu.region"() ({
      %run_scoped3A = tpu.sem_alloc : memref<!tpu.dma_semaphore, #tpu.memory_space<semaphore_mem>>
      %dma_start3A_64 = tpu.memref_slice %arg5[%arg0, %add3A_59] : memref<2x100352xf32, #tpu.memory_space<hbm>> -> memref<1x3072xf32, #tpu.memory_space<hbm>>
      %dma_start3A_65 = tpu.memref_squeeze %dma_start3A_64 : memref<1x3072xf32, #tpu.memory_space<hbm>> -> memref<3072xf32, #tpu.memory_space<hbm>>
      %dma_start3A_66 = tpu.memref_slice %arg5[%arg0, %add3A_59] : memref<2x100352xf32, #tpu.memory_space<hbm>> -> memref<1x3072xf32, #tpu.memory_space<hbm>>
      %dma_start3A_67 = tpu.memref_squeeze %dma_start3A_66 : memref<1x3072xf32, #tpu.memory_space<hbm>> -> memref<3072xf32, #tpu.memory_space<hbm>>
      tpu.enqueue_dma source(%arg11 : memref<3072xf32, #tpu.memory_space<vmem>>) target(%dma_start3A_67 : memref<3072xf32, #tpu.memory_space<hbm>>) target_semaphore(%run_scoped3A : memref<!tpu.dma_semaphore, #tpu.memory_space<semaphore_mem>>)
      %dma_wait3A_68 = tpu.memref_slice %arg5[%arg0, %add3A_59] : memref<2x100352xf32, #tpu.memory_space<hbm>> -> memref<1x3072xf32, #tpu.memory_space<hbm>>
      %dma_wait3A_69 = tpu.memref_squeeze %dma_wait3A_68 : memref<1x3072xf32, #tpu.memory_space<hbm>> -> memref<3072xf32, #tpu.memory_space<hbm>>
      %dma_wait3A_70 = tpu.memref_slice %arg5[%arg0, %add3A_59] : memref<2x100352xf32, #tpu.memory_space<hbm>> -> memref<1x3072xf32, #tpu.memory_space<hbm>>
      %dma_wait3A_71 = tpu.memref_squeeze %dma_wait3A_70 : memref<1x3072xf32, #tpu.memory_space<hbm>> -> memref<3072xf32, #tpu.memory_space<hbm>>
      tpu.wait_dma2 semaphore(%run_scoped3A : memref<!tpu.dma_semaphore, #tpu.memory_space<semaphore_mem>>) src(%arg11 : memref<3072xf32, #tpu.memory_space<vmem>>) dst(%dma_wait3A_71 : memref<3072xf32, #tpu.memory_space<hbm>>)
      tpu.yield
    }) : () -> ()
    %mul3A_60 = arith.constant 6272 : i32
    %mul3A_61 = arith.muli %arg1, %mul3A_60 : i32
    %add3A_62 = arith.constant 6144 : i32
    %add3A_63 = arith.addi %mul3A_61, %add3A_62 : i32
    "tpu.region"() ({
      %run_scoped3A = tpu.sem_alloc : memref<!tpu.dma_semaphore, #tpu.memory_space<semaphore_mem>>
      %dma_start3A_64 = arith.constant 0 : i32
      %dma_start3A_65 = tpu.memref_slice %arg12[%dma_start3A_64] : memref<3072xf32, #tpu.memory_space<vmem>> -> memref<128xf32, #tpu.memory_space<vmem>>
      %dma_start3A_66 = tpu.memref_slice %arg5[%arg0, %add3A_63] : memref<2x100352xf32, #tpu.memory_space<hbm>> -> memref<1x128xf32, #tpu.memory_space<hbm>>
      %dma_start3A_67 = tpu.memref_squeeze %dma_start3A_66 : memref<1x128xf32, #tpu.memory_space<hbm>> -> memref<128xf32, #tpu.memory_space<hbm>>
      %dma_start3A_68 = tpu.memref_slice %arg5[%arg0, %add3A_63] : memref<2x100352xf32, #tpu.memory_space<hbm>> -> memref<1x128xf32, #tpu.memory_space<hbm>>
      %dma_start3A_69 = tpu.memref_squeeze %dma_start3A_68 : memref<1x128xf32, #tpu.memory_space<hbm>> -> memref<128xf32, #tpu.memory_space<hbm>>
      %dma_start3A_70 = arith.constant 0 : i32
      %dma_start3A_71 = tpu.memref_slice %arg12[%dma_start3A_70] : memref<3072xf32, #tpu.memory_space<vmem>> -> memref<128xf32, #tpu.memory_space<vmem>>
      tpu.enqueue_dma source(%dma_start3A_71 : memref<128xf32, #tpu.memory_space<vmem>>) target(%dma_start3A_69 : memref<128xf32, #tpu.memory_space<hbm>>) target_semaphore(%run_scoped3A : memref<!tpu.dma_semaphore, #tpu.memory_space<semaphore_mem>>)
      %dma_wait3A_72 = arith.constant 0 : i32
      %dma_wait3A_73 = tpu.memref_slice %arg12[%dma_wait3A_72] : memref<3072xf32, #tpu.memory_space<vmem>> -> memref<128xf32, #tpu.memory_space<vmem>>
      %dma_wait3A_74 = tpu.memref_slice %arg5[%arg0, %add3A_63] : memref<2x100352xf32, #tpu.memory_space<hbm>> -> memref<1x128xf32, #tpu.memory_space<hbm>>
      %dma_wait3A_75 = tpu.memref_squeeze %dma_wait3A_74 : memref<1x128xf32, #tpu.memory_space<hbm>> -> memref<128xf32, #tpu.memory_space<hbm>>
      %dma_wait3A_76 = tpu.memref_slice %arg5[%arg0, %add3A_63] : memref<2x100352xf32, #tpu.memory_space<hbm>> -> memref<1x128xf32, #tpu.memory_space<hbm>>
      %dma_wait3A_77 = tpu.memref_squeeze %dma_wait3A_76 : memref<1x128xf32, #tpu.memory_space<hbm>> -> memref<128xf32, #tpu.memory_space<hbm>>
      %dma_wait3A_78 = arith.constant 0 : i32
      %dma_wait3A_79 = tpu.memref_slice %arg12[%dma_wait3A_78] : memref<3072xf32, #tpu.memory_space<vmem>> -> memref<128xf32, #tpu.memory_space<vmem>>
      tpu.wait_dma2 semaphore(%run_scoped3A : memref<!tpu.dma_semaphore, #tpu.memory_space<semaphore_mem>>) src(%dma_wait3A_79 : memref<128xf32, #tpu.memory_space<vmem>>) dst(%dma_wait3A_77 : memref<128xf32, #tpu.memory_space<hbm>>)
      tpu.yield
    }) : () -> ()
    return
  }
}

#map = affine_map<(d0, d1) -> (0)>
#map1 = affine_map<(d0, d1) -> (0, 0)>
module attributes {stable_mosaic.version = 14 : i64} {
  func.func @_sc_iter_body(%arg0: i32, %arg1: i32, %arg2: memref<100352xf32, #tpu.memory_space<hbm>>, %arg3: memref<521x3072xi32, #tpu.memory_space<hbm>>, %arg4: memref<16xf32, #tpu.memory_space<hbm>>, %arg5: memref<2x100352xf32, #tpu.memory_space<hbm>>, %arg6: memref<100000xf32, #tpu.memory_space<vmem>>, %arg7: memref<3072xi32, #tpu.memory_space<vmem>>, %arg8: memref<3072xi32, #tpu.memory_space<vmem>>, %arg9: memref<3072xi32, #tpu.memory_space<vmem>>, %arg10: memref<3072xf32, #tpu.memory_space<vmem>>, %arg11: memref<3072xf32, #tpu.memory_space<vmem>>, %arg12: memref<3072xf32, #tpu.memory_space<vmem>>, %arg13: memref<16xf32, #tpu.memory_space<vmem>>, %arg14: memref<100352xf32, #tpu.memory_space<vmem_shared>>, %arg15: memref<!tpu.dma_semaphore, #tpu.memory_space<semaphore_mem>>, %arg16: memref<3x!tpu.dma_semaphore, #tpu.memory_space<semaphore_mem>>, %arg17: memref<3x!tpu.dma_semaphore, #tpu.memory_space<semaphore_mem>>) attributes {dimension_semantics = [#tpu.dimension_semantics<core_parallel>, #tpu.dimension_semantics<subcore_parallel>], iteration_bounds = array<i64: 2, 16>, scalar_prefetch = 0 : i64, scratch_operands = 12 : i64, tpu.core_type = #tpu.core_type<sc_vector_subcore>, window_params = [{transform_indices = #map}, {transform_indices = #map1}, {transform_indices = #map}, {transform_indices = #map1}]} {
    %mul3A = arith.constant 2 : i32
    %mul3A_0 = arith.muli %arg1, %mul3A : i32
    %add3A = arith.addi %mul3A_0, %arg0 : i32
    %dma_start3A = arith.constant 0 : i32
    %dma_start3A_1 = tpu.memref_slice %arg2[%dma_start3A] : memref<100352xf32, #tpu.memory_space<hbm>> -> memref<100000xf32, #tpu.memory_space<hbm>>
    %dma_start3A_2 = arith.constant 0 : i32
    %dma_start3A_3 = tpu.memref_slice %arg2[%dma_start3A_2] : memref<100352xf32, #tpu.memory_space<hbm>> -> memref<100000xf32, #tpu.memory_space<hbm>>
    tpu.enqueue_dma source(%dma_start3A_3 : memref<100000xf32, #tpu.memory_space<hbm>>) target(%arg6 : memref<100000xf32, #tpu.memory_space<vmem>>) target_semaphore(%arg15 : memref<!tpu.dma_semaphore, #tpu.memory_space<semaphore_mem>>)
    "tpu.region"() ({
      %run_scoped3A = tpu.sem_alloc : memref<!tpu.dma_semaphore, #tpu.memory_space<semaphore_mem>>
      tpu.enqueue_dma source(%arg4 : memref<16xf32, #tpu.memory_space<hbm>>) target(%arg13 : memref<16xf32, #tpu.memory_space<vmem>>) target_semaphore(%run_scoped3A : memref<!tpu.dma_semaphore, #tpu.memory_space<semaphore_mem>>)
      tpu.wait_dma2 semaphore(%run_scoped3A : memref<!tpu.dma_semaphore, #tpu.memory_space<semaphore_mem>>) src(%arg4 : memref<16xf32, #tpu.memory_space<hbm>>) dst(%arg13 : memref<16xf32, #tpu.memory_space<vmem>>)
      tpu.yield
    }) : () -> ()
    %broadcast_in_dim3A = arith.constant 0.000000e+00 : f32
    %broadcast_in_dim3A_4 = vector.broadcast %broadcast_in_dim3A : f32 to vector<16xf32>
    %scan3A = arith.constant 0 : i32
    %scan3A_5 = arith.constant 0 : i32
    %scan3A_6 = arith.constant 24 : i32
    %scan3A_7 = arith.addi %scan3A_5, %scan3A_6 : i32
    %scan3A_8 = arith.constant 1 : i32
    scf.for %scan3A_64 = %scan3A_5 to %scan3A_7 step %scan3A_8  : i32 {
      %mul3A_65 = arith.constant 128 : i32
      %mul3A_66 = arith.muli %scan3A_64, %mul3A_65 : i32
      %add3A_67 = arith.constant 0 : i32
      %add3A_68 = arith.addi %mul3A_66, %add3A_67 : i32
      %swap3A = arith.index_cast %add3A_68 : i32 to index
      %swap3A_69 = tpu.vector_load %arg10[%swap3A] {strides = array<i32>} : memref<3072xf32, #tpu.memory_space<vmem>>, vector<16xf32>,
      tpu.vector_store %arg10[%swap3A], %broadcast_in_dim3A_4 {strides = array<i32>} : memref<3072xf32, #tpu.memory_space<vmem>>, vector<16xf32>,
      %mul3A_70 = arith.constant 128 : i32
      %mul3A_71 = arith.muli %scan3A_64, %mul3A_70 : i32
      %add3A_72 = arith.constant 16 : i32
      %add3A_73 = arith.addi %mul3A_71, %add3A_72 : i32
      %swap3A_74 = arith.index_cast %add3A_73 : i32 to index
      %swap3A_75 = tpu.vector_load %arg10[%swap3A_74] {strides = array<i32>} : memref<3072xf32, #tpu.memory_space<vmem>>, vector<16xf32>,
      tpu.vector_store %arg10[%swap3A_74], %broadcast_in_dim3A_4 {strides = array<i32>} : memref<3072xf32, #tpu.memory_space<vmem>>, vector<16xf32>,
      %mul3A_76 = arith.constant 128 : i32
      %mul3A_77 = arith.muli %scan3A_64, %mul3A_76 : i32
      %add3A_78 = arith.constant 32 : i32
      %add3A_79 = arith.addi %mul3A_77, %add3A_78 : i32
      %swap3A_80 = arith.index_cast %add3A_79 : i32 to index
      %swap3A_81 = tpu.vector_load %arg10[%swap3A_80] {strides = array<i32>} : memref<3072xf32, #tpu.memory_space<vmem>>, vector<16xf32>,
      tpu.vector_store %arg10[%swap3A_80], %broadcast_in_dim3A_4 {strides = array<i32>} : memref<3072xf32, #tpu.memory_space<vmem>>, vector<16xf32>,
      %mul3A_82 = arith.constant 128 : i32
      %mul3A_83 = arith.muli %scan3A_64, %mul3A_82 : i32
      %add3A_84 = arith.constant 48 : i32
      %add3A_85 = arith.addi %mul3A_83, %add3A_84 : i32
      %swap3A_86 = arith.index_cast %add3A_85 : i32 to index
      %swap3A_87 = tpu.vector_load %arg10[%swap3A_86] {strides = array<i32>} : memref<3072xf32, #tpu.memory_space<vmem>>, vector<16xf32>,
      tpu.vector_store %arg10[%swap3A_86], %broadcast_in_dim3A_4 {strides = array<i32>} : memref<3072xf32, #tpu.memory_space<vmem>>, vector<16xf32>,
      %mul3A_88 = arith.constant 128 : i32
      %mul3A_89 = arith.muli %scan3A_64, %mul3A_88 : i32
      %add3A_90 = arith.constant 64 : i32
      %add3A_91 = arith.addi %mul3A_89, %add3A_90 : i32
      %swap3A_92 = arith.index_cast %add3A_91 : i32 to index
      %swap3A_93 = tpu.vector_load %arg10[%swap3A_92] {strides = array<i32>} : memref<3072xf32, #tpu.memory_space<vmem>>, vector<16xf32>,
      tpu.vector_store %arg10[%swap3A_92], %broadcast_in_dim3A_4 {strides = array<i32>} : memref<3072xf32, #tpu.memory_space<vmem>>, vector<16xf32>,
      %mul3A_94 = arith.constant 128 : i32
      %mul3A_95 = arith.muli %scan3A_64, %mul3A_94 : i32
      %add3A_96 = arith.constant 80 : i32
      %add3A_97 = arith.addi %mul3A_95, %add3A_96 : i32
      %swap3A_98 = arith.index_cast %add3A_97 : i32 to index
      %swap3A_99 = tpu.vector_load %arg10[%swap3A_98] {strides = array<i32>} : memref<3072xf32, #tpu.memory_space<vmem>>, vector<16xf32>,
      tpu.vector_store %arg10[%swap3A_98], %broadcast_in_dim3A_4 {strides = array<i32>} : memref<3072xf32, #tpu.memory_space<vmem>>, vector<16xf32>,
      %mul3A_100 = arith.constant 128 : i32
      %mul3A_101 = arith.muli %scan3A_64, %mul3A_100 : i32
      %add3A_102 = arith.constant 96 : i32
      %add3A_103 = arith.addi %mul3A_101, %add3A_102 : i32
      %swap3A_104 = arith.index_cast %add3A_103 : i32 to index
      %swap3A_105 = tpu.vector_load %arg10[%swap3A_104] {strides = array<i32>} : memref<3072xf32, #tpu.memory_space<vmem>>, vector<16xf32>,
      tpu.vector_store %arg10[%swap3A_104], %broadcast_in_dim3A_4 {strides = array<i32>} : memref<3072xf32, #tpu.memory_space<vmem>>, vector<16xf32>,
      %mul3A_106 = arith.constant 128 : i32
      %mul3A_107 = arith.muli %scan3A_64, %mul3A_106 : i32
      %add3A_108 = arith.constant 112 : i32
      %add3A_109 = arith.addi %mul3A_107, %add3A_108 : i32
      %swap3A_110 = arith.index_cast %add3A_109 : i32 to index
      %swap3A_111 = tpu.vector_load %arg10[%swap3A_110] {strides = array<i32>} : memref<3072xf32, #tpu.memory_space<vmem>>, vector<16xf32>,
      tpu.vector_store %arg10[%swap3A_110], %broadcast_in_dim3A_4 {strides = array<i32>} : memref<3072xf32, #tpu.memory_space<vmem>>, vector<16xf32>,
    }
    %scan3A_9 = arith.constant 24 : i32
    %mul3A_10 = arith.constant 6272 : i32
    %mul3A_11 = arith.muli %arg1, %mul3A_10 : i32
    "tpu.region"() ({
      %run_scoped3A = tpu.sem_alloc : memref<!tpu.dma_semaphore, #tpu.memory_space<semaphore_mem>>
      %dma_start3A_64 = tpu.memref_slice %arg14[%mul3A_11] : memref<100352xf32, #tpu.memory_space<vmem_shared>> -> memref<3072xf32, #tpu.memory_space<vmem_shared>>
      %dma_start3A_65 = tpu.memref_slice %arg14[%mul3A_11] : memref<100352xf32, #tpu.memory_space<vmem_shared>> -> memref<3072xf32, #tpu.memory_space<vmem_shared>>
      tpu.enqueue_dma source(%arg10 : memref<3072xf32, #tpu.memory_space<vmem>>) target(%dma_start3A_65 : memref<3072xf32, #tpu.memory_space<vmem_shared>>) target_semaphore(%run_scoped3A : memref<!tpu.dma_semaphore, #tpu.memory_space<semaphore_mem>>)
      %dma_wait3A_66 = tpu.memref_slice %arg14[%mul3A_11] : memref<100352xf32, #tpu.memory_space<vmem_shared>> -> memref<3072xf32, #tpu.memory_space<vmem_shared>>
      %dma_wait3A_67 = tpu.memref_slice %arg14[%mul3A_11] : memref<100352xf32, #tpu.memory_space<vmem_shared>> -> memref<3072xf32, #tpu.memory_space<vmem_shared>>
      tpu.wait_dma2 semaphore(%run_scoped3A : memref<!tpu.dma_semaphore, #tpu.memory_space<semaphore_mem>>) src(%arg10 : memref<3072xf32, #tpu.memory_space<vmem>>) dst(%dma_wait3A_67 : memref<3072xf32, #tpu.memory_space<vmem_shared>>)
      tpu.yield
    }) : () -> ()
    %mul3A_12 = arith.constant 6272 : i32
    %mul3A_13 = arith.muli %arg1, %mul3A_12 : i32
    %add3A_14 = arith.constant 3072 : i32
    %add3A_15 = arith.addi %mul3A_13, %add3A_14 : i32
    "tpu.region"() ({
      %run_scoped3A = tpu.sem_alloc : memref<!tpu.dma_semaphore, #tpu.memory_space<semaphore_mem>>
      %dma_start3A_64 = tpu.memref_slice %arg14[%add3A_15] : memref<100352xf32, #tpu.memory_space<vmem_shared>> -> memref<3072xf32, #tpu.memory_space<vmem_shared>>
      %dma_start3A_65 = tpu.memref_slice %arg14[%add3A_15] : memref<100352xf32, #tpu.memory_space<vmem_shared>> -> memref<3072xf32, #tpu.memory_space<vmem_shared>>
      tpu.enqueue_dma source(%arg10 : memref<3072xf32, #tpu.memory_space<vmem>>) target(%dma_start3A_65 : memref<3072xf32, #tpu.memory_space<vmem_shared>>) target_semaphore(%run_scoped3A : memref<!tpu.dma_semaphore, #tpu.memory_space<semaphore_mem>>)
      %dma_wait3A_66 = tpu.memref_slice %arg14[%add3A_15] : memref<100352xf32, #tpu.memory_space<vmem_shared>> -> memref<3072xf32, #tpu.memory_space<vmem_shared>>
      %dma_wait3A_67 = tpu.memref_slice %arg14[%add3A_15] : memref<100352xf32, #tpu.memory_space<vmem_shared>> -> memref<3072xf32, #tpu.memory_space<vmem_shared>>
      tpu.wait_dma2 semaphore(%run_scoped3A : memref<!tpu.dma_semaphore, #tpu.memory_space<semaphore_mem>>) src(%arg10 : memref<3072xf32, #tpu.memory_space<vmem>>) dst(%dma_wait3A_67 : memref<3072xf32, #tpu.memory_space<vmem_shared>>)
      tpu.yield
    }) : () -> ()
    %mul3A_16 = arith.constant 6272 : i32
    %mul3A_17 = arith.muli %arg1, %mul3A_16 : i32
    %add3A_18 = arith.constant 6144 : i32
    %add3A_19 = arith.addi %mul3A_17, %add3A_18 : i32
    "tpu.region"() ({
      %run_scoped3A = tpu.sem_alloc : memref<!tpu.dma_semaphore, #tpu.memory_space<semaphore_mem>>
      %dma_start3A_64 = arith.constant 0 : i32
      %dma_start3A_65 = tpu.memref_slice %arg10[%dma_start3A_64] : memref<3072xf32, #tpu.memory_space<vmem>> -> memref<128xf32, #tpu.memory_space<vmem>>
      %dma_start3A_66 = tpu.memref_slice %arg14[%add3A_19] : memref<100352xf32, #tpu.memory_space<vmem_shared>> -> memref<128xf32, #tpu.memory_space<vmem_shared>>
      %dma_start3A_67 = tpu.memref_slice %arg14[%add3A_19] : memref<100352xf32, #tpu.memory_space<vmem_shared>> -> memref<128xf32, #tpu.memory_space<vmem_shared>>
      %dma_start3A_68 = arith.constant 0 : i32
      %dma_start3A_69 = tpu.memref_slice %arg10[%dma_start3A_68] : memref<3072xf32, #tpu.memory_space<vmem>> -> memref<128xf32, #tpu.memory_space<vmem>>
      tpu.enqueue_dma source(%dma_start3A_69 : memref<128xf32, #tpu.memory_space<vmem>>) target(%dma_start3A_67 : memref<128xf32, #tpu.memory_space<vmem_shared>>) target_semaphore(%run_scoped3A : memref<!tpu.dma_semaphore, #tpu.memory_space<semaphore_mem>>)
      %dma_wait3A_70 = arith.constant 0 : i32
      %dma_wait3A_71 = tpu.memref_slice %arg10[%dma_wait3A_70] : memref<3072xf32, #tpu.memory_space<vmem>> -> memref<128xf32, #tpu.memory_space<vmem>>
      %dma_wait3A_72 = tpu.memref_slice %arg14[%add3A_19] : memref<100352xf32, #tpu.memory_space<vmem_shared>> -> memref<128xf32, #tpu.memory_space<vmem_shared>>
      %dma_wait3A_73 = tpu.memref_slice %arg14[%add3A_19] : memref<100352xf32, #tpu.memory_space<vmem_shared>> -> memref<128xf32, #tpu.memory_space<vmem_shared>>
      %dma_wait3A_74 = arith.constant 0 : i32
      %dma_wait3A_75 = tpu.memref_slice %arg10[%dma_wait3A_74] : memref<3072xf32, #tpu.memory_space<vmem>> -> memref<128xf32, #tpu.memory_space<vmem>>
      tpu.wait_dma2 semaphore(%run_scoped3A : memref<!tpu.dma_semaphore, #tpu.memory_space<semaphore_mem>>) src(%dma_wait3A_75 : memref<128xf32, #tpu.memory_space<vmem>>) dst(%dma_wait3A_73 : memref<128xf32, #tpu.memory_space<vmem_shared>>)
      tpu.yield
    }) : () -> ()
    %dma_wait3A = arith.constant 0 : i32
    %dma_wait3A_20 = tpu.memref_slice %arg2[%dma_wait3A] : memref<100352xf32, #tpu.memory_space<hbm>> -> memref<100000xf32, #tpu.memory_space<hbm>>
    %dma_wait3A_21 = arith.constant 0 : i32
    %dma_wait3A_22 = tpu.memref_slice %arg2[%dma_wait3A_21] : memref<100352xf32, #tpu.memory_space<hbm>> -> memref<100000xf32, #tpu.memory_space<hbm>>
    tpu.wait_dma2 semaphore(%arg15 : memref<!tpu.dma_semaphore, #tpu.memory_space<semaphore_mem>>) src(%dma_wait3A_22 : memref<100000xf32, #tpu.memory_space<hbm>>) dst(%arg6 : memref<100000xf32, #tpu.memory_space<vmem>>)
    %barrier3A = arith.constant 0 : index
    tpu.barrier barrier_id(%barrier3A)
    %get3A = arith.constant 0 : index
    %get3A_23 = tpu.vector_load %arg13[%get3A] {strides = array<i32>} : memref<16xf32, #tpu.memory_space<vmem>>, vector<16xf32>,
    %iota3A = tpu.iota {dimensions = array<i32: 0>} : vector<16xi32>
    %broadcast_in_dim3A_24 = arith.constant 0x7F800000 : f32
    %broadcast_in_dim3A_25 = vector.broadcast %broadcast_in_dim3A_24 : f32 to vector<16xf32>
    %broadcast_in_dim3A_26 = arith.constant 0 : i32
    %broadcast_in_dim3A_27 = vector.broadcast %broadcast_in_dim3A_26 : i32 to vector<16xi32>
    %dma_start3A_28 = arith.constant 0 : i32
    %dma_start3A_29 = arith.constant 0 : i32
    %dma_start3A_30 = tpu.memref_slice %arg3[%add3A, %dma_start3A_29] : memref<521x3072xi32, #tpu.memory_space<hbm>> -> memref<1x3072xi32, #tpu.memory_space<hbm>>
    %dma_start3A_31 = tpu.memref_squeeze %dma_start3A_30 : memref<1x3072xi32, #tpu.memory_space<hbm>> -> memref<3072xi32, #tpu.memory_space<hbm>>
    %dma_start3A_32 = tpu.memref_slice %arg16[%dma_start3A_28] : memref<3x!tpu.dma_semaphore, #tpu.memory_space<semaphore_mem>> -> memref<1x!tpu.dma_semaphore, #tpu.memory_space<semaphore_mem>>
    %dma_start3A_33 = tpu.memref_squeeze %dma_start3A_32 : memref<1x!tpu.dma_semaphore, #tpu.memory_space<semaphore_mem>> -> memref<!tpu.dma_semaphore, #tpu.memory_space<semaphore_mem>>
    %dma_start3A_34 = arith.constant 0 : i32
    %dma_start3A_35 = tpu.memref_slice %arg3[%add3A, %dma_start3A_34] : memref<521x3072xi32, #tpu.memory_space<hbm>> -> memref<1x3072xi32, #tpu.memory_space<hbm>>
    %dma_start3A_36 = tpu.memref_squeeze %dma_start3A_35 : memref<1x3072xi32, #tpu.memory_space<hbm>> -> memref<3072xi32, #tpu.memory_space<hbm>>
    tpu.enqueue_dma source(%dma_start3A_36 : memref<3072xi32, #tpu.memory_space<hbm>>) target(%arg7 : memref<3072xi32, #tpu.memory_space<vmem>>) target_semaphore(%dma_start3A_33 : memref<!tpu.dma_semaphore, #tpu.memory_space<semaphore_mem>>)
    %scan3A_37 = arith.constant 0 : i32
    %scan3A_38 = arith.constant 0 : i32
    %scan3A_39 = arith.constant 7 : i32
    %scan3A_40 = arith.addi %scan3A_38, %scan3A_39 : i32
    %scan3A_41 = arith.constant 1 : i32
    scf.for %scan3A_64 = %scan3A_38 to %scan3A_40 step %scan3A_41  : i32 {
      %mul3A_65 = arith.constant 3 : i32
      %mul3A_66 = arith.muli %scan3A_64, %mul3A_65 : i32
      %mul3A_67 = arith.constant 32 : i32
      %mul3A_68 = arith.muli %mul3A_67, %mul3A_66 : i32
      %add3A_69 = arith.addi %add3A, %mul3A_68 : i32
      %sub3A = arith.constant 64 : i32
      %sub3A_70 = arith.subi %add3A_69, %sub3A : i32
      %add3A_71 = arith.constant 32 : i32
      %add3A_72 = arith.addi %add3A_69, %add3A_71 : i32
      %ge3A = arith.constant 0 : i32
      %ge3A_73 = arith.cmpi sge, %sub3A_70, %ge3A : i32
      %lt3A = arith.constant 521 : i32
      %lt3A_74 = arith.cmpi slt, %sub3A_70, %lt3A : i32
      %and3A = arith.andi %ge3A_73, %lt3A_74 : i1
      %convert_element_type3A = arith.extui %and3A : i1 to i32
      %cond3A = arith.constant 0 : i32
      %cond3A_75 = arith.cmpi ne, %convert_element_type3A, %cond3A : i32
      scf.if %cond3A_75 {
        %dma_wait3A_144 = arith.constant 1 : i32
        %dma_wait3A_145 = arith.constant 0 : i32
        %dma_wait3A_146 = tpu.memref_slice %arg14[%dma_wait3A_145] : memref<100352xf32, #tpu.memory_space<vmem_shared>> -> memref<100352xf32, #tpu.memory_space<vmem_shared>>
        %dma_wait3A_147 = tpu.memref_slice %arg17[%dma_wait3A_144] : memref<3x!tpu.dma_semaphore, #tpu.memory_space<semaphore_mem>> -> memref<1x!tpu.dma_semaphore, #tpu.memory_space<semaphore_mem>>
        %dma_wait3A_148 = tpu.memref_squeeze %dma_wait3A_147 : memref<1x!tpu.dma_semaphore, #tpu.memory_space<semaphore_mem>> -> memref<!tpu.dma_semaphore, #tpu.memory_space<semaphore_mem>>
        tpu.wait_indirect_dma semaphore(%dma_wait3A_148 : memref<!tpu.dma_semaphore, #tpu.memory_space<semaphore_mem>>) src(%arg11 : memref<3072xf32, #tpu.memory_space<vmem>>) dst(%dma_wait3A_146 : memref<100352xf32, #tpu.memory_space<vmem_shared>>)
      } else {
      }
      %lt3A_76 = arith.constant 521 : i32
      %lt3A_77 = arith.cmpi slt, %add3A_72, %lt3A_76 : i32
      %convert_element_type3A_78 = arith.extui %lt3A_77 : i1 to i32
      %cond3A_79 = arith.constant 0 : i32
      %cond3A_80 = arith.cmpi ne, %convert_element_type3A_78, %cond3A_79 : i32
      scf.if %cond3A_80 {
        %dma_start3A_144 = arith.constant 1 : i32
        %dma_start3A_145 = arith.constant 0 : i32
        %dma_start3A_146 = tpu.memref_slice %arg3[%add3A_72, %dma_start3A_145] : memref<521x3072xi32, #tpu.memory_space<hbm>> -> memref<1x3072xi32, #tpu.memory_space<hbm>>
        %dma_start3A_147 = tpu.memref_squeeze %dma_start3A_146 : memref<1x3072xi32, #tpu.memory_space<hbm>> -> memref<3072xi32, #tpu.memory_space<hbm>>
        %dma_start3A_148 = tpu.memref_slice %arg16[%dma_start3A_144] : memref<3x!tpu.dma_semaphore, #tpu.memory_space<semaphore_mem>> -> memref<1x!tpu.dma_semaphore, #tpu.memory_space<semaphore_mem>>
        %dma_start3A_149 = tpu.memref_squeeze %dma_start3A_148 : memref<1x!tpu.dma_semaphore, #tpu.memory_space<semaphore_mem>> -> memref<!tpu.dma_semaphore, #tpu.memory_space<semaphore_mem>>
        %dma_start3A_150 = arith.constant 0 : i32
        %dma_start3A_151 = tpu.memref_slice %arg3[%add3A_72, %dma_start3A_150] : memref<521x3072xi32, #tpu.memory_space<hbm>> -> memref<1x3072xi32, #tpu.memory_space<hbm>>
        %dma_start3A_152 = tpu.memref_squeeze %dma_start3A_151 : memref<1x3072xi32, #tpu.memory_space<hbm>> -> memref<3072xi32, #tpu.memory_space<hbm>>
        tpu.enqueue_dma source(%dma_start3A_152 : memref<3072xi32, #tpu.memory_space<hbm>>) target(%arg8 : memref<3072xi32, #tpu.memory_space<vmem>>) target_semaphore(%dma_start3A_149 : memref<!tpu.dma_semaphore, #tpu.memory_space<semaphore_mem>>)
      } else {
      }
      %lt3A_81 = arith.constant 521 : i32
      %lt3A_82 = arith.cmpi slt, %add3A_69, %lt3A_81 : i32
      %convert_element_type3A_83 = arith.extui %lt3A_82 : i1 to i32
      %cond3A_84 = arith.constant 0 : i32
      %cond3A_85 = arith.cmpi ne, %convert_element_type3A_83, %cond3A_84 : i32
      scf.if %cond3A_85 {
        %dma_wait3A_144 = arith.constant 0 : i32
        %dma_wait3A_145 = arith.constant 0 : i32
        %dma_wait3A_146 = tpu.memref_slice %arg3[%add3A_69, %dma_wait3A_145] : memref<521x3072xi32, #tpu.memory_space<hbm>> -> memref<1x3072xi32, #tpu.memory_space<hbm>>
        %dma_wait3A_147 = tpu.memref_squeeze %dma_wait3A_146 : memref<1x3072xi32, #tpu.memory_space<hbm>> -> memref<3072xi32, #tpu.memory_space<hbm>>
        %dma_wait3A_148 = tpu.memref_slice %arg16[%dma_wait3A_144] : memref<3x!tpu.dma_semaphore, #tpu.memory_space<semaphore_mem>> -> memref<1x!tpu.dma_semaphore, #tpu.memory_space<semaphore_mem>>
        %dma_wait3A_149 = tpu.memref_squeeze %dma_wait3A_148 : memref<1x!tpu.dma_semaphore, #tpu.memory_space<semaphore_mem>> -> memref<!tpu.dma_semaphore, #tpu.memory_space<semaphore_mem>>
        %dma_wait3A_150 = arith.constant 0 : i32
        %dma_wait3A_151 = tpu.memref_slice %arg3[%add3A_69, %dma_wait3A_150] : memref<521x3072xi32, #tpu.memory_space<hbm>> -> memref<1x3072xi32, #tpu.memory_space<hbm>>
        %dma_wait3A_152 = tpu.memref_squeeze %dma_wait3A_151 : memref<1x3072xi32, #tpu.memory_space<hbm>> -> memref<3072xi32, #tpu.memory_space<hbm>>
        tpu.wait_dma2 semaphore(%dma_wait3A_149 : memref<!tpu.dma_semaphore, #tpu.memory_space<semaphore_mem>>) src(%dma_wait3A_152 : memref<3072xi32, #tpu.memory_space<hbm>>) dst(%arg7 : memref<3072xi32, #tpu.memory_space<vmem>>)
        %mul3A_153 = arith.constant 96 : i32
        %mul3A_154 = arith.muli %add3A_69, %mul3A_153 : i32
        %dma_start3A_155 = arith.constant 0 : i32
        %dma_start3A_156 = arith.constant 0 : i32
        %dma_start3A_157 = tpu.memref_slice %arg14[%dma_start3A_156] : memref<100352xf32, #tpu.memory_space<vmem_shared>> -> memref<100352xf32, #tpu.memory_space<vmem_shared>>
        %dma_start3A_158 = tpu.memref_slice %arg17[%dma_start3A_155] : memref<3x!tpu.dma_semaphore, #tpu.memory_space<semaphore_mem>> -> memref<1x!tpu.dma_semaphore, #tpu.memory_space<semaphore_mem>>
        %dma_start3A_159 = tpu.memref_squeeze %dma_start3A_158 : memref<1x!tpu.dma_semaphore, #tpu.memory_space<semaphore_mem>> -> memref<!tpu.dma_semaphore, #tpu.memory_space<semaphore_mem>>
        tpu.enqueue_indirect_dma source(%arg10 : memref<3072xf32, #tpu.memory_space<vmem>>) target(%dma_start3A_157 : memref<100352xf32, #tpu.memory_space<vmem_shared>>) offsets(%arg7 : memref<3072xi32, #tpu.memory_space<vmem>>) semaphore(%dma_start3A_159 : memref<!tpu.dma_semaphore, #tpu.memory_space<semaphore_mem>>) {add = true}
      } else {
      }
      %mul3A_86 = arith.constant 3 : i32
      %mul3A_87 = arith.muli %scan3A_64, %mul3A_86 : i32
      %add3A_88 = arith.constant 1 : i32
      %add3A_89 = arith.addi %mul3A_87, %add3A_88 : i32
      %mul3A_90 = arith.constant 32 : i32
      %mul3A_91 = arith.muli %mul3A_90, %add3A_89 : i32
      %add3A_92 = arith.addi %add3A, %mul3A_91 : i32
      %sub3A_93 = arith.constant 64 : i32
      %sub3A_94 = arith.subi %add3A_92, %sub3A_93 : i32
      %add3A_95 = arith.constant 32 : i32
      %add3A_96 = arith.addi %add3A_92, %add3A_95 : i32
      %ge3A_97 = arith.constant 0 : i32
      %ge3A_98 = arith.cmpi sge, %sub3A_94, %ge3A_97 : i32
      %lt3A_99 = arith.constant 521 : i32
      %lt3A_100 = arith.cmpi slt, %sub3A_94, %lt3A_99 : i32
      %and3A_101 = arith.andi %ge3A_98, %lt3A_100 : i1
      %convert_element_type3A_102 = arith.extui %and3A_101 : i1 to i32
      %cond3A_103 = arith.constant 0 : i32
      %cond3A_104 = arith.cmpi ne, %convert_element_type3A_102, %cond3A_103 : i32
      scf.if %cond3A_104 {
        %dma_wait3A_144 = arith.constant 2 : i32
        %dma_wait3A_145 = arith.constant 0 : i32
        %dma_wait3A_146 = tpu.memref_slice %arg14[%dma_wait3A_145] : memref<100352xf32, #tpu.memory_space<vmem_shared>> -> memref<100352xf32, #tpu.memory_space<vmem_shared>>
        %dma_wait3A_147 = tpu.memref_slice %arg17[%dma_wait3A_144] : memref<3x!tpu.dma_semaphore, #tpu.memory_space<semaphore_mem>> -> memref<1x!tpu.dma_semaphore, #tpu.memory_space<semaphore_mem>>
        %dma_wait3A_148 = tpu.memref_squeeze %dma_wait3A_147 : memref<1x!tpu.dma_semaphore, #tpu.memory_space<semaphore_mem>> -> memref<!tpu.dma_semaphore, #tpu.memory_space<semaphore_mem>>
        tpu.wait_indirect_dma semaphore(%dma_wait3A_148 : memref<!tpu.dma_semaphore, #tpu.memory_space<semaphore_mem>>) src(%arg12 : memref<3072xf32, #tpu.memory_space<vmem>>) dst(%dma_wait3A_146 : memref<100352xf32, #tpu.memory_space<vmem_shared>>)
      } else {
      }
      %lt3A_105 = arith.constant 521 : i32
      %lt3A_106 = arith.cmpi slt, %add3A_96, %lt3A_105 : i32
      %convert_element_type3A_107 = arith.extui %lt3A_106 : i1 to i32
      %cond3A_108 = arith.constant 0 : i32
      %cond3A_109 = arith.cmpi ne, %convert_element_type3A_107, %cond3A_108 : i32
      scf.if %cond3A_109 {
        %dma_start3A_144 = arith.constant 2 : i32
        %dma_start3A_145 = arith.constant 0 : i32
        %dma_start3A_146 = tpu.memref_slice %arg3[%add3A_96, %dma_start3A_145] : memref<521x3072xi32, #tpu.memory_space<hbm>> -> memref<1x3072xi32, #tpu.memory_space<hbm>>
        %dma_start3A_147 = tpu.memref_squeeze %dma_start3A_146 : memref<1x3072xi32, #tpu.memory_space<hbm>> -> memref<3072xi32, #tpu.memory_space<hbm>>
        %dma_start3A_148 = tpu.memref_slice %arg16[%dma_start3A_144] : memref<3x!tpu.dma_semaphore, #tpu.memory_space<semaphore_mem>> -> memref<1x!tpu.dma_semaphore, #tpu.memory_space<semaphore_mem>>
        %dma_start3A_149 = tpu.memref_squeeze %dma_start3A_148 : memref<1x!tpu.dma_semaphore, #tpu.memory_space<semaphore_mem>> -> memref<!tpu.dma_semaphore, #tpu.memory_space<semaphore_mem>>
        %dma_start3A_150 = arith.constant 0 : i32
        %dma_start3A_151 = tpu.memref_slice %arg3[%add3A_96, %dma_start3A_150] : memref<521x3072xi32, #tpu.memory_space<hbm>> -> memref<1x3072xi32, #tpu.memory_space<hbm>>
        %dma_start3A_152 = tpu.memref_squeeze %dma_start3A_151 : memref<1x3072xi32, #tpu.memory_space<hbm>> -> memref<3072xi32, #tpu.memory_space<hbm>>
        tpu.enqueue_dma source(%dma_start3A_152 : memref<3072xi32, #tpu.memory_space<hbm>>) target(%arg9 : memref<3072xi32, #tpu.memory_space<vmem>>) target_semaphore(%dma_start3A_149 : memref<!tpu.dma_semaphore, #tpu.memory_space<semaphore_mem>>)
      } else {
      }
      %lt3A_110 = arith.constant 521 : i32
      %lt3A_111 = arith.cmpi slt, %add3A_92, %lt3A_110 : i32
      %convert_element_type3A_112 = arith.extui %lt3A_111 : i1 to i32
      %cond3A_113 = arith.constant 0 : i32
      %cond3A_114 = arith.cmpi ne, %convert_element_type3A_112, %cond3A_113 : i32
      scf.if %cond3A_114 {
        %dma_wait3A_144 = arith.constant 1 : i32
        %dma_wait3A_145 = arith.constant 0 : i32
        %dma_wait3A_146 = tpu.memref_slice %arg3[%add3A_92, %dma_wait3A_145] : memref<521x3072xi32, #tpu.memory_space<hbm>> -> memref<1x3072xi32, #tpu.memory_space<hbm>>
        %dma_wait3A_147 = tpu.memref_squeeze %dma_wait3A_146 : memref<1x3072xi32, #tpu.memory_space<hbm>> -> memref<3072xi32, #tpu.memory_space<hbm>>
        %dma_wait3A_148 = tpu.memref_slice %arg16[%dma_wait3A_144] : memref<3x!tpu.dma_semaphore, #tpu.memory_space<semaphore_mem>> -> memref<1x!tpu.dma_semaphore, #tpu.memory_space<semaphore_mem>>
        %dma_wait3A_149 = tpu.memref_squeeze %dma_wait3A_148 : memref<1x!tpu.dma_semaphore, #tpu.memory_space<semaphore_mem>> -> memref<!tpu.dma_semaphore, #tpu.memory_space<semaphore_mem>>
        %dma_wait3A_150 = arith.constant 0 : i32
        %dma_wait3A_151 = tpu.memref_slice %arg3[%add3A_92, %dma_wait3A_150] : memref<521x3072xi32, #tpu.memory_space<hbm>> -> memref<1x3072xi32, #tpu.memory_space<hbm>>
        %dma_wait3A_152 = tpu.memref_squeeze %dma_wait3A_151 : memref<1x3072xi32, #tpu.memory_space<hbm>> -> memref<3072xi32, #tpu.memory_space<hbm>>
        tpu.wait_dma2 semaphore(%dma_wait3A_149 : memref<!tpu.dma_semaphore, #tpu.memory_space<semaphore_mem>>) src(%dma_wait3A_152 : memref<3072xi32, #tpu.memory_space<hbm>>) dst(%arg8 : memref<3072xi32, #tpu.memory_space<vmem>>)
        %mul3A_153 = arith.constant 96 : i32
        %mul3A_154 = arith.muli %add3A_92, %mul3A_153 : i32
        %dma_start3A_155 = arith.constant 1 : i32
        %dma_start3A_156 = arith.constant 0 : i32
        %dma_start3A_157 = tpu.memref_slice %arg14[%dma_start3A_156] : memref<100352xf32, #tpu.memory_space<vmem_shared>> -> memref<100352xf32, #tpu.memory_space<vmem_shared>>
        %dma_start3A_158 = tpu.memref_slice %arg17[%dma_start3A_155] : memref<3x!tpu.dma_semaphore, #tpu.memory_space<semaphore_mem>> -> memref<1x!tpu.dma_semaphore, #tpu.memory_space<semaphore_mem>>
        %dma_start3A_159 = tpu.memref_squeeze %dma_start3A_158 : memref<1x!tpu.dma_semaphore, #tpu.memory_space<semaphore_mem>> -> memref<!tpu.dma_semaphore, #tpu.memory_space<semaphore_mem>>
        tpu.enqueue_indirect_dma source(%arg11 : memref<3072xf32, #tpu.memory_space<vmem>>) target(%dma_start3A_157 : memref<100352xf32, #tpu.memory_space<vmem_shared>>) offsets(%arg8 : memref<3072xi32, #tpu.memory_space<vmem>>) semaphore(%dma_start3A_159 : memref<!tpu.dma_semaphore, #tpu.memory_space<semaphore_mem>>) {add = true}
      } else {
      }
      %mul3A_115 = arith.constant 3 : i32
      %mul3A_116 = arith.muli %scan3A_64, %mul3A_115 : i32
      %add3A_117 = arith.constant 2 : i32
      %add3A_118 = arith.addi %mul3A_116, %add3A_117 : i32
      %mul3A_119 = arith.constant 32 : i32
      %mul3A_120 = arith.muli %mul3A_119, %add3A_118 : i32
      %add3A_121 = arith.addi %add3A, %mul3A_120 : i32
      %sub3A_122 = arith.constant 64 : i32
      %sub3A_123 = arith.subi %add3A_121, %sub3A_122 : i32
      %add3A_124 = arith.constant 32 : i32
      %add3A_125 = arith.addi %add3A_121, %add3A_124 : i32
      %ge3A_126 = arith.constant 0 : i32
      %ge3A_127 = arith.cmpi sge, %sub3A_123, %ge3A_126 : i32
      %lt3A_128 = arith.constant 521 : i32
      %lt3A_129 = arith.cmpi slt, %sub3A_123, %lt3A_128 : i32
      %and3A_130 = arith.andi %ge3A_127, %lt3A_129 : i1
      %convert_element_type3A_131 = arith.extui %and3A_130 : i1 to i32
      %cond3A_132 = arith.constant 0 : i32
      %cond3A_133 = arith.cmpi ne, %convert_element_type3A_131, %cond3A_132 : i32
      scf.if %cond3A_133 {
        %dma_wait3A_144 = arith.constant 0 : i32
        %dma_wait3A_145 = arith.constant 0 : i32
        %dma_wait3A_146 = tpu.memref_slice %arg14[%dma_wait3A_145] : memref<100352xf32, #tpu.memory_space<vmem_shared>> -> memref<100352xf32, #tpu.memory_space<vmem_shared>>
        %dma_wait3A_147 = tpu.memref_slice %arg17[%dma_wait3A_144] : memref<3x!tpu.dma_semaphore, #tpu.memory_space<semaphore_mem>> -> memref<1x!tpu.dma_semaphore, #tpu.memory_space<semaphore_mem>>
        %dma_wait3A_148 = tpu.memref_squeeze %dma_wait3A_147 : memref<1x!tpu.dma_semaphore, #tpu.memory_space<semaphore_mem>> -> memref<!tpu.dma_semaphore, #tpu.memory_space<semaphore_mem>>
        tpu.wait_indirect_dma semaphore(%dma_wait3A_148 : memref<!tpu.dma_semaphore, #tpu.memory_space<semaphore_mem>>) src(%arg10 : memref<3072xf32, #tpu.memory_space<vmem>>) dst(%dma_wait3A_146 : memref<100352xf32, #tpu.memory_space<vmem_shared>>)
      } else {
      }
      %lt3A_134 = arith.constant 521 : i32
      %lt3A_135 = arith.cmpi slt, %add3A_125, %lt3A_134 : i32
      %convert_element_type3A_136 = arith.extui %lt3A_135 : i1 to i32
      %cond3A_137 = arith.constant 0 : i32
      %cond3A_138 = arith.cmpi ne, %convert_element_type3A_136, %cond3A_137 : i32
      scf.if %cond3A_138 {
        %dma_start3A_144 = arith.constant 0 : i32
        %dma_start3A_145 = arith.constant 0 : i32
        %dma_start3A_146 = tpu.memref_slice %arg3[%add3A_125, %dma_start3A_145] : memref<521x3072xi32, #tpu.memory_space<hbm>> -> memref<1x3072xi32, #tpu.memory_space<hbm>>
        %dma_start3A_147 = tpu.memref_squeeze %dma_start3A_146 : memref<1x3072xi32, #tpu.memory_space<hbm>> -> memref<3072xi32, #tpu.memory_space<hbm>>
        %dma_start3A_148 = tpu.memref_slice %arg16[%dma_start3A_144] : memref<3x!tpu.dma_semaphore, #tpu.memory_space<semaphore_mem>> -> memref<1x!tpu.dma_semaphore, #tpu.memory_space<semaphore_mem>>
        %dma_start3A_149 = tpu.memref_squeeze %dma_start3A_148 : memref<1x!tpu.dma_semaphore, #tpu.memory_space<semaphore_mem>> -> memref<!tpu.dma_semaphore, #tpu.memory_space<semaphore_mem>>
        %dma_start3A_150 = arith.constant 0 : i32
        %dma_start3A_151 = tpu.memref_slice %arg3[%add3A_125, %dma_start3A_150] : memref<521x3072xi32, #tpu.memory_space<hbm>> -> memref<1x3072xi32, #tpu.memory_space<hbm>>
        %dma_start3A_152 = tpu.memref_squeeze %dma_start3A_151 : memref<1x3072xi32, #tpu.memory_space<hbm>> -> memref<3072xi32, #tpu.memory_space<hbm>>
        tpu.enqueue_dma source(%dma_start3A_152 : memref<3072xi32, #tpu.memory_space<hbm>>) target(%arg7 : memref<3072xi32, #tpu.memory_space<vmem>>) target_semaphore(%dma_start3A_149 : memref<!tpu.dma_semaphore, #tpu.memory_space<semaphore_mem>>)
      } else {
      }
      %lt3A_139 = arith.constant 521 : i32
      %lt3A_140 = arith.cmpi slt, %add3A_121, %lt3A_139 : i32
      %convert_element_type3A_141 = arith.extui %lt3A_140 : i1 to i32
      %cond3A_142 = arith.constant 0 : i32
      %cond3A_143 = arith.cmpi ne, %convert_element_type3A_141, %cond3A_142 : i32
      scf.if %cond3A_143 {
        %dma_wait3A_144 = arith.constant 2 : i32
        %dma_wait3A_145 = arith.constant 0 : i32
        %dma_wait3A_146 = tpu.memref_slice %arg3[%add3A_121, %dma_wait3A_145] : memref<521x3072xi32, #tpu.memory_space<hbm>> -> memref<1x3072xi32, #tpu.memory_space<hbm>>
        %dma_wait3A_147 = tpu.memref_squeeze %dma_wait3A_146 : memref<1x3072xi32, #tpu.memory_space<hbm>> -> memref<3072xi32, #tpu.memory_space<hbm>>
        %dma_wait3A_148 = tpu.memref_slice %arg16[%dma_wait3A_144] : memref<3x!tpu.dma_semaphore, #tpu.memory_space<semaphore_mem>> -> memref<1x!tpu.dma_semaphore, #tpu.memory_space<semaphore_mem>>
        %dma_wait3A_149 = tpu.memref_squeeze %dma_wait3A_148 : memref<1x!tpu.dma_semaphore, #tpu.memory_space<semaphore_mem>> -> memref<!tpu.dma_semaphore, #tpu.memory_space<semaphore_mem>>
        %dma_wait3A_150 = arith.constant 0 : i32
        %dma_wait3A_151 = tpu.memref_slice %arg3[%add3A_121, %dma_wait3A_150] : memref<521x3072xi32, #tpu.memory_space<hbm>> -> memref<1x3072xi32, #tpu.memory_space<hbm>>
        %dma_wait3A_152 = tpu.memref_squeeze %dma_wait3A_151 : memref<1x3072xi32, #tpu.memory_space<hbm>> -> memref<3072xi32, #tpu.memory_space<hbm>>
        tpu.wait_dma2 semaphore(%dma_wait3A_149 : memref<!tpu.dma_semaphore, #tpu.memory_space<semaphore_mem>>) src(%dma_wait3A_152 : memref<3072xi32, #tpu.memory_space<hbm>>) dst(%arg9 : memref<3072xi32, #tpu.memory_space<vmem>>)
        %mul3A_153 = arith.constant 96 : i32
        %mul3A_154 = arith.muli %add3A_121, %mul3A_153 : i32
        %dma_start3A_155 = arith.constant 2 : i32
        %dma_start3A_156 = arith.constant 0 : i32
        %dma_start3A_157 = tpu.memref_slice %arg14[%dma_start3A_156] : memref<100352xf32, #tpu.memory_space<vmem_shared>> -> memref<100352xf32, #tpu.memory_space<vmem_shared>>
        %dma_start3A_158 = tpu.memref_slice %arg17[%dma_start3A_155] : memref<3x!tpu.dma_semaphore, #tpu.memory_space<semaphore_mem>> -> memref<1x!tpu.dma_semaphore, #tpu.memory_space<semaphore_mem>>
        %dma_start3A_159 = tpu.memref_squeeze %dma_start3A_158 : memref<1x!tpu.dma_semaphore, #tpu.memory_space<semaphore_mem>> -> memref<!tpu.dma_semaphore, #tpu.memory_space<semaphore_mem>>
        tpu.enqueue_indirect_dma source(%arg12 : memref<3072xf32, #tpu.memory_space<vmem>>) target(%dma_start3A_157 : memref<100352xf32, #tpu.memory_space<vmem_shared>>) offsets(%arg9 : memref<3072xi32, #tpu.memory_space<vmem>>) semaphore(%dma_start3A_159 : memref<!tpu.dma_semaphore, #tpu.memory_space<semaphore_mem>>) {add = true}
      } else {
      }
    }
    %scan3A_42 = arith.constant 7 : i32
    %barrier3A_43 = arith.constant 0 : index
    tpu.barrier barrier_id(%barrier3A_43)
    %mul3A_44 = arith.constant 6272 : i32
    %mul3A_45 = arith.muli %arg1, %mul3A_44 : i32
    "tpu.region"() ({
      %run_scoped3A = tpu.sem_alloc : memref<!tpu.dma_semaphore, #tpu.memory_space<semaphore_mem>>
      %dma_start3A_64 = tpu.memref_slice %arg14[%mul3A_45] : memref<100352xf32, #tpu.memory_space<vmem_shared>> -> memref<3072xf32, #tpu.memory_space<vmem_shared>>
      %dma_start3A_65 = tpu.memref_slice %arg14[%mul3A_45] : memref<100352xf32, #tpu.memory_space<vmem_shared>> -> memref<3072xf32, #tpu.memory_space<vmem_shared>>
      tpu.enqueue_dma source(%dma_start3A_65 : memref<3072xf32, #tpu.memory_space<vmem_shared>>) target(%arg10 : memref<3072xf32, #tpu.memory_space<vmem>>) target_semaphore(%run_scoped3A : memref<!tpu.dma_semaphore, #tpu.memory_space<semaphore_mem>>)
      %dma_wait3A_66 = tpu.memref_slice %arg14[%mul3A_45] : memref<100352xf32, #tpu.memory_space<vmem_shared>> -> memref<3072xf32, #tpu.memory_space<vmem_shared>>
      %dma_wait3A_67 = tpu.memref_slice %arg14[%mul3A_45] : memref<100352xf32, #tpu.memory_space<vmem_shared>> -> memref<3072xf32, #tpu.memory_space<vmem_shared>>
      tpu.wait_dma2 semaphore(%run_scoped3A : memref<!tpu.dma_semaphore, #tpu.memory_space<semaphore_mem>>) src(%dma_wait3A_67 : memref<3072xf32, #tpu.memory_space<vmem_shared>>) dst(%arg10 : memref<3072xf32, #tpu.memory_space<vmem>>)
      tpu.yield
    }) : () -> ()
    %mul3A_46 = arith.constant 6272 : i32
    %mul3A_47 = arith.muli %arg1, %mul3A_46 : i32
    %add3A_48 = arith.constant 3072 : i32
    %add3A_49 = arith.addi %mul3A_47, %add3A_48 : i32
    "tpu.region"() ({
      %run_scoped3A = tpu.sem_alloc : memref<!tpu.dma_semaphore, #tpu.memory_space<semaphore_mem>>
      %dma_start3A_64 = tpu.memref_slice %arg14[%add3A_49] : memref<100352xf32, #tpu.memory_space<vmem_shared>> -> memref<3072xf32, #tpu.memory_space<vmem_shared>>
      %dma_start3A_65 = tpu.memref_slice %arg14[%add3A_49] : memref<100352xf32, #tpu.memory_space<vmem_shared>> -> memref<3072xf32, #tpu.memory_space<vmem_shared>>
      tpu.enqueue_dma source(%dma_start3A_65 : memref<3072xf32, #tpu.memory_space<vmem_shared>>) target(%arg11 : memref<3072xf32, #tpu.memory_space<vmem>>) target_semaphore(%run_scoped3A : memref<!tpu.dma_semaphore, #tpu.memory_space<semaphore_mem>>)
      %dma_wait3A_66 = tpu.memref_slice %arg14[%add3A_49] : memref<100352xf32, #tpu.memory_space<vmem_shared>> -> memref<3072xf32, #tpu.memory_space<vmem_shared>>
      %dma_wait3A_67 = tpu.memref_slice %arg14[%add3A_49] : memref<100352xf32, #tpu.memory_space<vmem_shared>> -> memref<3072xf32, #tpu.memory_space<vmem_shared>>
      tpu.wait_dma2 semaphore(%run_scoped3A : memref<!tpu.dma_semaphore, #tpu.memory_space<semaphore_mem>>) src(%dma_wait3A_67 : memref<3072xf32, #tpu.memory_space<vmem_shared>>) dst(%arg11 : memref<3072xf32, #tpu.memory_space<vmem>>)
      tpu.yield
    }) : () -> ()
    %mul3A_50 = arith.constant 6272 : i32
    %mul3A_51 = arith.muli %arg1, %mul3A_50 : i32
    %add3A_52 = arith.constant 6144 : i32
    %add3A_53 = arith.addi %mul3A_51, %add3A_52 : i32
    "tpu.region"() ({
      %run_scoped3A = tpu.sem_alloc : memref<!tpu.dma_semaphore, #tpu.memory_space<semaphore_mem>>
      %dma_start3A_64 = arith.constant 0 : i32
      %dma_start3A_65 = tpu.memref_slice %arg12[%dma_start3A_64] : memref<3072xf32, #tpu.memory_space<vmem>> -> memref<128xf32, #tpu.memory_space<vmem>>
      %dma_start3A_66 = tpu.memref_slice %arg14[%add3A_53] : memref<100352xf32, #tpu.memory_space<vmem_shared>> -> memref<128xf32, #tpu.memory_space<vmem_shared>>
      %dma_start3A_67 = arith.constant 0 : i32
      %dma_start3A_68 = tpu.memref_slice %arg12[%dma_start3A_67] : memref<3072xf32, #tpu.memory_space<vmem>> -> memref<128xf32, #tpu.memory_space<vmem>>
      %dma_start3A_69 = tpu.memref_slice %arg14[%add3A_53] : memref<100352xf32, #tpu.memory_space<vmem_shared>> -> memref<128xf32, #tpu.memory_space<vmem_shared>>
      tpu.enqueue_dma source(%dma_start3A_69 : memref<128xf32, #tpu.memory_space<vmem_shared>>) target(%dma_start3A_68 : memref<128xf32, #tpu.memory_space<vmem>>) target_semaphore(%run_scoped3A : memref<!tpu.dma_semaphore, #tpu.memory_space<semaphore_mem>>)
      %dma_wait3A_70 = arith.constant 0 : i32
      %dma_wait3A_71 = tpu.memref_slice %arg12[%dma_wait3A_70] : memref<3072xf32, #tpu.memory_space<vmem>> -> memref<128xf32, #tpu.memory_space<vmem>>
      %dma_wait3A_72 = tpu.memref_slice %arg14[%add3A_53] : memref<100352xf32, #tpu.memory_space<vmem_shared>> -> memref<128xf32, #tpu.memory_space<vmem_shared>>
      %dma_wait3A_73 = arith.constant 0 : i32
      %dma_wait3A_74 = tpu.memref_slice %arg12[%dma_wait3A_73] : memref<3072xf32, #tpu.memory_space<vmem>> -> memref<128xf32, #tpu.memory_space<vmem>>
      %dma_wait3A_75 = tpu.memref_slice %arg14[%add3A_53] : memref<100352xf32, #tpu.memory_space<vmem_shared>> -> memref<128xf32, #tpu.memory_space<vmem_shared>>
      tpu.wait_dma2 semaphore(%run_scoped3A : memref<!tpu.dma_semaphore, #tpu.memory_space<semaphore_mem>>) src(%dma_wait3A_75 : memref<128xf32, #tpu.memory_space<vmem_shared>>) dst(%dma_wait3A_74 : memref<128xf32, #tpu.memory_space<vmem>>)
      tpu.yield
    }) : () -> ()
    %mul3A_54 = arith.constant 6272 : i32
    %mul3A_55 = arith.muli %arg1, %mul3A_54 : i32
    "tpu.region"() ({
      %run_scoped3A = tpu.sem_alloc : memref<!tpu.dma_semaphore, #tpu.memory_space<semaphore_mem>>
      %dma_start3A_64 = tpu.memref_slice %arg5[%arg0, %mul3A_55] : memref<2x100352xf32, #tpu.memory_space<hbm>> -> memref<1x3072xf32, #tpu.memory_space<hbm>>
      %dma_start3A_65 = tpu.memref_squeeze %dma_start3A_64 : memref<1x3072xf32, #tpu.memory_space<hbm>> -> memref<3072xf32, #tpu.memory_space<hbm>>
      %dma_start3A_66 = tpu.memref_slice %arg5[%arg0, %mul3A_55] : memref<2x100352xf32, #tpu.memory_space<hbm>> -> memref<1x3072xf32, #tpu.memory_space<hbm>>
      %dma_start3A_67 = tpu.memref_squeeze %dma_start3A_66 : memref<1x3072xf32, #tpu.memory_space<hbm>> -> memref<3072xf32, #tpu.memory_space<hbm>>
      tpu.enqueue_dma source(%arg10 : memref<3072xf32, #tpu.memory_space<vmem>>) target(%dma_start3A_67 : memref<3072xf32, #tpu.memory_space<hbm>>) target_semaphore(%run_scoped3A : memref<!tpu.dma_semaphore, #tpu.memory_space<semaphore_mem>>)
      %dma_wait3A_68 = tpu.memref_slice %arg5[%arg0, %mul3A_55] : memref<2x100352xf32, #tpu.memory_space<hbm>> -> memref<1x3072xf32, #tpu.memory_space<hbm>>
      %dma_wait3A_69 = tpu.memref_squeeze %dma_wait3A_68 : memref<1x3072xf32, #tpu.memory_space<hbm>> -> memref<3072xf32, #tpu.memory_space<hbm>>
      %dma_wait3A_70 = tpu.memref_slice %arg5[%arg0, %mul3A_55] : memref<2x100352xf32, #tpu.memory_space<hbm>> -> memref<1x3072xf32, #tpu.memory_space<hbm>>
      %dma_wait3A_71 = tpu.memref_squeeze %dma_wait3A_70 : memref<1x3072xf32, #tpu.memory_space<hbm>> -> memref<3072xf32, #tpu.memory_space<hbm>>
      tpu.wait_dma2 semaphore(%run_scoped3A : memref<!tpu.dma_semaphore, #tpu.memory_space<semaphore_mem>>) src(%arg10 : memref<3072xf32, #tpu.memory_space<vmem>>) dst(%dma_wait3A_71 : memref<3072xf32, #tpu.memory_space<hbm>>)
      tpu.yield
    }) : () -> ()
    %mul3A_56 = arith.constant 6272 : i32
    %mul3A_57 = arith.muli %arg1, %mul3A_56 : i32
    %add3A_58 = arith.constant 3072 : i32
    %add3A_59 = arith.addi %mul3A_57, %add3A_58 : i32
    "tpu.region"() ({
      %run_scoped3A = tpu.sem_alloc : memref<!tpu.dma_semaphore, #tpu.memory_space<semaphore_mem>>
      %dma_start3A_64 = tpu.memref_slice %arg5[%arg0, %add3A_59] : memref<2x100352xf32, #tpu.memory_space<hbm>> -> memref<1x3072xf32, #tpu.memory_space<hbm>>
      %dma_start3A_65 = tpu.memref_squeeze %dma_start3A_64 : memref<1x3072xf32, #tpu.memory_space<hbm>> -> memref<3072xf32, #tpu.memory_space<hbm>>
      %dma_start3A_66 = tpu.memref_slice %arg5[%arg0, %add3A_59] : memref<2x100352xf32, #tpu.memory_space<hbm>> -> memref<1x3072xf32, #tpu.memory_space<hbm>>
      %dma_start3A_67 = tpu.memref_squeeze %dma_start3A_66 : memref<1x3072xf32, #tpu.memory_space<hbm>> -> memref<3072xf32, #tpu.memory_space<hbm>>
      tpu.enqueue_dma source(%arg11 : memref<3072xf32, #tpu.memory_space<vmem>>) target(%dma_start3A_67 : memref<3072xf32, #tpu.memory_space<hbm>>) target_semaphore(%run_scoped3A : memref<!tpu.dma_semaphore, #tpu.memory_space<semaphore_mem>>)
      %dma_wait3A_68 = tpu.memref_slice %arg5[%arg0, %add3A_59] : memref<2x100352xf32, #tpu.memory_space<hbm>> -> memref<1x3072xf32, #tpu.memory_space<hbm>>
      %dma_wait3A_69 = tpu.memref_squeeze %dma_wait3A_68 : memref<1x3072xf32, #tpu.memory_space<hbm>> -> memref<3072xf32, #tpu.memory_space<hbm>>
      %dma_wait3A_70 = tpu.memref_slice %arg5[%arg0, %add3A_59] : memref<2x100352xf32, #tpu.memory_space<hbm>> -> memref<1x3072xf32, #tpu.memory_space<hbm>>
      %dma_wait3A_71 = tpu.memref_squeeze %dma_wait3A_70 : memref<1x3072xf32, #tpu.memory_space<hbm>> -> memref<3072xf32, #tpu.memory_space<hbm>>
      tpu.wait_dma2 semaphore(%run_scoped3A : memref<!tpu.dma_semaphore, #tpu.memory_space<semaphore_mem>>) src(%arg11 : memref<3072xf32, #tpu.memory_space<vmem>>) dst(%dma_wait3A_71 : memref<3072xf32, #tpu.memory_space<hbm>>)
      tpu.yield
    }) : () -> ()
    %mul3A_60 = arith.constant 6272 : i32
    %mul3A_61 = arith.muli %arg1, %mul3A_60 : i32
    %add3A_62 = arith.constant 6144 : i32
    %add3A_63 = arith.addi %mul3A_61, %add3A_62 : i32
    "tpu.region"() ({
      %run_scoped3A = tpu.sem_alloc : memref<!tpu.dma_semaphore, #tpu.memory_space<semaphore_mem>>
      %dma_start3A_64 = arith.constant 0 : i32
      %dma_start3A_65 = tpu.memref_slice %arg12[%dma_start3A_64] : memref<3072xf32, #tpu.memory_space<vmem>> -> memref<128xf32, #tpu.memory_space<vmem>>
      %dma_start3A_66 = tpu.memref_slice %arg5[%arg0, %add3A_63] : memref<2x100352xf32, #tpu.memory_space<hbm>> -> memref<1x128xf32, #tpu.memory_space<hbm>>
      %dma_start3A_67 = tpu.memref_squeeze %dma_start3A_66 : memref<1x128xf32, #tpu.memory_space<hbm>> -> memref<128xf32, #tpu.memory_space<hbm>>
      %dma_start3A_68 = tpu.memref_slice %arg5[%arg0, %add3A_63] : memref<2x100352xf32, #tpu.memory_space<hbm>> -> memref<1x128xf32, #tpu.memory_space<hbm>>
      %dma_start3A_69 = tpu.memref_squeeze %dma_start3A_68 : memref<1x128xf32, #tpu.memory_space<hbm>> -> memref<128xf32, #tpu.memory_space<hbm>>
      %dma_start3A_70 = arith.constant 0 : i32
      %dma_start3A_71 = tpu.memref_slice %arg12[%dma_start3A_70] : memref<3072xf32, #tpu.memory_space<vmem>> -> memref<128xf32, #tpu.memory_space<vmem>>
      tpu.enqueue_dma source(%dma_start3A_71 : memref<128xf32, #tpu.memory_space<vmem>>) target(%dma_start3A_69 : memref<128xf32, #tpu.memory_space<hbm>>) target_semaphore(%run_scoped3A : memref<!tpu.dma_semaphore, #tpu.memory_space<semaphore_mem>>)
      %dma_wait3A_72 = arith.constant 0 : i32
      %dma_wait3A_73 = tpu.memref_slice %arg12[%dma_wait3A_72] : memref<3072xf32, #tpu.memory_space<vmem>> -> memref<128xf32, #tpu.memory_space<vmem>>
      %dma_wait3A_74 = tpu.memref_slice %arg5[%arg0, %add3A_63] : memref<2x100352xf32, #tpu.memory_space<hbm>> -> memref<1x128xf32, #tpu.memory_space<hbm>>
      %dma_wait3A_75 = tpu.memref_squeeze %dma_wait3A_74 : memref<1x128xf32, #tpu.memory_space<hbm>> -> memref<128xf32, #tpu.memory_space<hbm>>
      %dma_wait3A_76 = tpu.memref_slice %arg5[%arg0, %add3A_63] : memref<2x100352xf32, #tpu.memory_space<hbm>> -> memref<1x128xf32, #tpu.memory_space<hbm>>
      %dma_wait3A_77 = tpu.memref_squeeze %dma_wait3A_76 : memref<1x128xf32, #tpu.memory_space<hbm>> -> memref<128xf32, #tpu.memory_space<hbm>>
      %dma_wait3A_78 = arith.constant 0 : i32
      %dma_wait3A_79 = tpu.memref_slice %arg12[%dma_wait3A_78] : memref<3072xf32, #tpu.memory_space<vmem>> -> memref<128xf32, #tpu.memory_space<vmem>>
      tpu.wait_dma2 semaphore(%run_scoped3A : memref<!tpu.dma_semaphore, #tpu.memory_space<semaphore_mem>>) src(%dma_wait3A_79 : memref<128xf32, #tpu.memory_space<vmem>>) dst(%dma_wait3A_77 : memref<128xf32, #tpu.memory_space<hbm>>)
      tpu.yield
    }) : () -> ()
    return
  }
}

#map = affine_map<(d0, d1) -> (0)>
#map1 = affine_map<(d0, d1) -> (0, 0)>
module attributes {stable_mosaic.version = 14 : i64} {
  func.func @_sc_iter_body(%arg0: i32, %arg1: i32, %arg2: memref<100352xf32, #tpu.memory_space<hbm>>, %arg3: memref<521x3072xi32, #tpu.memory_space<hbm>>, %arg4: memref<16xf32, #tpu.memory_space<hbm>>, %arg5: memref<2x100352xf32, #tpu.memory_space<hbm>>, %arg6: memref<100000xf32, #tpu.memory_space<vmem>>, %arg7: memref<3072xi32, #tpu.memory_space<vmem>>, %arg8: memref<3072xi32, #tpu.memory_space<vmem>>, %arg9: memref<3072xi32, #tpu.memory_space<vmem>>, %arg10: memref<3072xf32, #tpu.memory_space<vmem>>, %arg11: memref<3072xf32, #tpu.memory_space<vmem>>, %arg12: memref<3072xf32, #tpu.memory_space<vmem>>, %arg13: memref<16xf32, #tpu.memory_space<vmem>>, %arg14: memref<100352xf32, #tpu.memory_space<vmem_shared>>, %arg15: memref<!tpu.dma_semaphore, #tpu.memory_space<semaphore_mem>>, %arg16: memref<3x!tpu.dma_semaphore, #tpu.memory_space<semaphore_mem>>, %arg17: memref<3x!tpu.dma_semaphore, #tpu.memory_space<semaphore_mem>>) attributes {dimension_semantics = [#tpu.dimension_semantics<core_parallel>, #tpu.dimension_semantics<subcore_parallel>], iteration_bounds = array<i64: 2, 16>, scalar_prefetch = 0 : i64, scratch_operands = 12 : i64, tpu.core_type = #tpu.core_type<sc_vector_subcore>, window_params = [{transform_indices = #map}, {transform_indices = #map1}, {transform_indices = #map}, {transform_indices = #map1}]} {
    %mul3A = arith.constant 2 : i32
    %mul3A_0 = arith.muli %arg1, %mul3A : i32
    %add3A = arith.addi %mul3A_0, %arg0 : i32
    %dma_start3A = arith.constant 0 : i32
    %dma_start3A_1 = tpu.memref_slice %arg2[%dma_start3A] : memref<100352xf32, #tpu.memory_space<hbm>> -> memref<100000xf32, #tpu.memory_space<hbm>>
    %dma_start3A_2 = arith.constant 0 : i32
    %dma_start3A_3 = tpu.memref_slice %arg2[%dma_start3A_2] : memref<100352xf32, #tpu.memory_space<hbm>> -> memref<100000xf32, #tpu.memory_space<hbm>>
    tpu.enqueue_dma source(%dma_start3A_3 : memref<100000xf32, #tpu.memory_space<hbm>>) target(%arg6 : memref<100000xf32, #tpu.memory_space<vmem>>) target_semaphore(%arg15 : memref<!tpu.dma_semaphore, #tpu.memory_space<semaphore_mem>>)
    "tpu.region"() ({
      %run_scoped3A = tpu.sem_alloc : memref<!tpu.dma_semaphore, #tpu.memory_space<semaphore_mem>>
      tpu.enqueue_dma source(%arg4 : memref<16xf32, #tpu.memory_space<hbm>>) target(%arg13 : memref<16xf32, #tpu.memory_space<vmem>>) target_semaphore(%run_scoped3A : memref<!tpu.dma_semaphore, #tpu.memory_space<semaphore_mem>>)
      tpu.wait_dma2 semaphore(%run_scoped3A : memref<!tpu.dma_semaphore, #tpu.memory_space<semaphore_mem>>) src(%arg4 : memref<16xf32, #tpu.memory_space<hbm>>) dst(%arg13 : memref<16xf32, #tpu.memory_space<vmem>>)
      tpu.yield
    }) : () -> ()
    %broadcast_in_dim3A = arith.constant 0.000000e+00 : f32
    %broadcast_in_dim3A_4 = vector.broadcast %broadcast_in_dim3A : f32 to vector<16xf32>
    %scan3A = arith.constant 0 : i32
    %scan3A_5 = arith.constant 0 : i32
    %scan3A_6 = arith.constant 24 : i32
    %scan3A_7 = arith.addi %scan3A_5, %scan3A_6 : i32
    %scan3A_8 = arith.constant 1 : i32
    scf.for %scan3A_64 = %scan3A_5 to %scan3A_7 step %scan3A_8  : i32 {
      %mul3A_65 = arith.constant 128 : i32
      %mul3A_66 = arith.muli %scan3A_64, %mul3A_65 : i32
      %add3A_67 = arith.constant 0 : i32
      %add3A_68 = arith.addi %mul3A_66, %add3A_67 : i32
      %swap3A = arith.index_cast %add3A_68 : i32 to index
      %swap3A_69 = tpu.vector_load %arg10[%swap3A] {strides = array<i32>} : memref<3072xf32, #tpu.memory_space<vmem>>, vector<16xf32>,
      tpu.vector_store %arg10[%swap3A], %broadcast_in_dim3A_4 {strides = array<i32>} : memref<3072xf32, #tpu.memory_space<vmem>>, vector<16xf32>,
      %mul3A_70 = arith.constant 128 : i32
      %mul3A_71 = arith.muli %scan3A_64, %mul3A_70 : i32
      %add3A_72 = arith.constant 16 : i32
      %add3A_73 = arith.addi %mul3A_71, %add3A_72 : i32
      %swap3A_74 = arith.index_cast %add3A_73 : i32 to index
      %swap3A_75 = tpu.vector_load %arg10[%swap3A_74] {strides = array<i32>} : memref<3072xf32, #tpu.memory_space<vmem>>, vector<16xf32>,
      tpu.vector_store %arg10[%swap3A_74], %broadcast_in_dim3A_4 {strides = array<i32>} : memref<3072xf32, #tpu.memory_space<vmem>>, vector<16xf32>,
      %mul3A_76 = arith.constant 128 : i32
      %mul3A_77 = arith.muli %scan3A_64, %mul3A_76 : i32
      %add3A_78 = arith.constant 32 : i32
      %add3A_79 = arith.addi %mul3A_77, %add3A_78 : i32
      %swap3A_80 = arith.index_cast %add3A_79 : i32 to index
      %swap3A_81 = tpu.vector_load %arg10[%swap3A_80] {strides = array<i32>} : memref<3072xf32, #tpu.memory_space<vmem>>, vector<16xf32>,
      tpu.vector_store %arg10[%swap3A_80], %broadcast_in_dim3A_4 {strides = array<i32>} : memref<3072xf32, #tpu.memory_space<vmem>>, vector<16xf32>,
      %mul3A_82 = arith.constant 128 : i32
      %mul3A_83 = arith.muli %scan3A_64, %mul3A_82 : i32
      %add3A_84 = arith.constant 48 : i32
      %add3A_85 = arith.addi %mul3A_83, %add3A_84 : i32
      %swap3A_86 = arith.index_cast %add3A_85 : i32 to index
      %swap3A_87 = tpu.vector_load %arg10[%swap3A_86] {strides = array<i32>} : memref<3072xf32, #tpu.memory_space<vmem>>, vector<16xf32>,
      tpu.vector_store %arg10[%swap3A_86], %broadcast_in_dim3A_4 {strides = array<i32>} : memref<3072xf32, #tpu.memory_space<vmem>>, vector<16xf32>,
      %mul3A_88 = arith.constant 128 : i32
      %mul3A_89 = arith.muli %scan3A_64, %mul3A_88 : i32
      %add3A_90 = arith.constant 64 : i32
      %add3A_91 = arith.addi %mul3A_89, %add3A_90 : i32
      %swap3A_92 = arith.index_cast %add3A_91 : i32 to index
      %swap3A_93 = tpu.vector_load %arg10[%swap3A_92] {strides = array<i32>} : memref<3072xf32, #tpu.memory_space<vmem>>, vector<16xf32>,
      tpu.vector_store %arg10[%swap3A_92], %broadcast_in_dim3A_4 {strides = array<i32>} : memref<3072xf32, #tpu.memory_space<vmem>>, vector<16xf32>,
      %mul3A_94 = arith.constant 128 : i32
      %mul3A_95 = arith.muli %scan3A_64, %mul3A_94 : i32
      %add3A_96 = arith.constant 80 : i32
      %add3A_97 = arith.addi %mul3A_95, %add3A_96 : i32
      %swap3A_98 = arith.index_cast %add3A_97 : i32 to index
      %swap3A_99 = tpu.vector_load %arg10[%swap3A_98] {strides = array<i32>} : memref<3072xf32, #tpu.memory_space<vmem>>, vector<16xf32>,
      tpu.vector_store %arg10[%swap3A_98], %broadcast_in_dim3A_4 {strides = array<i32>} : memref<3072xf32, #tpu.memory_space<vmem>>, vector<16xf32>,
      %mul3A_100 = arith.constant 128 : i32
      %mul3A_101 = arith.muli %scan3A_64, %mul3A_100 : i32
      %add3A_102 = arith.constant 96 : i32
      %add3A_103 = arith.addi %mul3A_101, %add3A_102 : i32
      %swap3A_104 = arith.index_cast %add3A_103 : i32 to index
      %swap3A_105 = tpu.vector_load %arg10[%swap3A_104] {strides = array<i32>} : memref<3072xf32, #tpu.memory_space<vmem>>, vector<16xf32>,
      tpu.vector_store %arg10[%swap3A_104], %broadcast_in_dim3A_4 {strides = array<i32>} : memref<3072xf32, #tpu.memory_space<vmem>>, vector<16xf32>,
      %mul3A_106 = arith.constant 128 : i32
      %mul3A_107 = arith.muli %scan3A_64, %mul3A_106 : i32
      %add3A_108 = arith.constant 112 : i32
      %add3A_109 = arith.addi %mul3A_107, %add3A_108 : i32
      %swap3A_110 = arith.index_cast %add3A_109 : i32 to index
      %swap3A_111 = tpu.vector_load %arg10[%swap3A_110] {strides = array<i32>} : memref<3072xf32, #tpu.memory_space<vmem>>, vector<16xf32>,
      tpu.vector_store %arg10[%swap3A_110], %broadcast_in_dim3A_4 {strides = array<i32>} : memref<3072xf32, #tpu.memory_space<vmem>>, vector<16xf32>,
    }
    %scan3A_9 = arith.constant 24 : i32
    %mul3A_10 = arith.constant 6272 : i32
    %mul3A_11 = arith.muli %arg1, %mul3A_10 : i32
    "tpu.region"() ({
      %run_scoped3A = tpu.sem_alloc : memref<!tpu.dma_semaphore, #tpu.memory_space<semaphore_mem>>
      %dma_start3A_64 = tpu.memref_slice %arg14[%mul3A_11] : memref<100352xf32, #tpu.memory_space<vmem_shared>> -> memref<3072xf32, #tpu.memory_space<vmem_shared>>
      %dma_start3A_65 = tpu.memref_slice %arg14[%mul3A_11] : memref<100352xf32, #tpu.memory_space<vmem_shared>> -> memref<3072xf32, #tpu.memory_space<vmem_shared>>
      tpu.enqueue_dma source(%arg10 : memref<3072xf32, #tpu.memory_space<vmem>>) target(%dma_start3A_65 : memref<3072xf32, #tpu.memory_space<vmem_shared>>) target_semaphore(%run_scoped3A : memref<!tpu.dma_semaphore, #tpu.memory_space<semaphore_mem>>)
      %dma_wait3A_66 = tpu.memref_slice %arg14[%mul3A_11] : memref<100352xf32, #tpu.memory_space<vmem_shared>> -> memref<3072xf32, #tpu.memory_space<vmem_shared>>
      %dma_wait3A_67 = tpu.memref_slice %arg14[%mul3A_11] : memref<100352xf32, #tpu.memory_space<vmem_shared>> -> memref<3072xf32, #tpu.memory_space<vmem_shared>>
      tpu.wait_dma2 semaphore(%run_scoped3A : memref<!tpu.dma_semaphore, #tpu.memory_space<semaphore_mem>>) src(%arg10 : memref<3072xf32, #tpu.memory_space<vmem>>) dst(%dma_wait3A_67 : memref<3072xf32, #tpu.memory_space<vmem_shared>>)
      tpu.yield
    }) : () -> ()
    %mul3A_12 = arith.constant 6272 : i32
    %mul3A_13 = arith.muli %arg1, %mul3A_12 : i32
    %add3A_14 = arith.constant 3072 : i32
    %add3A_15 = arith.addi %mul3A_13, %add3A_14 : i32
    "tpu.region"() ({
      %run_scoped3A = tpu.sem_alloc : memref<!tpu.dma_semaphore, #tpu.memory_space<semaphore_mem>>
      %dma_start3A_64 = tpu.memref_slice %arg14[%add3A_15] : memref<100352xf32, #tpu.memory_space<vmem_shared>> -> memref<3072xf32, #tpu.memory_space<vmem_shared>>
      %dma_start3A_65 = tpu.memref_slice %arg14[%add3A_15] : memref<100352xf32, #tpu.memory_space<vmem_shared>> -> memref<3072xf32, #tpu.memory_space<vmem_shared>>
      tpu.enqueue_dma source(%arg10 : memref<3072xf32, #tpu.memory_space<vmem>>) target(%dma_start3A_65 : memref<3072xf32, #tpu.memory_space<vmem_shared>>) target_semaphore(%run_scoped3A : memref<!tpu.dma_semaphore, #tpu.memory_space<semaphore_mem>>)
      %dma_wait3A_66 = tpu.memref_slice %arg14[%add3A_15] : memref<100352xf32, #tpu.memory_space<vmem_shared>> -> memref<3072xf32, #tpu.memory_space<vmem_shared>>
      %dma_wait3A_67 = tpu.memref_slice %arg14[%add3A_15] : memref<100352xf32, #tpu.memory_space<vmem_shared>> -> memref<3072xf32, #tpu.memory_space<vmem_shared>>
      tpu.wait_dma2 semaphore(%run_scoped3A : memref<!tpu.dma_semaphore, #tpu.memory_space<semaphore_mem>>) src(%arg10 : memref<3072xf32, #tpu.memory_space<vmem>>) dst(%dma_wait3A_67 : memref<3072xf32, #tpu.memory_space<vmem_shared>>)
      tpu.yield
    }) : () -> ()
    %mul3A_16 = arith.constant 6272 : i32
    %mul3A_17 = arith.muli %arg1, %mul3A_16 : i32
    %add3A_18 = arith.constant 6144 : i32
    %add3A_19 = arith.addi %mul3A_17, %add3A_18 : i32
    "tpu.region"() ({
      %run_scoped3A = tpu.sem_alloc : memref<!tpu.dma_semaphore, #tpu.memory_space<semaphore_mem>>
      %dma_start3A_64 = arith.constant 0 : i32
      %dma_start3A_65 = tpu.memref_slice %arg10[%dma_start3A_64] : memref<3072xf32, #tpu.memory_space<vmem>> -> memref<128xf32, #tpu.memory_space<vmem>>
      %dma_start3A_66 = tpu.memref_slice %arg14[%add3A_19] : memref<100352xf32, #tpu.memory_space<vmem_shared>> -> memref<128xf32, #tpu.memory_space<vmem_shared>>
      %dma_start3A_67 = tpu.memref_slice %arg14[%add3A_19] : memref<100352xf32, #tpu.memory_space<vmem_shared>> -> memref<128xf32, #tpu.memory_space<vmem_shared>>
      %dma_start3A_68 = arith.constant 0 : i32
      %dma_start3A_69 = tpu.memref_slice %arg10[%dma_start3A_68] : memref<3072xf32, #tpu.memory_space<vmem>> -> memref<128xf32, #tpu.memory_space<vmem>>
      tpu.enqueue_dma source(%dma_start3A_69 : memref<128xf32, #tpu.memory_space<vmem>>) target(%dma_start3A_67 : memref<128xf32, #tpu.memory_space<vmem_shared>>) target_semaphore(%run_scoped3A : memref<!tpu.dma_semaphore, #tpu.memory_space<semaphore_mem>>)
      %dma_wait3A_70 = arith.constant 0 : i32
      %dma_wait3A_71 = tpu.memref_slice %arg10[%dma_wait3A_70] : memref<3072xf32, #tpu.memory_space<vmem>> -> memref<128xf32, #tpu.memory_space<vmem>>
      %dma_wait3A_72 = tpu.memref_slice %arg14[%add3A_19] : memref<100352xf32, #tpu.memory_space<vmem_shared>> -> memref<128xf32, #tpu.memory_space<vmem_shared>>
      %dma_wait3A_73 = tpu.memref_slice %arg14[%add3A_19] : memref<100352xf32, #tpu.memory_space<vmem_shared>> -> memref<128xf32, #tpu.memory_space<vmem_shared>>
      %dma_wait3A_74 = arith.constant 0 : i32
      %dma_wait3A_75 = tpu.memref_slice %arg10[%dma_wait3A_74] : memref<3072xf32, #tpu.memory_space<vmem>> -> memref<128xf32, #tpu.memory_space<vmem>>
      tpu.wait_dma2 semaphore(%run_scoped3A : memref<!tpu.dma_semaphore, #tpu.memory_space<semaphore_mem>>) src(%dma_wait3A_75 : memref<128xf32, #tpu.memory_space<vmem>>) dst(%dma_wait3A_73 : memref<128xf32, #tpu.memory_space<vmem_shared>>)
      tpu.yield
    }) : () -> ()
    %dma_wait3A = arith.constant 0 : i32
    %dma_wait3A_20 = tpu.memref_slice %arg2[%dma_wait3A] : memref<100352xf32, #tpu.memory_space<hbm>> -> memref<100000xf32, #tpu.memory_space<hbm>>
    %dma_wait3A_21 = arith.constant 0 : i32
    %dma_wait3A_22 = tpu.memref_slice %arg2[%dma_wait3A_21] : memref<100352xf32, #tpu.memory_space<hbm>> -> memref<100000xf32, #tpu.memory_space<hbm>>
    tpu.wait_dma2 semaphore(%arg15 : memref<!tpu.dma_semaphore, #tpu.memory_space<semaphore_mem>>) src(%dma_wait3A_22 : memref<100000xf32, #tpu.memory_space<hbm>>) dst(%arg6 : memref<100000xf32, #tpu.memory_space<vmem>>)
    %barrier3A = arith.constant 0 : index
    tpu.barrier barrier_id(%barrier3A)
    %get3A = arith.constant 0 : index
    %get3A_23 = tpu.vector_load %arg13[%get3A] {strides = array<i32>} : memref<16xf32, #tpu.memory_space<vmem>>, vector<16xf32>,
    %iota3A = tpu.iota {dimensions = array<i32: 0>} : vector<16xi32>
    %broadcast_in_dim3A_24 = arith.constant 0x7F800000 : f32
    %broadcast_in_dim3A_25 = vector.broadcast %broadcast_in_dim3A_24 : f32 to vector<16xf32>
    %broadcast_in_dim3A_26 = arith.constant 0 : i32
    %broadcast_in_dim3A_27 = vector.broadcast %broadcast_in_dim3A_26 : i32 to vector<16xi32>
    %dma_start3A_28 = arith.constant 0 : i32
    %dma_start3A_29 = arith.constant 0 : i32
    %dma_start3A_30 = tpu.memref_slice %arg3[%add3A, %dma_start3A_29] : memref<521x3072xi32, #tpu.memory_space<hbm>> -> memref<1x3072xi32, #tpu.memory_space<hbm>>
    %dma_start3A_31 = tpu.memref_squeeze %dma_start3A_30 : memref<1x3072xi32, #tpu.memory_space<hbm>> -> memref<3072xi32, #tpu.memory_space<hbm>>
    %dma_start3A_32 = tpu.memref_slice %arg16[%dma_start3A_28] : memref<3x!tpu.dma_semaphore, #tpu.memory_space<semaphore_mem>> -> memref<1x!tpu.dma_semaphore, #tpu.memory_space<semaphore_mem>>
    %dma_start3A_33 = tpu.memref_squeeze %dma_start3A_32 : memref<1x!tpu.dma_semaphore, #tpu.memory_space<semaphore_mem>> -> memref<!tpu.dma_semaphore, #tpu.memory_space<semaphore_mem>>
    %dma_start3A_34 = arith.constant 0 : i32
    %dma_start3A_35 = tpu.memref_slice %arg3[%add3A, %dma_start3A_34] : memref<521x3072xi32, #tpu.memory_space<hbm>> -> memref<1x3072xi32, #tpu.memory_space<hbm>>
    %dma_start3A_36 = tpu.memref_squeeze %dma_start3A_35 : memref<1x3072xi32, #tpu.memory_space<hbm>> -> memref<3072xi32, #tpu.memory_space<hbm>>
    tpu.enqueue_dma source(%dma_start3A_36 : memref<3072xi32, #tpu.memory_space<hbm>>) target(%arg7 : memref<3072xi32, #tpu.memory_space<vmem>>) target_semaphore(%dma_start3A_33 : memref<!tpu.dma_semaphore, #tpu.memory_space<semaphore_mem>>)
    %scan3A_37 = arith.constant 0 : i32
    %scan3A_38 = arith.constant 0 : i32
    %scan3A_39 = arith.constant 7 : i32
    %scan3A_40 = arith.addi %scan3A_38, %scan3A_39 : i32
    %scan3A_41 = arith.constant 1 : i32
    scf.for %scan3A_64 = %scan3A_38 to %scan3A_40 step %scan3A_41  : i32 {
      %mul3A_65 = arith.constant 3 : i32
      %mul3A_66 = arith.muli %scan3A_64, %mul3A_65 : i32
      %mul3A_67 = arith.constant 32 : i32
      %mul3A_68 = arith.muli %mul3A_67, %mul3A_66 : i32
      %add3A_69 = arith.addi %add3A, %mul3A_68 : i32
      %sub3A = arith.constant 64 : i32
      %sub3A_70 = arith.subi %add3A_69, %sub3A : i32
      %add3A_71 = arith.constant 32 : i32
      %add3A_72 = arith.addi %add3A_69, %add3A_71 : i32
      %ge3A = arith.constant 0 : i32
      %ge3A_73 = arith.cmpi sge, %sub3A_70, %ge3A : i32
      %lt3A = arith.constant 521 : i32
      %lt3A_74 = arith.cmpi slt, %sub3A_70, %lt3A : i32
      %and3A = arith.andi %ge3A_73, %lt3A_74 : i1
      %convert_element_type3A = arith.extui %and3A : i1 to i32
      %cond3A = arith.constant 0 : i32
      %cond3A_75 = arith.cmpi ne, %convert_element_type3A, %cond3A : i32
      scf.if %cond3A_75 {
        %dma_wait3A_144 = arith.constant 1 : i32
        %dma_wait3A_145 = arith.constant 0 : i32
        %dma_wait3A_146 = tpu.memref_slice %arg14[%dma_wait3A_145] : memref<100352xf32, #tpu.memory_space<vmem_shared>> -> memref<100352xf32, #tpu.memory_space<vmem_shared>>
        %dma_wait3A_147 = tpu.memref_slice %arg17[%dma_wait3A_144] : memref<3x!tpu.dma_semaphore, #tpu.memory_space<semaphore_mem>> -> memref<1x!tpu.dma_semaphore, #tpu.memory_space<semaphore_mem>>
        %dma_wait3A_148 = tpu.memref_squeeze %dma_wait3A_147 : memref<1x!tpu.dma_semaphore, #tpu.memory_space<semaphore_mem>> -> memref<!tpu.dma_semaphore, #tpu.memory_space<semaphore_mem>>
        tpu.wait_indirect_dma semaphore(%dma_wait3A_148 : memref<!tpu.dma_semaphore, #tpu.memory_space<semaphore_mem>>) src(%arg11 : memref<3072xf32, #tpu.memory_space<vmem>>) dst(%dma_wait3A_146 : memref<100352xf32, #tpu.memory_space<vmem_shared>>)
      } else {
      }
      %lt3A_76 = arith.constant 521 : i32
      %lt3A_77 = arith.cmpi slt, %add3A_72, %lt3A_76 : i32
      %convert_element_type3A_78 = arith.extui %lt3A_77 : i1 to i32
      %cond3A_79 = arith.constant 0 : i32
      %cond3A_80 = arith.cmpi ne, %convert_element_type3A_78, %cond3A_79 : i32
      scf.if %cond3A_80 {
        %dma_start3A_144 = arith.constant 1 : i32
        %dma_start3A_145 = arith.constant 0 : i32
        %dma_start3A_146 = tpu.memref_slice %arg3[%add3A_72, %dma_start3A_145] : memref<521x3072xi32, #tpu.memory_space<hbm>> -> memref<1x3072xi32, #tpu.memory_space<hbm>>
        %dma_start3A_147 = tpu.memref_squeeze %dma_start3A_146 : memref<1x3072xi32, #tpu.memory_space<hbm>> -> memref<3072xi32, #tpu.memory_space<hbm>>
        %dma_start3A_148 = tpu.memref_slice %arg16[%dma_start3A_144] : memref<3x!tpu.dma_semaphore, #tpu.memory_space<semaphore_mem>> -> memref<1x!tpu.dma_semaphore, #tpu.memory_space<semaphore_mem>>
        %dma_start3A_149 = tpu.memref_squeeze %dma_start3A_148 : memref<1x!tpu.dma_semaphore, #tpu.memory_space<semaphore_mem>> -> memref<!tpu.dma_semaphore, #tpu.memory_space<semaphore_mem>>
        %dma_start3A_150 = arith.constant 0 : i32
        %dma_start3A_151 = tpu.memref_slice %arg3[%add3A_72, %dma_start3A_150] : memref<521x3072xi32, #tpu.memory_space<hbm>> -> memref<1x3072xi32, #tpu.memory_space<hbm>>
        %dma_start3A_152 = tpu.memref_squeeze %dma_start3A_151 : memref<1x3072xi32, #tpu.memory_space<hbm>> -> memref<3072xi32, #tpu.memory_space<hbm>>
        tpu.enqueue_dma source(%dma_start3A_152 : memref<3072xi32, #tpu.memory_space<hbm>>) target(%arg8 : memref<3072xi32, #tpu.memory_space<vmem>>) target_semaphore(%dma_start3A_149 : memref<!tpu.dma_semaphore, #tpu.memory_space<semaphore_mem>>)
      } else {
      }
      %lt3A_81 = arith.constant 521 : i32
      %lt3A_82 = arith.cmpi slt, %add3A_69, %lt3A_81 : i32
      %convert_element_type3A_83 = arith.extui %lt3A_82 : i1 to i32
      %cond3A_84 = arith.constant 0 : i32
      %cond3A_85 = arith.cmpi ne, %convert_element_type3A_83, %cond3A_84 : i32
      scf.if %cond3A_85 {
        %dma_wait3A_144 = arith.constant 0 : i32
        %dma_wait3A_145 = arith.constant 0 : i32
        %dma_wait3A_146 = tpu.memref_slice %arg3[%add3A_69, %dma_wait3A_145] : memref<521x3072xi32, #tpu.memory_space<hbm>> -> memref<1x3072xi32, #tpu.memory_space<hbm>>
        %dma_wait3A_147 = tpu.memref_squeeze %dma_wait3A_146 : memref<1x3072xi32, #tpu.memory_space<hbm>> -> memref<3072xi32, #tpu.memory_space<hbm>>
        %dma_wait3A_148 = tpu.memref_slice %arg16[%dma_wait3A_144] : memref<3x!tpu.dma_semaphore, #tpu.memory_space<semaphore_mem>> -> memref<1x!tpu.dma_semaphore, #tpu.memory_space<semaphore_mem>>
        %dma_wait3A_149 = tpu.memref_squeeze %dma_wait3A_148 : memref<1x!tpu.dma_semaphore, #tpu.memory_space<semaphore_mem>> -> memref<!tpu.dma_semaphore, #tpu.memory_space<semaphore_mem>>
        %dma_wait3A_150 = arith.constant 0 : i32
        %dma_wait3A_151 = tpu.memref_slice %arg3[%add3A_69, %dma_wait3A_150] : memref<521x3072xi32, #tpu.memory_space<hbm>> -> memref<1x3072xi32, #tpu.memory_space<hbm>>
        %dma_wait3A_152 = tpu.memref_squeeze %dma_wait3A_151 : memref<1x3072xi32, #tpu.memory_space<hbm>> -> memref<3072xi32, #tpu.memory_space<hbm>>
        tpu.wait_dma2 semaphore(%dma_wait3A_149 : memref<!tpu.dma_semaphore, #tpu.memory_space<semaphore_mem>>) src(%dma_wait3A_152 : memref<3072xi32, #tpu.memory_space<hbm>>) dst(%arg7 : memref<3072xi32, #tpu.memory_space<vmem>>)
        %mul3A_153 = arith.constant 96 : i32
        %mul3A_154 = arith.muli %add3A_69, %mul3A_153 : i32
        %dma_start3A_155 = arith.constant 0 : i32
        %dma_start3A_156 = arith.constant 0 : i32
        %dma_start3A_157 = tpu.memref_slice %arg14[%dma_start3A_156] : memref<100352xf32, #tpu.memory_space<vmem_shared>> -> memref<100352xf32, #tpu.memory_space<vmem_shared>>
        %dma_start3A_158 = tpu.memref_slice %arg17[%dma_start3A_155] : memref<3x!tpu.dma_semaphore, #tpu.memory_space<semaphore_mem>> -> memref<1x!tpu.dma_semaphore, #tpu.memory_space<semaphore_mem>>
        %dma_start3A_159 = tpu.memref_squeeze %dma_start3A_158 : memref<1x!tpu.dma_semaphore, #tpu.memory_space<semaphore_mem>> -> memref<!tpu.dma_semaphore, #tpu.memory_space<semaphore_mem>>
        tpu.enqueue_indirect_dma source(%arg10 : memref<3072xf32, #tpu.memory_space<vmem>>) target(%dma_start3A_157 : memref<100352xf32, #tpu.memory_space<vmem_shared>>) offsets(%arg7 : memref<3072xi32, #tpu.memory_space<vmem>>) semaphore(%dma_start3A_159 : memref<!tpu.dma_semaphore, #tpu.memory_space<semaphore_mem>>) {add = true}
      } else {
      }
      %mul3A_86 = arith.constant 3 : i32
      %mul3A_87 = arith.muli %scan3A_64, %mul3A_86 : i32
      %add3A_88 = arith.constant 1 : i32
      %add3A_89 = arith.addi %mul3A_87, %add3A_88 : i32
      %mul3A_90 = arith.constant 32 : i32
      %mul3A_91 = arith.muli %mul3A_90, %add3A_89 : i32
      %add3A_92 = arith.addi %add3A, %mul3A_91 : i32
      %sub3A_93 = arith.constant 64 : i32
      %sub3A_94 = arith.subi %add3A_92, %sub3A_93 : i32
      %add3A_95 = arith.constant 32 : i32
      %add3A_96 = arith.addi %add3A_92, %add3A_95 : i32
      %ge3A_97 = arith.constant 0 : i32
      %ge3A_98 = arith.cmpi sge, %sub3A_94, %ge3A_97 : i32
      %lt3A_99 = arith.constant 521 : i32
      %lt3A_100 = arith.cmpi slt, %sub3A_94, %lt3A_99 : i32
      %and3A_101 = arith.andi %ge3A_98, %lt3A_100 : i1
      %convert_element_type3A_102 = arith.extui %and3A_101 : i1 to i32
      %cond3A_103 = arith.constant 0 : i32
      %cond3A_104 = arith.cmpi ne, %convert_element_type3A_102, %cond3A_103 : i32
      scf.if %cond3A_104 {
        %dma_wait3A_144 = arith.constant 2 : i32
        %dma_wait3A_145 = arith.constant 0 : i32
        %dma_wait3A_146 = tpu.memref_slice %arg14[%dma_wait3A_145] : memref<100352xf32, #tpu.memory_space<vmem_shared>> -> memref<100352xf32, #tpu.memory_space<vmem_shared>>
        %dma_wait3A_147 = tpu.memref_slice %arg17[%dma_wait3A_144] : memref<3x!tpu.dma_semaphore, #tpu.memory_space<semaphore_mem>> -> memref<1x!tpu.dma_semaphore, #tpu.memory_space<semaphore_mem>>
        %dma_wait3A_148 = tpu.memref_squeeze %dma_wait3A_147 : memref<1x!tpu.dma_semaphore, #tpu.memory_space<semaphore_mem>> -> memref<!tpu.dma_semaphore, #tpu.memory_space<semaphore_mem>>
        tpu.wait_indirect_dma semaphore(%dma_wait3A_148 : memref<!tpu.dma_semaphore, #tpu.memory_space<semaphore_mem>>) src(%arg12 : memref<3072xf32, #tpu.memory_space<vmem>>) dst(%dma_wait3A_146 : memref<100352xf32, #tpu.memory_space<vmem_shared>>)
      } else {
      }
      %lt3A_105 = arith.constant 521 : i32
      %lt3A_106 = arith.cmpi slt, %add3A_96, %lt3A_105 : i32
      %convert_element_type3A_107 = arith.extui %lt3A_106 : i1 to i32
      %cond3A_108 = arith.constant 0 : i32
      %cond3A_109 = arith.cmpi ne, %convert_element_type3A_107, %cond3A_108 : i32
      scf.if %cond3A_109 {
        %dma_start3A_144 = arith.constant 2 : i32
        %dma_start3A_145 = arith.constant 0 : i32
        %dma_start3A_146 = tpu.memref_slice %arg3[%add3A_96, %dma_start3A_145] : memref<521x3072xi32, #tpu.memory_space<hbm>> -> memref<1x3072xi32, #tpu.memory_space<hbm>>
        %dma_start3A_147 = tpu.memref_squeeze %dma_start3A_146 : memref<1x3072xi32, #tpu.memory_space<hbm>> -> memref<3072xi32, #tpu.memory_space<hbm>>
        %dma_start3A_148 = tpu.memref_slice %arg16[%dma_start3A_144] : memref<3x!tpu.dma_semaphore, #tpu.memory_space<semaphore_mem>> -> memref<1x!tpu.dma_semaphore, #tpu.memory_space<semaphore_mem>>
        %dma_start3A_149 = tpu.memref_squeeze %dma_start3A_148 : memref<1x!tpu.dma_semaphore, #tpu.memory_space<semaphore_mem>> -> memref<!tpu.dma_semaphore, #tpu.memory_space<semaphore_mem>>
        %dma_start3A_150 = arith.constant 0 : i32
        %dma_start3A_151 = tpu.memref_slice %arg3[%add3A_96, %dma_start3A_150] : memref<521x3072xi32, #tpu.memory_space<hbm>> -> memref<1x3072xi32, #tpu.memory_space<hbm>>
        %dma_start3A_152 = tpu.memref_squeeze %dma_start3A_151 : memref<1x3072xi32, #tpu.memory_space<hbm>> -> memref<3072xi32, #tpu.memory_space<hbm>>
        tpu.enqueue_dma source(%dma_start3A_152 : memref<3072xi32, #tpu.memory_space<hbm>>) target(%arg9 : memref<3072xi32, #tpu.memory_space<vmem>>) target_semaphore(%dma_start3A_149 : memref<!tpu.dma_semaphore, #tpu.memory_space<semaphore_mem>>)
      } else {
      }
      %lt3A_110 = arith.constant 521 : i32
      %lt3A_111 = arith.cmpi slt, %add3A_92, %lt3A_110 : i32
      %convert_element_type3A_112 = arith.extui %lt3A_111 : i1 to i32
      %cond3A_113 = arith.constant 0 : i32
      %cond3A_114 = arith.cmpi ne, %convert_element_type3A_112, %cond3A_113 : i32
      scf.if %cond3A_114 {
        %dma_wait3A_144 = arith.constant 1 : i32
        %dma_wait3A_145 = arith.constant 0 : i32
        %dma_wait3A_146 = tpu.memref_slice %arg3[%add3A_92, %dma_wait3A_145] : memref<521x3072xi32, #tpu.memory_space<hbm>> -> memref<1x3072xi32, #tpu.memory_space<hbm>>
        %dma_wait3A_147 = tpu.memref_squeeze %dma_wait3A_146 : memref<1x3072xi32, #tpu.memory_space<hbm>> -> memref<3072xi32, #tpu.memory_space<hbm>>
        %dma_wait3A_148 = tpu.memref_slice %arg16[%dma_wait3A_144] : memref<3x!tpu.dma_semaphore, #tpu.memory_space<semaphore_mem>> -> memref<1x!tpu.dma_semaphore, #tpu.memory_space<semaphore_mem>>
        %dma_wait3A_149 = tpu.memref_squeeze %dma_wait3A_148 : memref<1x!tpu.dma_semaphore, #tpu.memory_space<semaphore_mem>> -> memref<!tpu.dma_semaphore, #tpu.memory_space<semaphore_mem>>
        %dma_wait3A_150 = arith.constant 0 : i32
        %dma_wait3A_151 = tpu.memref_slice %arg3[%add3A_92, %dma_wait3A_150] : memref<521x3072xi32, #tpu.memory_space<hbm>> -> memref<1x3072xi32, #tpu.memory_space<hbm>>
        %dma_wait3A_152 = tpu.memref_squeeze %dma_wait3A_151 : memref<1x3072xi32, #tpu.memory_space<hbm>> -> memref<3072xi32, #tpu.memory_space<hbm>>
        tpu.wait_dma2 semaphore(%dma_wait3A_149 : memref<!tpu.dma_semaphore, #tpu.memory_space<semaphore_mem>>) src(%dma_wait3A_152 : memref<3072xi32, #tpu.memory_space<hbm>>) dst(%arg8 : memref<3072xi32, #tpu.memory_space<vmem>>)
        %mul3A_153 = arith.constant 96 : i32
        %mul3A_154 = arith.muli %add3A_92, %mul3A_153 : i32
        %dma_start3A_155 = arith.constant 1 : i32
        %dma_start3A_156 = arith.constant 0 : i32
        %dma_start3A_157 = tpu.memref_slice %arg14[%dma_start3A_156] : memref<100352xf32, #tpu.memory_space<vmem_shared>> -> memref<100352xf32, #tpu.memory_space<vmem_shared>>
        %dma_start3A_158 = tpu.memref_slice %arg17[%dma_start3A_155] : memref<3x!tpu.dma_semaphore, #tpu.memory_space<semaphore_mem>> -> memref<1x!tpu.dma_semaphore, #tpu.memory_space<semaphore_mem>>
        %dma_start3A_159 = tpu.memref_squeeze %dma_start3A_158 : memref<1x!tpu.dma_semaphore, #tpu.memory_space<semaphore_mem>> -> memref<!tpu.dma_semaphore, #tpu.memory_space<semaphore_mem>>
        tpu.enqueue_indirect_dma source(%arg11 : memref<3072xf32, #tpu.memory_space<vmem>>) target(%dma_start3A_157 : memref<100352xf32, #tpu.memory_space<vmem_shared>>) offsets(%arg8 : memref<3072xi32, #tpu.memory_space<vmem>>) semaphore(%dma_start3A_159 : memref<!tpu.dma_semaphore, #tpu.memory_space<semaphore_mem>>) {add = true}
      } else {
      }
      %mul3A_115 = arith.constant 3 : i32
      %mul3A_116 = arith.muli %scan3A_64, %mul3A_115 : i32
      %add3A_117 = arith.constant 2 : i32
      %add3A_118 = arith.addi %mul3A_116, %add3A_117 : i32
      %mul3A_119 = arith.constant 32 : i32
      %mul3A_120 = arith.muli %mul3A_119, %add3A_118 : i32
      %add3A_121 = arith.addi %add3A, %mul3A_120 : i32
      %sub3A_122 = arith.constant 64 : i32
      %sub3A_123 = arith.subi %add3A_121, %sub3A_122 : i32
      %add3A_124 = arith.constant 32 : i32
      %add3A_125 = arith.addi %add3A_121, %add3A_124 : i32
      %ge3A_126 = arith.constant 0 : i32
      %ge3A_127 = arith.cmpi sge, %sub3A_123, %ge3A_126 : i32
      %lt3A_128 = arith.constant 521 : i32
      %lt3A_129 = arith.cmpi slt, %sub3A_123, %lt3A_128 : i32
      %and3A_130 = arith.andi %ge3A_127, %lt3A_129 : i1
      %convert_element_type3A_131 = arith.extui %and3A_130 : i1 to i32
      %cond3A_132 = arith.constant 0 : i32
      %cond3A_133 = arith.cmpi ne, %convert_element_type3A_131, %cond3A_132 : i32
      scf.if %cond3A_133 {
        %dma_wait3A_144 = arith.constant 0 : i32
        %dma_wait3A_145 = arith.constant 0 : i32
        %dma_wait3A_146 = tpu.memref_slice %arg14[%dma_wait3A_145] : memref<100352xf32, #tpu.memory_space<vmem_shared>> -> memref<100352xf32, #tpu.memory_space<vmem_shared>>
        %dma_wait3A_147 = tpu.memref_slice %arg17[%dma_wait3A_144] : memref<3x!tpu.dma_semaphore, #tpu.memory_space<semaphore_mem>> -> memref<1x!tpu.dma_semaphore, #tpu.memory_space<semaphore_mem>>
        %dma_wait3A_148 = tpu.memref_squeeze %dma_wait3A_147 : memref<1x!tpu.dma_semaphore, #tpu.memory_space<semaphore_mem>> -> memref<!tpu.dma_semaphore, #tpu.memory_space<semaphore_mem>>
        tpu.wait_indirect_dma semaphore(%dma_wait3A_148 : memref<!tpu.dma_semaphore, #tpu.memory_space<semaphore_mem>>) src(%arg10 : memref<3072xf32, #tpu.memory_space<vmem>>) dst(%dma_wait3A_146 : memref<100352xf32, #tpu.memory_space<vmem_shared>>)
      } else {
      }
      %lt3A_134 = arith.constant 521 : i32
      %lt3A_135 = arith.cmpi slt, %add3A_125, %lt3A_134 : i32
      %convert_element_type3A_136 = arith.extui %lt3A_135 : i1 to i32
      %cond3A_137 = arith.constant 0 : i32
      %cond3A_138 = arith.cmpi ne, %convert_element_type3A_136, %cond3A_137 : i32
      scf.if %cond3A_138 {
        %dma_start3A_144 = arith.constant 0 : i32
        %dma_start3A_145 = arith.constant 0 : i32
        %dma_start3A_146 = tpu.memref_slice %arg3[%add3A_125, %dma_start3A_145] : memref<521x3072xi32, #tpu.memory_space<hbm>> -> memref<1x3072xi32, #tpu.memory_space<hbm>>
        %dma_start3A_147 = tpu.memref_squeeze %dma_start3A_146 : memref<1x3072xi32, #tpu.memory_space<hbm>> -> memref<3072xi32, #tpu.memory_space<hbm>>
        %dma_start3A_148 = tpu.memref_slice %arg16[%dma_start3A_144] : memref<3x!tpu.dma_semaphore, #tpu.memory_space<semaphore_mem>> -> memref<1x!tpu.dma_semaphore, #tpu.memory_space<semaphore_mem>>
        %dma_start3A_149 = tpu.memref_squeeze %dma_start3A_148 : memref<1x!tpu.dma_semaphore, #tpu.memory_space<semaphore_mem>> -> memref<!tpu.dma_semaphore, #tpu.memory_space<semaphore_mem>>
        %dma_start3A_150 = arith.constant 0 : i32
        %dma_start3A_151 = tpu.memref_slice %arg3[%add3A_125, %dma_start3A_150] : memref<521x3072xi32, #tpu.memory_space<hbm>> -> memref<1x3072xi32, #tpu.memory_space<hbm>>
        %dma_start3A_152 = tpu.memref_squeeze %dma_start3A_151 : memref<1x3072xi32, #tpu.memory_space<hbm>> -> memref<3072xi32, #tpu.memory_space<hbm>>
        tpu.enqueue_dma source(%dma_start3A_152 : memref<3072xi32, #tpu.memory_space<hbm>>) target(%arg7 : memref<3072xi32, #tpu.memory_space<vmem>>) target_semaphore(%dma_start3A_149 : memref<!tpu.dma_semaphore, #tpu.memory_space<semaphore_mem>>)
      } else {
      }
      %lt3A_139 = arith.constant 521 : i32
      %lt3A_140 = arith.cmpi slt, %add3A_121, %lt3A_139 : i32
      %convert_element_type3A_141 = arith.extui %lt3A_140 : i1 to i32
      %cond3A_142 = arith.constant 0 : i32
      %cond3A_143 = arith.cmpi ne, %convert_element_type3A_141, %cond3A_142 : i32
      scf.if %cond3A_143 {
        %dma_wait3A_144 = arith.constant 2 : i32
        %dma_wait3A_145 = arith.constant 0 : i32
        %dma_wait3A_146 = tpu.memref_slice %arg3[%add3A_121, %dma_wait3A_145] : memref<521x3072xi32, #tpu.memory_space<hbm>> -> memref<1x3072xi32, #tpu.memory_space<hbm>>
        %dma_wait3A_147 = tpu.memref_squeeze %dma_wait3A_146 : memref<1x3072xi32, #tpu.memory_space<hbm>> -> memref<3072xi32, #tpu.memory_space<hbm>>
        %dma_wait3A_148 = tpu.memref_slice %arg16[%dma_wait3A_144] : memref<3x!tpu.dma_semaphore, #tpu.memory_space<semaphore_mem>> -> memref<1x!tpu.dma_semaphore, #tpu.memory_space<semaphore_mem>>
        %dma_wait3A_149 = tpu.memref_squeeze %dma_wait3A_148 : memref<1x!tpu.dma_semaphore, #tpu.memory_space<semaphore_mem>> -> memref<!tpu.dma_semaphore, #tpu.memory_space<semaphore_mem>>
        %dma_wait3A_150 = arith.constant 0 : i32
        %dma_wait3A_151 = tpu.memref_slice %arg3[%add3A_121, %dma_wait3A_150] : memref<521x3072xi32, #tpu.memory_space<hbm>> -> memref<1x3072xi32, #tpu.memory_space<hbm>>
        %dma_wait3A_152 = tpu.memref_squeeze %dma_wait3A_151 : memref<1x3072xi32, #tpu.memory_space<hbm>> -> memref<3072xi32, #tpu.memory_space<hbm>>
        tpu.wait_dma2 semaphore(%dma_wait3A_149 : memref<!tpu.dma_semaphore, #tpu.memory_space<semaphore_mem>>) src(%dma_wait3A_152 : memref<3072xi32, #tpu.memory_space<hbm>>) dst(%arg9 : memref<3072xi32, #tpu.memory_space<vmem>>)
        %mul3A_153 = arith.constant 96 : i32
        %mul3A_154 = arith.muli %add3A_121, %mul3A_153 : i32
        %dma_start3A_155 = arith.constant 2 : i32
        %dma_start3A_156 = arith.constant 0 : i32
        %dma_start3A_157 = tpu.memref_slice %arg14[%dma_start3A_156] : memref<100352xf32, #tpu.memory_space<vmem_shared>> -> memref<100352xf32, #tpu.memory_space<vmem_shared>>
        %dma_start3A_158 = tpu.memref_slice %arg17[%dma_start3A_155] : memref<3x!tpu.dma_semaphore, #tpu.memory_space<semaphore_mem>> -> memref<1x!tpu.dma_semaphore, #tpu.memory_space<semaphore_mem>>
        %dma_start3A_159 = tpu.memref_squeeze %dma_start3A_158 : memref<1x!tpu.dma_semaphore, #tpu.memory_space<semaphore_mem>> -> memref<!tpu.dma_semaphore, #tpu.memory_space<semaphore_mem>>
        tpu.enqueue_indirect_dma source(%arg12 : memref<3072xf32, #tpu.memory_space<vmem>>) target(%dma_start3A_157 : memref<100352xf32, #tpu.memory_space<vmem_shared>>) offsets(%arg9 : memref<3072xi32, #tpu.memory_space<vmem>>) semaphore(%dma_start3A_159 : memref<!tpu.dma_semaphore, #tpu.memory_space<semaphore_mem>>) {add = true}
      } else {
      }
    }
    %scan3A_42 = arith.constant 7 : i32
    %barrier3A_43 = arith.constant 0 : index
    tpu.barrier barrier_id(%barrier3A_43)
    %mul3A_44 = arith.constant 6272 : i32
    %mul3A_45 = arith.muli %arg1, %mul3A_44 : i32
    "tpu.region"() ({
      %run_scoped3A = tpu.sem_alloc : memref<!tpu.dma_semaphore, #tpu.memory_space<semaphore_mem>>
      %dma_start3A_64 = tpu.memref_slice %arg14[%mul3A_45] : memref<100352xf32, #tpu.memory_space<vmem_shared>> -> memref<3072xf32, #tpu.memory_space<vmem_shared>>
      %dma_start3A_65 = tpu.memref_slice %arg14[%mul3A_45] : memref<100352xf32, #tpu.memory_space<vmem_shared>> -> memref<3072xf32, #tpu.memory_space<vmem_shared>>
      tpu.enqueue_dma source(%dma_start3A_65 : memref<3072xf32, #tpu.memory_space<vmem_shared>>) target(%arg10 : memref<3072xf32, #tpu.memory_space<vmem>>) target_semaphore(%run_scoped3A : memref<!tpu.dma_semaphore, #tpu.memory_space<semaphore_mem>>)
      %dma_wait3A_66 = tpu.memref_slice %arg14[%mul3A_45] : memref<100352xf32, #tpu.memory_space<vmem_shared>> -> memref<3072xf32, #tpu.memory_space<vmem_shared>>
      %dma_wait3A_67 = tpu.memref_slice %arg14[%mul3A_45] : memref<100352xf32, #tpu.memory_space<vmem_shared>> -> memref<3072xf32, #tpu.memory_space<vmem_shared>>
      tpu.wait_dma2 semaphore(%run_scoped3A : memref<!tpu.dma_semaphore, #tpu.memory_space<semaphore_mem>>) src(%dma_wait3A_67 : memref<3072xf32, #tpu.memory_space<vmem_shared>>) dst(%arg10 : memref<3072xf32, #tpu.memory_space<vmem>>)
      tpu.yield
    }) : () -> ()
    %mul3A_46 = arith.constant 6272 : i32
    %mul3A_47 = arith.muli %arg1, %mul3A_46 : i32
    %add3A_48 = arith.constant 3072 : i32
    %add3A_49 = arith.addi %mul3A_47, %add3A_48 : i32
    "tpu.region"() ({
      %run_scoped3A = tpu.sem_alloc : memref<!tpu.dma_semaphore, #tpu.memory_space<semaphore_mem>>
      %dma_start3A_64 = tpu.memref_slice %arg14[%add3A_49] : memref<100352xf32, #tpu.memory_space<vmem_shared>> -> memref<3072xf32, #tpu.memory_space<vmem_shared>>
      %dma_start3A_65 = tpu.memref_slice %arg14[%add3A_49] : memref<100352xf32, #tpu.memory_space<vmem_shared>> -> memref<3072xf32, #tpu.memory_space<vmem_shared>>
      tpu.enqueue_dma source(%dma_start3A_65 : memref<3072xf32, #tpu.memory_space<vmem_shared>>) target(%arg11 : memref<3072xf32, #tpu.memory_space<vmem>>) target_semaphore(%run_scoped3A : memref<!tpu.dma_semaphore, #tpu.memory_space<semaphore_mem>>)
      %dma_wait3A_66 = tpu.memref_slice %arg14[%add3A_49] : memref<100352xf32, #tpu.memory_space<vmem_shared>> -> memref<3072xf32, #tpu.memory_space<vmem_shared>>
      %dma_wait3A_67 = tpu.memref_slice %arg14[%add3A_49] : memref<100352xf32, #tpu.memory_space<vmem_shared>> -> memref<3072xf32, #tpu.memory_space<vmem_shared>>
      tpu.wait_dma2 semaphore(%run_scoped3A : memref<!tpu.dma_semaphore, #tpu.memory_space<semaphore_mem>>) src(%dma_wait3A_67 : memref<3072xf32, #tpu.memory_space<vmem_shared>>) dst(%arg11 : memref<3072xf32, #tpu.memory_space<vmem>>)
      tpu.yield
    }) : () -> ()
    %mul3A_50 = arith.constant 6272 : i32
    %mul3A_51 = arith.muli %arg1, %mul3A_50 : i32
    %add3A_52 = arith.constant 6144 : i32
    %add3A_53 = arith.addi %mul3A_51, %add3A_52 : i32
    "tpu.region"() ({
      %run_scoped3A = tpu.sem_alloc : memref<!tpu.dma_semaphore, #tpu.memory_space<semaphore_mem>>
      %dma_start3A_64 = arith.constant 0 : i32
      %dma_start3A_65 = tpu.memref_slice %arg12[%dma_start3A_64] : memref<3072xf32, #tpu.memory_space<vmem>> -> memref<128xf32, #tpu.memory_space<vmem>>
      %dma_start3A_66 = tpu.memref_slice %arg14[%add3A_53] : memref<100352xf32, #tpu.memory_space<vmem_shared>> -> memref<128xf32, #tpu.memory_space<vmem_shared>>
      %dma_start3A_67 = arith.constant 0 : i32
      %dma_start3A_68 = tpu.memref_slice %arg12[%dma_start3A_67] : memref<3072xf32, #tpu.memory_space<vmem>> -> memref<128xf32, #tpu.memory_space<vmem>>
      %dma_start3A_69 = tpu.memref_slice %arg14[%add3A_53] : memref<100352xf32, #tpu.memory_space<vmem_shared>> -> memref<128xf32, #tpu.memory_space<vmem_shared>>
      tpu.enqueue_dma source(%dma_start3A_69 : memref<128xf32, #tpu.memory_space<vmem_shared>>) target(%dma_start3A_68 : memref<128xf32, #tpu.memory_space<vmem>>) target_semaphore(%run_scoped3A : memref<!tpu.dma_semaphore, #tpu.memory_space<semaphore_mem>>)
      %dma_wait3A_70 = arith.constant 0 : i32
      %dma_wait3A_71 = tpu.memref_slice %arg12[%dma_wait3A_70] : memref<3072xf32, #tpu.memory_space<vmem>> -> memref<128xf32, #tpu.memory_space<vmem>>
      %dma_wait3A_72 = tpu.memref_slice %arg14[%add3A_53] : memref<100352xf32, #tpu.memory_space<vmem_shared>> -> memref<128xf32, #tpu.memory_space<vmem_shared>>
      %dma_wait3A_73 = arith.constant 0 : i32
      %dma_wait3A_74 = tpu.memref_slice %arg12[%dma_wait3A_73] : memref<3072xf32, #tpu.memory_space<vmem>> -> memref<128xf32, #tpu.memory_space<vmem>>
      %dma_wait3A_75 = tpu.memref_slice %arg14[%add3A_53] : memref<100352xf32, #tpu.memory_space<vmem_shared>> -> memref<128xf32, #tpu.memory_space<vmem_shared>>
      tpu.wait_dma2 semaphore(%run_scoped3A : memref<!tpu.dma_semaphore, #tpu.memory_space<semaphore_mem>>) src(%dma_wait3A_75 : memref<128xf32, #tpu.memory_space<vmem_shared>>) dst(%dma_wait3A_74 : memref<128xf32, #tpu.memory_space<vmem>>)
      tpu.yield
    }) : () -> ()
    %mul3A_54 = arith.constant 6272 : i32
    %mul3A_55 = arith.muli %arg1, %mul3A_54 : i32
    "tpu.region"() ({
      %run_scoped3A = tpu.sem_alloc : memref<!tpu.dma_semaphore, #tpu.memory_space<semaphore_mem>>
      %dma_start3A_64 = tpu.memref_slice %arg5[%arg0, %mul3A_55] : memref<2x100352xf32, #tpu.memory_space<hbm>> -> memref<1x3072xf32, #tpu.memory_space<hbm>>
      %dma_start3A_65 = tpu.memref_squeeze %dma_start3A_64 : memref<1x3072xf32, #tpu.memory_space<hbm>> -> memref<3072xf32, #tpu.memory_space<hbm>>
      %dma_start3A_66 = tpu.memref_slice %arg5[%arg0, %mul3A_55] : memref<2x100352xf32, #tpu.memory_space<hbm>> -> memref<1x3072xf32, #tpu.memory_space<hbm>>
      %dma_start3A_67 = tpu.memref_squeeze %dma_start3A_66 : memref<1x3072xf32, #tpu.memory_space<hbm>> -> memref<3072xf32, #tpu.memory_space<hbm>>
      tpu.enqueue_dma source(%arg10 : memref<3072xf32, #tpu.memory_space<vmem>>) target(%dma_start3A_67 : memref<3072xf32, #tpu.memory_space<hbm>>) target_semaphore(%run_scoped3A : memref<!tpu.dma_semaphore, #tpu.memory_space<semaphore_mem>>)
      %dma_wait3A_68 = tpu.memref_slice %arg5[%arg0, %mul3A_55] : memref<2x100352xf32, #tpu.memory_space<hbm>> -> memref<1x3072xf32, #tpu.memory_space<hbm>>
      %dma_wait3A_69 = tpu.memref_squeeze %dma_wait3A_68 : memref<1x3072xf32, #tpu.memory_space<hbm>> -> memref<3072xf32, #tpu.memory_space<hbm>>
      %dma_wait3A_70 = tpu.memref_slice %arg5[%arg0, %mul3A_55] : memref<2x100352xf32, #tpu.memory_space<hbm>> -> memref<1x3072xf32, #tpu.memory_space<hbm>>
      %dma_wait3A_71 = tpu.memref_squeeze %dma_wait3A_70 : memref<1x3072xf32, #tpu.memory_space<hbm>> -> memref<3072xf32, #tpu.memory_space<hbm>>
      tpu.wait_dma2 semaphore(%run_scoped3A : memref<!tpu.dma_semaphore, #tpu.memory_space<semaphore_mem>>) src(%arg10 : memref<3072xf32, #tpu.memory_space<vmem>>) dst(%dma_wait3A_71 : memref<3072xf32, #tpu.memory_space<hbm>>)
      tpu.yield
    }) : () -> ()
    %mul3A_56 = arith.constant 6272 : i32
    %mul3A_57 = arith.muli %arg1, %mul3A_56 : i32
    %add3A_58 = arith.constant 3072 : i32
    %add3A_59 = arith.addi %mul3A_57, %add3A_58 : i32
    "tpu.region"() ({
      %run_scoped3A = tpu.sem_alloc : memref<!tpu.dma_semaphore, #tpu.memory_space<semaphore_mem>>
      %dma_start3A_64 = tpu.memref_slice %arg5[%arg0, %add3A_59] : memref<2x100352xf32, #tpu.memory_space<hbm>> -> memref<1x3072xf32, #tpu.memory_space<hbm>>
      %dma_start3A_65 = tpu.memref_squeeze %dma_start3A_64 : memref<1x3072xf32, #tpu.memory_space<hbm>> -> memref<3072xf32, #tpu.memory_space<hbm>>
      %dma_start3A_66 = tpu.memref_slice %arg5[%arg0, %add3A_59] : memref<2x100352xf32, #tpu.memory_space<hbm>> -> memref<1x3072xf32, #tpu.memory_space<hbm>>
      %dma_start3A_67 = tpu.memref_squeeze %dma_start3A_66 : memref<1x3072xf32, #tpu.memory_space<hbm>> -> memref<3072xf32, #tpu.memory_space<hbm>>
      tpu.enqueue_dma source(%arg11 : memref<3072xf32, #tpu.memory_space<vmem>>) target(%dma_start3A_67 : memref<3072xf32, #tpu.memory_space<hbm>>) target_semaphore(%run_scoped3A : memref<!tpu.dma_semaphore, #tpu.memory_space<semaphore_mem>>)
      %dma_wait3A_68 = tpu.memref_slice %arg5[%arg0, %add3A_59] : memref<2x100352xf32, #tpu.memory_space<hbm>> -> memref<1x3072xf32, #tpu.memory_space<hbm>>
      %dma_wait3A_69 = tpu.memref_squeeze %dma_wait3A_68 : memref<1x3072xf32, #tpu.memory_space<hbm>> -> memref<3072xf32, #tpu.memory_space<hbm>>
      %dma_wait3A_70 = tpu.memref_slice %arg5[%arg0, %add3A_59] : memref<2x100352xf32, #tpu.memory_space<hbm>> -> memref<1x3072xf32, #tpu.memory_space<hbm>>
      %dma_wait3A_71 = tpu.memref_squeeze %dma_wait3A_70 : memref<1x3072xf32, #tpu.memory_space<hbm>> -> memref<3072xf32, #tpu.memory_space<hbm>>
      tpu.wait_dma2 semaphore(%run_scoped3A : memref<!tpu.dma_semaphore, #tpu.memory_space<semaphore_mem>>) src(%arg11 : memref<3072xf32, #tpu.memory_space<vmem>>) dst(%dma_wait3A_71 : memref<3072xf32, #tpu.memory_space<hbm>>)
      tpu.yield
    }) : () -> ()
    %mul3A_60 = arith.constant 6272 : i32
    %mul3A_61 = arith.muli %arg1, %mul3A_60 : i32
    %add3A_62 = arith.constant 6144 : i32
    %add3A_63 = arith.addi %mul3A_61, %add3A_62 : i32
    "tpu.region"() ({
      %run_scoped3A = tpu.sem_alloc : memref<!tpu.dma_semaphore, #tpu.memory_space<semaphore_mem>>
      %dma_start3A_64 = arith.constant 0 : i32
      %dma_start3A_65 = tpu.memref_slice %arg12[%dma_start3A_64] : memref<3072xf32, #tpu.memory_space<vmem>> -> memref<128xf32, #tpu.memory_space<vmem>>
      %dma_start3A_66 = tpu.memref_slice %arg5[%arg0, %add3A_63] : memref<2x100352xf32, #tpu.memory_space<hbm>> -> memref<1x128xf32, #tpu.memory_space<hbm>>
      %dma_start3A_67 = tpu.memref_squeeze %dma_start3A_66 : memref<1x128xf32, #tpu.memory_space<hbm>> -> memref<128xf32, #tpu.memory_space<hbm>>
      %dma_start3A_68 = tpu.memref_slice %arg5[%arg0, %add3A_63] : memref<2x100352xf32, #tpu.memory_space<hbm>> -> memref<1x128xf32, #tpu.memory_space<hbm>>
      %dma_start3A_69 = tpu.memref_squeeze %dma_start3A_68 : memref<1x128xf32, #tpu.memory_space<hbm>> -> memref<128xf32, #tpu.memory_space<hbm>>
      %dma_start3A_70 = arith.constant 0 : i32
      %dma_start3A_71 = tpu.memref_slice %arg12[%dma_start3A_70] : memref<3072xf32, #tpu.memory_space<vmem>> -> memref<128xf32, #tpu.memory_space<vmem>>
      tpu.enqueue_dma source(%dma_start3A_71 : memref<128xf32, #tpu.memory_space<vmem>>) target(%dma_start3A_69 : memref<128xf32, #tpu.memory_space<hbm>>) target_semaphore(%run_scoped3A : memref<!tpu.dma_semaphore, #tpu.memory_space<semaphore_mem>>)
      %dma_wait3A_72 = arith.constant 0 : i32
      %dma_wait3A_73 = tpu.memref_slice %arg12[%dma_wait3A_72] : memref<3072xf32, #tpu.memory_space<vmem>> -> memref<128xf32, #tpu.memory_space<vmem>>
      %dma_wait3A_74 = tpu.memref_slice %arg5[%arg0, %add3A_63] : memref<2x100352xf32, #tpu.memory_space<hbm>> -> memref<1x128xf32, #tpu.memory_space<hbm>>
      %dma_wait3A_75 = tpu.memref_squeeze %dma_wait3A_74 : memref<1x128xf32, #tpu.memory_space<hbm>> -> memref<128xf32, #tpu.memory_space<hbm>>
      %dma_wait3A_76 = tpu.memref_slice %arg5[%arg0, %add3A_63] : memref<2x100352xf32, #tpu.memory_space<hbm>> -> memref<1x128xf32, #tpu.memory_space<hbm>>
      %dma_wait3A_77 = tpu.memref_squeeze %dma_wait3A_76 : memref<1x128xf32, #tpu.memory_space<hbm>> -> memref<128xf32, #tpu.memory_space<hbm>>
      %dma_wait3A_78 = arith.constant 0 : i32
      %dma_wait3A_79 = tpu.memref_slice %arg12[%dma_wait3A_78] : memref<3072xf32, #tpu.memory_space<vmem>> -> memref<128xf32, #tpu.memory_space<vmem>>
      tpu.wait_dma2 semaphore(%run_scoped3A : memref<!tpu.dma_semaphore, #tpu.memory_space<semaphore_mem>>) src(%dma_wait3A_79 : memref<128xf32, #tpu.memory_space<vmem>>) dst(%dma_wait3A_77 : memref<128xf32, #tpu.memory_space<hbm>>)
      tpu.yield
    }) : () -> ()
    return
  }
}

module attributes {stable_mosaic.version = 14 : i64} {
  func.func @_tc_update_body(%arg0: memref<100352xf32, #tpu.memory_space<vmem>>, %arg1: memref<100352xf32, #tpu.memory_space<vmem>>, %arg2: memref<2x100352xf32, #tpu.memory_space<vmem>>, %arg3: memref<100352xf32, #tpu.memory_space<vmem>>, %arg4: memref<100352xf32, #tpu.memory_space<vmem>>) attributes {dimension_semantics = [], scalar_prefetch = 0 : i64, scratch_operands = 0 : i64, tpu.core_type = #tpu.core_type<tc>} {
    %get3A = arith.constant 0 : index
    %get3A_0 = arith.constant 0 : index
    %get3A_1 = vector.load %arg2[%get3A, %get3A_0] : memref<2x100352xf32, #tpu.memory_space<vmem>>, vector<1x100352xf32>
    %get3A_2 = vector.shape_cast %get3A_1 : vector<1x100352xf32> to vector<100352xf32>
    %get3A_3 = arith.constant 1 : index
    %get3A_4 = arith.constant 0 : index
    %get3A_5 = vector.load %arg2[%get3A_3, %get3A_4] : memref<2x100352xf32, #tpu.memory_space<vmem>>, vector<1x100352xf32>
    %get3A_6 = vector.shape_cast %get3A_5 : vector<1x100352xf32> to vector<100352xf32>
    %add3A = arith.addf %get3A_2, %get3A_6 : vector<100352xf32>
    %get3A_7 = arith.constant 0 : index
    %get3A_8 = vector.load %arg0[%get3A_7] : memref<100352xf32, #tpu.memory_space<vmem>>, vector<100352xf32>
    %add3A_9 = arith.addf %get3A_8, %add3A : vector<100352xf32>
    %get3A_10 = arith.constant 0 : index
    %get3A_11 = vector.load %arg1[%get3A_10] : memref<100352xf32, #tpu.memory_space<vmem>>, vector<100352xf32>
    %sub3A = arith.subf %add3A_9, %get3A_11 : vector<100352xf32>
    %swap3A = arith.constant 0 : index
    %swap3A_12 = vector.load %arg3[%swap3A] : memref<100352xf32, #tpu.memory_space<vmem>>, vector<100352xf32>
    tpu.vector_store %arg3[%swap3A], %sub3A {strides = array<i32>} : memref<100352xf32, #tpu.memory_space<vmem>>, vector<100352xf32>,
    %get3A_13 = arith.constant 0 : index
    %get3A_14 = vector.load %arg0[%get3A_13] : memref<100352xf32, #tpu.memory_space<vmem>>, vector<100352xf32>
    %add3A_15 = arith.addf %get3A_14, %sub3A : vector<100352xf32>
    %swap3A_16 = arith.constant 0 : index
    %swap3A_17 = vector.load %arg4[%swap3A_16] : memref<100352xf32, #tpu.memory_space<vmem>>, vector<100352xf32>
    tpu.vector_store %arg4[%swap3A_16], %add3A_15 {strides = array<i32>} : memref<100352xf32, #tpu.memory_space<vmem>>, vector<100352xf32>,
    return
  }
}

module attributes {stable_mosaic.version = 14 : i64} {
  func.func @_tc_update_body(%arg0: memref<100352xf32, #tpu.memory_space<vmem>>, %arg1: memref<100352xf32, #tpu.memory_space<vmem>>, %arg2: memref<2x100352xf32, #tpu.memory_space<vmem>>, %arg3: memref<100352xf32, #tpu.memory_space<vmem>>, %arg4: memref<100352xf32, #tpu.memory_space<vmem>>) attributes {dimension_semantics = [], scalar_prefetch = 0 : i64, scratch_operands = 0 : i64, tpu.core_type = #tpu.core_type<tc>} {
    %get3A = arith.constant 0 : index
    %get3A_0 = arith.constant 0 : index
    %get3A_1 = vector.load %arg2[%get3A, %get3A_0] : memref<2x100352xf32, #tpu.memory_space<vmem>>, vector<1x100352xf32>
    %get3A_2 = vector.shape_cast %get3A_1 : vector<1x100352xf32> to vector<100352xf32>
    %get3A_3 = arith.constant 1 : index
    %get3A_4 = arith.constant 0 : index
    %get3A_5 = vector.load %arg2[%get3A_3, %get3A_4] : memref<2x100352xf32, #tpu.memory_space<vmem>>, vector<1x100352xf32>
    %get3A_6 = vector.shape_cast %get3A_5 : vector<1x100352xf32> to vector<100352xf32>
    %add3A = arith.addf %get3A_2, %get3A_6 : vector<100352xf32>
    %get3A_7 = arith.constant 0 : index
    %get3A_8 = vector.load %arg0[%get3A_7] : memref<100352xf32, #tpu.memory_space<vmem>>, vector<100352xf32>
    %add3A_9 = arith.addf %get3A_8, %add3A : vector<100352xf32>
    %get3A_10 = arith.constant 0 : index
    %get3A_11 = vector.load %arg1[%get3A_10] : memref<100352xf32, #tpu.memory_space<vmem>>, vector<100352xf32>
    %sub3A = arith.subf %add3A_9, %get3A_11 : vector<100352xf32>
    %swap3A = arith.constant 0 : index
    %swap3A_12 = vector.load %arg3[%swap3A] : memref<100352xf32, #tpu.memory_space<vmem>>, vector<100352xf32>
    tpu.vector_store %arg3[%swap3A], %sub3A {strides = array<i32>} : memref<100352xf32, #tpu.memory_space<vmem>>, vector<100352xf32>,
    %get3A_13 = arith.constant 0 : index
    %get3A_14 = vector.load %arg0[%get3A_13] : memref<100352xf32, #tpu.memory_space<vmem>>, vector<100352xf32>
    %add3A_15 = arith.addf %get3A_14, %sub3A : vector<100352xf32>
    %swap3A_16 = arith.constant 0 : index
    %swap3A_17 = vector.load %arg4[%swap3A_16] : memref<100352xf32, #tpu.memory_space<vmem>>, vector<100352xf32>
    tpu.vector_store %arg4[%swap3A_16], %add3A_15 {strides = array<i32>} : memref<100352xf32, #tpu.memory_space<vmem>>, vector<100352xf32>,
    return
  }
}

</mosaic_0001>

<sc_bundles>
// kernel: kernel.12.cloned.1.call-start
scs
__scs_entry_jumppad:
0x0: {  	(pc) =	sbr.rel $0x88, $3  }
0x1: {  	(tag) =	ssettag $0x0;
	lr =	simm.s32 $0x1  }
0x2: {  	[smem:$0x3F9E] =	sst lr;
	_ =	strace $0xD0000000  }
0x3: {  	_ = 	snop  }
0x4: {  	_ = 	snop  }
0x5: {  	_ = 	snop  }
0x6: {  	_ = 	snop  }
0x7: {  	_ = 	snop  }
__scs_overlays_trampoline_lowered:
0x8: {  	[smem:$0x3FAD] =	sst s0  }
0x9: {  	[smem:$0x3FAE] =	sst s1  }
0xa: {  	[smem:$0x3FAF] =	sst s2  }
0xb: {  	[smem:$0x3FB0] =	sst s3  }
0xc: {  	[smem:$0x3FB1] =	sst s4  }
0xd: {  	[smem:$0x3FB2] =	sst s5  }
0xe: {  	[smem:$0x3FB3] =	sst s6  }
0xf: {  	[smem:$0x3FB4] =	sst s7  }
0x10: {  	[smem:$0x3FB5] =	sst s8  }
0x11: {  	[smem:$0x3FB6] =	sst s9;
	s0 =	simm.s32 @!p0 $0x0  }
0x12: {  	s1 =	sld [smem:$0x3F9C];
	s0 =	simm.s32 @p0 $0x1  }
0x13: {  	[smem:$0x3FB7] =	sst s0;
	s0 =	simm.s32 @!p1 $0x0  }
0x14: {  	s2 =	sld [smem:$0x3F9B];
	s0 =	simm.s32 @p1 $0x1  }
0x15: {  	[smem:$0x3FB8] =	sst s0;
	s0 =	simm.s32 @!p2 $0x0  }
0x16: {  	s3 =	sld [smem:$0x3FDB];
	s0 =	simm.s32 @p2 $0x1  }
0x17: {  	s4 =	simm.s32 $0x1BF5;
	[smem:$0x3FBA] =	sst s0  }
0x18: {  	s0 =	sld [smem:$0x3F9D];
	_ =	swait.ge [sflag:s4], $0x0  }
0x19: {  	s7 =	sld [smem:$0x3F9E]  }
0x1a: {  	s8 =	sadd.s32 $0xFFFFE003, lr  }
0x1b: {  	s9 =	sadd.s32 $0xFFFFFEF7, lr;
	s5 =	simm.s32 $0xFFFFFFFF;
	p2 =	slt.u32 s8, $0xFFFFF086  }
0x1c: {  	p1 =	slt.u32 s9, $0xF7A;
	s5 =	simm.s32 @!p2 $0x0  }
0x1d: {  	s5 =	simm.s32 @p1 $0x1;
	p0 =	seq.s32 s7, s2  }
0x1e: {  	s7 =	smul.u32 @!p0 $0xF7A, s2;
	p2 =	seq.s32 @!p0 s5, $0x0  }
0x1f: {  	s9 =	smul.u32 $0xF7A, s1;
	s8 =	simm.s32 @!p0 $0x1BF5;
	p2 =	por !p2, p0  }
0x20: {  	[sflag:s8] =	ssyncset.s32 @!p0 $0xFFFFF086;
	s6 =	sadd.s32 @!p0 s3, s7;
	s7 =	simm.s32 @!p0 $0x108  }
0x21: {  	s3 =	sadd.s32 s3, s9;
	s6 =	sadd.s32 @!p0 $0x88, s6;
	s7 =	simm.s32 @p2 $0x1082  }
0x22: {  	[simem:s7], [sflag:s8] =	dma.local @!p0 [hbm:s6], $0xF7A  }
0x23: {  	s9 =	sor.u32 $0xD0000000, s2;
	s6 =	simm.s32 $0x108;
	_ =	swait.ge @!p0 [sflag:s8], $0x0  }
0x24: {  	s3 =	sadd.s32 $0x88, s3;
	s6 =	simm.s32 @!p1 $0x1082;
	[sflag:s4] =	ssyncset.s32 $0xFFFFF086  }
0x25: {  	[simem:s6], [sflag:s4] =	dma.local [hbm:s3], $0xF7A  }
0x26: {  	[smem:$0x3F9E] =	sst s1;
	(tag) =	ssettag s2;
	_ =	strace s9  }
0x27: {  	s1 =	sld [smem:$0x3FAE]  }
0x28: {  	s2 =	sld [smem:$0x3FAF]  }
0x29: {  	s4 =	sld [smem:$0x3FB1]  }
0x2a: {  	p0 =	seq.s32 s5, $0x0;
	s5 =	sld [smem:$0x3FB2]  }
0x2b: {  	s6 =	sld [smem:$0x3FB3]  }
0x2c: {  	s7 =	sld [smem:$0x3FB4]  }
0x2d: {  	s3 =	simm.s32 $0x108;
	s8 =	sld [smem:$0x3FB5]  }
0x2e: {  	s3 =	simm.s32 @!p0 $0x1082;
	s9 =	sld [smem:$0x3FB6]  }
0x2f: {  	lr =	sadd.s32 s0, s3;
	s0 =	sld [smem:$0x3FAD]  }
0x30: {  	s3 =	sld [smem:$0x3FB0]  }
0x31: {  	[smem:$0x3FB9] =	sst s10  }
0x32: {  	s10 =	sld [smem:$0x3FB7];
	_ =	sdelay $0x3  }
0x33: {  	p0 =	seq.s32 s10, $0x1;
	s10 =	sld [smem:$0x3FB9];
	_ =	sdelay $0x3  }
0x34: {  	[smem:$0x3FB9] =	sst s10  }
0x35: {  	s10 =	sld [smem:$0x3FB8];
	_ =	sdelay $0x3  }
0x36: {  	p1 =	seq.s32 s10, $0x1;
	s10 =	sld [smem:$0x3FB9];
	_ =	sdelay $0x3  }
0x37: {  	[smem:$0x3FB9] =	sst s10  }
0x38: {  	s10 =	sld [smem:$0x3FBA]  }
0x39: {  	_ = 	snop;
	(pc) =	sbr.ind lr, $3  }
0x3a: {  	_ = 	snop  }
0x3b: {  	_ = 	snop  }
0x3c: {  	p2 =	seq.s32 s10, $0x1;
	s10 =	sld [smem:$0x3FB9]  }
0x3d: {  	_ =	shalt  }
0x3e: {  	_ =	shalt  }
0x3f: {  	_ =	shalt  }
0x40: {  	_ =	shalt  }
0x41: {  	_ =	shalt  }
0x42: {  	_ =	shalt  }
0x43: {  	_ =	shalt  }
0x44: {  	_ =	shalt  }
0x45: {  	_ =	shalt  }
0x46: {  	_ =	shalt  }
0x47: {  	_ =	shalt  }
0x48: {  	_ =	shalt  }
0x49: {  	_ =	shalt  }
0x4a: {  	_ =	shalt  }
0x4b: {  	_ =	shalt  }
0x4c: {  	_ =	shalt  }
0x4d: {  	_ =	shalt  }
0x4e: {  	_ =	shalt  }
0x4f: {  	_ =	shalt  }
0x50: {  	_ =	shalt  }
0x51: {  	_ =	shalt  }
0x52: {  	_ =	shalt  }
0x53: {  	_ =	shalt  }
0x54: {  	_ =	shalt  }
0x55: {  	_ =	shalt  }
0x56: {  	_ =	shalt  }
0x57: {  	_ =	shalt  }
0x58: {  	_ =	shalt  }
0x59: {  	_ =	shalt  }
0x5a: {  	_ =	shalt  }
0x5b: {  	_ =	shalt  }
0x5c: {  	_ =	shalt  }
0x5d: {  	_ =	shalt  }
0x5e: {  	_ =	shalt  }
0x5f: {  	_ =	shalt  }
0x60: {  	_ =	shalt  }
0x61: {  	_ =	shalt  }
0x62: {  	_ =	shalt  }
0x63: {  	_ =	shalt  }
0x64: {  	_ =	shalt  }
0x65: {  	_ =	shalt  }
0x66: {  	_ =	shalt  }
0x67: {  	_ =	shalt  }
0x68: {  	_ =	shalt  }
0x69: {  	_ =	shalt  }
0x6a: {  	_ =	shalt  }
0x6b: {  	_ =	shalt  }
0x6c: {  	_ =	shalt  }
0x6d: {  	_ =	shalt  }
0x6e: {  	_ =	shalt  }
0x6f: {  	_ =	shalt  }
0x70: {  	_ =	shalt  }
0x71: {  	_ =	shalt  }
0x72: {  	_ =	shalt  }
0x73: {  	_ =	shalt  }
0x74: {  	_ =	shalt  }
0x75: {  	_ =	shalt  }
0x76: {  	_ =	shalt  }
0x77: {  	_ =	shalt  }
0x78: {  	_ =	shalt  }
0x79: {  	_ =	shalt  }
0x7a: {  	_ =	shalt  }
0x7b: {  	_ =	shalt  }
0x7c: {  	_ =	shalt  }
0x7d: {  	_ =	shalt  }
0x7e: {  	_ =	shalt  }
0x7f: {  	_ =	shalt  }
0x80: {  	_ =	shalt  }
0x81: {  	_ =	shalt  }
0x82: {  	_ =	shalt  }
0x83: {  	_ =	shalt  }
0x84: {  	_ =	shalt  }
0x85: {  	_ =	shalt  }
0x86: {  	_ =	shalt  }
0x87: {  	_ =	shalt  }
.Lfunc_end0:
.L_simem_size_0:
called_computation_lowered:
.L_overlay_start_0:
0x88: {  	s2 =	sld [smem:$0x3FD9]  }
0x89: {  	s3 =	sld [smem:$0x3FFE];
	_ =	sdelay $0x1  }
0x8a: {  	s1 =	srdreg.scid  }
0x8b: {  	s0 =	sand.u32 $0x1, s1  }
0x8c: {  	s17 =	sshll.u32 s0, $0xA;
	s2 =	sadd.s32 s3, s2  }
0x8d: {  	s2 =	sadd.s32 s2, s17  }
0x8e: {  	[smem:$0x3FC5] =	sst s2  }
0x8f: {  	_ = 	snop  }
0x90: {  	s2 =	sld [smem:$0x3FD0];
	(tm) =	ssettm $0x1  }
0x91: {  	s18 =	sld [smem:$0x3FFB];
	_ =	sdelay $0x3  }
0x92: {  	_ =	strace s18  }
0x93: {  	s3 =	sld [smem:$0x3FFC];
	_ =	sdelay $0x3  }
0x94: {  	_ =	strace s3  }
0x95: {  	s3 =	sld [smem:$0x3FFD];
	_ =	sdelay $0x3  }
0x96: {  	_ =	strace s3  }
0x97: {  	_ =	strace $0x8FFFFFFF  }
0x98: {  	s19 =	sld [smem:$0x3FDB];
	_ =	sdelay $0x1  }
0x99: {  	s4 =	simm.s32 $_scs_section_size  }
0x9a: {  	s5 =	simm.s32 $_size__tile_overlayer_lowered;
	s6 =	simm.s32 $_tile_overlayer_lowered  }
0x9b: {  	s22 =	simm.s32 $0x1BFF;
	s21 =	sshll.u32 s6, $0x1;
	s3 =	sadd.s32 s4, s19  }
0x9c: {  	s7 =	simm.s32 $0x0;
	s20 =	sshll.u32 s5, $0x1;
	s5 =	sadd.s32 s21, s3  }
0x9d: {  	[timem:s7], [sflag:s22] =	dma.local [hbm:s5], s20  }
0x9e: {  	_ =	swait.ge [sflag:s22], s20  }
0x9f: {  	s4 =	ssub.s32 $0x0, s20;
	[sflag:s22] =	ssyncset.done $0x0  }
0xa0: {  	[sflag:s22] =	ssyncadd.s32 s4;
	_ =	sdelay $0x1  }
0xa1: {  	s23 =	simm.s32 $0x1B8B  }
0xa2: {  	_ =	swait.ge [sflag:s23], $0x1  }
0xa3: {  	[sflag:s23] =	ssyncset.done $0x0  }
0xa4: {  	s25 =	simm.s32 $0x1B8E;
	s24 =	sld [smem:$0x3FFE];
	[sflag:s23] =	ssyncadd.s32 $0xFFFFFFFF  }
0xa5: {  	s26 =	simm.s32 $execute0_lowered;
	[smem:$0x3FD2] =	sst s25  }
0xa6: {  	s5 =	sshll.u32 s26, $0x1;
	_ =	strace $0x80000046;
	[dreg:$0x1] =	wrdreg $0xFFFFFFFF  }
0xa7: {  	s28 =	simm.s32 $_size_execute0_lowered;
	s3 =	sadd.s32 s3, s5;
	[dreg:$0x0] =	wrdreg $0x0  }
0xa8: {  	s5 =	sshll.u32 s28, $0x1;
	[dreg:$0x2] =	wrdreg s3  }
0xa9: {  	[dreg:$0x3] =	wrdreg s5  }
0xaa: {  	[dreg:$0x4] =	wrdreg $0xC0  }
0xab: {  	_ =	task [dreg:s7], $0x5FFFF  }
0xac: {  	[dreg:$0x1] =	wrdreg $0xFFFFFFFF  }
0xad: {  	[dreg:$0x0] =	wrdreg $0x60  }
0xae: {  	[dreg:$0x2] =	wrdreg s2  }
0xaf: {  	[dreg:$0x3] =	wrdreg s24  }
0xb0: {  	[dreg:$0x4] =	wrdreg $0x1CF800  }
0xb1: {  	[dreg:$0x5] =	wrdreg $0x9  }
0xb2: {  	_ =	task.clear_ibuf [dreg:s7], $0x6FFFF;
	_ =	strace $0x90000046  }
0xb3: {  	s29 =	simm.s32 $0x9;
	_ =	strace $0x80000048  }
0xb4: {  	_ =	swait.ge [sflag:s29], $0x1  }
0xb5: {  	[sflag:s29] =	ssyncadd.s32 $0xFFFFFFFF  }
0xb6: {  	_ =	strace $0x90000048  }
0xb7: {  	_ =	sfence  }
0xb8: {  	s30 =	sld [smem:$0x0];
	_ =	sdelay $0x2  }
0xb9: {  	s31 =	sshll.u32 s1, $0xD;
	s1 =	sshrl.u32 s1, $0x2  }
0xba: {  	s3 =	sand.u32 $0x4000, s31;
	s1 =	sadd.s32 s1, s30  }
0xbb: {  	s0 =	sor.u32 s3, s0;
	s1 =	sshll.u32 s1, $0x11  }
0xbc: {  	s0 =	sor.u32 s1, s0  }
0xbd: {  	s0 =	sadd.s32 $0x8F2B, s0  }
0xbe: {  	[sflag:s0] =	ssyncadd.remote.s32 $0x1  }
0xbf: {  	_ =	sfence.sel $0xFFFF  }
0xc0: {  	[dreg:$0x0] =	wrdreg $0xFFFFFFFF;
	(pc) =	sbr.abs _section_cstart, $3  }
0xc1: {  	[dreg:$0x1] =	wrdreg $0xFFFFFFFF  }
0xc2: {  	_ =	task.clear_ibuf [dreg:s7], $0x2FFFF;
	_ =	strace $0x9FFFFFFF  }
0xc3: {  	(tm) =	ssettm $0x7FFFFFFF  }
tec
execute0_lowered:
.L_overlay_start_1:
0x0: {  	(tag) =	ssettag $0x1  }
0x1: {  	s0 =	rddreg [dreg:$0x1]  }
0x2: {  	s2 =	rddreg [dreg:$0x2]  }
0x3: {  	s3 =	simm.s32 $0x0;
	s1 =	srdreg.scid;
	s16 =	stileid.u32  }
0x4: {  	s28 =	simm.s32 $0x2;
	s29 =	simm.s32 $0xC00;
	s30 =	simm.s32 $0x19F00  }
0x5: {  	s31 =	simm.s32 $0x3;
	[smem:$0x7FF] =	sst s3;
	s1 =	sand.u32 $0x1, s1  }
0x6: {  	s5 =	sadd.s32 $0x3C00, s0;
	s6 =	sadd.s32 $0x35400, s0;
	s10 =	smul.u32 $0x1880, s16  }
0x7: {  	s0 =	sadd.s32 $0x35600, s0;
	s15 =	sshll.u32 s16, $0x1;
	s12 =	sshrl.u32 s16, $0x2  }
0x8: {  	s21 =	sshll.u32 s16, $0x8;
	_ =	strace $0x80000047;
	s4 =	ssub.s32 $0x2, s1  }
0x9: {  	[dreg:$0x4] =	wrdreg s6;
	s7 =	sor.u32 s1, s15;
	s13 =	smul.u32 $0x6000, s12  }
0xa: {  	s15 =	smul.u32 $0x3100, s16;
	s1 =	sshll.u32 s1, $0x7;
	s20 =	sor.u32 $0x8, s12  }
0xb: {  	s12 =	sor.u32 $0x4, s12;
	s14 =	sshrl.u32 s4, $0x1;
	s17 =	sadd.s32 $0xC00, s10  }
0xc: {  	s8 =	sadd.s32 s10, s2;
	s11 =	sshll.u32 s7, $0x7;
	s12 =	smul.u32 $0x6000, s12  }
0xd: {  	s4 =	ssub.s32 s4, s14;
	s9 =	sadd.s32 s17, s2;
	s14 =	sadd.s32 $0x1800, s10  }
0xe: {  	s11 =	sand.u32 $0x380, s11;
	s15 =	sor.u32 s1, s15;
	s6 =	sshll.u32 s17, $0x1  }
0xf: {  	s10 =	sadd.s32 s14, s2;
	s13 =	sor.u32 s13, s11;
	s15 =	sshrl.u32 s15, $0x3  }
0x10: {  	s6 =	sor.u32 s1, s6;
	s19 =	sshll.u32 s14, $0x1;
	s14 =	smul.u32 $0x6000, s20  }
0x11: {  	s4 =	smax.u32 s4, $0x1;
	s20 =	simm.s32 $0x8;
	s13 =	sshrl.u32 s13, $0x3  }
0x12: {  	s18 =	sadd.s32 s0, s15;
	s6 =	sshrl.u32 s6, $0x3;
	s15 =	sor.u32 s1, s21  }
0x13: {  	s1 =	sor.u32 s1, s19;
	[dreg:$0x9] =	wrdreg s4;
	s21 =	simm.s32 $0x1AB00  }
0x14: {  	s4 =	simm.s32 $0x4;
	s13 =	sadd.s32 s5, s13;
	[dreg:$0x6] =	wrdreg s18  }
0x15: {  	s19 =	simm.s32 $0x100;
	s6 =	sadd.s32 s0, s6;
	[dreg:$0x5] =	wrdreg s13  }
0x16: {  	s22 =	sand.u32 $0x380, s15;
	s1 =	sshrl.u32 s1, $0x3;
	[dreg:$0x7] =	wrdreg s6  }
0x17: {  	s23 =	sor.u32 s22, s14;
	s0 =	sadd.s32 s0, s1;
	s25 =	sor.u32 s22, s12  }
.Ltmp0:
0x18: {  	s22 =	simm.s32 $0x1;
	s1 =	simm.s32 $0x1C300;
	(pc) =	sbr.rel .LBB2_1-.Ltmp0, $4  }
0x19: {  	s6 =	simm.s32 $0x0;
	[dreg:$0x8] =	wrdreg s0;
	s24 =	sshrl.u32 s23, $0x3  }
0x1a: {  	s26 =	sshrl.u32 s25, $0x3;
	s23 =	simm.s32 $0x80;
	s25 =	simm.s32 $0x18700  }
0x1b: {  	s0 =	sadd.s32 s24, s5;
	s13 =	sadd.s32 s26, s5;
	s24 =	simm.s32 $0x400  }
0x1c: {  	v0 =	vimm.f32 $0.0e+00;
	s26 =	simm.s32 $0x19300;
	[dreg:$0xa] =	wrdreg s0;
	s0 =	simm.s32 $0x1B700  }
.LBB2_17:
0x1d: {  	[bflag:$0x0] =	sbarrier.arrive $0xFFFF  }
0x1e: {  	[tilespmem:s21], [sflag:$0x8] =	stream.linear.gather [spmem:s8], $0xC00, $0x38;
	[tilespmem:$0x1E800] =	vst v63  }
0x1f: {  	_ =	swait.ge [sflag:s20], $0xC00  }
0x20: {  	[sflag:s20] =	ssyncset.done $0x0  }
0x21: {  	[sflag:s20] =	ssyncadd.s32 $0xFFFFF400  }
0x22: {  	[tilespmem:s0], [sflag:$0x8] =	stream.linear.gather [spmem:s9], $0xC00, $0x38;
	[tilespmem:$0x1E800] =	vst v63  }
0x23: {  	_ =	swait.ge [sflag:s20], $0xC00  }
0x24: {  	[sflag:s20] =	ssyncset.done $0x0  }
0x25: {  	[sflag:s20] =	ssyncadd.s32 $0xFFFFF400  }
0x26: {  	[tilespmem:s1], [sflag:$0x8] =	stream.linear.gather [spmem:s10], $0x80, $0x38;
	[tilespmem:$0x1E800] =	vst v63  }
0x27: {  	_ =	swait.ge [sflag:s20], $0x80  }
0x28: {  	[sflag:s20] =	ssyncset.done $0x0  }
0x29: {  	s12 =	rddreg [dreg:$0x6];
	[sflag:s20] =	ssyncadd.s32 $0xFFFFFF80  }
0x2a: {  	[hbm4b:s12+s23] =	stream.strided.scatter [tilespmem:s21], [sflag:$0x8], $0xC00, s19, s23, $0x38;
	[tilespmem:$0x1E800] =	vst v63  }
0x2b: {  	_ =	swait.ge [sflag:s20], $0xC00  }
0x2c: {  	[sflag:s20] =	ssyncset.done $0x0  }
0x2d: {  	s16 =	rddreg [dreg:$0x7];
	[sflag:s20] =	ssyncadd.s32 $0xFFFFF400  }
0x2e: {  	[hbm4b:s16+s23] =	stream.strided.scatter [tilespmem:s0], [sflag:$0x8], $0xC00, s19, s23, $0x38;
	[tilespmem:$0x1E800] =	vst v63  }
0x2f: {  	_ =	swait.ge [sflag:s20], $0xC00  }
0x30: {  	[sflag:s20] =	ssyncset.done $0x0  }
0x31: {  	s17 =	rddreg [dreg:$0x8];
	[sflag:s20] =	ssyncadd.s32 $0xFFFFF400  }
0x32: {  	[hbm4b:s17+s3] =	stream.linear.scatter [tilespmem:s1], [sflag:$0x8], $0x80, $0x38;
	[tilespmem:$0x1E800] =	vst v63  }
0x33: {  	_ =	swait.ge [sflag:s20], $0x80  }
0x34: {  	s6 =	sadd.s32 $0x1, s6;
	s18 =	rddreg [dreg:$0x9]  }
0x35: {  	p0 =	sne.s32 s6, s18  }
.Ltmp1:
0x36: {  	_ = 	snop;
	(pc) =	sbr.rel @!p0 .LBB2_18-.Ltmp1, $3  }
0x37: {  	_ =	sdelay $0x1  }
0x38: {  	[sflag:s20] =	ssyncset.done $0x0  }
0x39: {  	[sflag:s20] =	ssyncadd.s32 $0xFFFFFF80  }
.LBB2_1:
0x3a: {  	s12 =	rddreg [dreg:$0x0]  }
0x3b: {  	[tilespmem:s3], [sflag:$0x1] =	stream.linear.gather [hbm4b:s12+s3], $0x186A0, $0x38;
	[tilespmem:$0x1E800] =	vst v63  }
0x3c: {  	s18 =	rddreg [dreg:$0x4];
	s14 =	simm.s32 $0x1CF00  }
0x3d: {  	[tilespmem:s14], [sflag:$0x8] =	stream.linear.gather [hbm4b:s18+s3], $0x80, $0x38;
	[tilespmem:$0x1E800] =	vst v63  }
0x3e: {  	_ =	swait.ge [sflag:s20], $0x80  }
0x3f: {  	[sflag:s20] =	ssyncset.done $0x0  }
0x40: {  	s15 =	simm.s32 $0x200;
	s12 =	simm.s32 $0x0;
	[sflag:s20] =	ssyncadd.s32 $0xFFFFFF80  }
.LBB2_2:
0x41: {  	p0 =	sne.s32 s15, $0x2E00;
	[tilespmem:s12+$0x1AB70] =	vst v0  }
0x42: {  	[tilespmem:s12+$0x1AB00] =	vst v0  }
0x43: {  	[tilespmem:s12+$0x1AB10] =	vst v0  }
.Ltmp2:
0x44: {  	[tilespmem:s12+$0x1AB20] =	vst v0;
	(pc) =	sbr.rel @p0 .LBB2_2-.Ltmp2, $4  }
0x45: {  	[tilespmem:s12+$0x1AB30] =	vst v0  }
0x46: {  	[tilespmem:s12+$0x1AB40] =	vst v0  }
0x47: {  	[tilespmem:s12+$0x1AB50] =	vst v0  }
0x48: {  	[tilespmem:s12+$0x1AB60] =	vst v0;
	s12 =	sshra.s32 s15, $0x2;
	s15 =	sadd.s32 $0x200, s15  }
0x49: {  	[tilespmem:s12+$0x1AB70] =	vst v0  }
0x4a: {  	[tilespmem:s12+$0x1AB00] =	vst v0  }
0x4b: {  	[tilespmem:s12+$0x1AB10] =	vst v0  }
0x4c: {  	[tilespmem:s12+$0x1AB20] =	vst v0  }
0x4d: {  	[tilespmem:s12+$0x1AB30] =	vst v0  }
0x4e: {  	[tilespmem:s12+$0x1AB40] =	vst v0  }
0x4f: {  	[tilespmem:s12+$0x1AB50] =	vst v0  }
0x50: {  	[tilespmem:s12+$0x1AB60] =	vst v0  }
0x51: {  	[spmem:s8] =	stream.linear.scatter [tilespmem:s21], [sflag:$0x8], $0xC00, $0x38;
	[tilespmem:$0x1E800] =	vst v63  }
0x52: {  	_ =	swait.ge [sflag:s20], $0xC00  }
0x53: {  	[sflag:s20] =	ssyncset.done $0x0  }
0x54: {  	[sflag:s20] =	ssyncadd.s32 $0xFFFFF400  }
0x55: {  	[spmem:s9] =	stream.linear.scatter [tilespmem:s21], [sflag:$0x8], $0xC00, $0x38;
	[tilespmem:$0x1E800] =	vst v63  }
0x56: {  	_ =	swait.ge [sflag:s20], $0xC00  }
0x57: {  	[sflag:s20] =	ssyncset.done $0x0  }
0x58: {  	[sflag:s20] =	ssyncadd.s32 $0xFFFFF400  }
0x59: {  	[spmem:s10] =	stream.linear.scatter [tilespmem:s21], [sflag:$0x8], $0x80, $0x38;
	[tilespmem:$0x1E800] =	vst v63  }
0x5a: {  	_ =	swait.ge [sflag:s20], $0x80  }
0x5b: {  	[sflag:s20] =	ssyncset.done $0x0  }
0x5c: {  	[sflag:s20] =	ssyncadd.s32 $0xFFFFFF80  }
0x5d: {  	_ =	swait.ge [sflag:s22], $0x186A0  }
0x5e: {  	[sflag:s22] =	ssyncset.done $0x0  }
.Ltmp3:
0x5f: {  	[sflag:s22] =	ssyncadd.s32 $0xFFFE7960;
	(pc) =	sbr.rel .LBB2_4-.Ltmp3, $4  }
0x60: {  	[bflag:$0x0] =	sbarrier.arrive $0xFFFF  }
0x61: {  	s18 =	rddreg [dreg:$0x5]  }
0x62: {  	[tilespmem:s25], [sflag:$0x2] =	stream.strided.gather [hbm4b:s18+s23], $0xC00, s24, s23, $0x38;
	[tilespmem:$0x1E800] =	vst v63  }
0x63: {  	s12 =	simm.s32 $0x0;
	s17 =	rddreg [dreg:$0xa];
	s18 =	smov.u32 s13  }
.LBB2_13:
0x64: {  	s14 =	sadd.s32 $0x60, s15  }
0x65: {  	s14 =	sshrl.u32 s14, $0x3  }
0x66: {  	s14 =	smul.u32 $0x6000, s14;
	_ =	sdelay $0x1  }
0x67: {  	s14 =	sor.u32 s11, s14  }
0x68: {  	s14 =	sshrl.u32 s14, $0x3  }
0x69: {  	s14 =	sadd.s32 s5, s14  }
0x6a: {  	[tilespmem:s25], [sflag:$0x2] =	stream.strided.gather [hbm4b:s14+s23], $0xC00, s24, s23, $0x38;
	[tilespmem:$0x1E800] =	vst v63  }
.LBB2_15:
0x6b: {  	_ =	swait.ge [sflag:s4], $0xC00  }
0x6c: {  	[sflag:s4] =	ssyncset.done $0x0  }
0x6d: {  	[sflag:s4] =	ssyncadd.s32 $0xFFFFF400  }
0x6e: {  	[spmem:s2] =	stream.indirect.scatter.add.f32 [tilespmem:s1], [sflag:$0x7], $0x1, s30, s29, $0xb8;
	[tilespmem:$0x1E800] =	vst v63  }
.LBB2_16:
0x6f: {  	s12 =	sadd.s32 $0x60, s12  }
0x70: {  	p0 =	sne.s32 s12, $0x2A0  }
.Ltmp4:
0x71: {  	_ = 	snop;
	(pc) =	sbr.rel @!p0 .LBB2_17-.Ltmp4, $2  }
0x72: {  	_ =	sdelay $0x2  }
0x73: {  	s17 =	sadd.s32 $0x9000, s17;
	s18 =	sadd.s32 $0x9000, s18  }
.LBB2_4:
0x74: {  	s15 =	sadd.s32 s12, s7  }
0x75: {  	s16 =	sadd.s32 $0xFFFFFFC0, s15;
	p1 =	sgt.u32 s15, $0x1E8  }
.Ltmp5:
0x76: {  	p0 =	sgt.u32 s16, $0x208;
	(pc) =	sbr.rel @p1 .LBB2_6-.Ltmp5, $4  }
0x77: {  	s16 =	simm.s32 @!p0 $0x6  }
0x78: {  	_ =	swait.ge @!p0 [sflag:s16], $0xC00  }
0x79: {  	[sflag:s16] =	ssyncset.done @!p0 $0x0  }
0x7a: {  	[sflag:s16] =	ssyncadd.s32 @!p0 $0xFFFFF400  }
.Ltmp6:
0x7b: {  	(pc) =	sbr.rel .LBB2_7-.Ltmp6, $2  }
0x7c: {  	_ =	sdelay $0x2  }
0x7d: {  	[tilespmem:s26], [sflag:$0x3] =	stream.strided.gather [hbm4b:s18+s23], $0xC00, s24, s23, $0x38;
	[tilespmem:$0x1E800] =	vst v63  }
.LBB2_6:
0x7e: {  	p1 =	sgt.u32 s15, $0x208  }
.Ltmp7:
0x7f: {  	_ = 	snop;
	(pc) =	sbr.rel @p1 .LBB2_8-.Ltmp7, $2  }
0x80: {  	_ =	sdelay $0x2  }
0x81: {  	p0 =	por $0x0, $0x0  }
.LBB2_7:
0x82: {  	_ =	swait.ge [sflag:s28], $0xC00  }
0x83: {  	[sflag:s28] =	ssyncset.done $0x0  }
0x84: {  	p0 =	por $0x1, $0x1;
	[sflag:s28] =	ssyncadd.s32 $0xFFFFF400  }
0x85: {  	[spmem:s2] =	stream.indirect.scatter.add.f32 [tilespmem:s21], [sflag:$0x5], $0x1, s25, s29, $0xb8;
	[tilespmem:$0x1E800] =	vst v63  }
.LBB2_8:
0x86: {  	s16 =	sadd.s32 $0xFFFFFFE0, s15  }
0x87: {  	p1 =	sgt.u32 s16, $0x208;
	s16 =	sadd.s32 $0x20, s15  }
0x88: {  	p2 =	sgt.u32 s16, $0x1E8  }
.Ltmp8:
0x89: {  	_ = 	snop;
	(pc) =	sbr.rel @p2 .LBB2_10-.Ltmp8, $4  }
0x8a: {  	s14 =	simm.s32 @!p1 $0x7  }
0x8b: {  	_ =	swait.ge @!p1 [sflag:s14], $0xC00  }
0x8c: {  	[sflag:s14] =	ssyncset.done @!p1 $0x0  }
0x8d: {  	[sflag:s14] =	ssyncadd.s32 @!p1 $0xFFFFF400  }
.Ltmp9:
0x8e: {  	(pc) =	sbr.rel .LBB2_11-.Ltmp9, $2  }
0x8f: {  	_ =	sdelay $0x2  }
0x90: {  	[tilespmem:s30], [sflag:$0x4] =	stream.strided.gather [hbm4b:s17+s23], $0xC00, s24, s23, $0x38;
	[tilespmem:$0x1E800] =	vst v63  }
.LBB2_10:
0x91: {  	p1 =	sgt.u32 s16, $0x208  }
.Ltmp10:
0x92: {  	_ = 	snop;
	(pc) =	sbr.rel @p1 .LBB2_12-.Ltmp10, $1  }
0x93: {  	_ =	sdelay $0x3  }
.LBB2_11:
0x94: {  	_ =	swait.ge [sflag:s31], $0xC00  }
0x95: {  	[sflag:s31] =	ssyncset.done $0x0  }
0x96: {  	[sflag:s31] =	ssyncadd.s32 $0xFFFFF400  }
0x97: {  	[spmem:s2] =	stream.indirect.scatter.add.f32 [tilespmem:s0], [sflag:$0x6], $0x1, s26, s29, $0xb8;
	[tilespmem:$0x1E800] =	vst v63  }
.LBB2_12:
0x98: {  	s16 =	sadd.s32 $0x40, s15  }
0x99: {  	p1 =	sgt.u32 s16, $0x1E8  }
.Ltmp11:
0x9a: {  	_ = 	snop;
	(pc) =	sbr.rel @!p1 .LBB2_13-.Ltmp11, $4  }
0x9b: {  	s14 =	simm.s32 @p0 $0x5  }
0x9c: {  	_ =	swait.ge @p0 [sflag:s14], $0xC00  }
0x9d: {  	[sflag:s14] =	ssyncset.done @p0 $0x0  }
0x9e: {  	[sflag:s14] =	ssyncadd.s32 @p0 $0xFFFFF400  }
0x9f: {  	p0 =	sgt.u32 s16, $0x208  }
.Ltmp12:
0xa0: {  	_ = 	snop;
	(pc) =	sbr.rel @p0 .LBB2_16-.Ltmp12, $4  }
.Ltmp13:
0xa1: {  	_ = 	snop;
	(pc) =	sbr.rel @!p0 .LBB2_15-.Ltmp13, $4  }
0xa2: {  	_ = 	snop  }
0xa3: {  	_ = 	snop  }
0xa4: {  	_ = 	snop  }
0xa5: {  	_ = 	snop  }
.LBB2_18:
0xa6: {  	_ =	sfence.sel $0x180000  }
0xa7: {  	[bflag:$0x0] =	sbarrier.arrive $0xFFFF  }
0xa8: {  	_ =	strace $0x90000047  }
0xa9: {  	s0 =	stileid.u32;
	[bflag:$0x2] =	sbarrier.arrive $0xFFFF  }
0xaa: {  	p0 =	sne.s32 s0, $0x0;
	s0 =	rddreg [dreg:$0x3]  }
0xab: {  	s0 =	sadd.s32 @!p0 $0x100000, s0  }
0xac: {  	[sflag:s0] =	ssyncadd.tile.s32 @!p0 $0x1;
	_ =	shalt  }
.Lfunc_end2:
_tile_overlayer_lowered:
.L_overlay_start_2:
0xad: {  	(tag) =	ssettag $0x2  }
0xae: {  	s0 =	rddreg [dreg:$0x0];
	s2 =	stileid.u32  }
0xaf: {  	s1 =	rddreg [dreg:$0x1];
	p0 =	sne.s32 s2, $0x0  }
0xb0: {  	s3 =	rddreg [dreg:$0x2];
	[bflag:$0x3] =	sbarrier.arrive $0xFFFF;
	s2 =	simm.s32 @!p0 $0x1C08  }
0xb1: {  	[timem:s3], [sflag:s2] =	dma.local @!p0 [hbm:s0], s1  }
0xb2: {  	s0 =	simm.s32 @!p0 $0x8  }
0xb3: {  	_ =	swait.ge @!p0 [sflag:s0], s1  }
0xb4: {  	s1 =	ssub.s32 @!p0 $0x0, s1;
	[sflag:s0] =	ssyncset.done @!p0 $0x0  }
0xb5: {  	[sflag:s0] =	ssyncadd.s32 @!p0 s1  }
0xb6: {  	[bflag:$0x3] =	sbarrier.arrive $0xFFFF  }
0xb7: {  	_ =	shalt  }

// kernel: kernel.15.cloned.1.call-start
scs
__scs_entry_jumppad:
0x0: {  	(pc) =	sbr.rel $0x88, $3  }
0x1: {  	(tag) =	ssettag $0x0;
	lr =	simm.s32 $0x1  }
0x2: {  	[smem:$0x3F9E] =	sst lr;
	_ =	strace $0xD0000000  }
0x3: {  	_ = 	snop  }
0x4: {  	_ = 	snop  }
0x5: {  	_ = 	snop  }
0x6: {  	_ = 	snop  }
0x7: {  	_ = 	snop  }
__scs_overlays_trampoline_lowered:
0x8: {  	[smem:$0x3FAD] =	sst s0  }
0x9: {  	[smem:$0x3FAE] =	sst s1  }
0xa: {  	[smem:$0x3FAF] =	sst s2  }
0xb: {  	[smem:$0x3FB0] =	sst s3  }
0xc: {  	[smem:$0x3FB1] =	sst s4  }
0xd: {  	[smem:$0x3FB2] =	sst s5  }
0xe: {  	[smem:$0x3FB3] =	sst s6  }
0xf: {  	[smem:$0x3FB4] =	sst s7  }
0x10: {  	[smem:$0x3FB5] =	sst s8  }
0x11: {  	[smem:$0x3FB6] =	sst s9;
	s0 =	simm.s32 @!p0 $0x0  }
0x12: {  	s1 =	sld [smem:$0x3F9C];
	s0 =	simm.s32 @p0 $0x1  }
0x13: {  	[smem:$0x3FB7] =	sst s0;
	s0 =	simm.s32 @!p1 $0x0  }
0x14: {  	s2 =	sld [smem:$0x3F9B];
	s0 =	simm.s32 @p1 $0x1  }
0x15: {  	[smem:$0x3FB8] =	sst s0;
	s0 =	simm.s32 @!p2 $0x0  }
0x16: {  	s3 =	sld [smem:$0x3FDB];
	s0 =	simm.s32 @p2 $0x1  }
0x17: {  	s4 =	simm.s32 $0x1BF5;
	[smem:$0x3FBA] =	sst s0  }
0x18: {  	s0 =	sld [smem:$0x3F9D];
	_ =	swait.ge [sflag:s4], $0x0  }
0x19: {  	s7 =	sld [smem:$0x3F9E]  }
0x1a: {  	s8 =	sadd.s32 $0xFFFFE003, lr  }
0x1b: {  	s9 =	sadd.s32 $0xFFFFFEF7, lr;
	s5 =	simm.s32 $0xFFFFFFFF;
	p2 =	slt.u32 s8, $0xFFFFF086  }
0x1c: {  	p1 =	slt.u32 s9, $0xF7A;
	s5 =	simm.s32 @!p2 $0x0  }
0x1d: {  	s5 =	simm.s32 @p1 $0x1;
	p0 =	seq.s32 s7, s2  }
0x1e: {  	s7 =	smul.u32 @!p0 $0xF7A, s2;
	p2 =	seq.s32 @!p0 s5, $0x0  }
0x1f: {  	s9 =	smul.u32 $0xF7A, s1;
	s8 =	simm.s32 @!p0 $0x1BF5;
	p2 =	por !p2, p0  }
0x20: {  	[sflag:s8] =	ssyncset.s32 @!p0 $0xFFFFF086;
	s6 =	sadd.s32 @!p0 s3, s7;
	s7 =	simm.s32 @!p0 $0x108  }
0x21: {  	s3 =	sadd.s32 s3, s9;
	s6 =	sadd.s32 @!p0 $0x88, s6;
	s7 =	simm.s32 @p2 $0x1082  }
0x22: {  	[simem:s7], [sflag:s8] =	dma.local @!p0 [hbm:s6], $0xF7A  }
0x23: {  	s9 =	sor.u32 $0xD0000000, s2;
	s6 =	simm.s32 $0x108;
	_ =	swait.ge @!p0 [sflag:s8], $0x0  }
0x24: {  	s3 =	sadd.s32 $0x88, s3;
	s6 =	simm.s32 @!p1 $0x1082;
	[sflag:s4] =	ssyncset.s32 $0xFFFFF086  }
0x25: {  	[simem:s6], [sflag:s4] =	dma.local [hbm:s3], $0xF7A  }
0x26: {  	[smem:$0x3F9E] =	sst s1;
	(tag) =	ssettag s2;
	_ =	strace s9  }
0x27: {  	s1 =	sld [smem:$0x3FAE]  }
0x28: {  	s2 =	sld [smem:$0x3FAF]  }
0x29: {  	s4 =	sld [smem:$0x3FB1]  }
0x2a: {  	p0 =	seq.s32 s5, $0x0;
	s5 =	sld [smem:$0x3FB2]  }
0x2b: {  	s6 =	sld [smem:$0x3FB3]  }
0x2c: {  	s7 =	sld [smem:$0x3FB4]  }
0x2d: {  	s3 =	simm.s32 $0x108;
	s8 =	sld [smem:$0x3FB5]  }
0x2e: {  	s3 =	simm.s32 @!p0 $0x1082;
	s9 =	sld [smem:$0x3FB6]  }
0x2f: {  	lr =	sadd.s32 s0, s3;
	s0 =	sld [smem:$0x3FAD]  }
0x30: {  	s3 =	sld [smem:$0x3FB0]  }
0x31: {  	[smem:$0x3FB9] =	sst s10  }
0x32: {  	s10 =	sld [smem:$0x3FB7];
	_ =	sdelay $0x3  }
0x33: {  	p0 =	seq.s32 s10, $0x1;
	s10 =	sld [smem:$0x3FB9];
	_ =	sdelay $0x3  }
0x34: {  	[smem:$0x3FB9] =	sst s10  }
0x35: {  	s10 =	sld [smem:$0x3FB8];
	_ =	sdelay $0x3  }
0x36: {  	p1 =	seq.s32 s10, $0x1;
	s10 =	sld [smem:$0x3FB9];
	_ =	sdelay $0x3  }
0x37: {  	[smem:$0x3FB9] =	sst s10  }
0x38: {  	s10 =	sld [smem:$0x3FBA]  }
0x39: {  	_ = 	snop;
	(pc) =	sbr.ind lr, $3  }
0x3a: {  	_ = 	snop  }
0x3b: {  	_ = 	snop  }
0x3c: {  	p2 =	seq.s32 s10, $0x1;
	s10 =	sld [smem:$0x3FB9]  }
0x3d: {  	_ =	shalt  }
0x3e: {  	_ =	shalt  }
0x3f: {  	_ =	shalt  }
0x40: {  	_ =	shalt  }
0x41: {  	_ =	shalt  }
0x42: {  	_ =	shalt  }
0x43: {  	_ =	shalt  }
0x44: {  	_ =	shalt  }
0x45: {  	_ =	shalt  }
0x46: {  	_ =	shalt  }
0x47: {  	_ =	shalt  }
0x48: {  	_ =	shalt  }
0x49: {  	_ =	shalt  }
0x4a: {  	_ =	shalt  }
0x4b: {  	_ =	shalt  }
0x4c: {  	_ =	shalt  }
0x4d: {  	_ =	shalt  }
0x4e: {  	_ =	shalt  }
0x4f: {  	_ =	shalt  }
0x50: {  	_ =	shalt  }
0x51: {  	_ =	shalt  }
0x52: {  	_ =	shalt  }
0x53: {  	_ =	shalt  }
0x54: {  	_ =	shalt  }
0x55: {  	_ =	shalt  }
0x56: {  	_ =	shalt  }
0x57: {  	_ =	shalt  }
0x58: {  	_ =	shalt  }
0x59: {  	_ =	shalt  }
0x5a: {  	_ =	shalt  }
0x5b: {  	_ =	shalt  }
0x5c: {  	_ =	shalt  }
0x5d: {  	_ =	shalt  }
0x5e: {  	_ =	shalt  }
0x5f: {  	_ =	shalt  }
0x60: {  	_ =	shalt  }
0x61: {  	_ =	shalt  }
0x62: {  	_ =	shalt  }
0x63: {  	_ =	shalt  }
0x64: {  	_ =	shalt  }
0x65: {  	_ =	shalt  }
0x66: {  	_ =	shalt  }
0x67: {  	_ =	shalt  }
0x68: {  	_ =	shalt  }
0x69: {  	_ =	shalt  }
0x6a: {  	_ =	shalt  }
0x6b: {  	_ =	shalt  }
0x6c: {  	_ =	shalt  }
0x6d: {  	_ =	shalt  }
0x6e: {  	_ =	shalt  }
0x6f: {  	_ =	shalt  }
0x70: {  	_ =	shalt  }
0x71: {  	_ =	shalt  }
0x72: {  	_ =	shalt  }
0x73: {  	_ =	shalt  }
0x74: {  	_ =	shalt  }
0x75: {  	_ =	shalt  }
0x76: {  	_ =	shalt  }
0x77: {  	_ =	shalt  }
0x78: {  	_ =	shalt  }
0x79: {  	_ =	shalt  }
0x7a: {  	_ =	shalt  }
0x7b: {  	_ =	shalt  }
0x7c: {  	_ =	shalt  }
0x7d: {  	_ =	shalt  }
0x7e: {  	_ =	shalt  }
0x7f: {  	_ =	shalt  }
0x80: {  	_ =	shalt  }
0x81: {  	_ =	shalt  }
0x82: {  	_ =	shalt  }
0x83: {  	_ =	shalt  }
0x84: {  	_ =	shalt  }
0x85: {  	_ =	shalt  }
0x86: {  	_ =	shalt  }
0x87: {  	_ =	shalt  }
.Lfunc_end0:
.L_simem_size_0:
called_computation.1_lowered:
.L_overlay_start_0:
0x88: {  	s2 =	sld [smem:$0x3FD9]  }
0x89: {  	s3 =	sld [smem:$0x3FFE];
	_ =	sdelay $0x1  }
0x8a: {  	s1 =	srdreg.scid  }
0x8b: {  	s0 =	sand.u32 $0x1, s1  }
0x8c: {  	s17 =	sshll.u32 s0, $0xA;
	s2 =	sadd.s32 s3, s2  }
0x8d: {  	s2 =	sadd.s32 s2, s17  }
0x8e: {  	[smem:$0x3FC5] =	sst s2  }
0x8f: {  	_ = 	snop  }
0x90: {  	s2 =	sld [smem:$0x3FD0];
	(tm) =	ssettm $0x1  }
0x91: {  	s18 =	sld [smem:$0x3FFB];
	_ =	sdelay $0x3  }
0x92: {  	_ =	strace s18  }
0x93: {  	s3 =	sld [smem:$0x3FFC];
	_ =	sdelay $0x3  }
0x94: {  	_ =	strace s3  }
0x95: {  	s3 =	sld [smem:$0x3FFD];
	_ =	sdelay $0x3  }
0x96: {  	_ =	strace s3  }
0x97: {  	_ =	strace $0x8FFFFFFF  }
0x98: {  	s19 =	sld [smem:$0x3FDB];
	_ =	sdelay $0x1  }
0x99: {  	s4 =	simm.s32 $_scs_section_size  }
0x9a: {  	s5 =	simm.s32 $_size__tile_overlayer_lowered;
	s6 =	simm.s32 $_tile_overlayer_lowered  }
0x9b: {  	s22 =	simm.s32 $0x1BFF;
	s21 =	sshll.u32 s6, $0x1;
	s3 =	sadd.s32 s4, s19  }
0x9c: {  	s7 =	simm.s32 $0x0;
	s20 =	sshll.u32 s5, $0x1;
	s5 =	sadd.s32 s21, s3  }
0x9d: {  	[timem:s7], [sflag:s22] =	dma.local [hbm:s5], s20  }
0x9e: {  	_ =	swait.ge [sflag:s22], s20  }
0x9f: {  	s4 =	ssub.s32 $0x0, s20;
	[sflag:s22] =	ssyncset.done $0x0  }
0xa0: {  	[sflag:s22] =	ssyncadd.s32 s4;
	_ =	sdelay $0x1  }
0xa1: {  	s23 =	simm.s32 $0x1B8B  }
0xa2: {  	_ =	swait.ge [sflag:s23], $0x1  }
0xa3: {  	[sflag:s23] =	ssyncset.done $0x0  }
0xa4: {  	s25 =	simm.s32 $0x1B8E;
	s24 =	sld [smem:$0x3FFE];
	[sflag:s23] =	ssyncadd.s32 $0xFFFFFFFF  }
0xa5: {  	s26 =	simm.s32 $execute0_lowered;
	[smem:$0x3FD2] =	sst s25  }
0xa6: {  	s5 =	sshll.u32 s26, $0x1;
	_ =	strace $0x80000049;
	[dreg:$0x1] =	wrdreg $0xFFFFFFFF  }
0xa7: {  	s28 =	simm.s32 $_size_execute0_lowered;
	s3 =	sadd.s32 s3, s5;
	[dreg:$0x0] =	wrdreg $0x0  }
0xa8: {  	s5 =	sshll.u32 s28, $0x1;
	[dreg:$0x2] =	wrdreg s3  }
0xa9: {  	[dreg:$0x3] =	wrdreg s5  }
0xaa: {  	[dreg:$0x4] =	wrdreg $0xC0  }
0xab: {  	_ =	task [dreg:s7], $0x5FFFF  }
0xac: {  	[dreg:$0x1] =	wrdreg $0xFFFFFFFF  }
0xad: {  	[dreg:$0x0] =	wrdreg $0x60  }
0xae: {  	[dreg:$0x2] =	wrdreg s2  }
0xaf: {  	[dreg:$0x3] =	wrdreg s24  }
0xb0: {  	[dreg:$0x4] =	wrdreg $0x1CF800  }
0xb1: {  	[dreg:$0x5] =	wrdreg $0x9  }
0xb2: {  	_ =	task.clear_ibuf [dreg:s7], $0x6FFFF;
	_ =	strace $0x90000049  }
0xb3: {  	s29 =	simm.s32 $0x9;
	_ =	strace $0x8000004B  }
0xb4: {  	_ =	swait.ge [sflag:s29], $0x1  }
0xb5: {  	[sflag:s29] =	ssyncadd.s32 $0xFFFFFFFF  }
0xb6: {  	_ =	strace $0x9000004B  }
0xb7: {  	_ =	sfence  }
0xb8: {  	s30 =	sld [smem:$0x0];
	_ =	sdelay $0x2  }
0xb9: {  	s31 =	sshll.u32 s1, $0xD;
	s1 =	sshrl.u32 s1, $0x2  }
0xba: {  	s3 =	sand.u32 $0x4000, s31;
	s1 =	sadd.s32 s1, s30  }
0xbb: {  	s0 =	sor.u32 s3, s0;
	s1 =	sshll.u32 s1, $0x11  }
0xbc: {  	s0 =	sor.u32 s1, s0  }
0xbd: {  	s0 =	sadd.s32 $0x8F2B, s0  }
0xbe: {  	[sflag:s0] =	ssyncadd.remote.s32 $0x1  }
0xbf: {  	_ =	sfence.sel $0xFFFF  }
0xc0: {  	[dreg:$0x0] =	wrdreg $0xFFFFFFFF;
	(pc) =	sbr.abs _section_cstart, $3  }
0xc1: {  	[dreg:$0x1] =	wrdreg $0xFFFFFFFF  }
0xc2: {  	_ =	task.clear_ibuf [dreg:s7], $0x2FFFF;
	_ =	strace $0x9FFFFFFF  }
0xc3: {  	(tm) =	ssettm $0x7FFFFFFF  }
tec
execute0_lowered:
.L_overlay_start_1:
0x0: {  	(tag) =	ssettag $0x1  }
0x1: {  	s0 =	rddreg [dreg:$0x1]  }
0x2: {  	s2 =	rddreg [dreg:$0x2]  }
0x3: {  	s3 =	simm.s32 $0x0;
	s1 =	srdreg.scid;
	s16 =	stileid.u32  }
0x4: {  	s28 =	simm.s32 $0x2;
	s29 =	simm.s32 $0xC00;
	s30 =	simm.s32 $0x19F00  }
0x5: {  	s31 =	simm.s32 $0x3;
	[smem:$0x7FF] =	sst s3;
	s1 =	sand.u32 $0x1, s1  }
0x6: {  	s5 =	sadd.s32 $0x3C00, s0;
	s6 =	sadd.s32 $0x35400, s0;
	s10 =	smul.u32 $0x1880, s16  }
0x7: {  	s0 =	sadd.s32 $0x35600, s0;
	s15 =	sshll.u32 s16, $0x1;
	s12 =	sshrl.u32 s16, $0x2  }
0x8: {  	s21 =	sshll.u32 s16, $0x8;
	_ =	strace $0x8000004A;
	s4 =	ssub.s32 $0x2, s1  }
0x9: {  	[dreg:$0x4] =	wrdreg s6;
	s7 =	sor.u32 s1, s15;
	s13 =	smul.u32 $0x6000, s12  }
0xa: {  	s15 =	smul.u32 $0x3100, s16;
	s1 =	sshll.u32 s1, $0x7;
	s20 =	sor.u32 $0x8, s12  }
0xb: {  	s12 =	sor.u32 $0x4, s12;
	s14 =	sshrl.u32 s4, $0x1;
	s17 =	sadd.s32 $0xC00, s10  }
0xc: {  	s8 =	sadd.s32 s10, s2;
	s11 =	sshll.u32 s7, $0x7;
	s12 =	smul.u32 $0x6000, s12  }
0xd: {  	s4 =	ssub.s32 s4, s14;
	s9 =	sadd.s32 s17, s2;
	s14 =	sadd.s32 $0x1800, s10  }
0xe: {  	s11 =	sand.u32 $0x380, s11;
	s15 =	sor.u32 s1, s15;
	s6 =	sshll.u32 s17, $0x1  }
0xf: {  	s10 =	sadd.s32 s14, s2;
	s13 =	sor.u32 s13, s11;
	s15 =	sshrl.u32 s15, $0x3  }
0x10: {  	s6 =	sor.u32 s1, s6;
	s19 =	sshll.u32 s14, $0x1;
	s14 =	smul.u32 $0x6000, s20  }
0x11: {  	s4 =	smax.u32 s4, $0x1;
	s20 =	simm.s32 $0x8;
	s13 =	sshrl.u32 s13, $0x3  }
0x12: {  	s18 =	sadd.s32 s0, s15;
	s6 =	sshrl.u32 s6, $0x3;
	s15 =	sor.u32 s1, s21  }
0x13: {  	s1 =	sor.u32 s1, s19;
	[dreg:$0x9] =	wrdreg s4;
	s21 =	simm.s32 $0x1AB00  }
0x14: {  	s4 =	simm.s32 $0x4;
	s13 =	sadd.s32 s5, s13;
	[dreg:$0x6] =	wrdreg s18  }
0x15: {  	s19 =	simm.s32 $0x100;
	s6 =	sadd.s32 s0, s6;
	[dreg:$0x5] =	wrdreg s13  }
0x16: {  	s22 =	sand.u32 $0x380, s15;
	s1 =	sshrl.u32 s1, $0x3;
	[dreg:$0x7] =	wrdreg s6  }
0x17: {  	s23 =	sor.u32 s22, s14;
	s0 =	sadd.s32 s0, s1;
	s25 =	sor.u32 s22, s12  }
.Ltmp0:
0x18: {  	s22 =	simm.s32 $0x1;
	s1 =	simm.s32 $0x1C300;
	(pc) =	sbr.rel .LBB2_1-.Ltmp0, $4  }
0x19: {  	s6 =	simm.s32 $0x0;
	[dreg:$0x8] =	wrdreg s0;
	s24 =	sshrl.u32 s23, $0x3  }
0x1a: {  	s26 =	sshrl.u32 s25, $0x3;
	s23 =	simm.s32 $0x80;
	s25 =	simm.s32 $0x18700  }
0x1b: {  	s0 =	sadd.s32 s24, s5;
	s13 =	sadd.s32 s26, s5;
	s24 =	simm.s32 $0x400  }
0x1c: {  	v0 =	vimm.f32 $0.0e+00;
	s26 =	simm.s32 $0x19300;
	[dreg:$0xa] =	wrdreg s0;
	s0 =	simm.s32 $0x1B700  }
.LBB2_17:
0x1d: {  	[bflag:$0x0] =	sbarrier.arrive $0xFFFF  }
0x1e: {  	[tilespmem:s21], [sflag:$0x8] =	stream.linear.gather [spmem:s8], $0xC00, $0x38;
	[tilespmem:$0x1E800] =	vst v63  }
0x1f: {  	_ =	swait.ge [sflag:s20], $0xC00  }
0x20: {  	[sflag:s20] =	ssyncset.done $0x0  }
0x21: {  	[sflag:s20] =	ssyncadd.s32 $0xFFFFF400  }
0x22: {  	[tilespmem:s0], [sflag:$0x8] =	stream.linear.gather [spmem:s9], $0xC00, $0x38;
	[tilespmem:$0x1E800] =	vst v63  }
0x23: {  	_ =	swait.ge [sflag:s20], $0xC00  }
0x24: {  	[sflag:s20] =	ssyncset.done $0x0  }
0x25: {  	[sflag:s20] =	ssyncadd.s32 $0xFFFFF400  }
0x26: {  	[tilespmem:s1], [sflag:$0x8] =	stream.linear.gather [spmem:s10], $0x80, $0x38;
	[tilespmem:$0x1E800] =	vst v63  }
0x27: {  	_ =	swait.ge [sflag:s20], $0x80  }
0x28: {  	[sflag:s20] =	ssyncset.done $0x0  }
0x29: {  	s12 =	rddreg [dreg:$0x6];
	[sflag:s20] =	ssyncadd.s32 $0xFFFFFF80  }
0x2a: {  	[hbm4b:s12+s23] =	stream.strided.scatter [tilespmem:s21], [sflag:$0x8], $0xC00, s19, s23, $0x38;
	[tilespmem:$0x1E800] =	vst v63  }
0x2b: {  	_ =	swait.ge [sflag:s20], $0xC00  }
0x2c: {  	[sflag:s20] =	ssyncset.done $0x0  }
0x2d: {  	s16 =	rddreg [dreg:$0x7];
	[sflag:s20] =	ssyncadd.s32 $0xFFFFF400  }
0x2e: {  	[hbm4b:s16+s23] =	stream.strided.scatter [tilespmem:s0], [sflag:$0x8], $0xC00, s19, s23, $0x38;
	[tilespmem:$0x1E800] =	vst v63  }
0x2f: {  	_ =	swait.ge [sflag:s20], $0xC00  }
0x30: {  	[sflag:s20] =	ssyncset.done $0x0  }
0x31: {  	s17 =	rddreg [dreg:$0x8];
	[sflag:s20] =	ssyncadd.s32 $0xFFFFF400  }
0x32: {  	[hbm4b:s17+s3] =	stream.linear.scatter [tilespmem:s1], [sflag:$0x8], $0x80, $0x38;
	[tilespmem:$0x1E800] =	vst v63  }
0x33: {  	_ =	swait.ge [sflag:s20], $0x80  }
0x34: {  	s6 =	sadd.s32 $0x1, s6;
	s18 =	rddreg [dreg:$0x9]  }
0x35: {  	p0 =	sne.s32 s6, s18  }
.Ltmp1:
0x36: {  	_ = 	snop;
	(pc) =	sbr.rel @!p0 .LBB2_18-.Ltmp1, $3  }
0x37: {  	_ =	sdelay $0x1  }
0x38: {  	[sflag:s20] =	ssyncset.done $0x0  }
0x39: {  	[sflag:s20] =	ssyncadd.s32 $0xFFFFFF80  }
.LBB2_1:
0x3a: {  	s12 =	rddreg [dreg:$0x0]  }
0x3b: {  	[tilespmem:s3], [sflag:$0x1] =	stream.linear.gather [hbm4b:s12+s3], $0x186A0, $0x38;
	[tilespmem:$0x1E800] =	vst v63  }
0x3c: {  	s18 =	rddreg [dreg:$0x4];
	s14 =	simm.s32 $0x1CF00  }
0x3d: {  	[tilespmem:s14], [sflag:$0x8] =	stream.linear.gather [hbm4b:s18+s3], $0x80, $0x38;
	[tilespmem:$0x1E800] =	vst v63  }
0x3e: {  	_ =	swait.ge [sflag:s20], $0x80  }
0x3f: {  	[sflag:s20] =	ssyncset.done $0x0  }
0x40: {  	s15 =	simm.s32 $0x200;
	s12 =	simm.s32 $0x0;
	[sflag:s20] =	ssyncadd.s32 $0xFFFFFF80  }
.LBB2_2:
0x41: {  	p0 =	sne.s32 s15, $0x2E00;
	[tilespmem:s12+$0x1AB70] =	vst v0  }
0x42: {  	[tilespmem:s12+$0x1AB00] =	vst v0  }
0x43: {  	[tilespmem:s12+$0x1AB10] =	vst v0  }
.Ltmp2:
0x44: {  	[tilespmem:s12+$0x1AB20] =	vst v0;
	(pc) =	sbr.rel @p0 .LBB2_2-.Ltmp2, $4  }
0x45: {  	[tilespmem:s12+$0x1AB30] =	vst v0  }
0x46: {  	[tilespmem:s12+$0x1AB40] =	vst v0  }
0x47: {  	[tilespmem:s12+$0x1AB50] =	vst v0  }
0x48: {  	[tilespmem:s12+$0x1AB60] =	vst v0;
	s12 =	sshra.s32 s15, $0x2;
	s15 =	sadd.s32 $0x200, s15  }
0x49: {  	[tilespmem:s12+$0x1AB70] =	vst v0  }
0x4a: {  	[tilespmem:s12+$0x1AB00] =	vst v0  }
0x4b: {  	[tilespmem:s12+$0x1AB10] =	vst v0  }
0x4c: {  	[tilespmem:s12+$0x1AB20] =	vst v0  }
0x4d: {  	[tilespmem:s12+$0x1AB30] =	vst v0  }
0x4e: {  	[tilespmem:s12+$0x1AB40] =	vst v0  }
0x4f: {  	[tilespmem:s12+$0x1AB50] =	vst v0  }
0x50: {  	[tilespmem:s12+$0x1AB60] =	vst v0  }
0x51: {  	[spmem:s8] =	stream.linear.scatter [tilespmem:s21], [sflag:$0x8], $0xC00, $0x38;
	[tilespmem:$0x1E800] =	vst v63  }
0x52: {  	_ =	swait.ge [sflag:s20], $0xC00  }
0x53: {  	[sflag:s20] =	ssyncset.done $0x0  }
0x54: {  	[sflag:s20] =	ssyncadd.s32 $0xFFFFF400  }
0x55: {  	[spmem:s9] =	stream.linear.scatter [tilespmem:s21], [sflag:$0x8], $0xC00, $0x38;
	[tilespmem:$0x1E800] =	vst v63  }
0x56: {  	_ =	swait.ge [sflag:s20], $0xC00  }
0x57: {  	[sflag:s20] =	ssyncset.done $0x0  }
0x58: {  	[sflag:s20] =	ssyncadd.s32 $0xFFFFF400  }
0x59: {  	[spmem:s10] =	stream.linear.scatter [tilespmem:s21], [sflag:$0x8], $0x80, $0x38;
	[tilespmem:$0x1E800] =	vst v63  }
0x5a: {  	_ =	swait.ge [sflag:s20], $0x80  }
0x5b: {  	[sflag:s20] =	ssyncset.done $0x0  }
0x5c: {  	[sflag:s20] =	ssyncadd.s32 $0xFFFFFF80  }
0x5d: {  	_ =	swait.ge [sflag:s22], $0x186A0  }
0x5e: {  	[sflag:s22] =	ssyncset.done $0x0  }
.Ltmp3:
0x5f: {  	[sflag:s22] =	ssyncadd.s32 $0xFFFE7960;
	(pc) =	sbr.rel .LBB2_4-.Ltmp3, $4  }
0x60: {  	[bflag:$0x0] =	sbarrier.arrive $0xFFFF  }
0x61: {  	s18 =	rddreg [dreg:$0x5]  }
0x62: {  	[tilespmem:s25], [sflag:$0x2] =	stream.strided.gather [hbm4b:s18+s23], $0xC00, s24, s23, $0x38;
	[tilespmem:$0x1E800] =	vst v63  }
0x63: {  	s12 =	simm.s32 $0x0;
	s17 =	rddreg [dreg:$0xa];
	s18 =	smov.u32 s13  }
.LBB2_13:
0x64: {  	s14 =	sadd.s32 $0x60, s15  }
0x65: {  	s14 =	sshrl.u32 s14, $0x3  }
0x66: {  	s14 =	smul.u32 $0x6000, s14;
	_ =	sdelay $0x1  }
0x67: {  	s14 =	sor.u32 s11, s14  }
0x68: {  	s14 =	sshrl.u32 s14, $0x3  }
0x69: {  	s14 =	sadd.s32 s5, s14  }
0x6a: {  	[tilespmem:s25], [sflag:$0x2] =	stream.strided.gather [hbm4b:s14+s23], $0xC00, s24, s23, $0x38;
	[tilespmem:$0x1E800] =	vst v63  }
.LBB2_15:
0x6b: {  	_ =	swait.ge [sflag:s4], $0xC00  }
0x6c: {  	[sflag:s4] =	ssyncset.done $0x0  }
0x6d: {  	[sflag:s4] =	ssyncadd.s32 $0xFFFFF400  }
0x6e: {  	[spmem:s2] =	stream.indirect.scatter.add.f32 [tilespmem:s1], [sflag:$0x7], $0x1, s30, s29, $0xb8;
	[tilespmem:$0x1E800] =	vst v63  }
.LBB2_16:
0x6f: {  	s12 =	sadd.s32 $0x60, s12  }
0x70: {  	p0 =	sne.s32 s12, $0x2A0  }
.Ltmp4:
0x71: {  	_ = 	snop;
	(pc) =	sbr.rel @!p0 .LBB2_17-.Ltmp4, $2  }
0x72: {  	_ =	sdelay $0x2  }
0x73: {  	s17 =	sadd.s32 $0x9000, s17;
	s18 =	sadd.s32 $0x9000, s18  }
.LBB2_4:
0x74: {  	s15 =	sadd.s32 s12, s7  }
0x75: {  	s16 =	sadd.s32 $0xFFFFFFC0, s15;
	p1 =	sgt.u32 s15, $0x1E8  }
.Ltmp5:
0x76: {  	p0 =	sgt.u32 s16, $0x208;
	(pc) =	sbr.rel @p1 .LBB2_6-.Ltmp5, $4  }
0x77: {  	s16 =	simm.s32 @!p0 $0x6  }
0x78: {  	_ =	swait.ge @!p0 [sflag:s16], $0xC00  }
0x79: {  	[sflag:s16] =	ssyncset.done @!p0 $0x0  }
0x7a: {  	[sflag:s16] =	ssyncadd.s32 @!p0 $0xFFFFF400  }
.Ltmp6:
0x7b: {  	(pc) =	sbr.rel .LBB2_7-.Ltmp6, $2  }
0x7c: {  	_ =	sdelay $0x2  }
0x7d: {  	[tilespmem:s26], [sflag:$0x3] =	stream.strided.gather [hbm4b:s18+s23], $0xC00, s24, s23, $0x38;
	[tilespmem:$0x1E800] =	vst v63  }
.LBB2_6:
0x7e: {  	p1 =	sgt.u32 s15, $0x208  }
.Ltmp7:
0x7f: {  	_ = 	snop;
	(pc) =	sbr.rel @p1 .LBB2_8-.Ltmp7, $2  }
0x80: {  	_ =	sdelay $0x2  }
0x81: {  	p0 =	por $0x0, $0x0  }
.LBB2_7:
0x82: {  	_ =	swait.ge [sflag:s28], $0xC00  }
0x83: {  	[sflag:s28] =	ssyncset.done $0x0  }
0x84: {  	p0 =	por $0x1, $0x1;
	[sflag:s28] =	ssyncadd.s32 $0xFFFFF400  }
0x85: {  	[spmem:s2] =	stream.indirect.scatter.add.f32 [tilespmem:s21], [sflag:$0x5], $0x1, s25, s29, $0xb8;
	[tilespmem:$0x1E800] =	vst v63  }
.LBB2_8:
0x86: {  	s16 =	sadd.s32 $0xFFFFFFE0, s15  }
0x87: {  	p1 =	sgt.u32 s16, $0x208;
	s16 =	sadd.s32 $0x20, s15  }
0x88: {  	p2 =	sgt.u32 s16, $0x1E8  }
.Ltmp8:
0x89: {  	_ = 	snop;
	(pc) =	sbr.rel @p2 .LBB2_10-.Ltmp8, $4  }
0x8a: {  	s14 =	simm.s32 @!p1 $0x7  }
0x8b: {  	_ =	swait.ge @!p1 [sflag:s14], $0xC00  }
0x8c: {  	[sflag:s14] =	ssyncset.done @!p1 $0x0  }
0x8d: {  	[sflag:s14] =	ssyncadd.s32 @!p1 $0xFFFFF400  }
.Ltmp9:
0x8e: {  	(pc) =	sbr.rel .LBB2_11-.Ltmp9, $2  }
0x8f: {  	_ =	sdelay $0x2  }
0x90: {  	[tilespmem:s30], [sflag:$0x4] =	stream.strided.gather [hbm4b:s17+s23], $0xC00, s24, s23, $0x38;
	[tilespmem:$0x1E800] =	vst v63  }
.LBB2_10:
0x91: {  	p1 =	sgt.u32 s16, $0x208  }
.Ltmp10:
0x92: {  	_ = 	snop;
	(pc) =	sbr.rel @p1 .LBB2_12-.Ltmp10, $1  }
0x93: {  	_ =	sdelay $0x3  }
.LBB2_11:
0x94: {  	_ =	swait.ge [sflag:s31], $0xC00  }
0x95: {  	[sflag:s31] =	ssyncset.done $0x0  }
0x96: {  	[sflag:s31] =	ssyncadd.s32 $0xFFFFF400  }
0x97: {  	[spmem:s2] =	stream.indirect.scatter.add.f32 [tilespmem:s0], [sflag:$0x6], $0x1, s26, s29, $0xb8;
	[tilespmem:$0x1E800] =	vst v63  }
.LBB2_12:
0x98: {  	s16 =	sadd.s32 $0x40, s15  }
0x99: {  	p1 =	sgt.u32 s16, $0x1E8  }
.Ltmp11:
0x9a: {  	_ = 	snop;
	(pc) =	sbr.rel @!p1 .LBB2_13-.Ltmp11, $4  }
0x9b: {  	s14 =	simm.s32 @p0 $0x5  }
0x9c: {  	_ =	swait.ge @p0 [sflag:s14], $0xC00  }
0x9d: {  	[sflag:s14] =	ssyncset.done @p0 $0x0  }
0x9e: {  	[sflag:s14] =	ssyncadd.s32 @p0 $0xFFFFF400  }
0x9f: {  	p0 =	sgt.u32 s16, $0x208  }
.Ltmp12:
0xa0: {  	_ = 	snop;
	(pc) =	sbr.rel @p0 .LBB2_16-.Ltmp12, $4  }
.Ltmp13:
0xa1: {  	_ = 	snop;
	(pc) =	sbr.rel @!p0 .LBB2_15-.Ltmp13, $4  }
0xa2: {  	_ = 	snop  }
0xa3: {  	_ = 	snop  }
0xa4: {  	_ = 	snop  }
0xa5: {  	_ = 	snop  }
.LBB2_18:
0xa6: {  	_ =	sfence.sel $0x180000  }
0xa7: {  	[bflag:$0x0] =	sbarrier.arrive $0xFFFF  }
0xa8: {  	_ =	strace $0x9000004A  }
0xa9: {  	s0 =	stileid.u32;
	[bflag:$0x2] =	sbarrier.arrive $0xFFFF  }
0xaa: {  	p0 =	sne.s32 s0, $0x0;
	s0 =	rddreg [dreg:$0x3]  }
0xab: {  	s0 =	sadd.s32 @!p0 $0x100000, s0  }
0xac: {  	[sflag:s0] =	ssyncadd.tile.s32 @!p0 $0x1;
	_ =	shalt  }
.Lfunc_end2:
_tile_overlayer_lowered:
.L_overlay_start_2:
0xad: {  	(tag) =	ssettag $0x2  }
0xae: {  	s0 =	rddreg [dreg:$0x0];
	s2 =	stileid.u32  }
0xaf: {  	s1 =	rddreg [dreg:$0x1];
	p0 =	sne.s32 s2, $0x0  }
0xb0: {  	s3 =	rddreg [dreg:$0x2];
	[bflag:$0x3] =	sbarrier.arrive $0xFFFF;
	s2 =	simm.s32 @!p0 $0x1C08  }
0xb1: {  	[timem:s3], [sflag:s2] =	dma.local @!p0 [hbm:s0], s1  }
0xb2: {  	s0 =	simm.s32 @!p0 $0x8  }
0xb3: {  	_ =	swait.ge @!p0 [sflag:s0], s1  }
0xb4: {  	s1 =	ssub.s32 @!p0 $0x0, s1;
	[sflag:s0] =	ssyncset.done @!p0 $0x0  }
0xb5: {  	[sflag:s0] =	ssyncadd.s32 @!p0 s1  }
0xb6: {  	[bflag:$0x3] =	sbarrier.arrive $0xFFFF  }
0xb7: {  	_ =	shalt  }

// kernel: kernel.18.cloned.1.call-start
scs
__scs_entry_jumppad:
0x0: {  	(pc) =	sbr.rel $0x88, $3  }
0x1: {  	(tag) =	ssettag $0x0;
	lr =	simm.s32 $0x1  }
0x2: {  	[smem:$0x3F9E] =	sst lr;
	_ =	strace $0xD0000000  }
0x3: {  	_ = 	snop  }
0x4: {  	_ = 	snop  }
0x5: {  	_ = 	snop  }
0x6: {  	_ = 	snop  }
0x7: {  	_ = 	snop  }
__scs_overlays_trampoline_lowered:
0x8: {  	[smem:$0x3FAD] =	sst s0  }
0x9: {  	[smem:$0x3FAE] =	sst s1  }
0xa: {  	[smem:$0x3FAF] =	sst s2  }
0xb: {  	[smem:$0x3FB0] =	sst s3  }
0xc: {  	[smem:$0x3FB1] =	sst s4  }
0xd: {  	[smem:$0x3FB2] =	sst s5  }
0xe: {  	[smem:$0x3FB3] =	sst s6  }
0xf: {  	[smem:$0x3FB4] =	sst s7  }
0x10: {  	[smem:$0x3FB5] =	sst s8  }
0x11: {  	[smem:$0x3FB6] =	sst s9;
	s0 =	simm.s32 @!p0 $0x0  }
0x12: {  	s1 =	sld [smem:$0x3F9C];
	s0 =	simm.s32 @p0 $0x1  }
0x13: {  	[smem:$0x3FB7] =	sst s0;
	s0 =	simm.s32 @!p1 $0x0  }
0x14: {  	s2 =	sld [smem:$0x3F9B];
	s0 =	simm.s32 @p1 $0x1  }
0x15: {  	[smem:$0x3FB8] =	sst s0;
	s0 =	simm.s32 @!p2 $0x0  }
0x16: {  	s3 =	sld [smem:$0x3FDB];
	s0 =	simm.s32 @p2 $0x1  }
0x17: {  	s4 =	simm.s32 $0x1BF5;
	[smem:$0x3FBA] =	sst s0  }
0x18: {  	s0 =	sld [smem:$0x3F9D];
	_ =	swait.ge [sflag:s4], $0x0  }
0x19: {  	s7 =	sld [smem:$0x3F9E]  }
0x1a: {  	s8 =	sadd.s32 $0xFFFFE003, lr  }
0x1b: {  	s9 =	sadd.s32 $0xFFFFFEF7, lr;
	s5 =	simm.s32 $0xFFFFFFFF;
	p2 =	slt.u32 s8, $0xFFFFF086  }
0x1c: {  	p1 =	slt.u32 s9, $0xF7A;
	s5 =	simm.s32 @!p2 $0x0  }
0x1d: {  	s5 =	simm.s32 @p1 $0x1;
	p0 =	seq.s32 s7, s2  }
0x1e: {  	s7 =	smul.u32 @!p0 $0xF7A, s2;
	p2 =	seq.s32 @!p0 s5, $0x0  }
0x1f: {  	s9 =	smul.u32 $0xF7A, s1;
	s8 =	simm.s32 @!p0 $0x1BF5;
	p2 =	por !p2, p0  }
0x20: {  	[sflag:s8] =	ssyncset.s32 @!p0 $0xFFFFF086;
	s6 =	sadd.s32 @!p0 s3, s7;
	s7 =	simm.s32 @!p0 $0x108  }
0x21: {  	s3 =	sadd.s32 s3, s9;
	s6 =	sadd.s32 @!p0 $0x88, s6;
	s7 =	simm.s32 @p2 $0x1082  }
0x22: {  	[simem:s7], [sflag:s8] =	dma.local @!p0 [hbm:s6], $0xF7A  }
0x23: {  	s9 =	sor.u32 $0xD0000000, s2;
	s6 =	simm.s32 $0x108;
	_ =	swait.ge @!p0 [sflag:s8], $0x0  }
0x24: {  	s3 =	sadd.s32 $0x88, s3;
	s6 =	simm.s32 @!p1 $0x1082;
	[sflag:s4] =	ssyncset.s32 $0xFFFFF086  }
0x25: {  	[simem:s6], [sflag:s4] =	dma.local [hbm:s3], $0xF7A  }
0x26: {  	[smem:$0x3F9E] =	sst s1;
	(tag) =	ssettag s2;
	_ =	strace s9  }
0x27: {  	s1 =	sld [smem:$0x3FAE]  }
0x28: {  	s2 =	sld [smem:$0x3FAF]  }
0x29: {  	s4 =	sld [smem:$0x3FB1]  }
0x2a: {  	p0 =	seq.s32 s5, $0x0;
	s5 =	sld [smem:$0x3FB2]  }
0x2b: {  	s6 =	sld [smem:$0x3FB3]  }
0x2c: {  	s7 =	sld [smem:$0x3FB4]  }
0x2d: {  	s3 =	simm.s32 $0x108;
	s8 =	sld [smem:$0x3FB5]  }
0x2e: {  	s3 =	simm.s32 @!p0 $0x1082;
	s9 =	sld [smem:$0x3FB6]  }
0x2f: {  	lr =	sadd.s32 s0, s3;
	s0 =	sld [smem:$0x3FAD]  }
0x30: {  	s3 =	sld [smem:$0x3FB0]  }
0x31: {  	[smem:$0x3FB9] =	sst s10  }
0x32: {  	s10 =	sld [smem:$0x3FB7];
	_ =	sdelay $0x3  }
0x33: {  	p0 =	seq.s32 s10, $0x1;
	s10 =	sld [smem:$0x3FB9];
	_ =	sdelay $0x3  }
0x34: {  	[smem:$0x3FB9] =	sst s10  }
0x35: {  	s10 =	sld [smem:$0x3FB8];
	_ =	sdelay $0x3  }
0x36: {  	p1 =	seq.s32 s10, $0x1;
	s10 =	sld [smem:$0x3FB9];
	_ =	sdelay $0x3  }
0x37: {  	[smem:$0x3FB9] =	sst s10  }
0x38: {  	s10 =	sld [smem:$0x3FBA]  }
0x39: {  	_ = 	snop;
	(pc) =	sbr.ind lr, $3  }
0x3a: {  	_ = 	snop  }
0x3b: {  	_ = 	snop  }
0x3c: {  	p2 =	seq.s32 s10, $0x1;
	s10 =	sld [smem:$0x3FB9]  }
0x3d: {  	_ =	shalt  }
0x3e: {  	_ =	shalt  }
0x3f: {  	_ =	shalt  }
0x40: {  	_ =	shalt  }
0x41: {  	_ =	shalt  }
0x42: {  	_ =	shalt  }
0x43: {  	_ =	shalt  }
0x44: {  	_ =	shalt  }
0x45: {  	_ =	shalt  }
0x46: {  	_ =	shalt  }
0x47: {  	_ =	shalt  }
0x48: {  	_ =	shalt  }
0x49: {  	_ =	shalt  }
0x4a: {  	_ =	shalt  }
0x4b: {  	_ =	shalt  }
0x4c: {  	_ =	shalt  }
0x4d: {  	_ =	shalt  }
0x4e: {  	_ =	shalt  }
0x4f: {  	_ =	shalt  }
0x50: {  	_ =	shalt  }
0x51: {  	_ =	shalt  }
0x52: {  	_ =	shalt  }
0x53: {  	_ =	shalt  }
0x54: {  	_ =	shalt  }
0x55: {  	_ =	shalt  }
0x56: {  	_ =	shalt  }
0x57: {  	_ =	shalt  }
0x58: {  	_ =	shalt  }
0x59: {  	_ =	shalt  }
0x5a: {  	_ =	shalt  }
0x5b: {  	_ =	shalt  }
0x5c: {  	_ =	shalt  }
0x5d: {  	_ =	shalt  }
0x5e: {  	_ =	shalt  }
0x5f: {  	_ =	shalt  }
0x60: {  	_ =	shalt  }
0x61: {  	_ =	shalt  }
0x62: {  	_ =	shalt  }
0x63: {  	_ =	shalt  }
0x64: {  	_ =	shalt  }
0x65: {  	_ =	shalt  }
0x66: {  	_ =	shalt  }
0x67: {  	_ =	shalt  }
0x68: {  	_ =	shalt  }
0x69: {  	_ =	shalt  }
0x6a: {  	_ =	shalt  }
0x6b: {  	_ =	shalt  }
0x6c: {  	_ =	shalt  }
0x6d: {  	_ =	shalt  }
0x6e: {  	_ =	shalt  }
0x6f: {  	_ =	shalt  }
0x70: {  	_ =	shalt  }
0x71: {  	_ =	shalt  }
0x72: {  	_ =	shalt  }
0x73: {  	_ =	shalt  }
0x74: {  	_ =	shalt  }
0x75: {  	_ =	shalt  }
0x76: {  	_ =	shalt  }
0x77: {  	_ =	shalt  }
0x78: {  	_ =	shalt  }
0x79: {  	_ =	shalt  }
0x7a: {  	_ =	shalt  }
0x7b: {  	_ =	shalt  }
0x7c: {  	_ =	shalt  }
0x7d: {  	_ =	shalt  }
0x7e: {  	_ =	shalt  }
0x7f: {  	_ =	shalt  }
0x80: {  	_ =	shalt  }
0x81: {  	_ =	shalt  }
0x82: {  	_ =	shalt  }
0x83: {  	_ =	shalt  }
0x84: {  	_ =	shalt  }
0x85: {  	_ =	shalt  }
0x86: {  	_ =	shalt  }
0x87: {  	_ =	shalt  }
.Lfunc_end0:
.L_simem_size_0:
called_computation.2_lowered:
.L_overlay_start_0:
0x88: {  	s2 =	sld [smem:$0x3FD9]  }
0x89: {  	s3 =	sld [smem:$0x3FFE];
	_ =	sdelay $0x1  }
0x8a: {  	s1 =	srdreg.scid  }
0x8b: {  	s0 =	sand.u32 $0x1, s1  }
0x8c: {  	s17 =	sshll.u32 s0, $0xA;
	s2 =	sadd.s32 s3, s2  }
0x8d: {  	s2 =	sadd.s32 s2, s17  }
0x8e: {  	[smem:$0x3FC5] =	sst s2  }
0x8f: {  	_ = 	snop  }
0x90: {  	s2 =	sld [smem:$0x3FD0];
	(tm) =	ssettm $0x1  }
0x91: {  	s18 =	sld [smem:$0x3FFB];
	_ =	sdelay $0x3  }
0x92: {  	_ =	strace s18  }
0x93: {  	s3 =	sld [smem:$0x3FFC];
	_ =	sdelay $0x3  }
0x94: {  	_ =	strace s3  }
0x95: {  	s3 =	sld [smem:$0x3FFD];
	_ =	sdelay $0x3  }
0x96: {  	_ =	strace s3  }
0x97: {  	_ =	strace $0x8FFFFFFF  }
0x98: {  	s19 =	sld [smem:$0x3FDB];
	_ =	sdelay $0x1  }
0x99: {  	s4 =	simm.s32 $_scs_section_size  }
0x9a: {  	s5 =	simm.s32 $_size__tile_overlayer_lowered;
	s6 =	simm.s32 $_tile_overlayer_lowered  }
0x9b: {  	s22 =	simm.s32 $0x1BFF;
	s21 =	sshll.u32 s6, $0x1;
	s3 =	sadd.s32 s4, s19  }
0x9c: {  	s7 =	simm.s32 $0x0;
	s20 =	sshll.u32 s5, $0x1;
	s5 =	sadd.s32 s21, s3  }
0x9d: {  	[timem:s7], [sflag:s22] =	dma.local [hbm:s5], s20  }
0x9e: {  	_ =	swait.ge [sflag:s22], s20  }
0x9f: {  	s4 =	ssub.s32 $0x0, s20;
	[sflag:s22] =	ssyncset.done $0x0  }
0xa0: {  	[sflag:s22] =	ssyncadd.s32 s4;
	_ =	sdelay $0x1  }
0xa1: {  	s23 =	simm.s32 $0x1B8B  }
0xa2: {  	_ =	swait.ge [sflag:s23], $0x1  }
0xa3: {  	[sflag:s23] =	ssyncset.done $0x0  }
0xa4: {  	s25 =	simm.s32 $0x1B8E;
	s24 =	sld [smem:$0x3FFE];
	[sflag:s23] =	ssyncadd.s32 $0xFFFFFFFF  }
0xa5: {  	s26 =	simm.s32 $execute0_lowered;
	[smem:$0x3FD2] =	sst s25  }
0xa6: {  	s5 =	sshll.u32 s26, $0x1;
	_ =	strace $0x8000004C;
	[dreg:$0x1] =	wrdreg $0xFFFFFFFF  }
0xa7: {  	s28 =	simm.s32 $_size_execute0_lowered;
	s3 =	sadd.s32 s3, s5;
	[dreg:$0x0] =	wrdreg $0x0  }
0xa8: {  	s5 =	sshll.u32 s28, $0x1;
	[dreg:$0x2] =	wrdreg s3  }
0xa9: {  	[dreg:$0x3] =	wrdreg s5  }
0xaa: {  	[dreg:$0x4] =	wrdreg $0xC0  }
0xab: {  	_ =	task [dreg:s7], $0x5FFFF  }
0xac: {  	[dreg:$0x1] =	wrdreg $0xFFFFFFFF  }
0xad: {  	[dreg:$0x0] =	wrdreg $0x60  }
0xae: {  	[dreg:$0x2] =	wrdreg s2  }
0xaf: {  	[dreg:$0x3] =	wrdreg s24  }
0xb0: {  	[dreg:$0x4] =	wrdreg $0x1CF800  }
0xb1: {  	[dreg:$0x5] =	wrdreg $0x9  }
0xb2: {  	_ =	task.clear_ibuf [dreg:s7], $0x6FFFF;
	_ =	strace $0x9000004C  }
0xb3: {  	s29 =	simm.s32 $0x9;
	_ =	strace $0x8000004E  }
0xb4: {  	_ =	swait.ge [sflag:s29], $0x1  }
0xb5: {  	[sflag:s29] =	ssyncadd.s32 $0xFFFFFFFF  }
0xb6: {  	_ =	strace $0x9000004E  }
0xb7: {  	_ =	sfence  }
0xb8: {  	s30 =	sld [smem:$0x0];
	_ =	sdelay $0x2  }
0xb9: {  	s31 =	sshll.u32 s1, $0xD;
	s1 =	sshrl.u32 s1, $0x2  }
0xba: {  	s3 =	sand.u32 $0x4000, s31;
	s1 =	sadd.s32 s1, s30  }
0xbb: {  	s0 =	sor.u32 s3, s0;
	s1 =	sshll.u32 s1, $0x11  }
0xbc: {  	s0 =	sor.u32 s1, s0  }
0xbd: {  	s0 =	sadd.s32 $0x8F2B, s0  }
0xbe: {  	[sflag:s0] =	ssyncadd.remote.s32 $0x1  }
0xbf: {  	_ =	sfence.sel $0xFFFF  }
0xc0: {  	[dreg:$0x0] =	wrdreg $0xFFFFFFFF;
	(pc) =	sbr.abs _section_cstart, $3  }
0xc1: {  	[dreg:$0x1] =	wrdreg $0xFFFFFFFF  }
0xc2: {  	_ =	task.clear_ibuf [dreg:s7], $0x2FFFF;
	_ =	strace $0x9FFFFFFF  }
0xc3: {  	(tm) =	ssettm $0x7FFFFFFF  }
tec
execute0_lowered:
.L_overlay_start_1:
0x0: {  	(tag) =	ssettag $0x1  }
0x1: {  	s0 =	rddreg [dreg:$0x1]  }
0x2: {  	s2 =	rddreg [dreg:$0x2]  }
0x3: {  	s3 =	simm.s32 $0x0;
	s1 =	srdreg.scid;
	s16 =	stileid.u32  }
0x4: {  	s28 =	simm.s32 $0x2;
	s29 =	simm.s32 $0xC00;
	s30 =	simm.s32 $0x19F00  }
0x5: {  	s31 =	simm.s32 $0x3;
	[smem:$0x7FF] =	sst s3;
	s1 =	sand.u32 $0x1, s1  }
0x6: {  	s5 =	sadd.s32 $0x3C00, s0;
	s6 =	sadd.s32 $0x35400, s0;
	s10 =	smul.u32 $0x1880, s16  }
0x7: {  	s0 =	sadd.s32 $0x35600, s0;
	s15 =	sshll.u32 s16, $0x1;
	s12 =	sshrl.u32 s16, $0x2  }
0x8: {  	s21 =	sshll.u32 s16, $0x8;
	_ =	strace $0x8000004D;
	s4 =	ssub.s32 $0x2, s1  }
0x9: {  	[dreg:$0x4] =	wrdreg s6;
	s7 =	sor.u32 s1, s15;
	s13 =	smul.u32 $0x6000, s12  }
0xa: {  	s15 =	smul.u32 $0x3100, s16;
	s1 =	sshll.u32 s1, $0x7;
	s20 =	sor.u32 $0x8, s12  }
0xb: {  	s12 =	sor.u32 $0x4, s12;
	s14 =	sshrl.u32 s4, $0x1;
	s17 =	sadd.s32 $0xC00, s10  }
0xc: {  	s8 =	sadd.s32 s10, s2;
	s11 =	sshll.u32 s7, $0x7;
	s12 =	smul.u32 $0x6000, s12  }
0xd: {  	s4 =	ssub.s32 s4, s14;
	s9 =	sadd.s32 s17, s2;
	s14 =	sadd.s32 $0x1800, s10  }
0xe: {  	s11 =	sand.u32 $0x380, s11;
	s15 =	sor.u32 s1, s15;
	s6 =	sshll.u32 s17, $0x1  }
0xf: {  	s10 =	sadd.s32 s14, s2;
	s13 =	sor.u32 s13, s11;
	s15 =	sshrl.u32 s15, $0x3  }
0x10: {  	s6 =	sor.u32 s1, s6;
	s19 =	sshll.u32 s14, $0x1;
	s14 =	smul.u32 $0x6000, s20  }
0x11: {  	s4 =	smax.u32 s4, $0x1;
	s20 =	simm.s32 $0x8;
	s13 =	sshrl.u32 s13, $0x3  }
0x12: {  	s18 =	sadd.s32 s0, s15;
	s6 =	sshrl.u32 s6, $0x3;
	s15 =	sor.u32 s1, s21  }
0x13: {  	s1 =	sor.u32 s1, s19;
	[dreg:$0x9] =	wrdreg s4;
	s21 =	simm.s32 $0x1AB00  }
0x14: {  	s4 =	simm.s32 $0x4;
	s13 =	sadd.s32 s5, s13;
	[dreg:$0x6] =	wrdreg s18  }
0x15: {  	s19 =	simm.s32 $0x100;
	s6 =	sadd.s32 s0, s6;
	[dreg:$0x5] =	wrdreg s13  }
0x16: {  	s22 =	sand.u32 $0x380, s15;
	s1 =	sshrl.u32 s1, $0x3;
	[dreg:$0x7] =	wrdreg s6  }
0x17: {  	s23 =	sor.u32 s22, s14;
	s0 =	sadd.s32 s0, s1;
	s25 =	sor.u32 s22, s12  }
.Ltmp0:
0x18: {  	s22 =	simm.s32 $0x1;
	s1 =	simm.s32 $0x1C300;
	(pc) =	sbr.rel .LBB2_1-.Ltmp0, $4  }
0x19: {  	s6 =	simm.s32 $0x0;
	[dreg:$0x8] =	wrdreg s0;
	s24 =	sshrl.u32 s23, $0x3  }
0x1a: {  	s26 =	sshrl.u32 s25, $0x3;
	s23 =	simm.s32 $0x80;
	s25 =	simm.s32 $0x18700  }
0x1b: {  	s0 =	sadd.s32 s24, s5;
	s13 =	sadd.s32 s26, s5;
	s24 =	simm.s32 $0x400  }
0x1c: {  	v0 =	vimm.f32 $0.0e+00;
	s26 =	simm.s32 $0x19300;
	[dreg:$0xa] =	wrdreg s0;
	s0 =	simm.s32 $0x1B700  }
.LBB2_17:
0x1d: {  	[bflag:$0x0] =	sbarrier.arrive $0xFFFF  }
0x1e: {  	[tilespmem:s21], [sflag:$0x8] =	stream.linear.gather [spmem:s8], $0xC00, $0x38;
	[tilespmem:$0x1E800] =	vst v63  }
0x1f: {  	_ =	swait.ge [sflag:s20], $0xC00  }
0x20: {  	[sflag:s20] =	ssyncset.done $0x0  }
0x21: {  	[sflag:s20] =	ssyncadd.s32 $0xFFFFF400  }
0x22: {  	[tilespmem:s0], [sflag:$0x8] =	stream.linear.gather [spmem:s9], $0xC00, $0x38;
	[tilespmem:$0x1E800] =	vst v63  }
0x23: {  	_ =	swait.ge [sflag:s20], $0xC00  }
0x24: {  	[sflag:s20] =	ssyncset.done $0x0  }
0x25: {  	[sflag:s20] =	ssyncadd.s32 $0xFFFFF400  }
0x26: {  	[tilespmem:s1], [sflag:$0x8] =	stream.linear.gather [spmem:s10], $0x80, $0x38;
	[tilespmem:$0x1E800] =	vst v63  }
0x27: {  	_ =	swait.ge [sflag:s20], $0x80  }
0x28: {  	[sflag:s20] =	ssyncset.done $0x0  }
0x29: {  	s12 =	rddreg [dreg:$0x6];
	[sflag:s20] =	ssyncadd.s32 $0xFFFFFF80  }
0x2a: {  	[hbm4b:s12+s23] =	stream.strided.scatter [tilespmem:s21], [sflag:$0x8], $0xC00, s19, s23, $0x38;
	[tilespmem:$0x1E800] =	vst v63  }
0x2b: {  	_ =	swait.ge [sflag:s20], $0xC00  }
0x2c: {  	[sflag:s20] =	ssyncset.done $0x0  }
0x2d: {  	s16 =	rddreg [dreg:$0x7];
	[sflag:s20] =	ssyncadd.s32 $0xFFFFF400  }
0x2e: {  	[hbm4b:s16+s23] =	stream.strided.scatter [tilespmem:s0], [sflag:$0x8], $0xC00, s19, s23, $0x38;
	[tilespmem:$0x1E800] =	vst v63  }
0x2f: {  	_ =	swait.ge [sflag:s20], $0xC00  }
0x30: {  	[sflag:s20] =	ssyncset.done $0x0  }
0x31: {  	s17 =	rddreg [dreg:$0x8];
	[sflag:s20] =	ssyncadd.s32 $0xFFFFF400  }
0x32: {  	[hbm4b:s17+s3] =	stream.linear.scatter [tilespmem:s1], [sflag:$0x8], $0x80, $0x38;
	[tilespmem:$0x1E800] =	vst v63  }
0x33: {  	_ =	swait.ge [sflag:s20], $0x80  }
0x34: {  	s6 =	sadd.s32 $0x1, s6;
	s18 =	rddreg [dreg:$0x9]  }
0x35: {  	p0 =	sne.s32 s6, s18  }
.Ltmp1:
0x36: {  	_ = 	snop;
	(pc) =	sbr.rel @!p0 .LBB2_18-.Ltmp1, $3  }
0x37: {  	_ =	sdelay $0x1  }
0x38: {  	[sflag:s20] =	ssyncset.done $0x0  }
0x39: {  	[sflag:s20] =	ssyncadd.s32 $0xFFFFFF80  }
.LBB2_1:
0x3a: {  	s12 =	rddreg [dreg:$0x0]  }
0x3b: {  	[tilespmem:s3], [sflag:$0x1] =	stream.linear.gather [hbm4b:s12+s3], $0x186A0, $0x38;
	[tilespmem:$0x1E800] =	vst v63  }
0x3c: {  	s18 =	rddreg [dreg:$0x4];
	s14 =	simm.s32 $0x1CF00  }
0x3d: {  	[tilespmem:s14], [sflag:$0x8] =	stream.linear.gather [hbm4b:s18+s3], $0x80, $0x38;
	[tilespmem:$0x1E800] =	vst v63  }
0x3e: {  	_ =	swait.ge [sflag:s20], $0x80  }
0x3f: {  	[sflag:s20] =	ssyncset.done $0x0  }
0x40: {  	s15 =	simm.s32 $0x200;
	s12 =	simm.s32 $0x0;
	[sflag:s20] =	ssyncadd.s32 $0xFFFFFF80  }
.LBB2_2:
0x41: {  	p0 =	sne.s32 s15, $0x2E00;
	[tilespmem:s12+$0x1AB70] =	vst v0  }
0x42: {  	[tilespmem:s12+$0x1AB00] =	vst v0  }
0x43: {  	[tilespmem:s12+$0x1AB10] =	vst v0  }
.Ltmp2:
0x44: {  	[tilespmem:s12+$0x1AB20] =	vst v0;
	(pc) =	sbr.rel @p0 .LBB2_2-.Ltmp2, $4  }
0x45: {  	[tilespmem:s12+$0x1AB30] =	vst v0  }
0x46: {  	[tilespmem:s12+$0x1AB40] =	vst v0  }
0x47: {  	[tilespmem:s12+$0x1AB50] =	vst v0  }
0x48: {  	[tilespmem:s12+$0x1AB60] =	vst v0;
	s12 =	sshra.s32 s15, $0x2;
	s15 =	sadd.s32 $0x200, s15  }
0x49: {  	[tilespmem:s12+$0x1AB70] =	vst v0  }
0x4a: {  	[tilespmem:s12+$0x1AB00] =	vst v0  }
0x4b: {  	[tilespmem:s12+$0x1AB10] =	vst v0  }
0x4c: {  	[tilespmem:s12+$0x1AB20] =	vst v0  }
0x4d: {  	[tilespmem:s12+$0x1AB30] =	vst v0  }
0x4e: {  	[tilespmem:s12+$0x1AB40] =	vst v0  }
0x4f: {  	[tilespmem:s12+$0x1AB50] =	vst v0  }
0x50: {  	[tilespmem:s12+$0x1AB60] =	vst v0  }
0x51: {  	[spmem:s8] =	stream.linear.scatter [tilespmem:s21], [sflag:$0x8], $0xC00, $0x38;
	[tilespmem:$0x1E800] =	vst v63  }
0x52: {  	_ =	swait.ge [sflag:s20], $0xC00  }
0x53: {  	[sflag:s20] =	ssyncset.done $0x0  }
0x54: {  	[sflag:s20] =	ssyncadd.s32 $0xFFFFF400  }
0x55: {  	[spmem:s9] =	stream.linear.scatter [tilespmem:s21], [sflag:$0x8], $0xC00, $0x38;
	[tilespmem:$0x1E800] =	vst v63  }
0x56: {  	_ =	swait.ge [sflag:s20], $0xC00  }
0x57: {  	[sflag:s20] =	ssyncset.done $0x0  }
0x58: {  	[sflag:s20] =	ssyncadd.s32 $0xFFFFF400  }
0x59: {  	[spmem:s10] =	stream.linear.scatter [tilespmem:s21], [sflag:$0x8], $0x80, $0x38;
	[tilespmem:$0x1E800] =	vst v63  }
0x5a: {  	_ =	swait.ge [sflag:s20], $0x80  }
0x5b: {  	[sflag:s20] =	ssyncset.done $0x0  }
0x5c: {  	[sflag:s20] =	ssyncadd.s32 $0xFFFFFF80  }
0x5d: {  	_ =	swait.ge [sflag:s22], $0x186A0  }
0x5e: {  	[sflag:s22] =	ssyncset.done $0x0  }
.Ltmp3:
0x5f: {  	[sflag:s22] =	ssyncadd.s32 $0xFFFE7960;
	(pc) =	sbr.rel .LBB2_4-.Ltmp3, $4  }
0x60: {  	[bflag:$0x0] =	sbarrier.arrive $0xFFFF  }
0x61: {  	s18 =	rddreg [dreg:$0x5]  }
0x62: {  	[tilespmem:s25], [sflag:$0x2] =	stream.strided.gather [hbm4b:s18+s23], $0xC00, s24, s23, $0x38;
	[tilespmem:$0x1E800] =	vst v63  }
0x63: {  	s12 =	simm.s32 $0x0;
	s17 =	rddreg [dreg:$0xa];
	s18 =	smov.u32 s13  }
.LBB2_13:
0x64: {  	s14 =	sadd.s32 $0x60, s15  }
0x65: {  	s14 =	sshrl.u32 s14, $0x3  }
0x66: {  	s14 =	smul.u32 $0x6000, s14;
	_ =	sdelay $0x1  }
0x67: {  	s14 =	sor.u32 s11, s14  }
0x68: {  	s14 =	sshrl.u32 s14, $0x3  }
0x69: {  	s14 =	sadd.s32 s5, s14  }
0x6a: {  	[tilespmem:s25], [sflag:$0x2] =	stream.strided.gather [hbm4b:s14+s23], $0xC00, s24, s23, $0x38;
	[tilespmem:$0x1E800] =	vst v63  }
.LBB2_15:
0x6b: {  	_ =	swait.ge [sflag:s4], $0xC00  }
0x6c: {  	[sflag:s4] =	ssyncset.done $0x0  }
0x6d: {  	[sflag:s4] =	ssyncadd.s32 $0xFFFFF400  }
0x6e: {  	[spmem:s2] =	stream.indirect.scatter.add.f32 [tilespmem:s1], [sflag:$0x7], $0x1, s30, s29, $0xb8;
	[tilespmem:$0x1E800] =	vst v63  }
.LBB2_16:
0x6f: {  	s12 =	sadd.s32 $0x60, s12  }
0x70: {  	p0 =	sne.s32 s12, $0x2A0  }
.Ltmp4:
0x71: {  	_ = 	snop;
	(pc) =	sbr.rel @!p0 .LBB2_17-.Ltmp4, $2  }
0x72: {  	_ =	sdelay $0x2  }
0x73: {  	s17 =	sadd.s32 $0x9000, s17;
	s18 =	sadd.s32 $0x9000, s18  }
.LBB2_4:
0x74: {  	s15 =	sadd.s32 s12, s7  }
0x75: {  	s16 =	sadd.s32 $0xFFFFFFC0, s15;
	p1 =	sgt.u32 s15, $0x1E8  }
.Ltmp5:
0x76: {  	p0 =	sgt.u32 s16, $0x208;
	(pc) =	sbr.rel @p1 .LBB2_6-.Ltmp5, $4  }
0x77: {  	s16 =	simm.s32 @!p0 $0x6  }
0x78: {  	_ =	swait.ge @!p0 [sflag:s16], $0xC00  }
0x79: {  	[sflag:s16] =	ssyncset.done @!p0 $0x0  }
0x7a: {  	[sflag:s16] =	ssyncadd.s32 @!p0 $0xFFFFF400  }
.Ltmp6:
0x7b: {  	(pc) =	sbr.rel .LBB2_7-.Ltmp6, $2  }
0x7c: {  	_ =	sdelay $0x2  }
0x7d: {  	[tilespmem:s26], [sflag:$0x3] =	stream.strided.gather [hbm4b:s18+s23], $0xC00, s24, s23, $0x38;
	[tilespmem:$0x1E800] =	vst v63  }
.LBB2_6:
0x7e: {  	p1 =	sgt.u32 s15, $0x208  }
.Ltmp7:
0x7f: {  	_ = 	snop;
	(pc) =	sbr.rel @p1 .LBB2_8-.Ltmp7, $2  }
0x80: {  	_ =	sdelay $0x2  }
0x81: {  	p0 =	por $0x0, $0x0  }
.LBB2_7:
0x82: {  	_ =	swait.ge [sflag:s28], $0xC00  }
0x83: {  	[sflag:s28] =	ssyncset.done $0x0  }
0x84: {  	p0 =	por $0x1, $0x1;
	[sflag:s28] =	ssyncadd.s32 $0xFFFFF400  }
0x85: {  	[spmem:s2] =	stream.indirect.scatter.add.f32 [tilespmem:s21], [sflag:$0x5], $0x1, s25, s29, $0xb8;
	[tilespmem:$0x1E800] =	vst v63  }
.LBB2_8:
0x86: {  	s16 =	sadd.s32 $0xFFFFFFE0, s15  }
0x87: {  	p1 =	sgt.u32 s16, $0x208;
	s16 =	sadd.s32 $0x20, s15  }
0x88: {  	p2 =	sgt.u32 s16, $0x1E8  }
.Ltmp8:
0x89: {  	_ = 	snop;
	(pc) =	sbr.rel @p2 .LBB2_10-.Ltmp8, $4  }
0x8a: {  	s14 =	simm.s32 @!p1 $0x7  }
0x8b: {  	_ =	swait.ge @!p1 [sflag:s14], $0xC00  }
0x8c: {  	[sflag:s14] =	ssyncset.done @!p1 $0x0  }
0x8d: {  	[sflag:s14] =	ssyncadd.s32 @!p1 $0xFFFFF400  }
.Ltmp9:
0x8e: {  	(pc) =	sbr.rel .LBB2_11-.Ltmp9, $2  }
0x8f: {  	_ =	sdelay $0x2  }
0x90: {  	[tilespmem:s30], [sflag:$0x4] =	stream.strided.gather [hbm4b:s17+s23], $0xC00, s24, s23, $0x38;
	[tilespmem:$0x1E800] =	vst v63  }
.LBB2_10:
0x91: {  	p1 =	sgt.u32 s16, $0x208  }
.Ltmp10:
0x92: {  	_ = 	snop;
	(pc) =	sbr.rel @p1 .LBB2_12-.Ltmp10, $1  }
0x93: {  	_ =	sdelay $0x3  }
.LBB2_11:
0x94: {  	_ =	swait.ge [sflag:s31], $0xC00  }
0x95: {  	[sflag:s31] =	ssyncset.done $0x0  }
0x96: {  	[sflag:s31] =	ssyncadd.s32 $0xFFFFF400  }
0x97: {  	[spmem:s2] =	stream.indirect.scatter.add.f32 [tilespmem:s0], [sflag:$0x6], $0x1, s26, s29, $0xb8;
	[tilespmem:$0x1E800] =	vst v63  }
.LBB2_12:
0x98: {  	s16 =	sadd.s32 $0x40, s15  }
0x99: {  	p1 =	sgt.u32 s16, $0x1E8  }
.Ltmp11:
0x9a: {  	_ = 	snop;
	(pc) =	sbr.rel @!p1 .LBB2_13-.Ltmp11, $4  }
0x9b: {  	s14 =	simm.s32 @p0 $0x5  }
0x9c: {  	_ =	swait.ge @p0 [sflag:s14], $0xC00  }
0x9d: {  	[sflag:s14] =	ssyncset.done @p0 $0x0  }
0x9e: {  	[sflag:s14] =	ssyncadd.s32 @p0 $0xFFFFF400  }
0x9f: {  	p0 =	sgt.u32 s16, $0x208  }
.Ltmp12:
0xa0: {  	_ = 	snop;
	(pc) =	sbr.rel @p0 .LBB2_16-.Ltmp12, $4  }
.Ltmp13:
0xa1: {  	_ = 	snop;
	(pc) =	sbr.rel @!p0 .LBB2_15-.Ltmp13, $4  }
0xa2: {  	_ = 	snop  }
0xa3: {  	_ = 	snop  }
0xa4: {  	_ = 	snop  }
0xa5: {  	_ = 	snop  }
.LBB2_18:
0xa6: {  	_ =	sfence.sel $0x180000  }
0xa7: {  	[bflag:$0x0] =	sbarrier.arrive $0xFFFF  }
0xa8: {  	_ =	strace $0x9000004D  }
0xa9: {  	s0 =	stileid.u32;
	[bflag:$0x2] =	sbarrier.arrive $0xFFFF  }
0xaa: {  	p0 =	sne.s32 s0, $0x0;
	s0 =	rddreg [dreg:$0x3]  }
0xab: {  	s0 =	sadd.s32 @!p0 $0x100000, s0  }
0xac: {  	[sflag:s0] =	ssyncadd.tile.s32 @!p0 $0x1;
	_ =	shalt  }
.Lfunc_end2:
_tile_overlayer_lowered:
.L_overlay_start_2:
0xad: {  	(tag) =	ssettag $0x2  }
0xae: {  	s0 =	rddreg [dreg:$0x0];
	s2 =	stileid.u32  }
0xaf: {  	s1 =	rddreg [dreg:$0x1];
	p0 =	sne.s32 s2, $0x0  }
0xb0: {  	s3 =	rddreg [dreg:$0x2];
	[bflag:$0x3] =	sbarrier.arrive $0xFFFF;
	s2 =	simm.s32 @!p0 $0x1C08  }
0xb1: {  	[timem:s3], [sflag:s2] =	dma.local @!p0 [hbm:s0], s1  }
0xb2: {  	s0 =	simm.s32 @!p0 $0x8  }
0xb3: {  	_ =	swait.ge @!p0 [sflag:s0], s1  }
0xb4: {  	s1 =	ssub.s32 @!p0 $0x0, s1;
	[sflag:s0] =	ssyncset.done @!p0 $0x0  }
0xb5: {  	[sflag:s0] =	ssyncadd.s32 @!p0 s1  }
0xb6: {  	[bflag:$0x3] =	sbarrier.arrive $0xFFFF  }
0xb7: {  	_ =	shalt  }

// kernel: kernel.21.cloned.1.call-start
scs
__scs_entry_jumppad:
0x0: {  	(pc) =	sbr.rel $0x88, $3  }
0x1: {  	(tag) =	ssettag $0x0;
	lr =	simm.s32 $0x1  }
0x2: {  	[smem:$0x3F9E] =	sst lr;
	_ =	strace $0xD0000000  }
0x3: {  	_ = 	snop  }
0x4: {  	_ = 	snop  }
0x5: {  	_ = 	snop  }
0x6: {  	_ = 	snop  }
0x7: {  	_ = 	snop  }
__scs_overlays_trampoline_lowered:
0x8: {  	[smem:$0x3FAD] =	sst s0  }
0x9: {  	[smem:$0x3FAE] =	sst s1  }
0xa: {  	[smem:$0x3FAF] =	sst s2  }
0xb: {  	[smem:$0x3FB0] =	sst s3  }
0xc: {  	[smem:$0x3FB1] =	sst s4  }
0xd: {  	[smem:$0x3FB2] =	sst s5  }
0xe: {  	[smem:$0x3FB3] =	sst s6  }
0xf: {  	[smem:$0x3FB4] =	sst s7  }
0x10: {  	[smem:$0x3FB5] =	sst s8  }
0x11: {  	[smem:$0x3FB6] =	sst s9;
	s0 =	simm.s32 @!p0 $0x0  }
0x12: {  	s1 =	sld [smem:$0x3F9C];
	s0 =	simm.s32 @p0 $0x1  }
0x13: {  	[smem:$0x3FB7] =	sst s0;
	s0 =	simm.s32 @!p1 $0x0  }
0x14: {  	s2 =	sld [smem:$0x3F9B];
	s0 =	simm.s32 @p1 $0x1  }
0x15: {  	[smem:$0x3FB8] =	sst s0;
	s0 =	simm.s32 @!p2 $0x0  }
0x16: {  	s3 =	sld [smem:$0x3FDB];
	s0 =	simm.s32 @p2 $0x1  }
0x17: {  	s4 =	simm.s32 $0x1BF5;
	[smem:$0x3FBA] =	sst s0  }
0x18: {  	s0 =	sld [smem:$0x3F9D];
	_ =	swait.ge [sflag:s4], $0x0  }
0x19: {  	s7 =	sld [smem:$0x3F9E]  }
0x1a: {  	s8 =	sadd.s32 $0xFFFFE003, lr  }
0x1b: {  	s9 =	sadd.s32 $0xFFFFFEF7, lr;
	s5 =	simm.s32 $0xFFFFFFFF;
	p2 =	slt.u32 s8, $0xFFFFF086  }
0x1c: {  	p1 =	slt.u32 s9, $0xF7A;
	s5 =	simm.s32 @!p2 $0x0  }
0x1d: {  	s5 =	simm.s32 @p1 $0x1;
	p0 =	seq.s32 s7, s2  }
0x1e: {  	s7 =	smul.u32 @!p0 $0xF7A, s2;
	p2 =	seq.s32 @!p0 s5, $0x0  }
0x1f: {  	s9 =	smul.u32 $0xF7A, s1;
	s8 =	simm.s32 @!p0 $0x1BF5;
	p2 =	por !p2, p0  }
0x20: {  	[sflag:s8] =	ssyncset.s32 @!p0 $0xFFFFF086;
	s6 =	sadd.s32 @!p0 s3, s7;
	s7 =	simm.s32 @!p0 $0x108  }
0x21: {  	s3 =	sadd.s32 s3, s9;
	s6 =	sadd.s32 @!p0 $0x88, s6;
	s7 =	simm.s32 @p2 $0x1082  }
0x22: {  	[simem:s7], [sflag:s8] =	dma.local @!p0 [hbm:s6], $0xF7A  }
0x23: {  	s9 =	sor.u32 $0xD0000000, s2;
	s6 =	simm.s32 $0x108;
	_ =	swait.ge @!p0 [sflag:s8], $0x0  }
0x24: {  	s3 =	sadd.s32 $0x88, s3;
	s6 =	simm.s32 @!p1 $0x1082;
	[sflag:s4] =	ssyncset.s32 $0xFFFFF086  }
0x25: {  	[simem:s6], [sflag:s4] =	dma.local [hbm:s3], $0xF7A  }
0x26: {  	[smem:$0x3F9E] =	sst s1;
	(tag) =	ssettag s2;
	_ =	strace s9  }
0x27: {  	s1 =	sld [smem:$0x3FAE]  }
0x28: {  	s2 =	sld [smem:$0x3FAF]  }
0x29: {  	s4 =	sld [smem:$0x3FB1]  }
0x2a: {  	p0 =	seq.s32 s5, $0x0;
	s5 =	sld [smem:$0x3FB2]  }
0x2b: {  	s6 =	sld [smem:$0x3FB3]  }
0x2c: {  	s7 =	sld [smem:$0x3FB4]  }
0x2d: {  	s3 =	simm.s32 $0x108;
	s8 =	sld [smem:$0x3FB5]  }
0x2e: {  	s3 =	simm.s32 @!p0 $0x1082;
	s9 =	sld [smem:$0x3FB6]  }
0x2f: {  	lr =	sadd.s32 s0, s3;
	s0 =	sld [smem:$0x3FAD]  }
0x30: {  	s3 =	sld [smem:$0x3FB0]  }
0x31: {  	[smem:$0x3FB9] =	sst s10  }
0x32: {  	s10 =	sld [smem:$0x3FB7];
	_ =	sdelay $0x3  }
0x33: {  	p0 =	seq.s32 s10, $0x1;
	s10 =	sld [smem:$0x3FB9];
	_ =	sdelay $0x3  }
0x34: {  	[smem:$0x3FB9] =	sst s10  }
0x35: {  	s10 =	sld [smem:$0x3FB8];
	_ =	sdelay $0x3  }
0x36: {  	p1 =	seq.s32 s10, $0x1;
	s10 =	sld [smem:$0x3FB9];
	_ =	sdelay $0x3  }
0x37: {  	[smem:$0x3FB9] =	sst s10  }
0x38: {  	s10 =	sld [smem:$0x3FBA]  }
0x39: {  	_ = 	snop;
	(pc) =	sbr.ind lr, $3  }
0x3a: {  	_ = 	snop  }
0x3b: {  	_ = 	snop  }
0x3c: {  	p2 =	seq.s32 s10, $0x1;
	s10 =	sld [smem:$0x3FB9]  }
0x3d: {  	_ =	shalt  }
0x3e: {  	_ =	shalt  }
0x3f: {  	_ =	shalt  }
0x40: {  	_ =	shalt  }
0x41: {  	_ =	shalt  }
0x42: {  	_ =	shalt  }
0x43: {  	_ =	shalt  }
0x44: {  	_ =	shalt  }
0x45: {  	_ =	shalt  }
0x46: {  	_ =	shalt  }
0x47: {  	_ =	shalt  }
0x48: {  	_ =	shalt  }
0x49: {  	_ =	shalt  }
0x4a: {  	_ =	shalt  }
0x4b: {  	_ =	shalt  }
0x4c: {  	_ =	shalt  }
0x4d: {  	_ =	shalt  }
0x4e: {  	_ =	shalt  }
0x4f: {  	_ =	shalt  }
0x50: {  	_ =	shalt  }
0x51: {  	_ =	shalt  }
0x52: {  	_ =	shalt  }
0x53: {  	_ =	shalt  }
0x54: {  	_ =	shalt  }
0x55: {  	_ =	shalt  }
0x56: {  	_ =	shalt  }
0x57: {  	_ =	shalt  }
0x58: {  	_ =	shalt  }
0x59: {  	_ =	shalt  }
0x5a: {  	_ =	shalt  }
0x5b: {  	_ =	shalt  }
0x5c: {  	_ =	shalt  }
0x5d: {  	_ =	shalt  }
0x5e: {  	_ =	shalt  }
0x5f: {  	_ =	shalt  }
0x60: {  	_ =	shalt  }
0x61: {  	_ =	shalt  }
0x62: {  	_ =	shalt  }
0x63: {  	_ =	shalt  }
0x64: {  	_ =	shalt  }
0x65: {  	_ =	shalt  }
0x66: {  	_ =	shalt  }
0x67: {  	_ =	shalt  }
0x68: {  	_ =	shalt  }
0x69: {  	_ =	shalt  }
0x6a: {  	_ =	shalt  }
0x6b: {  	_ =	shalt  }
0x6c: {  	_ =	shalt  }
0x6d: {  	_ =	shalt  }
0x6e: {  	_ =	shalt  }
0x6f: {  	_ =	shalt  }
0x70: {  	_ =	shalt  }
0x71: {  	_ =	shalt  }
0x72: {  	_ =	shalt  }
0x73: {  	_ =	shalt  }
0x74: {  	_ =	shalt  }
0x75: {  	_ =	shalt  }
0x76: {  	_ =	shalt  }
0x77: {  	_ =	shalt  }
0x78: {  	_ =	shalt  }
0x79: {  	_ =	shalt  }
0x7a: {  	_ =	shalt  }
0x7b: {  	_ =	shalt  }
0x7c: {  	_ =	shalt  }
0x7d: {  	_ =	shalt  }
0x7e: {  	_ =	shalt  }
0x7f: {  	_ =	shalt  }
0x80: {  	_ =	shalt  }
0x81: {  	_ =	shalt  }
0x82: {  	_ =	shalt  }
0x83: {  	_ =	shalt  }
0x84: {  	_ =	shalt  }
0x85: {  	_ =	shalt  }
0x86: {  	_ =	shalt  }
0x87: {  	_ =	shalt  }
.Lfunc_end0:
.L_simem_size_0:
called_computation.3_lowered:
.L_overlay_start_0:
0x88: {  	s2 =	sld [smem:$0x3FD9]  }
0x89: {  	s3 =	sld [smem:$0x3FFE];
	_ =	sdelay $0x1  }
0x8a: {  	s1 =	srdreg.scid  }
0x8b: {  	s0 =	sand.u32 $0x1, s1  }
0x8c: {  	s17 =	sshll.u32 s0, $0xA;
	s2 =	sadd.s32 s3, s2  }
0x8d: {  	s2 =	sadd.s32 s2, s17  }
0x8e: {  	[smem:$0x3FC5] =	sst s2  }
0x8f: {  	_ = 	snop  }
0x90: {  	s2 =	sld [smem:$0x3FD0];
	(tm) =	ssettm $0x1  }
0x91: {  	s18 =	sld [smem:$0x3FFB];
	_ =	sdelay $0x3  }
0x92: {  	_ =	strace s18  }
0x93: {  	s3 =	sld [smem:$0x3FFC];
	_ =	sdelay $0x3  }
0x94: {  	_ =	strace s3  }
0x95: {  	s3 =	sld [smem:$0x3FFD];
	_ =	sdelay $0x3  }
0x96: {  	_ =	strace s3  }
0x97: {  	_ =	strace $0x8FFFFFFF  }
0x98: {  	s19 =	sld [smem:$0x3FDB];
	_ =	sdelay $0x1  }
0x99: {  	s4 =	simm.s32 $_scs_section_size  }
0x9a: {  	s5 =	simm.s32 $_size__tile_overlayer_lowered;
	s6 =	simm.s32 $_tile_overlayer_lowered  }
0x9b: {  	s22 =	simm.s32 $0x1BFF;
	s21 =	sshll.u32 s6, $0x1;
	s3 =	sadd.s32 s4, s19  }
0x9c: {  	s7 =	simm.s32 $0x0;
	s20 =	sshll.u32 s5, $0x1;
	s5 =	sadd.s32 s21, s3  }
0x9d: {  	[timem:s7], [sflag:s22] =	dma.local [hbm:s5], s20  }
0x9e: {  	_ =	swait.ge [sflag:s22], s20  }
0x9f: {  	s4 =	ssub.s32 $0x0, s20;
	[sflag:s22] =	ssyncset.done $0x0  }
0xa0: {  	[sflag:s22] =	ssyncadd.s32 s4;
	_ =	sdelay $0x1  }
0xa1: {  	s23 =	simm.s32 $0x1B8B  }
0xa2: {  	_ =	swait.ge [sflag:s23], $0x1  }
0xa3: {  	[sflag:s23] =	ssyncset.done $0x0  }
0xa4: {  	s25 =	simm.s32 $0x1B8E;
	s24 =	sld [smem:$0x3FFE];
	[sflag:s23] =	ssyncadd.s32 $0xFFFFFFFF  }
0xa5: {  	s26 =	simm.s32 $execute0_lowered;
	[smem:$0x3FD2] =	sst s25  }
0xa6: {  	s5 =	sshll.u32 s26, $0x1;
	_ =	strace $0x8000004F;
	[dreg:$0x1] =	wrdreg $0xFFFFFFFF  }
0xa7: {  	s28 =	simm.s32 $_size_execute0_lowered;
	s3 =	sadd.s32 s3, s5;
	[dreg:$0x0] =	wrdreg $0x0  }
0xa8: {  	s5 =	sshll.u32 s28, $0x1;
	[dreg:$0x2] =	wrdreg s3  }
0xa9: {  	[dreg:$0x3] =	wrdreg s5  }
0xaa: {  	[dreg:$0x4] =	wrdreg $0xC0  }
0xab: {  	_ =	task [dreg:s7], $0x5FFFF  }
0xac: {  	[dreg:$0x1] =	wrdreg $0xFFFFFFFF  }
0xad: {  	[dreg:$0x0] =	wrdreg $0x60  }
0xae: {  	[dreg:$0x2] =	wrdreg s2  }
0xaf: {  	[dreg:$0x3] =	wrdreg s24  }
0xb0: {  	[dreg:$0x4] =	wrdreg $0x1CF800  }
0xb1: {  	[dreg:$0x5] =	wrdreg $0x9  }
0xb2: {  	_ =	task.clear_ibuf [dreg:s7], $0x6FFFF;
	_ =	strace $0x9000004F  }
0xb3: {  	s29 =	simm.s32 $0x9;
	_ =	strace $0x80000051  }
0xb4: {  	_ =	swait.ge [sflag:s29], $0x1  }
0xb5: {  	[sflag:s29] =	ssyncadd.s32 $0xFFFFFFFF  }
0xb6: {  	_ =	strace $0x90000051  }
0xb7: {  	_ =	sfence  }
0xb8: {  	s30 =	sld [smem:$0x0];
	_ =	sdelay $0x2  }
0xb9: {  	s31 =	sshll.u32 s1, $0xD;
	s1 =	sshrl.u32 s1, $0x2  }
0xba: {  	s3 =	sand.u32 $0x4000, s31;
	s1 =	sadd.s32 s1, s30  }
0xbb: {  	s0 =	sor.u32 s3, s0;
	s1 =	sshll.u32 s1, $0x11  }
0xbc: {  	s0 =	sor.u32 s1, s0  }
0xbd: {  	s0 =	sadd.s32 $0x8F2B, s0  }
0xbe: {  	[sflag:s0] =	ssyncadd.remote.s32 $0x1  }
0xbf: {  	_ =	sfence.sel $0xFFFF  }
0xc0: {  	[dreg:$0x0] =	wrdreg $0xFFFFFFFF;
	(pc) =	sbr.abs _section_cstart, $3  }
0xc1: {  	[dreg:$0x1] =	wrdreg $0xFFFFFFFF  }
0xc2: {  	_ =	task.clear_ibuf [dreg:s7], $0x2FFFF;
	_ =	strace $0x9FFFFFFF  }
0xc3: {  	(tm) =	ssettm $0x7FFFFFFF  }
tec
execute0_lowered:
.L_overlay_start_1:
0x0: {  	(tag) =	ssettag $0x1  }
0x1: {  	s0 =	rddreg [dreg:$0x1]  }
0x2: {  	s2 =	rddreg [dreg:$0x2]  }
0x3: {  	s3 =	simm.s32 $0x0;
	s1 =	srdreg.scid;
	s16 =	stileid.u32  }
0x4: {  	s28 =	simm.s32 $0x2;
	s29 =	simm.s32 $0xC00;
	s30 =	simm.s32 $0x19F00  }
0x5: {  	s31 =	simm.s32 $0x3;
	[smem:$0x7FF] =	sst s3;
	s1 =	sand.u32 $0x1, s1  }
0x6: {  	s5 =	sadd.s32 $0x3C00, s0;
	s6 =	sadd.s32 $0x35400, s0;
	s10 =	smul.u32 $0x1880, s16  }
0x7: {  	s0 =	sadd.s32 $0x35600, s0;
	s15 =	sshll.u32 s16, $0x1;
	s12 =	sshrl.u32 s16, $0x2  }
0x8: {  	s21 =	sshll.u32 s16, $0x8;
	_ =	strace $0x80000050;
	s4 =	ssub.s32 $0x2, s1  }
0x9: {  	[dreg:$0x4] =	wrdreg s6;
	s7 =	sor.u32 s1, s15;
	s13 =	smul.u32 $0x6000, s12  }
0xa: {  	s15 =	smul.u32 $0x3100, s16;
	s1 =	sshll.u32 s1, $0x7;
	s20 =	sor.u32 $0x8, s12  }
0xb: {  	s12 =	sor.u32 $0x4, s12;
	s14 =	sshrl.u32 s4, $0x1;
	s17 =	sadd.s32 $0xC00, s10  }
0xc: {  	s8 =	sadd.s32 s10, s2;
	s11 =	sshll.u32 s7, $0x7;
	s12 =	smul.u32 $0x6000, s12  }
0xd: {  	s4 =	ssub.s32 s4, s14;
	s9 =	sadd.s32 s17, s2;
	s14 =	sadd.s32 $0x1800, s10  }
0xe: {  	s11 =	sand.u32 $0x380, s11;
	s15 =	sor.u32 s1, s15;
	s6 =	sshll.u32 s17, $0x1  }
0xf: {  	s10 =	sadd.s32 s14, s2;
	s13 =	sor.u32 s13, s11;
	s15 =	sshrl.u32 s15, $0x3  }
0x10: {  	s6 =	sor.u32 s1, s6;
	s19 =	sshll.u32 s14, $0x1;
	s14 =	smul.u32 $0x6000, s20  }
0x11: {  	s4 =	smax.u32 s4, $0x1;
	s20 =	simm.s32 $0x8;
	s13 =	sshrl.u32 s13, $0x3  }
0x12: {  	s18 =	sadd.s32 s0, s15;
	s6 =	sshrl.u32 s6, $0x3;
	s15 =	sor.u32 s1, s21  }
0x13: {  	s1 =	sor.u32 s1, s19;
	[dreg:$0x9] =	wrdreg s4;
	s21 =	simm.s32 $0x1AB00  }
0x14: {  	s4 =	simm.s32 $0x4;
	s13 =	sadd.s32 s5, s13;
	[dreg:$0x6] =	wrdreg s18  }
0x15: {  	s19 =	simm.s32 $0x100;
	s6 =	sadd.s32 s0, s6;
	[dreg:$0x5] =	wrdreg s13  }
0x16: {  	s22 =	sand.u32 $0x380, s15;
	s1 =	sshrl.u32 s1, $0x3;
	[dreg:$0x7] =	wrdreg s6  }
0x17: {  	s23 =	sor.u32 s22, s14;
	s0 =	sadd.s32 s0, s1;
	s25 =	sor.u32 s22, s12  }
.Ltmp0:
0x18: {  	s22 =	simm.s32 $0x1;
	s1 =	simm.s32 $0x1C300;
	(pc) =	sbr.rel .LBB2_1-.Ltmp0, $4  }
0x19: {  	s6 =	simm.s32 $0x0;
	[dreg:$0x8] =	wrdreg s0;
	s24 =	sshrl.u32 s23, $0x3  }
0x1a: {  	s26 =	sshrl.u32 s25, $0x3;
	s23 =	simm.s32 $0x80;
	s25 =	simm.s32 $0x18700  }
0x1b: {  	s0 =	sadd.s32 s24, s5;
	s13 =	sadd.s32 s26, s5;
	s24 =	simm.s32 $0x400  }
0x1c: {  	v0 =	vimm.f32 $0.0e+00;
	s26 =	simm.s32 $0x19300;
	[dreg:$0xa] =	wrdreg s0;
	s0 =	simm.s32 $0x1B700  }
.LBB2_17:
0x1d: {  	[bflag:$0x0] =	sbarrier.arrive $0xFFFF  }
0x1e: {  	[tilespmem:s21], [sflag:$0x8] =	stream.linear.gather [spmem:s8], $0xC00, $0x38;
	[tilespmem:$0x1E800] =	vst v63  }
0x1f: {  	_ =	swait.ge [sflag:s20], $0xC00  }
0x20: {  	[sflag:s20] =	ssyncset.done $0x0  }
0x21: {  	[sflag:s20] =	ssyncadd.s32 $0xFFFFF400  }
0x22: {  	[tilespmem:s0], [sflag:$0x8] =	stream.linear.gather [spmem:s9], $0xC00, $0x38;
	[tilespmem:$0x1E800] =	vst v63  }
0x23: {  	_ =	swait.ge [sflag:s20], $0xC00  }
0x24: {  	[sflag:s20] =	ssyncset.done $0x0  }
0x25: {  	[sflag:s20] =	ssyncadd.s32 $0xFFFFF400  }
0x26: {  	[tilespmem:s1], [sflag:$0x8] =	stream.linear.gather [spmem:s10], $0x80, $0x38;
	[tilespmem:$0x1E800] =	vst v63  }
0x27: {  	_ =	swait.ge [sflag:s20], $0x80  }
0x28: {  	[sflag:s20] =	ssyncset.done $0x0  }
0x29: {  	s12 =	rddreg [dreg:$0x6];
	[sflag:s20] =	ssyncadd.s32 $0xFFFFFF80  }
0x2a: {  	[hbm4b:s12+s23] =	stream.strided.scatter [tilespmem:s21], [sflag:$0x8], $0xC00, s19, s23, $0x38;
	[tilespmem:$0x1E800] =	vst v63  }
0x2b: {  	_ =	swait.ge [sflag:s20], $0xC00  }
0x2c: {  	[sflag:s20] =	ssyncset.done $0x0  }
0x2d: {  	s16 =	rddreg [dreg:$0x7];
	[sflag:s20] =	ssyncadd.s32 $0xFFFFF400  }
0x2e: {  	[hbm4b:s16+s23] =	stream.strided.scatter [tilespmem:s0], [sflag:$0x8], $0xC00, s19, s23, $0x38;
	[tilespmem:$0x1E800] =	vst v63  }
0x2f: {  	_ =	swait.ge [sflag:s20], $0xC00  }
0x30: {  	[sflag:s20] =	ssyncset.done $0x0  }
0x31: {  	s17 =	rddreg [dreg:$0x8];
	[sflag:s20] =	ssyncadd.s32 $0xFFFFF400  }
0x32: {  	[hbm4b:s17+s3] =	stream.linear.scatter [tilespmem:s1], [sflag:$0x8], $0x80, $0x38;
	[tilespmem:$0x1E800] =	vst v63  }
0x33: {  	_ =	swait.ge [sflag:s20], $0x80  }
0x34: {  	s6 =	sadd.s32 $0x1, s6;
	s18 =	rddreg [dreg:$0x9]  }
0x35: {  	p0 =	sne.s32 s6, s18  }
.Ltmp1:
0x36: {  	_ = 	snop;
	(pc) =	sbr.rel @!p0 .LBB2_18-.Ltmp1, $3  }
0x37: {  	_ =	sdelay $0x1  }
0x38: {  	[sflag:s20] =	ssyncset.done $0x0  }
0x39: {  	[sflag:s20] =	ssyncadd.s32 $0xFFFFFF80  }
.LBB2_1:
0x3a: {  	s12 =	rddreg [dreg:$0x0]  }
0x3b: {  	[tilespmem:s3], [sflag:$0x1] =	stream.linear.gather [hbm4b:s12+s3], $0x186A0, $0x38;
	[tilespmem:$0x1E800] =	vst v63  }
0x3c: {  	s18 =	rddreg [dreg:$0x4];
	s14 =	simm.s32 $0x1CF00  }
0x3d: {  	[tilespmem:s14], [sflag:$0x8] =	stream.linear.gather [hbm4b:s18+s3], $0x80, $0x38;
	[tilespmem:$0x1E800] =	vst v63  }
0x3e: {  	_ =	swait.ge [sflag:s20], $0x80  }
0x3f: {  	[sflag:s20] =	ssyncset.done $0x0  }
0x40: {  	s15 =	simm.s32 $0x200;
	s12 =	simm.s32 $0x0;
	[sflag:s20] =	ssyncadd.s32 $0xFFFFFF80  }
.LBB2_2:
0x41: {  	p0 =	sne.s32 s15, $0x2E00;
	[tilespmem:s12+$0x1AB70] =	vst v0  }
0x42: {  	[tilespmem:s12+$0x1AB00] =	vst v0  }
0x43: {  	[tilespmem:s12+$0x1AB10] =	vst v0  }
.Ltmp2:
0x44: {  	[tilespmem:s12+$0x1AB20] =	vst v0;
	(pc) =	sbr.rel @p0 .LBB2_2-.Ltmp2, $4  }
0x45: {  	[tilespmem:s12+$0x1AB30] =	vst v0  }
0x46: {  	[tilespmem:s12+$0x1AB40] =	vst v0  }
0x47: {  	[tilespmem:s12+$0x1AB50] =	vst v0  }
0x48: {  	[tilespmem:s12+$0x1AB60] =	vst v0;
	s12 =	sshra.s32 s15, $0x2;
	s15 =	sadd.s32 $0x200, s15  }
0x49: {  	[tilespmem:s12+$0x1AB70] =	vst v0  }
0x4a: {  	[tilespmem:s12+$0x1AB00] =	vst v0  }
0x4b: {  	[tilespmem:s12+$0x1AB10] =	vst v0  }
0x4c: {  	[tilespmem:s12+$0x1AB20] =	vst v0  }
0x4d: {  	[tilespmem:s12+$0x1AB30] =	vst v0  }
0x4e: {  	[tilespmem:s12+$0x1AB40] =	vst v0  }
0x4f: {  	[tilespmem:s12+$0x1AB50] =	vst v0  }
0x50: {  	[tilespmem:s12+$0x1AB60] =	vst v0  }
0x51: {  	[spmem:s8] =	stream.linear.scatter [tilespmem:s21], [sflag:$0x8], $0xC00, $0x38;
	[tilespmem:$0x1E800] =	vst v63  }
0x52: {  	_ =	swait.ge [sflag:s20], $0xC00  }
0x53: {  	[sflag:s20] =	ssyncset.done $0x0  }
0x54: {  	[sflag:s20] =	ssyncadd.s32 $0xFFFFF400  }
0x55: {  	[spmem:s9] =	stream.linear.scatter [tilespmem:s21], [sflag:$0x8], $0xC00, $0x38;
	[tilespmem:$0x1E800] =	vst v63  }
0x56: {  	_ =	swait.ge [sflag:s20], $0xC00  }
0x57: {  	[sflag:s20] =	ssyncset.done $0x0  }
0x58: {  	[sflag:s20] =	ssyncadd.s32 $0xFFFFF400  }
0x59: {  	[spmem:s10] =	stream.linear.scatter [tilespmem:s21], [sflag:$0x8], $0x80, $0x38;
	[tilespmem:$0x1E800] =	vst v63  }
0x5a: {  	_ =	swait.ge [sflag:s20], $0x80  }
0x5b: {  	[sflag:s20] =	ssyncset.done $0x0  }
0x5c: {  	[sflag:s20] =	ssyncadd.s32 $0xFFFFFF80  }
0x5d: {  	_ =	swait.ge [sflag:s22], $0x186A0  }
0x5e: {  	[sflag:s22] =	ssyncset.done $0x0  }
.Ltmp3:
0x5f: {  	[sflag:s22] =	ssyncadd.s32 $0xFFFE7960;
	(pc) =	sbr.rel .LBB2_4-.Ltmp3, $4  }
0x60: {  	[bflag:$0x0] =	sbarrier.arrive $0xFFFF  }
0x61: {  	s18 =	rddreg [dreg:$0x5]  }
0x62: {  	[tilespmem:s25], [sflag:$0x2] =	stream.strided.gather [hbm4b:s18+s23], $0xC00, s24, s23, $0x38;
	[tilespmem:$0x1E800] =	vst v63  }
0x63: {  	s12 =	simm.s32 $0x0;
	s17 =	rddreg [dreg:$0xa];
	s18 =	smov.u32 s13  }
.LBB2_13:
0x64: {  	s14 =	sadd.s32 $0x60, s15  }
0x65: {  	s14 =	sshrl.u32 s14, $0x3  }
0x66: {  	s14 =	smul.u32 $0x6000, s14;
	_ =	sdelay $0x1  }
0x67: {  	s14 =	sor.u32 s11, s14  }
0x68: {  	s14 =	sshrl.u32 s14, $0x3  }
0x69: {  	s14 =	sadd.s32 s5, s14  }
0x6a: {  	[tilespmem:s25], [sflag:$0x2] =	stream.strided.gather [hbm4b:s14+s23], $0xC00, s24, s23, $0x38;
	[tilespmem:$0x1E800] =	vst v63  }
.LBB2_15:
0x6b: {  	_ =	swait.ge [sflag:s4], $0xC00  }
0x6c: {  	[sflag:s4] =	ssyncset.done $0x0  }
0x6d: {  	[sflag:s4] =	ssyncadd.s32 $0xFFFFF400  }
0x6e: {  	[spmem:s2] =	stream.indirect.scatter.add.f32 [tilespmem:s1], [sflag:$0x7], $0x1, s30, s29, $0xb8;
	[tilespmem:$0x1E800] =	vst v63  }
.LBB2_16:
0x6f: {  	s12 =	sadd.s32 $0x60, s12  }
0x70: {  	p0 =	sne.s32 s12, $0x2A0  }
.Ltmp4:
0x71: {  	_ = 	snop;
	(pc) =	sbr.rel @!p0 .LBB2_17-.Ltmp4, $2  }
0x72: {  	_ =	sdelay $0x2  }
0x73: {  	s17 =	sadd.s32 $0x9000, s17;
	s18 =	sadd.s32 $0x9000, s18  }
.LBB2_4:
0x74: {  	s15 =	sadd.s32 s12, s7  }
0x75: {  	s16 =	sadd.s32 $0xFFFFFFC0, s15;
	p1 =	sgt.u32 s15, $0x1E8  }
.Ltmp5:
0x76: {  	p0 =	sgt.u32 s16, $0x208;
	(pc) =	sbr.rel @p1 .LBB2_6-.Ltmp5, $4  }
0x77: {  	s16 =	simm.s32 @!p0 $0x6  }
0x78: {  	_ =	swait.ge @!p0 [sflag:s16], $0xC00  }
0x79: {  	[sflag:s16] =	ssyncset.done @!p0 $0x0  }
0x7a: {  	[sflag:s16] =	ssyncadd.s32 @!p0 $0xFFFFF400  }
.Ltmp6:
0x7b: {  	(pc) =	sbr.rel .LBB2_7-.Ltmp6, $2  }
0x7c: {  	_ =	sdelay $0x2  }
0x7d: {  	[tilespmem:s26], [sflag:$0x3] =	stream.strided.gather [hbm4b:s18+s23], $0xC00, s24, s23, $0x38;
	[tilespmem:$0x1E800] =	vst v63  }
.LBB2_6:
0x7e: {  	p1 =	sgt.u32 s15, $0x208  }
.Ltmp7:
0x7f: {  	_ = 	snop;
	(pc) =	sbr.rel @p1 .LBB2_8-.Ltmp7, $2  }
0x80: {  	_ =	sdelay $0x2  }
0x81: {  	p0 =	por $0x0, $0x0  }
.LBB2_7:
0x82: {  	_ =	swait.ge [sflag:s28], $0xC00  }
0x83: {  	[sflag:s28] =	ssyncset.done $0x0  }
0x84: {  	p0 =	por $0x1, $0x1;
	[sflag:s28] =	ssyncadd.s32 $0xFFFFF400  }
0x85: {  	[spmem:s2] =	stream.indirect.scatter.add.f32 [tilespmem:s21], [sflag:$0x5], $0x1, s25, s29, $0xb8;
	[tilespmem:$0x1E800] =	vst v63  }
.LBB2_8:
0x86: {  	s16 =	sadd.s32 $0xFFFFFFE0, s15  }
0x87: {  	p1 =	sgt.u32 s16, $0x208;
	s16 =	sadd.s32 $0x20, s15  }
0x88: {  	p2 =	sgt.u32 s16, $0x1E8  }
.Ltmp8:
0x89: {  	_ = 	snop;
	(pc) =	sbr.rel @p2 .LBB2_10-.Ltmp8, $4  }
0x8a: {  	s14 =	simm.s32 @!p1 $0x7  }
0x8b: {  	_ =	swait.ge @!p1 [sflag:s14], $0xC00  }
0x8c: {  	[sflag:s14] =	ssyncset.done @!p1 $0x0  }
0x8d: {  	[sflag:s14] =	ssyncadd.s32 @!p1 $0xFFFFF400  }
.Ltmp9:
0x8e: {  	(pc) =	sbr.rel .LBB2_11-.Ltmp9, $2  }
0x8f: {  	_ =	sdelay $0x2  }
0x90: {  	[tilespmem:s30], [sflag:$0x4] =	stream.strided.gather [hbm4b:s17+s23], $0xC00, s24, s23, $0x38;
	[tilespmem:$0x1E800] =	vst v63  }
.LBB2_10:
0x91: {  	p1 =	sgt.u32 s16, $0x208  }
.Ltmp10:
0x92: {  	_ = 	snop;
	(pc) =	sbr.rel @p1 .LBB2_12-.Ltmp10, $1  }
0x93: {  	_ =	sdelay $0x3  }
.LBB2_11:
0x94: {  	_ =	swait.ge [sflag:s31], $0xC00  }
0x95: {  	[sflag:s31] =	ssyncset.done $0x0  }
0x96: {  	[sflag:s31] =	ssyncadd.s32 $0xFFFFF400  }
0x97: {  	[spmem:s2] =	stream.indirect.scatter.add.f32 [tilespmem:s0], [sflag:$0x6], $0x1, s26, s29, $0xb8;
	[tilespmem:$0x1E800] =	vst v63  }
.LBB2_12:
0x98: {  	s16 =	sadd.s32 $0x40, s15  }
0x99: {  	p1 =	sgt.u32 s16, $0x1E8  }
.Ltmp11:
0x9a: {  	_ = 	snop;
	(pc) =	sbr.rel @!p1 .LBB2_13-.Ltmp11, $4  }
0x9b: {  	s14 =	simm.s32 @p0 $0x5  }
0x9c: {  	_ =	swait.ge @p0 [sflag:s14], $0xC00  }
0x9d: {  	[sflag:s14] =	ssyncset.done @p0 $0x0  }
0x9e: {  	[sflag:s14] =	ssyncadd.s32 @p0 $0xFFFFF400  }
0x9f: {  	p0 =	sgt.u32 s16, $0x208  }
.Ltmp12:
0xa0: {  	_ = 	snop;
	(pc) =	sbr.rel @p0 .LBB2_16-.Ltmp12, $4  }
.Ltmp13:
0xa1: {  	_ = 	snop;
	(pc) =	sbr.rel @!p0 .LBB2_15-.Ltmp13, $4  }
0xa2: {  	_ = 	snop  }
0xa3: {  	_ = 	snop  }
0xa4: {  	_ = 	snop  }
0xa5: {  	_ = 	snop  }
.LBB2_18:
0xa6: {  	_ =	sfence.sel $0x180000  }
0xa7: {  	[bflag:$0x0] =	sbarrier.arrive $0xFFFF  }
0xa8: {  	_ =	strace $0x90000050  }
0xa9: {  	s0 =	stileid.u32;
	[bflag:$0x2] =	sbarrier.arrive $0xFFFF  }
0xaa: {  	p0 =	sne.s32 s0, $0x0;
	s0 =	rddreg [dreg:$0x3]  }
0xab: {  	s0 =	sadd.s32 @!p0 $0x100000, s0  }
0xac: {  	[sflag:s0] =	ssyncadd.tile.s32 @!p0 $0x1;
	_ =	shalt  }
.Lfunc_end2:
_tile_overlayer_lowered:
.L_overlay_start_2:
0xad: {  	(tag) =	ssettag $0x2  }
0xae: {  	s0 =	rddreg [dreg:$0x0];
	s2 =	stileid.u32  }
0xaf: {  	s1 =	rddreg [dreg:$0x1];
	p0 =	sne.s32 s2, $0x0  }
0xb0: {  	s3 =	rddreg [dreg:$0x2];
	[bflag:$0x3] =	sbarrier.arrive $0xFFFF;
	s2 =	simm.s32 @!p0 $0x1C08  }
0xb1: {  	[timem:s3], [sflag:s2] =	dma.local @!p0 [hbm:s0], s1  }
0xb2: {  	s0 =	simm.s32 @!p0 $0x8  }
0xb3: {  	_ =	swait.ge @!p0 [sflag:s0], s1  }
0xb4: {  	s1 =	ssub.s32 @!p0 $0x0, s1;
	[sflag:s0] =	ssyncset.done @!p0 $0x0  }
0xb5: {  	[sflag:s0] =	ssyncadd.s32 @!p0 s1  }
0xb6: {  	[bflag:$0x3] =	sbarrier.arrive $0xFFFF  }
0xb7: {  	_ =	shalt  }

// kernel: kernel.24.cloned.1.call-start
scs
__scs_entry_jumppad:
0x0: {  	(pc) =	sbr.rel $0x88, $3  }
0x1: {  	(tag) =	ssettag $0x0;
	lr =	simm.s32 $0x1  }
0x2: {  	[smem:$0x3F9E] =	sst lr;
	_ =	strace $0xD0000000  }
0x3: {  	_ = 	snop  }
0x4: {  	_ = 	snop  }
0x5: {  	_ = 	snop  }
0x6: {  	_ = 	snop  }
0x7: {  	_ = 	snop  }
__scs_overlays_trampoline_lowered:
0x8: {  	[smem:$0x3FAD] =	sst s0  }
0x9: {  	[smem:$0x3FAE] =	sst s1  }
0xa: {  	[smem:$0x3FAF] =	sst s2  }
0xb: {  	[smem:$0x3FB0] =	sst s3  }
0xc: {  	[smem:$0x3FB1] =	sst s4  }
0xd: {  	[smem:$0x3FB2] =	sst s5  }
0xe: {  	[smem:$0x3FB3] =	sst s6  }
0xf: {  	[smem:$0x3FB4] =	sst s7  }
0x10: {  	[smem:$0x3FB5] =	sst s8  }
0x11: {  	[smem:$0x3FB6] =	sst s9;
	s0 =	simm.s32 @!p0 $0x0  }
0x12: {  	s1 =	sld [smem:$0x3F9C];
	s0 =	simm.s32 @p0 $0x1  }
0x13: {  	[smem:$0x3FB7] =	sst s0;
	s0 =	simm.s32 @!p1 $0x0  }
0x14: {  	s2 =	sld [smem:$0x3F9B];
	s0 =	simm.s32 @p1 $0x1  }
0x15: {  	[smem:$0x3FB8] =	sst s0;
	s0 =	simm.s32 @!p2 $0x0  }
0x16: {  	s3 =	sld [smem:$0x3FDB];
	s0 =	simm.s32 @p2 $0x1  }
0x17: {  	s4 =	simm.s32 $0x1BF5;
	[smem:$0x3FBA] =	sst s0  }
0x18: {  	s0 =	sld [smem:$0x3F9D];
	_ =	swait.ge [sflag:s4], $0x0  }
0x19: {  	s7 =	sld [smem:$0x3F9E]  }
0x1a: {  	s8 =	sadd.s32 $0xFFFFE003, lr  }
0x1b: {  	s9 =	sadd.s32 $0xFFFFFEF7, lr;
	s5 =	simm.s32 $0xFFFFFFFF;
	p2 =	slt.u32 s8, $0xFFFFF086  }
0x1c: {  	p1 =	slt.u32 s9, $0xF7A;
	s5 =	simm.s32 @!p2 $0x0  }
0x1d: {  	s5 =	simm.s32 @p1 $0x1;
	p0 =	seq.s32 s7, s2  }
0x1e: {  	s7 =	smul.u32 @!p0 $0xF7A, s2;
	p2 =	seq.s32 @!p0 s5, $0x0  }
0x1f: {  	s9 =	smul.u32 $0xF7A, s1;
	s8 =	simm.s32 @!p0 $0x1BF5;
	p2 =	por !p2, p0  }
0x20: {  	[sflag:s8] =	ssyncset.s32 @!p0 $0xFFFFF086;
	s6 =	sadd.s32 @!p0 s3, s7;
	s7 =	simm.s32 @!p0 $0x108  }
0x21: {  	s3 =	sadd.s32 s3, s9;
	s6 =	sadd.s32 @!p0 $0x88, s6;
	s7 =	simm.s32 @p2 $0x1082  }
0x22: {  	[simem:s7], [sflag:s8] =	dma.local @!p0 [hbm:s6], $0xF7A  }
0x23: {  	s9 =	sor.u32 $0xD0000000, s2;
	s6 =	simm.s32 $0x108;
	_ =	swait.ge @!p0 [sflag:s8], $0x0  }
0x24: {  	s3 =	sadd.s32 $0x88, s3;
	s6 =	simm.s32 @!p1 $0x1082;
	[sflag:s4] =	ssyncset.s32 $0xFFFFF086  }
0x25: {  	[simem:s6], [sflag:s4] =	dma.local [hbm:s3], $0xF7A  }
0x26: {  	[smem:$0x3F9E] =	sst s1;
	(tag) =	ssettag s2;
	_ =	strace s9  }
0x27: {  	s1 =	sld [smem:$0x3FAE]  }
0x28: {  	s2 =	sld [smem:$0x3FAF]  }
0x29: {  	s4 =	sld [smem:$0x3FB1]  }
0x2a: {  	p0 =	seq.s32 s5, $0x0;
	s5 =	sld [smem:$0x3FB2]  }
0x2b: {  	s6 =	sld [smem:$0x3FB3]  }
0x2c: {  	s7 =	sld [smem:$0x3FB4]  }
0x2d: {  	s3 =	simm.s32 $0x108;
	s8 =	sld [smem:$0x3FB5]  }
0x2e: {  	s3 =	simm.s32 @!p0 $0x1082;
	s9 =	sld [smem:$0x3FB6]  }
0x2f: {  	lr =	sadd.s32 s0, s3;
	s0 =	sld [smem:$0x3FAD]  }
0x30: {  	s3 =	sld [smem:$0x3FB0]  }
0x31: {  	[smem:$0x3FB9] =	sst s10  }
0x32: {  	s10 =	sld [smem:$0x3FB7];
	_ =	sdelay $0x3  }
0x33: {  	p0 =	seq.s32 s10, $0x1;
	s10 =	sld [smem:$0x3FB9];
	_ =	sdelay $0x3  }
0x34: {  	[smem:$0x3FB9] =	sst s10  }
0x35: {  	s10 =	sld [smem:$0x3FB8];
	_ =	sdelay $0x3  }
0x36: {  	p1 =	seq.s32 s10, $0x1;
	s10 =	sld [smem:$0x3FB9];
	_ =	sdelay $0x3  }
0x37: {  	[smem:$0x3FB9] =	sst s10  }
0x38: {  	s10 =	sld [smem:$0x3FBA]  }
0x39: {  	_ = 	snop;
	(pc) =	sbr.ind lr, $3  }
0x3a: {  	_ = 	snop  }
0x3b: {  	_ = 	snop  }
0x3c: {  	p2 =	seq.s32 s10, $0x1;
	s10 =	sld [smem:$0x3FB9]  }
0x3d: {  	_ =	shalt  }
0x3e: {  	_ =	shalt  }
0x3f: {  	_ =	shalt  }
0x40: {  	_ =	shalt  }
0x41: {  	_ =	shalt  }
0x42: {  	_ =	shalt  }
0x43: {  	_ =	shalt  }
0x44: {  	_ =	shalt  }
0x45: {  	_ =	shalt  }
0x46: {  	_ =	shalt  }
0x47: {  	_ =	shalt  }
0x48: {  	_ =	shalt  }
0x49: {  	_ =	shalt  }
0x4a: {  	_ =	shalt  }
0x4b: {  	_ =	shalt  }
0x4c: {  	_ =	shalt  }
0x4d: {  	_ =	shalt  }
0x4e: {  	_ =	shalt  }
0x4f: {  	_ =	shalt  }
0x50: {  	_ =	shalt  }
0x51: {  	_ =	shalt  }
0x52: {  	_ =	shalt  }
0x53: {  	_ =	shalt  }
0x54: {  	_ =	shalt  }
0x55: {  	_ =	shalt  }
0x56: {  	_ =	shalt  }
0x57: {  	_ =	shalt  }
0x58: {  	_ =	shalt  }
0x59: {  	_ =	shalt  }
0x5a: {  	_ =	shalt  }
0x5b: {  	_ =	shalt  }
0x5c: {  	_ =	shalt  }
0x5d: {  	_ =	shalt  }
0x5e: {  	_ =	shalt  }
0x5f: {  	_ =	shalt  }
0x60: {  	_ =	shalt  }
0x61: {  	_ =	shalt  }
0x62: {  	_ =	shalt  }
0x63: {  	_ =	shalt  }
0x64: {  	_ =	shalt  }
0x65: {  	_ =	shalt  }
0x66: {  	_ =	shalt  }
0x67: {  	_ =	shalt  }
0x68: {  	_ =	shalt  }
0x69: {  	_ =	shalt  }
0x6a: {  	_ =	shalt  }
0x6b: {  	_ =	shalt  }
0x6c: {  	_ =	shalt  }
0x6d: {  	_ =	shalt  }
0x6e: {  	_ =	shalt  }
0x6f: {  	_ =	shalt  }
0x70: {  	_ =	shalt  }
0x71: {  	_ =	shalt  }
0x72: {  	_ =	shalt  }
0x73: {  	_ =	shalt  }
0x74: {  	_ =	shalt  }
0x75: {  	_ =	shalt  }
0x76: {  	_ =	shalt  }
0x77: {  	_ =	shalt  }
0x78: {  	_ =	shalt  }
0x79: {  	_ =	shalt  }
0x7a: {  	_ =	shalt  }
0x7b: {  	_ =	shalt  }
0x7c: {  	_ =	shalt  }
0x7d: {  	_ =	shalt  }
0x7e: {  	_ =	shalt  }
0x7f: {  	_ =	shalt  }
0x80: {  	_ =	shalt  }
0x81: {  	_ =	shalt  }
0x82: {  	_ =	shalt  }
0x83: {  	_ =	shalt  }
0x84: {  	_ =	shalt  }
0x85: {  	_ =	shalt  }
0x86: {  	_ =	shalt  }
0x87: {  	_ =	shalt  }
.Lfunc_end0:
.L_simem_size_0:
called_computation.4_lowered:
.L_overlay_start_0:
0x88: {  	s2 =	sld [smem:$0x3FD9]  }
0x89: {  	s3 =	sld [smem:$0x3FFE];
	_ =	sdelay $0x1  }
0x8a: {  	s1 =	srdreg.scid  }
0x8b: {  	s0 =	sand.u32 $0x1, s1  }
0x8c: {  	s17 =	sshll.u32 s0, $0xA;
	s2 =	sadd.s32 s3, s2  }
0x8d: {  	s2 =	sadd.s32 s2, s17  }
0x8e: {  	[smem:$0x3FC5] =	sst s2  }
0x8f: {  	_ = 	snop  }
0x90: {  	s2 =	sld [smem:$0x3FD0];
	(tm) =	ssettm $0x1  }
0x91: {  	s18 =	sld [smem:$0x3FFB];
	_ =	sdelay $0x3  }
0x92: {  	_ =	strace s18  }
0x93: {  	s3 =	sld [smem:$0x3FFC];
	_ =	sdelay $0x3  }
0x94: {  	_ =	strace s3  }
0x95: {  	s3 =	sld [smem:$0x3FFD];
	_ =	sdelay $0x3  }
0x96: {  	_ =	strace s3  }
0x97: {  	_ =	strace $0x8FFFFFFF  }
0x98: {  	s19 =	sld [smem:$0x3FDB];
	_ =	sdelay $0x1  }
0x99: {  	s4 =	simm.s32 $_scs_section_size  }
0x9a: {  	s5 =	simm.s32 $_size__tile_overlayer_lowered;
	s6 =	simm.s32 $_tile_overlayer_lowered  }
0x9b: {  	s22 =	simm.s32 $0x1BFF;
	s21 =	sshll.u32 s6, $0x1;
	s3 =	sadd.s32 s4, s19  }
0x9c: {  	s7 =	simm.s32 $0x0;
	s20 =	sshll.u32 s5, $0x1;
	s5 =	sadd.s32 s21, s3  }
0x9d: {  	[timem:s7], [sflag:s22] =	dma.local [hbm:s5], s20  }
0x9e: {  	_ =	swait.ge [sflag:s22], s20  }
0x9f: {  	s4 =	ssub.s32 $0x0, s20;
	[sflag:s22] =	ssyncset.done $0x0  }
0xa0: {  	[sflag:s22] =	ssyncadd.s32 s4;
	_ =	sdelay $0x1  }
0xa1: {  	s23 =	simm.s32 $0x1B8B  }
0xa2: {  	_ =	swait.ge [sflag:s23], $0x1  }
0xa3: {  	[sflag:s23] =	ssyncset.done $0x0  }
0xa4: {  	s25 =	simm.s32 $0x1B8E;
	s24 =	sld [smem:$0x3FFE];
	[sflag:s23] =	ssyncadd.s32 $0xFFFFFFFF  }
0xa5: {  	s26 =	simm.s32 $execute0_lowered;
	[smem:$0x3FD2] =	sst s25  }
0xa6: {  	s5 =	sshll.u32 s26, $0x1;
	_ =	strace $0x80000052;
	[dreg:$0x1] =	wrdreg $0xFFFFFFFF  }
0xa7: {  	s28 =	simm.s32 $_size_execute0_lowered;
	s3 =	sadd.s32 s3, s5;
	[dreg:$0x0] =	wrdreg $0x0  }
0xa8: {  	s5 =	sshll.u32 s28, $0x1;
	[dreg:$0x2] =	wrdreg s3  }
0xa9: {  	[dreg:$0x3] =	wrdreg s5  }
0xaa: {  	[dreg:$0x4] =	wrdreg $0xC0  }
0xab: {  	_ =	task [dreg:s7], $0x5FFFF  }
0xac: {  	[dreg:$0x1] =	wrdreg $0xFFFFFFFF  }
0xad: {  	[dreg:$0x0] =	wrdreg $0x60  }
0xae: {  	[dreg:$0x2] =	wrdreg s2  }
0xaf: {  	[dreg:$0x3] =	wrdreg s24  }
0xb0: {  	[dreg:$0x4] =	wrdreg $0x1CF800  }
0xb1: {  	[dreg:$0x5] =	wrdreg $0x9  }
0xb2: {  	_ =	task.clear_ibuf [dreg:s7], $0x6FFFF;
	_ =	strace $0x90000052  }
0xb3: {  	s29 =	simm.s32 $0x9;
	_ =	strace $0x80000054  }
0xb4: {  	_ =	swait.ge [sflag:s29], $0x1  }
0xb5: {  	[sflag:s29] =	ssyncadd.s32 $0xFFFFFFFF  }
0xb6: {  	_ =	strace $0x90000054  }
0xb7: {  	_ =	sfence  }
0xb8: {  	s30 =	sld [smem:$0x0];
	_ =	sdelay $0x2  }
0xb9: {  	s31 =	sshll.u32 s1, $0xD;
	s1 =	sshrl.u32 s1, $0x2  }
0xba: {  	s3 =	sand.u32 $0x4000, s31;
	s1 =	sadd.s32 s1, s30  }
0xbb: {  	s0 =	sor.u32 s3, s0;
	s1 =	sshll.u32 s1, $0x11  }
0xbc: {  	s0 =	sor.u32 s1, s0  }
0xbd: {  	s0 =	sadd.s32 $0x8F2B, s0  }
0xbe: {  	[sflag:s0] =	ssyncadd.remote.s32 $0x1  }
0xbf: {  	_ =	sfence.sel $0xFFFF  }
0xc0: {  	[dreg:$0x0] =	wrdreg $0xFFFFFFFF;
	(pc) =	sbr.abs _section_cstart, $3  }
0xc1: {  	[dreg:$0x1] =	wrdreg $0xFFFFFFFF  }
0xc2: {  	_ =	task.clear_ibuf [dreg:s7], $0x2FFFF;
	_ =	strace $0x9FFFFFFF  }
0xc3: {  	(tm) =	ssettm $0x7FFFFFFF  }
tec
execute0_lowered:
.L_overlay_start_1:
0x0: {  	(tag) =	ssettag $0x1  }
0x1: {  	s0 =	rddreg [dreg:$0x1]  }
0x2: {  	s2 =	rddreg [dreg:$0x2]  }
0x3: {  	s3 =	simm.s32 $0x0;
	s1 =	srdreg.scid;
	s16 =	stileid.u32  }
0x4: {  	s28 =	simm.s32 $0x2;
	s29 =	simm.s32 $0xC00;
	s30 =	simm.s32 $0x19F00  }
0x5: {  	s31 =	simm.s32 $0x3;
	[smem:$0x7FF] =	sst s3;
	s1 =	sand.u32 $0x1, s1  }
0x6: {  	s5 =	sadd.s32 $0x3C00, s0;
	s6 =	sadd.s32 $0x35400, s0;
	s10 =	smul.u32 $0x1880, s16  }
0x7: {  	s0 =	sadd.s32 $0x35600, s0;
	s15 =	sshll.u32 s16, $0x1;
	s12 =	sshrl.u32 s16, $0x2  }
0x8: {  	s21 =	sshll.u32 s16, $0x8;
	_ =	strace $0x80000053;
	s4 =	ssub.s32 $0x2, s1  }
0x9: {  	[dreg:$0x4] =	wrdreg s6;
	s7 =	sor.u32 s1, s15;
	s13 =	smul.u32 $0x6000, s12  }
0xa: {  	s15 =	smul.u32 $0x3100, s16;
	s1 =	sshll.u32 s1, $0x7;
	s20 =	sor.u32 $0x8, s12  }
0xb: {  	s12 =	sor.u32 $0x4, s12;
	s14 =	sshrl.u32 s4, $0x1;
	s17 =	sadd.s32 $0xC00, s10  }
0xc: {  	s8 =	sadd.s32 s10, s2;
	s11 =	sshll.u32 s7, $0x7;
	s12 =	smul.u32 $0x6000, s12  }
0xd: {  	s4 =	ssub.s32 s4, s14;
	s9 =	sadd.s32 s17, s2;
	s14 =	sadd.s32 $0x1800, s10  }
0xe: {  	s11 =	sand.u32 $0x380, s11;
	s15 =	sor.u32 s1, s15;
	s6 =	sshll.u32 s17, $0x1  }
0xf: {  	s10 =	sadd.s32 s14, s2;
	s13 =	sor.u32 s13, s11;
	s15 =	sshrl.u32 s15, $0x3  }
0x10: {  	s6 =	sor.u32 s1, s6;
	s19 =	sshll.u32 s14, $0x1;
	s14 =	smul.u32 $0x6000, s20  }
0x11: {  	s4 =	smax.u32 s4, $0x1;
	s20 =	simm.s32 $0x8;
	s13 =	sshrl.u32 s13, $0x3  }
0x12: {  	s18 =	sadd.s32 s0, s15;
	s6 =	sshrl.u32 s6, $0x3;
	s15 =	sor.u32 s1, s21  }
0x13: {  	s1 =	sor.u32 s1, s19;
	[dreg:$0x9] =	wrdreg s4;
	s21 =	simm.s32 $0x1AB00  }
0x14: {  	s4 =	simm.s32 $0x4;
	s13 =	sadd.s32 s5, s13;
	[dreg:$0x6] =	wrdreg s18  }
0x15: {  	s19 =	simm.s32 $0x100;
	s6 =	sadd.s32 s0, s6;
	[dreg:$0x5] =	wrdreg s13  }
0x16: {  	s22 =	sand.u32 $0x380, s15;
	s1 =	sshrl.u32 s1, $0x3;
	[dreg:$0x7] =	wrdreg s6  }
0x17: {  	s23 =	sor.u32 s22, s14;
	s0 =	sadd.s32 s0, s1;
	s25 =	sor.u32 s22, s12  }
.Ltmp0:
0x18: {  	s22 =	simm.s32 $0x1;
	s1 =	simm.s32 $0x1C300;
	(pc) =	sbr.rel .LBB2_1-.Ltmp0, $4  }
0x19: {  	s6 =	simm.s32 $0x0;
	[dreg:$0x8] =	wrdreg s0;
	s24 =	sshrl.u32 s23, $0x3  }
0x1a: {  	s26 =	sshrl.u32 s25, $0x3;
	s23 =	simm.s32 $0x80;
	s25 =	simm.s32 $0x18700  }
0x1b: {  	s0 =	sadd.s32 s24, s5;
	s13 =	sadd.s32 s26, s5;
	s24 =	simm.s32 $0x400  }
0x1c: {  	v0 =	vimm.f32 $0.0e+00;
	s26 =	simm.s32 $0x19300;
	[dreg:$0xa] =	wrdreg s0;
	s0 =	simm.s32 $0x1B700  }
.LBB2_17:
0x1d: {  	[bflag:$0x0] =	sbarrier.arrive $0xFFFF  }
0x1e: {  	[tilespmem:s21], [sflag:$0x8] =	stream.linear.gather [spmem:s8], $0xC00, $0x38;
	[tilespmem:$0x1E800] =	vst v63  }
0x1f: {  	_ =	swait.ge [sflag:s20], $0xC00  }
0x20: {  	[sflag:s20] =	ssyncset.done $0x0  }
0x21: {  	[sflag:s20] =	ssyncadd.s32 $0xFFFFF400  }
0x22: {  	[tilespmem:s0], [sflag:$0x8] =	stream.linear.gather [spmem:s9], $0xC00, $0x38;
	[tilespmem:$0x1E800] =	vst v63  }
0x23: {  	_ =	swait.ge [sflag:s20], $0xC00  }
0x24: {  	[sflag:s20] =	ssyncset.done $0x0  }
0x25: {  	[sflag:s20] =	ssyncadd.s32 $0xFFFFF400  }
0x26: {  	[tilespmem:s1], [sflag:$0x8] =	stream.linear.gather [spmem:s10], $0x80, $0x38;
	[tilespmem:$0x1E800] =	vst v63  }
0x27: {  	_ =	swait.ge [sflag:s20], $0x80  }
0x28: {  	[sflag:s20] =	ssyncset.done $0x0  }
0x29: {  	s12 =	rddreg [dreg:$0x6];
	[sflag:s20] =	ssyncadd.s32 $0xFFFFFF80  }
0x2a: {  	[hbm4b:s12+s23] =	stream.strided.scatter [tilespmem:s21], [sflag:$0x8], $0xC00, s19, s23, $0x38;
	[tilespmem:$0x1E800] =	vst v63  }
0x2b: {  	_ =	swait.ge [sflag:s20], $0xC00  }
0x2c: {  	[sflag:s20] =	ssyncset.done $0x0  }
0x2d: {  	s16 =	rddreg [dreg:$0x7];
	[sflag:s20] =	ssyncadd.s32 $0xFFFFF400  }
0x2e: {  	[hbm4b:s16+s23] =	stream.strided.scatter [tilespmem:s0], [sflag:$0x8], $0xC00, s19, s23, $0x38;
	[tilespmem:$0x1E800] =	vst v63  }
0x2f: {  	_ =	swait.ge [sflag:s20], $0xC00  }
0x30: {  	[sflag:s20] =	ssyncset.done $0x0  }
0x31: {  	s17 =	rddreg [dreg:$0x8];
	[sflag:s20] =	ssyncadd.s32 $0xFFFFF400  }
0x32: {  	[hbm4b:s17+s3] =	stream.linear.scatter [tilespmem:s1], [sflag:$0x8], $0x80, $0x38;
	[tilespmem:$0x1E800] =	vst v63  }
0x33: {  	_ =	swait.ge [sflag:s20], $0x80  }
0x34: {  	s6 =	sadd.s32 $0x1, s6;
	s18 =	rddreg [dreg:$0x9]  }
0x35: {  	p0 =	sne.s32 s6, s18  }
.Ltmp1:
0x36: {  	_ = 	snop;
	(pc) =	sbr.rel @!p0 .LBB2_18-.Ltmp1, $3  }
0x37: {  	_ =	sdelay $0x1  }
0x38: {  	[sflag:s20] =	ssyncset.done $0x0  }
0x39: {  	[sflag:s20] =	ssyncadd.s32 $0xFFFFFF80  }
.LBB2_1:
0x3a: {  	s12 =	rddreg [dreg:$0x0]  }
0x3b: {  	[tilespmem:s3], [sflag:$0x1] =	stream.linear.gather [hbm4b:s12+s3], $0x186A0, $0x38;
	[tilespmem:$0x1E800] =	vst v63  }
0x3c: {  	s18 =	rddreg [dreg:$0x4];
	s14 =	simm.s32 $0x1CF00  }
0x3d: {  	[tilespmem:s14], [sflag:$0x8] =	stream.linear.gather [hbm4b:s18+s3], $0x80, $0x38;
	[tilespmem:$0x1E800] =	vst v63  }
0x3e: {  	_ =	swait.ge [sflag:s20], $0x80  }
0x3f: {  	[sflag:s20] =	ssyncset.done $0x0  }
0x40: {  	s15 =	simm.s32 $0x200;
	s12 =	simm.s32 $0x0;
	[sflag:s20] =	ssyncadd.s32 $0xFFFFFF80  }
.LBB2_2:
0x41: {  	p0 =	sne.s32 s15, $0x2E00;
	[tilespmem:s12+$0x1AB70] =	vst v0  }
0x42: {  	[tilespmem:s12+$0x1AB00] =	vst v0  }
0x43: {  	[tilespmem:s12+$0x1AB10] =	vst v0  }
.Ltmp2:
0x44: {  	[tilespmem:s12+$0x1AB20] =	vst v0;
	(pc) =	sbr.rel @p0 .LBB2_2-.Ltmp2, $4  }
0x45: {  	[tilespmem:s12+$0x1AB30] =	vst v0  }
0x46: {  	[tilespmem:s12+$0x1AB40] =	vst v0  }
0x47: {  	[tilespmem:s12+$0x1AB50] =	vst v0  }
0x48: {  	[tilespmem:s12+$0x1AB60] =	vst v0;
	s12 =	sshra.s32 s15, $0x2;
	s15 =	sadd.s32 $0x200, s15  }
0x49: {  	[tilespmem:s12+$0x1AB70] =	vst v0  }
0x4a: {  	[tilespmem:s12+$0x1AB00] =	vst v0  }
0x4b: {  	[tilespmem:s12+$0x1AB10] =	vst v0  }
0x4c: {  	[tilespmem:s12+$0x1AB20] =	vst v0  }
0x4d: {  	[tilespmem:s12+$0x1AB30] =	vst v0  }
0x4e: {  	[tilespmem:s12+$0x1AB40] =	vst v0  }
0x4f: {  	[tilespmem:s12+$0x1AB50] =	vst v0  }
0x50: {  	[tilespmem:s12+$0x1AB60] =	vst v0  }
0x51: {  	[spmem:s8] =	stream.linear.scatter [tilespmem:s21], [sflag:$0x8], $0xC00, $0x38;
	[tilespmem:$0x1E800] =	vst v63  }
0x52: {  	_ =	swait.ge [sflag:s20], $0xC00  }
0x53: {  	[sflag:s20] =	ssyncset.done $0x0  }
0x54: {  	[sflag:s20] =	ssyncadd.s32 $0xFFFFF400  }
0x55: {  	[spmem:s9] =	stream.linear.scatter [tilespmem:s21], [sflag:$0x8], $0xC00, $0x38;
	[tilespmem:$0x1E800] =	vst v63  }
0x56: {  	_ =	swait.ge [sflag:s20], $0xC00  }
0x57: {  	[sflag:s20] =	ssyncset.done $0x0  }
0x58: {  	[sflag:s20] =	ssyncadd.s32 $0xFFFFF400  }
0x59: {  	[spmem:s10] =	stream.linear.scatter [tilespmem:s21], [sflag:$0x8], $0x80, $0x38;
	[tilespmem:$0x1E800] =	vst v63  }
0x5a: {  	_ =	swait.ge [sflag:s20], $0x80  }
0x5b: {  	[sflag:s20] =	ssyncset.done $0x0  }
0x5c: {  	[sflag:s20] =	ssyncadd.s32 $0xFFFFFF80  }
0x5d: {  	_ =	swait.ge [sflag:s22], $0x186A0  }
0x5e: {  	[sflag:s22] =	ssyncset.done $0x0  }
.Ltmp3:
0x5f: {  	[sflag:s22] =	ssyncadd.s32 $0xFFFE7960;
	(pc) =	sbr.rel .LBB2_4-.Ltmp3, $4  }
0x60: {  	[bflag:$0x0] =	sbarrier.arrive $0xFFFF  }
0x61: {  	s18 =	rddreg [dreg:$0x5]  }
0x62: {  	[tilespmem:s25], [sflag:$0x2] =	stream.strided.gather [hbm4b:s18+s23], $0xC00, s24, s23, $0x38;
	[tilespmem:$0x1E800] =	vst v63  }
0x63: {  	s12 =	simm.s32 $0x0;
	s17 =	rddreg [dreg:$0xa];
	s18 =	smov.u32 s13  }
.LBB2_13:
0x64: {  	s14 =	sadd.s32 $0x60, s15  }
0x65: {  	s14 =	sshrl.u32 s14, $0x3  }
0x66: {  	s14 =	smul.u32 $0x6000, s14;
	_ =	sdelay $0x1  }
0x67: {  	s14 =	sor.u32 s11, s14  }
0x68: {  	s14 =	sshrl.u32 s14, $0x3  }
0x69: {  	s14 =	sadd.s32 s5, s14  }
0x6a: {  	[tilespmem:s25], [sflag:$0x2] =	stream.strided.gather [hbm4b:s14+s23], $0xC00, s24, s23, $0x38;
	[tilespmem:$0x1E800] =	vst v63  }
.LBB2_15:
0x6b: {  	_ =	swait.ge [sflag:s4], $0xC00  }
0x6c: {  	[sflag:s4] =	ssyncset.done $0x0  }
0x6d: {  	[sflag:s4] =	ssyncadd.s32 $0xFFFFF400  }
0x6e: {  	[spmem:s2] =	stream.indirect.scatter.add.f32 [tilespmem:s1], [sflag:$0x7], $0x1, s30, s29, $0xb8;
	[tilespmem:$0x1E800] =	vst v63  }
.LBB2_16:
0x6f: {  	s12 =	sadd.s32 $0x60, s12  }
0x70: {  	p0 =	sne.s32 s12, $0x2A0  }
.Ltmp4:
0x71: {  	_ = 	snop;
	(pc) =	sbr.rel @!p0 .LBB2_17-.Ltmp4, $2  }
0x72: {  	_ =	sdelay $0x2  }
0x73: {  	s17 =	sadd.s32 $0x9000, s17;
	s18 =	sadd.s32 $0x9000, s18  }
.LBB2_4:
0x74: {  	s15 =	sadd.s32 s12, s7  }
0x75: {  	s16 =	sadd.s32 $0xFFFFFFC0, s15;
	p1 =	sgt.u32 s15, $0x1E8  }
.Ltmp5:
0x76: {  	p0 =	sgt.u32 s16, $0x208;
	(pc) =	sbr.rel @p1 .LBB2_6-.Ltmp5, $4  }
0x77: {  	s16 =	simm.s32 @!p0 $0x6  }
0x78: {  	_ =	swait.ge @!p0 [sflag:s16], $0xC00  }
0x79: {  	[sflag:s16] =	ssyncset.done @!p0 $0x0  }
0x7a: {  	[sflag:s16] =	ssyncadd.s32 @!p0 $0xFFFFF400  }
.Ltmp6:
0x7b: {  	(pc) =	sbr.rel .LBB2_7-.Ltmp6, $2  }
0x7c: {  	_ =	sdelay $0x2  }
0x7d: {  	[tilespmem:s26], [sflag:$0x3] =	stream.strided.gather [hbm4b:s18+s23], $0xC00, s24, s23, $0x38;
	[tilespmem:$0x1E800] =	vst v63  }
.LBB2_6:
0x7e: {  	p1 =	sgt.u32 s15, $0x208  }
.Ltmp7:
0x7f: {  	_ = 	snop;
	(pc) =	sbr.rel @p1 .LBB2_8-.Ltmp7, $2  }
0x80: {  	_ =	sdelay $0x2  }
0x81: {  	p0 =	por $0x0, $0x0  }
.LBB2_7:
0x82: {  	_ =	swait.ge [sflag:s28], $0xC00  }
0x83: {  	[sflag:s28] =	ssyncset.done $0x0  }
0x84: {  	p0 =	por $0x1, $0x1;
	[sflag:s28] =	ssyncadd.s32 $0xFFFFF400  }
0x85: {  	[spmem:s2] =	stream.indirect.scatter.add.f32 [tilespmem:s21], [sflag:$0x5], $0x1, s25, s29, $0xb8;
	[tilespmem:$0x1E800] =	vst v63  }
.LBB2_8:
0x86: {  	s16 =	sadd.s32 $0xFFFFFFE0, s15  }
0x87: {  	p1 =	sgt.u32 s16, $0x208;
	s16 =	sadd.s32 $0x20, s15  }
0x88: {  	p2 =	sgt.u32 s16, $0x1E8  }
.Ltmp8:
0x89: {  	_ = 	snop;
	(pc) =	sbr.rel @p2 .LBB2_10-.Ltmp8, $4  }
0x8a: {  	s14 =	simm.s32 @!p1 $0x7  }
0x8b: {  	_ =	swait.ge @!p1 [sflag:s14], $0xC00  }
0x8c: {  	[sflag:s14] =	ssyncset.done @!p1 $0x0  }
0x8d: {  	[sflag:s14] =	ssyncadd.s32 @!p1 $0xFFFFF400  }
.Ltmp9:
0x8e: {  	(pc) =	sbr.rel .LBB2_11-.Ltmp9, $2  }
0x8f: {  	_ =	sdelay $0x2  }
0x90: {  	[tilespmem:s30], [sflag:$0x4] =	stream.strided.gather [hbm4b:s17+s23], $0xC00, s24, s23, $0x38;
	[tilespmem:$0x1E800] =	vst v63  }
.LBB2_10:
0x91: {  	p1 =	sgt.u32 s16, $0x208  }
.Ltmp10:
0x92: {  	_ = 	snop;
	(pc) =	sbr.rel @p1 .LBB2_12-.Ltmp10, $1  }
0x93: {  	_ =	sdelay $0x3  }
.LBB2_11:
0x94: {  	_ =	swait.ge [sflag:s31], $0xC00  }
0x95: {  	[sflag:s31] =	ssyncset.done $0x0  }
0x96: {  	[sflag:s31] =	ssyncadd.s32 $0xFFFFF400  }
0x97: {  	[spmem:s2] =	stream.indirect.scatter.add.f32 [tilespmem:s0], [sflag:$0x6], $0x1, s26, s29, $0xb8;
	[tilespmem:$0x1E800] =	vst v63  }
.LBB2_12:
0x98: {  	s16 =	sadd.s32 $0x40, s15  }
0x99: {  	p1 =	sgt.u32 s16, $0x1E8  }
.Ltmp11:
0x9a: {  	_ = 	snop;
	(pc) =	sbr.rel @!p1 .LBB2_13-.Ltmp11, $4  }
0x9b: {  	s14 =	simm.s32 @p0 $0x5  }
0x9c: {  	_ =	swait.ge @p0 [sflag:s14], $0xC00  }
0x9d: {  	[sflag:s14] =	ssyncset.done @p0 $0x0  }
0x9e: {  	[sflag:s14] =	ssyncadd.s32 @p0 $0xFFFFF400  }
0x9f: {  	p0 =	sgt.u32 s16, $0x208  }
.Ltmp12:
0xa0: {  	_ = 	snop;
	(pc) =	sbr.rel @p0 .LBB2_16-.Ltmp12, $4  }
.Ltmp13:
0xa1: {  	_ = 	snop;
	(pc) =	sbr.rel @!p0 .LBB2_15-.Ltmp13, $4  }
0xa2: {  	_ = 	snop  }
0xa3: {  	_ = 	snop  }
0xa4: {  	_ = 	snop  }
0xa5: {  	_ = 	snop  }
.LBB2_18:
0xa6: {  	_ =	sfence.sel $0x180000  }
0xa7: {  	[bflag:$0x0] =	sbarrier.arrive $0xFFFF  }
0xa8: {  	_ =	strace $0x90000053  }
0xa9: {  	s0 =	stileid.u32;
	[bflag:$0x2] =	sbarrier.arrive $0xFFFF  }
0xaa: {  	p0 =	sne.s32 s0, $0x0;
	s0 =	rddreg [dreg:$0x3]  }
0xab: {  	s0 =	sadd.s32 @!p0 $0x100000, s0  }
0xac: {  	[sflag:s0] =	ssyncadd.tile.s32 @!p0 $0x1;
	_ =	shalt  }
.Lfunc_end2:
_tile_overlayer_lowered:
.L_overlay_start_2:
0xad: {  	(tag) =	ssettag $0x2  }
0xae: {  	s0 =	rddreg [dreg:$0x0];
	s2 =	stileid.u32  }
0xaf: {  	s1 =	rddreg [dreg:$0x1];
	p0 =	sne.s32 s2, $0x0  }
0xb0: {  	s3 =	rddreg [dreg:$0x2];
	[bflag:$0x3] =	sbarrier.arrive $0xFFFF;
	s2 =	simm.s32 @!p0 $0x1C08  }
0xb1: {  	[timem:s3], [sflag:s2] =	dma.local @!p0 [hbm:s0], s1  }
0xb2: {  	s0 =	simm.s32 @!p0 $0x8  }
0xb3: {  	_ =	swait.ge @!p0 [sflag:s0], s1  }
0xb4: {  	s1 =	ssub.s32 @!p0 $0x0, s1;
	[sflag:s0] =	ssyncset.done @!p0 $0x0  }
0xb5: {  	[sflag:s0] =	ssyncadd.s32 @!p0 s1  }
0xb6: {  	[bflag:$0x3] =	sbarrier.arrive $0xFFFF  }
0xb7: {  	_ =	shalt  }

</sc_bundles>
